<compile_context>
chip_gen: v7x
topology: tpu7x:2x2x1
jax: 0.10.2.dev20260603
libtpu: 0.0.44.dev20260713+nightly
codegen_flags: <defaults>
</compile_context>

<pallas_src>
import functools

import numpy as np
import jax
import jax.numpy as jnp
from jax import lax
from jax.experimental import pallas as pl
from jax.experimental.pallas import tpu as pltpu
from jax.experimental.pallas import tpu_sc as plsc

B = 1024
T = 200
BT = B * T
LD = 64
SVOCAB = (100000, 100000, 1000, 100)

NC = 2
NS = 16
NW = NC * NS

NSTAGE = 5
TS = T // NSTAGE
HB = B // 2
ROWS_S = TS * HB
CHUNK = ROWS_S // NW


def _sc_stage(with_static, ke0, ke1, ke2, idxs, sefs, sidx64):
    mesh = plsc.VectorSubcoreMesh(core_axis_name="c", subcore_axis_name="s",
                                  num_cores=NC, num_subcores=NS)
    gshape = jax.ShapeDtypeStruct((ROWS_S, 128), jnp.float32)
    out_type = [gshape, gshape, gshape]
    if with_static:
        out_type.append(jax.ShapeDtypeStruct((4 * LD * B,), jnp.float32))

    @functools.partial(
        pl.kernel,
        out_type=tuple(out_type),
        mesh=mesh,
        scratch_types=[
            pltpu.VMEM((CHUNK,), jnp.int32),
            pltpu.VMEM((CHUNK,), jnp.int32),
            pltpu.VMEM((CHUNK,), jnp.int32),
            pltpu.VMEM((CHUNK, LD), jnp.float32),
            pltpu.VMEM((CHUNK, LD), jnp.float32),
            pltpu.VMEM((CHUNK, LD), jnp.float32),
            pltpu.VMEM((B,), jnp.int32),
            pltpu.VMEM((B,), jnp.float32),
            pltpu.SemaphoreType.DMA,
            pltpu.SemaphoreType.DMA,
            pltpu.SemaphoreType.DMA,
        ],
        compiler_params=pltpu.CompilerParams(use_tc_tiling_on_sc=False),
    )
    def k(*args):
        (ke0_h, ke1_h, ke2_h, iA0_h, iB0_h, iA1_h, iB1_h, iA2_h, iB2_h,
         sef0_h, sef1_h, sef2_h, sef3_h, sidx_h) = args[:14]
        if with_static:
            g0_h, g1_h, g2_h, gs_h = args[14:18]
            scratch = args[18:]
        else:
            g0_h, g1_h, g2_h = args[14:17]
            gs_h = None
            scratch = args[17:]
        (i0_v, i1_v, i2_v, r0_v, r1_v, r2_v, sidx_v, srow_v,
         sem_i, sem_g, sem_w) = scratch
        wid = lax.axis_index("s") * NC + lax.axis_index("c")
        base = wid * CHUNK
        tabs = (ke0_h, ke1_h, ke2_h)
        gouts = (g0_h, g1_h, g2_h)
        ivs = (i0_v, i1_v, i2_v)
        rvs = (r0_v, r1_v, r2_v)

        wdescs = []
        for half, (cofs, ihs) in enumerate((
                (0, (iA0_h, iA1_h, iA2_h)),
                (LD, (iB0_h, iB1_h, iB2_h)))):
            idescs = [pltpu.async_copy(ihs[i].at[pl.ds(base, CHUNK)],
                                       ivs[i], sem_i) for i in range(3)]
            for d in idescs:
                d.wait()
            for d in wdescs:
                d.wait()
            gdescs = []
            for i in range(3):
                gdescs.append(pltpu.async_copy(
                    tabs[i].at[ivs[i]], rvs[i], sem_g))
            for d in gdescs:
                d.wait()
            wdescs = [pltpu.async_copy(
                rvs[i], gouts[i].at[pl.ds(base, CHUNK), pl.ds(cofs, LD)],
                sem_w) for i in range(3)]
        for d in wdescs:
            d.wait()

        if with_static:
            sj = wid // 8
            l0 = (wid % 8) * 8
            for j, sef_h in enumerate((sef0_h, sef1_h, sef2_h, sef3_h)):
                @pl.when(sj == j)
                def _(j=j, sef_h=sef_h):
                    def srow_body(k_, _, j=j, sef_h=sef_h):
                        off = (j * LD + l0 + k_) * B
                        pltpu.sync_copy(sidx_h.at[pl.ds(off, B)], sidx_v)
                        sdescs = []
                        for m in range(B // 128):
                            sdescs.append(pltpu.async_copy(
                                sef_h.at[sidx_v.at[pl.ds(m * 128, 128)]],
                                srow_v.at[pl.ds(m * 128, 128)], sem_g))
                        for d in sdescs:
                            d.wait()
                        pltpu.sync_copy(srow_v, gs_h.at[pl.ds(off, B)])
                        return 0

                    lax.fori_loop(0, 8, srow_body, 0)

    return k(ke0, ke1, ke2, *idxs, *sefs, sidx64)


def _tc_stage(s, prev, xpad, g0, g1, g2, wk, bk, wo, bob, eye):

    def body(*refs):
        if prev is None:
            (x_ref, g0_ref, g1_ref, g2_ref,
             wk_ref, bk_ref, wo_ref, bo_ref, eye_ref, ok_ref, oo_ref) = refs
        else:
            (_, _, x_ref, g0_ref, g1_ref, g2_ref,
             wk_ref, bk_ref, wo_ref, bo_ref, eye_ref, ok_ref, oo_ref) = refs
        x = x_ref[0]
        xk = jnp.broadcast_to(x[0:4][:, None, :], (4, LD, B)).reshape(4 * LD, B)
        ok_ref[0, 0:4 * LD, :] = xk * wk_ref[...] + bk_ref[...]
        for i, g_ref in enumerate((g0_ref, g1_ref, g2_ref)):
            g = g_ref[0]
            r0, r1 = (4 + i) * LD, (5 + i) * LD
            ok_ref[0, r0:r1, 0:HB] = lax.dot_general(
                eye_ref[...], g[:, 0:LD], (((1,), (1,)), ((), ())),
                preferred_element_type=jnp.float32)
            ok_ref[0, r0:r1, HB:B] = lax.dot_general(
                eye_ref[...], g[:, LD:128], (((1,), (1,)), ((), ())),
                preferred_element_type=jnp.float32)
        xo = jnp.broadcast_to(x[0:6][:, None, :], (6, LD, B)).reshape(6 * LD, B)
        oo_ref[0] = xo * wo_ref[...] + bo_ref[...]

    full = lambda shape: pl.BlockSpec(shape, lambda t: (0,) * len(shape))
    hbm = pl.BlockSpec(memory_space=pltpu.MemorySpace.HBM)
    alias_specs = [] if prev is None else [hbm, hbm]
    alias_args = () if prev is None else (prev[0], prev[1])
    aliases = {} if prev is None else {0: 0, 1: 1}
    return pl.pallas_call(
        body,
        grid=(TS,),
        in_specs=alias_specs + [
            pl.BlockSpec((1, 8, B), lambda t, s=s: (s * TS + t, 0, 0)),
            pl.BlockSpec((1, HB, 128), lambda t: (t, 0, 0)),
            pl.BlockSpec((1, HB, 128), lambda t: (t, 0, 0)),
            pl.BlockSpec((1, HB, 128), lambda t: (t, 0, 0)),
            full((4 * LD, 1)),
            full((4 * LD, 1)),
            full((6 * LD, 1)),
            full((6 * LD, 1)),
            full((LD, LD)),
        ],
        out_specs=[
            pl.BlockSpec((1, 7 * LD, B), lambda t, s=s: (s * TS + t, 0, 0)),
            pl.BlockSpec((1, 6 * LD, B), lambda t, s=s: (s * TS + t, 0, 0)),
        ],
        out_shape=[
            jax.ShapeDtypeStruct((T, 7 * LD, B), jnp.float32),
            jax.ShapeDtypeStruct((T, 6 * LD, B), jnp.float32),
        ],
        input_output_aliases=aliases,
    )(*alias_args, xpad, g0, g1, g2, wk, bk, wo, bob, eye)


def kernel(inputs, se0, se1, se2, se3, ke0, ke1, ke2, Wr, br, Wo, bo):
    inT = jnp.transpose(inputs, (1, 2, 0))
    xpad = jnp.concatenate(
        [inT[:, 0:6, :], jnp.zeros((T, 2, B), jnp.float32)], axis=1)

    kidxT = inT[:, 10:13, :].astype(jnp.int32)

    sidxb = inputs[:, 0, 6:10].astype(jnp.int32)
    planes = [
        (jnp.arange(LD, dtype=jnp.int32)[:, None] * SVOCAB[j] + sidxb[None, :, j])
        for j in range(4)
    ]
    sidx64 = jnp.stack(planes, axis=0).reshape(4 * LD * B)

    sefs = [t.T.reshape(-1) for t in (se0, se1, se2, se3)]

    wk = Wr.reshape(4 * LD, 1)
    bk = br.reshape(4 * LD, 1)
    wo = Wo.reshape(6 * LD, 1)
    bob = bo.reshape(6 * LD, 1)
    eye = jnp.asarray(np.eye(LD, dtype=np.float32))

    stage_g = []
    gs = None
    for s in range(NSTAGE):
        ks = kidxT[s * TS:(s + 1) * TS]
        idxs = []
        for i in range(3):
            idxs.append(ks[:, i, 0:HB].reshape(ROWS_S))
            idxs.append(ks[:, i, HB:B].reshape(ROWS_S))
        outs = _sc_stage(s == NSTAGE - 1, ke0, ke1, ke2, idxs, sefs, sidx64)
        if s == NSTAGE - 1:
            g0s, g1s, g2s, gs = outs
        else:
            g0s, g1s, g2s = outs
        stage_g.append((g0s.reshape(TS, HB, 128),
                        g1s.reshape(TS, HB, 128),
                        g2s.reshape(TS, HB, 128)))

    prev = None
    for s in range(NSTAGE):
        g0s, g1s, g2s = stage_g[s]
        prev = _tc_stage(s, prev, xpad, g0s, g1s, g2s, wk, bk, wo, bob, eye)
    ok_p, oo_p = prev

    static = jnp.transpose(gs.reshape(4, LD, B), (2, 0, 1))
    known = jnp.transpose(ok_p.reshape(T, 7, LD, B), (3, 0, 2, 1))
    observed = jnp.transpose(oo_p.reshape(T, 6, LD, B), (3, 0, 2, 1))
    return (static, known, observed)

# --- scband reference (transcript-rebuilt; emitter-appended) ---
"""Pipeline reference for scband-input-embedding-64244120813728 (READ-ONLY COPY).

The authoritative reference and input builder live on the scoring server;
editing this copy changes nothing except your own understanding.
"""

import jax, jax.numpy as jnp
import numpy as np

B, T, F = 1024, 200, 13
STATIC_SIZES = [100000, 100000, 1000, 100]
KNOWN_SIZES = [100000, 1000, 52]
LD = 64
STATIC_IDX = [6, 7, 8, 9]
KNOWN_REAL_IDX = [0, 1, 2, 3]
KNOWN_CAT_IDX = [10, 11, 12]
OBSERVED_IDX = [0, 1, 2, 3, 4, 5]


def setup_inputs(seed: int = 0) -> dict:
    key = jax.random.key(seed)
    ks = jax.random.split(key, 20)
    real = jax.random.normal(ks[0], (B, T, 6), dtype=jnp.float32)
    s_cols = [jax.random.randint(ks[1 + i], (B, T), 0, STATIC_SIZES[i]).astype(jnp.float32) for i in range(4)]
    k_cols = [jax.random.randint(ks[5 + i], (B, T), 0, KNOWN_SIZES[i]).astype(jnp.float32) for i in range(3)]
    inputs = jnp.concatenate([real] + [c[..., None] for c in s_cols] + [c[..., None] for c in k_cols], axis=-1)
    out = {"inputs": inputs}
    for i in range(4):
        out[f"se{i}"] = jax.random.normal(ks[8 + i], (STATIC_SIZES[i], LD), dtype=jnp.float32) * 0.02
    for i in range(3):
        out[f"ke{i}"] = jax.random.normal(ks[12 + i], (KNOWN_SIZES[i], LD), dtype=jnp.float32) * 0.02
    out["Wr"] = jax.random.normal(ks[15], (4, LD), dtype=jnp.float32) * 0.1
    out["br"] = jnp.zeros((4, LD), dtype=jnp.float32)
    out["Wo"] = jax.random.normal(ks[16], (6, LD), dtype=jnp.float32) * 0.1
    out["bo"] = jnp.zeros((6, LD), dtype=jnp.float32)
    return out


def reference(inputs, se0, se1, se2, se3, ke0, ke1, ke2, Wr, br, Wo, bo):
    static = jnp.take(inputs, jnp.asarray(STATIC_IDX), axis=-1).astype(jnp.int32)
    known_real = jnp.take(inputs, jnp.asarray(KNOWN_REAL_IDX), axis=-1)
    known_categorical = jnp.take(inputs, jnp.asarray(KNOWN_CAT_IDX), axis=-1).astype(jnp.int32)
    observed = jnp.take(inputs, jnp.asarray(OBSERVED_IDX), axis=-1)

    s_tabs = [se0, se1, se2, se3]
    static_input_embeddings = jnp.stack(
        [jnp.take(s_tabs[i], static[:, 0, i], axis=0) for i in range(4)], axis=1
    )  # [B, 4, LD]

    # known real: per the module, Dense is applied to known_real[..., i, None] with i from input_known_real_idx
    known_real_inputs_embeddings = [
        known_real[..., i, None] * Wr[j] + br[j] for j, i in enumerate(KNOWN_REAL_IDX)
    ]  # each [B, T, LD]

    observed_input_embeddings = jnp.stack(
        [observed[..., i, None] * Wo[j] + bo[j] for j, i in enumerate(OBSERVED_IDX)], axis=-1
    )  # [B, T, LD, 6]

    k_tabs = [ke0, ke1, ke2]
    known_categorical_inputs_embeddings = [
        jnp.take(k_tabs[i], known_categorical[..., i], axis=0) for i in range(3)
    ]  # each [B, T, LD]

    known_inputs_embeddings = jnp.concatenate(
        [jnp.stack(known_real_inputs_embeddings, axis=-1), jnp.stack(known_categorical_inputs_embeddings, axis=-1)],
        axis=-1,
    )  # [B, T, LD, 7]

    return (static_input_embeddings, known_inputs_embeddings, observed_input_embeddings)

if __name__ == "__main__":
    import jax
    _d = setup_inputs()
    print(jax.jit(kernel)(*tuple(_d.values())))

</pallas_src>

<mosaic_0001>
#map = affine_map<(d0, d1) -> (0, 0)>
#map1 = affine_map<(d0, d1) -> (0)>
module attributes {stable_mosaic.version = 14 : i64} {
  func.func @k(%arg0: i32, %arg1: i32, %arg2: memref<100000x64xf32, #tpu.memory_space<hbm>>, %arg3: memref<1000x64xf32, #tpu.memory_space<hbm>>, %arg4: memref<52x64xf32, #tpu.memory_space<hbm>>, %arg5: memref<20480xi32, #tpu.memory_space<hbm>>, %arg6: memref<20480xi32, #tpu.memory_space<hbm>>, %arg7: memref<20480xi32, #tpu.memory_space<hbm>>, %arg8: memref<20480xi32, #tpu.memory_space<hbm>>, %arg9: memref<20480xi32, #tpu.memory_space<hbm>>, %arg10: memref<20480xi32, #tpu.memory_space<hbm>>, %arg11: memref<6400000xf32, #tpu.memory_space<hbm>>, %arg12: memref<6400000xf32, #tpu.memory_space<hbm>>, %arg13: memref<64000xf32, #tpu.memory_space<hbm>>, %arg14: memref<6400xf32, #tpu.memory_space<hbm>>, %arg15: memref<262144xi32, #tpu.memory_space<hbm>>, %arg16: memref<20480x128xf32, #tpu.memory_space<hbm>>, %arg17: memref<20480x128xf32, #tpu.memory_space<hbm>>, %arg18: memref<20480x128xf32, #tpu.memory_space<hbm>>, %arg19: memref<640xi32, #tpu.memory_space<vmem>>, %arg20: memref<640xi32, #tpu.memory_space<vmem>>, %arg21: memref<640xi32, #tpu.memory_space<vmem>>, %arg22: memref<640x64xf32, #tpu.memory_space<vmem>>, %arg23: memref<640x64xf32, #tpu.memory_space<vmem>>, %arg24: memref<640x64xf32, #tpu.memory_space<vmem>>, %arg25: memref<1024xi32, #tpu.memory_space<vmem>>, %arg26: memref<1024xf32, #tpu.memory_space<vmem>>, %arg27: memref<!tpu.dma_semaphore, #tpu.memory_space<semaphore_mem>>, %arg28: memref<!tpu.dma_semaphore, #tpu.memory_space<semaphore_mem>>, %arg29: memref<!tpu.dma_semaphore, #tpu.memory_space<semaphore_mem>>) attributes {dimension_semantics = [#tpu.dimension_semantics<core_parallel>, #tpu.dimension_semantics<subcore_parallel>], iteration_bounds = array<i64: 2, 16>, scalar_prefetch = 0 : i64, scratch_operands = 11 : i64, tpu.core_type = #tpu.core_type<sc_vector_subcore>, window_params = [{transform_indices = #map}, {transform_indices = #map}, {transform_indices = #map}, {transform_indices = #map1}, {transform_indices = #map1}, {transform_indices = #map1}, {transform_indices = #map1}, {transform_indices = #map1}, {transform_indices = #map1}, {transform_indices = #map1}, {transform_indices = #map1}, {transform_indices = #map1}, {transform_indices = #map1}, {transform_indices = #map1}, {transform_indices = #map}, {transform_indices = #map}, {transform_indices = #map}]} {
    %mul3A = arith.constant 2 : i32
    %mul3A_0 = arith.muli %arg1, %mul3A : i32
    %add3A = arith.addi %mul3A_0, %arg0 : i32
    %mul3A_1 = arith.constant 640 : i32
    %mul3A_2 = arith.muli %add3A, %mul3A_1 : i32
    %dma_start3A = tpu.memref_slice %arg5[%mul3A_2] : memref<20480xi32, #tpu.memory_space<hbm>> -> memref<640xi32, #tpu.memory_space<hbm>>
    %dma_start3A_3 = tpu.memref_slice %arg5[%mul3A_2] : memref<20480xi32, #tpu.memory_space<hbm>> -> memref<640xi32, #tpu.memory_space<hbm>>
    tpu.enqueue_dma source(%dma_start3A_3 : memref<640xi32, #tpu.memory_space<hbm>>) target(%arg19 : memref<640xi32, #tpu.memory_space<vmem>>) target_semaphore(%arg27 : memref<!tpu.dma_semaphore, #tpu.memory_space<semaphore_mem>>)
    %dma_start3A_4 = tpu.memref_slice %arg7[%mul3A_2] : memref<20480xi32, #tpu.memory_space<hbm>> -> memref<640xi32, #tpu.memory_space<hbm>>
    %dma_start3A_5 = tpu.memref_slice %arg7[%mul3A_2] : memref<20480xi32, #tpu.memory_space<hbm>> -> memref<640xi32, #tpu.memory_space<hbm>>
    tpu.enqueue_dma source(%dma_start3A_5 : memref<640xi32, #tpu.memory_space<hbm>>) target(%arg20 : memref<640xi32, #tpu.memory_space<vmem>>) target_semaphore(%arg27 : memref<!tpu.dma_semaphore, #tpu.memory_space<semaphore_mem>>)
    %dma_start3A_6 = tpu.memref_slice %arg9[%mul3A_2] : memref<20480xi32, #tpu.memory_space<hbm>> -> memref<640xi32, #tpu.memory_space<hbm>>
    %dma_start3A_7 = tpu.memref_slice %arg9[%mul3A_2] : memref<20480xi32, #tpu.memory_space<hbm>> -> memref<640xi32, #tpu.memory_space<hbm>>
    tpu.enqueue_dma source(%dma_start3A_7 : memref<640xi32, #tpu.memory_space<hbm>>) target(%arg21 : memref<640xi32, #tpu.memory_space<vmem>>) target_semaphore(%arg27 : memref<!tpu.dma_semaphore, #tpu.memory_space<semaphore_mem>>)
    %dma_wait3A = tpu.memref_slice %arg5[%mul3A_2] : memref<20480xi32, #tpu.memory_space<hbm>> -> memref<640xi32, #tpu.memory_space<hbm>>
    %dma_wait3A_8 = tpu.memref_slice %arg5[%mul3A_2] : memref<20480xi32, #tpu.memory_space<hbm>> -> memref<640xi32, #tpu.memory_space<hbm>>
    tpu.wait_dma2 semaphore(%arg27 : memref<!tpu.dma_semaphore, #tpu.memory_space<semaphore_mem>>) src(%dma_wait3A_8 : memref<640xi32, #tpu.memory_space<hbm>>) dst(%arg19 : memref<640xi32, #tpu.memory_space<vmem>>)
    %dma_wait3A_9 = tpu.memref_slice %arg7[%mul3A_2] : memref<20480xi32, #tpu.memory_space<hbm>> -> memref<640xi32, #tpu.memory_space<hbm>>
    %dma_wait3A_10 = tpu.memref_slice %arg7[%mul3A_2] : memref<20480xi32, #tpu.memory_space<hbm>> -> memref<640xi32, #tpu.memory_space<hbm>>
    tpu.wait_dma2 semaphore(%arg27 : memref<!tpu.dma_semaphore, #tpu.memory_space<semaphore_mem>>) src(%dma_wait3A_10 : memref<640xi32, #tpu.memory_space<hbm>>) dst(%arg20 : memref<640xi32, #tpu.memory_space<vmem>>)
    %dma_wait3A_11 = tpu.memref_slice %arg9[%mul3A_2] : memref<20480xi32, #tpu.memory_space<hbm>> -> memref<640xi32, #tpu.memory_space<hbm>>
    %dma_wait3A_12 = tpu.memref_slice %arg9[%mul3A_2] : memref<20480xi32, #tpu.memory_space<hbm>> -> memref<640xi32, #tpu.memory_space<hbm>>
    tpu.wait_dma2 semaphore(%arg27 : memref<!tpu.dma_semaphore, #tpu.memory_space<semaphore_mem>>) src(%dma_wait3A_12 : memref<640xi32, #tpu.memory_space<hbm>>) dst(%arg21 : memref<640xi32, #tpu.memory_space<vmem>>)
    %dma_start3A_13 = arith.constant 0 : i32
    %dma_start3A_14 = arith.constant 0 : i32
    %dma_start3A_15 = tpu.memref_slice %arg2[%dma_start3A_13, %dma_start3A_14] : memref<100000x64xf32, #tpu.memory_space<hbm>> -> memref<100000x64xf32, #tpu.memory_space<hbm>>
    tpu.enqueue_indirect_dma source(%dma_start3A_15 : memref<100000x64xf32, #tpu.memory_space<hbm>>) target(%arg22 : memref<640x64xf32, #tpu.memory_space<vmem>>) offsets(%arg19 : memref<640xi32, #tpu.memory_space<vmem>>) semaphore(%arg28 : memref<!tpu.dma_semaphore, #tpu.memory_space<semaphore_mem>>)
    %dma_start3A_16 = arith.constant 0 : i32
    %dma_start3A_17 = arith.constant 0 : i32
    %dma_start3A_18 = tpu.memref_slice %arg3[%dma_start3A_16, %dma_start3A_17] : memref<1000x64xf32, #tpu.memory_space<hbm>> -> memref<1000x64xf32, #tpu.memory_space<hbm>>
    tpu.enqueue_indirect_dma source(%dma_start3A_18 : memref<1000x64xf32, #tpu.memory_space<hbm>>) target(%arg23 : memref<640x64xf32, #tpu.memory_space<vmem>>) offsets(%arg20 : memref<640xi32, #tpu.memory_space<vmem>>) semaphore(%arg28 : memref<!tpu.dma_semaphore, #tpu.memory_space<semaphore_mem>>)
    %dma_start3A_19 = arith.constant 0 : i32
    %dma_start3A_20 = arith.constant 0 : i32
    %dma_start3A_21 = tpu.memref_slice %arg4[%dma_start3A_19, %dma_start3A_20] : memref<52x64xf32, #tpu.memory_space<hbm>> -> memref<52x64xf32, #tpu.memory_space<hbm>>
    tpu.enqueue_indirect_dma source(%dma_start3A_21 : memref<52x64xf32, #tpu.memory_space<hbm>>) target(%arg24 : memref<640x64xf32, #tpu.memory_space<vmem>>) offsets(%arg21 : memref<640xi32, #tpu.memory_space<vmem>>) semaphore(%arg28 : memref<!tpu.dma_semaphore, #tpu.memory_space<semaphore_mem>>)
    %dma_wait3A_22 = arith.constant 0 : i32
    %dma_wait3A_23 = arith.constant 0 : i32
    %dma_wait3A_24 = tpu.memref_slice %arg2[%dma_wait3A_22, %dma_wait3A_23] : memref<100000x64xf32, #tpu.memory_space<hbm>> -> memref<100000x64xf32, #tpu.memory_space<hbm>>
    tpu.wait_indirect_dma semaphore(%arg28 : memref<!tpu.dma_semaphore, #tpu.memory_space<semaphore_mem>>) src(%dma_wait3A_24 : memref<100000x64xf32, #tpu.memory_space<hbm>>) dst(%arg22 : memref<640x64xf32, #tpu.memory_space<vmem>>)
    %dma_wait3A_25 = arith.constant 0 : i32
    %dma_wait3A_26 = arith.constant 0 : i32
    %dma_wait3A_27 = tpu.memref_slice %arg3[%dma_wait3A_25, %dma_wait3A_26] : memref<1000x64xf32, #tpu.memory_space<hbm>> -> memref<1000x64xf32, #tpu.memory_space<hbm>>
    tpu.wait_indirect_dma semaphore(%arg28 : memref<!tpu.dma_semaphore, #tpu.memory_space<semaphore_mem>>) src(%dma_wait3A_27 : memref<1000x64xf32, #tpu.memory_space<hbm>>) dst(%arg23 : memref<640x64xf32, #tpu.memory_space<vmem>>)
    %dma_wait3A_28 = arith.constant 0 : i32
    %dma_wait3A_29 = arith.constant 0 : i32
    %dma_wait3A_30 = tpu.memref_slice %arg4[%dma_wait3A_28, %dma_wait3A_29] : memref<52x64xf32, #tpu.memory_space<hbm>> -> memref<52x64xf32, #tpu.memory_space<hbm>>
    tpu.wait_indirect_dma semaphore(%arg28 : memref<!tpu.dma_semaphore, #tpu.memory_space<semaphore_mem>>) src(%dma_wait3A_30 : memref<52x64xf32, #tpu.memory_space<hbm>>) dst(%arg24 : memref<640x64xf32, #tpu.memory_space<vmem>>)
    %dma_start3A_31 = arith.constant 0 : i32
    %dma_start3A_32 = tpu.memref_slice %arg16[%mul3A_2, %dma_start3A_31] : memref<20480x128xf32, #tpu.memory_space<hbm>> -> memref<640x64xf32, #tpu.memory_space<hbm>>
    %dma_start3A_33 = arith.constant 0 : i32
    %dma_start3A_34 = tpu.memref_slice %arg16[%mul3A_2, %dma_start3A_33] : memref<20480x128xf32, #tpu.memory_space<hbm>> -> memref<640x64xf32, #tpu.memory_space<hbm>>
    tpu.enqueue_dma source(%arg22 : memref<640x64xf32, #tpu.memory_space<vmem>>) target(%dma_start3A_34 : memref<640x64xf32, #tpu.memory_space<hbm>>) target_semaphore(%arg29 : memref<!tpu.dma_semaphore, #tpu.memory_space<semaphore_mem>>)
    %dma_start3A_35 = arith.constant 0 : i32
    %dma_start3A_36 = tpu.memref_slice %arg17[%mul3A_2, %dma_start3A_35] : memref<20480x128xf32, #tpu.memory_space<hbm>> -> memref<640x64xf32, #tpu.memory_space<hbm>>
    %dma_start3A_37 = arith.constant 0 : i32
    %dma_start3A_38 = tpu.memref_slice %arg17[%mul3A_2, %dma_start3A_37] : memref<20480x128xf32, #tpu.memory_space<hbm>> -> memref<640x64xf32, #tpu.memory_space<hbm>>
    tpu.enqueue_dma source(%arg23 : memref<640x64xf32, #tpu.memory_space<vmem>>) target(%dma_start3A_38 : memref<640x64xf32, #tpu.memory_space<hbm>>) target_semaphore(%arg29 : memref<!tpu.dma_semaphore, #tpu.memory_space<semaphore_mem>>)
    %dma_start3A_39 = arith.constant 0 : i32
    %dma_start3A_40 = tpu.memref_slice %arg18[%mul3A_2, %dma_start3A_39] : memref<20480x128xf32, #tpu.memory_space<hbm>> -> memref<640x64xf32, #tpu.memory_space<hbm>>
    %dma_start3A_41 = arith.constant 0 : i32
    %dma_start3A_42 = tpu.memref_slice %arg18[%mul3A_2, %dma_start3A_41] : memref<20480x128xf32, #tpu.memory_space<hbm>> -> memref<640x64xf32, #tpu.memory_space<hbm>>
    tpu.enqueue_dma source(%arg24 : memref<640x64xf32, #tpu.memory_space<vmem>>) target(%dma_start3A_42 : memref<640x64xf32, #tpu.memory_space<hbm>>) target_semaphore(%arg29 : memref<!tpu.dma_semaphore, #tpu.memory_space<semaphore_mem>>)
    %dma_start3A_43 = tpu.memref_slice %arg6[%mul3A_2] : memref<20480xi32, #tpu.memory_space<hbm>> -> memref<640xi32, #tpu.memory_space<hbm>>
    %dma_start3A_44 = tpu.memref_slice %arg6[%mul3A_2] : memref<20480xi32, #tpu.memory_space<hbm>> -> memref<640xi32, #tpu.memory_space<hbm>>
    tpu.enqueue_dma source(%dma_start3A_44 : memref<640xi32, #tpu.memory_space<hbm>>) target(%arg19 : memref<640xi32, #tpu.memory_space<vmem>>) target_semaphore(%arg27 : memref<!tpu.dma_semaphore, #tpu.memory_space<semaphore_mem>>)
    %dma_start3A_45 = tpu.memref_slice %arg8[%mul3A_2] : memref<20480xi32, #tpu.memory_space<hbm>> -> memref<640xi32, #tpu.memory_space<hbm>>
    %dma_start3A_46 = tpu.memref_slice %arg8[%mul3A_2] : memref<20480xi32, #tpu.memory_space<hbm>> -> memref<640xi32, #tpu.memory_space<hbm>>
    tpu.enqueue_dma source(%dma_start3A_46 : memref<640xi32, #tpu.memory_space<hbm>>) target(%arg20 : memref<640xi32, #tpu.memory_space<vmem>>) target_semaphore(%arg27 : memref<!tpu.dma_semaphore, #tpu.memory_space<semaphore_mem>>)
    %dma_start3A_47 = tpu.memref_slice %arg10[%mul3A_2] : memref<20480xi32, #tpu.memory_space<hbm>> -> memref<640xi32, #tpu.memory_space<hbm>>
    %dma_start3A_48 = tpu.memref_slice %arg10[%mul3A_2] : memref<20480xi32, #tpu.memory_space<hbm>> -> memref<640xi32, #tpu.memory_space<hbm>>
    tpu.enqueue_dma source(%dma_start3A_48 : memref<640xi32, #tpu.memory_space<hbm>>) target(%arg21 : memref<640xi32, #tpu.memory_space<vmem>>) target_semaphore(%arg27 : memref<!tpu.dma_semaphore, #tpu.memory_space<semaphore_mem>>)
    %dma_wait3A_49 = tpu.memref_slice %arg6[%mul3A_2] : memref<20480xi32, #tpu.memory_space<hbm>> -> memref<640xi32, #tpu.memory_space<hbm>>
    %dma_wait3A_50 = tpu.memref_slice %arg6[%mul3A_2] : memref<20480xi32, #tpu.memory_space<hbm>> -> memref<640xi32, #tpu.memory_space<hbm>>
    tpu.wait_dma2 semaphore(%arg27 : memref<!tpu.dma_semaphore, #tpu.memory_space<semaphore_mem>>) src(%dma_wait3A_50 : memref<640xi32, #tpu.memory_space<hbm>>) dst(%arg19 : memref<640xi32, #tpu.memory_space<vmem>>)
    %dma_wait3A_51 = tpu.memref_slice %arg8[%mul3A_2] : memref<20480xi32, #tpu.memory_space<hbm>> -> memref<640xi32, #tpu.memory_space<hbm>>
    %dma_wait3A_52 = tpu.memref_slice %arg8[%mul3A_2] : memref<20480xi32, #tpu.memory_space<hbm>> -> memref<640xi32, #tpu.memory_space<hbm>>
    tpu.wait_dma2 semaphore(%arg27 : memref<!tpu.dma_semaphore, #tpu.memory_space<semaphore_mem>>) src(%dma_wait3A_52 : memref<640xi32, #tpu.memory_space<hbm>>) dst(%arg20 : memref<640xi32, #tpu.memory_space<vmem>>)
    %dma_wait3A_53 = tpu.memref_slice %arg10[%mul3A_2] : memref<20480xi32, #tpu.memory_space<hbm>> -> memref<640xi32, #tpu.memory_space<hbm>>
    %dma_wait3A_54 = tpu.memref_slice %arg10[%mul3A_2] : memref<20480xi32, #tpu.memory_space<hbm>> -> memref<640xi32, #tpu.memory_space<hbm>>
    tpu.wait_dma2 semaphore(%arg27 : memref<!tpu.dma_semaphore, #tpu.memory_space<semaphore_mem>>) src(%dma_wait3A_54 : memref<640xi32, #tpu.memory_space<hbm>>) dst(%arg21 : memref<640xi32, #tpu.memory_space<vmem>>)
    %dma_wait3A_55 = arith.constant 0 : i32
    %dma_wait3A_56 = tpu.memref_slice %arg16[%mul3A_2, %dma_wait3A_55] : memref<20480x128xf32, #tpu.memory_space<hbm>> -> memref<640x64xf32, #tpu.memory_space<hbm>>
    %dma_wait3A_57 = arith.constant 0 : i32
    %dma_wait3A_58 = tpu.memref_slice %arg16[%mul3A_2, %dma_wait3A_57] : memref<20480x128xf32, #tpu.memory_space<hbm>> -> memref<640x64xf32, #tpu.memory_space<hbm>>
    tpu.wait_dma2 semaphore(%arg29 : memref<!tpu.dma_semaphore, #tpu.memory_space<semaphore_mem>>) src(%arg22 : memref<640x64xf32, #tpu.memory_space<vmem>>) dst(%dma_wait3A_58 : memref<640x64xf32, #tpu.memory_space<hbm>>)
    %dma_wait3A_59 = arith.constant 0 : i32
    %dma_wait3A_60 = tpu.memref_slice %arg17[%mul3A_2, %dma_wait3A_59] : memref<20480x128xf32, #tpu.memory_space<hbm>> -> memref<640x64xf32, #tpu.memory_space<hbm>>
    %dma_wait3A_61 = arith.constant 0 : i32
    %dma_wait3A_62 = tpu.memref_slice %arg17[%mul3A_2, %dma_wait3A_61] : memref<20480x128xf32, #tpu.memory_space<hbm>> -> memref<640x64xf32, #tpu.memory_space<hbm>>
    tpu.wait_dma2 semaphore(%arg29 : memref<!tpu.dma_semaphore, #tpu.memory_space<semaphore_mem>>) src(%arg23 : memref<640x64xf32, #tpu.memory_space<vmem>>) dst(%dma_wait3A_62 : memref<640x64xf32, #tpu.memory_space<hbm>>)
    %dma_wait3A_63 = arith.constant 0 : i32
    %dma_wait3A_64 = tpu.memref_slice %arg18[%mul3A_2, %dma_wait3A_63] : memref<20480x128xf32, #tpu.memory_space<hbm>> -> memref<640x64xf32, #tpu.memory_space<hbm>>
    %dma_wait3A_65 = arith.constant 0 : i32
    %dma_wait3A_66 = tpu.memref_slice %arg18[%mul3A_2, %dma_wait3A_65] : memref<20480x128xf32, #tpu.memory_space<hbm>> -> memref<640x64xf32, #tpu.memory_space<hbm>>
    tpu.wait_dma2 semaphore(%arg29 : memref<!tpu.dma_semaphore, #tpu.memory_space<semaphore_mem>>) src(%arg24 : memref<640x64xf32, #tpu.memory_space<vmem>>) dst(%dma_wait3A_66 : memref<640x64xf32, #tpu.memory_space<hbm>>)
    %dma_start3A_67 = arith.constant 0 : i32
    %dma_start3A_68 = arith.constant 0 : i32
    %dma_start3A_69 = tpu.memref_slice %arg2[%dma_start3A_67, %dma_start3A_68] : memref<100000x64xf32, #tpu.memory_space<hbm>> -> memref<100000x64xf32, #tpu.memory_space<hbm>>
    tpu.enqueue_indirect_dma source(%dma_start3A_69 : memref<100000x64xf32, #tpu.memory_space<hbm>>) target(%arg22 : memref<640x64xf32, #tpu.memory_space<vmem>>) offsets(%arg19 : memref<640xi32, #tpu.memory_space<vmem>>) semaphore(%arg28 : memref<!tpu.dma_semaphore, #tpu.memory_space<semaphore_mem>>)
    %dma_start3A_70 = arith.constant 0 : i32
    %dma_start3A_71 = arith.constant 0 : i32
    %dma_start3A_72 = tpu.memref_slice %arg3[%dma_start3A_70, %dma_start3A_71] : memref<1000x64xf32, #tpu.memory_space<hbm>> -> memref<1000x64xf32, #tpu.memory_space<hbm>>
    tpu.enqueue_indirect_dma source(%dma_start3A_72 : memref<1000x64xf32, #tpu.memory_space<hbm>>) target(%arg23 : memref<640x64xf32, #tpu.memory_space<vmem>>) offsets(%arg20 : memref<640xi32, #tpu.memory_space<vmem>>) semaphore(%arg28 : memref<!tpu.dma_semaphore, #tpu.memory_space<semaphore_mem>>)
    %dma_start3A_73 = arith.constant 0 : i32
    %dma_start3A_74 = arith.constant 0 : i32
    %dma_start3A_75 = tpu.memref_slice %arg4[%dma_start3A_73, %dma_start3A_74] : memref<52x64xf32, #tpu.memory_space<hbm>> -> memref<52x64xf32, #tpu.memory_space<hbm>>
    tpu.enqueue_indirect_dma source(%dma_start3A_75 : memref<52x64xf32, #tpu.memory_space<hbm>>) target(%arg24 : memref<640x64xf32, #tpu.memory_space<vmem>>) offsets(%arg21 : memref<640xi32, #tpu.memory_space<vmem>>) semaphore(%arg28 : memref<!tpu.dma_semaphore, #tpu.memory_space<semaphore_mem>>)
    %dma_wait3A_76 = arith.constant 0 : i32
    %dma_wait3A_77 = arith.constant 0 : i32
    %dma_wait3A_78 = tpu.memref_slice %arg2[%dma_wait3A_76, %dma_wait3A_77] : memref<100000x64xf32, #tpu.memory_space<hbm>> -> memref<100000x64xf32, #tpu.memory_space<hbm>>
    tpu.wait_indirect_dma semaphore(%arg28 : memref<!tpu.dma_semaphore, #tpu.memory_space<semaphore_mem>>) src(%dma_wait3A_78 : memref<100000x64xf32, #tpu.memory_space<hbm>>) dst(%arg22 : memref<640x64xf32, #tpu.memory_space<vmem>>)
    %dma_wait3A_79 = arith.constant 0 : i32
    %dma_wait3A_80 = arith.constant 0 : i32
    %dma_wait3A_81 = tpu.memref_slice %arg3[%dma_wait3A_79, %dma_wait3A_80] : memref<1000x64xf32, #tpu.memory_space<hbm>> -> memref<1000x64xf32, #tpu.memory_space<hbm>>
    tpu.wait_indirect_dma semaphore(%arg28 : memref<!tpu.dma_semaphore, #tpu.memory_space<semaphore_mem>>) src(%dma_wait3A_81 : memref<1000x64xf32, #tpu.memory_space<hbm>>) dst(%arg23 : memref<640x64xf32, #tpu.memory_space<vmem>>)
    %dma_wait3A_82 = arith.constant 0 : i32
    %dma_wait3A_83 = arith.constant 0 : i32
    %dma_wait3A_84 = tpu.memref_slice %arg4[%dma_wait3A_82, %dma_wait3A_83] : memref<52x64xf32, #tpu.memory_space<hbm>> -> memref<52x64xf32, #tpu.memory_space<hbm>>
    tpu.wait_indirect_dma semaphore(%arg28 : memref<!tpu.dma_semaphore, #tpu.memory_space<semaphore_mem>>) src(%dma_wait3A_84 : memref<52x64xf32, #tpu.memory_space<hbm>>) dst(%arg24 : memref<640x64xf32, #tpu.memory_space<vmem>>)
    %dma_start3A_85 = arith.constant 64 : i32
    %dma_start3A_86 = tpu.memref_slice %arg16[%mul3A_2, %dma_start3A_85] : memref<20480x128xf32, #tpu.memory_space<hbm>> -> memref<640x64xf32, #tpu.memory_space<hbm>>
    %dma_start3A_87 = arith.constant 64 : i32
    %dma_start3A_88 = tpu.memref_slice %arg16[%mul3A_2, %dma_start3A_87] : memref<20480x128xf32, #tpu.memory_space<hbm>> -> memref<640x64xf32, #tpu.memory_space<hbm>>
    tpu.enqueue_dma source(%arg22 : memref<640x64xf32, #tpu.memory_space<vmem>>) target(%dma_start3A_88 : memref<640x64xf32, #tpu.memory_space<hbm>>) target_semaphore(%arg29 : memref<!tpu.dma_semaphore, #tpu.memory_space<semaphore_mem>>)
    %dma_start3A_89 = arith.constant 64 : i32
    %dma_start3A_90 = tpu.memref_slice %arg17[%mul3A_2, %dma_start3A_89] : memref<20480x128xf32, #tpu.memory_space<hbm>> -> memref<640x64xf32, #tpu.memory_space<hbm>>
    %dma_start3A_91 = arith.constant 64 : i32
    %dma_start3A_92 = tpu.memref_slice %arg17[%mul3A_2, %dma_start3A_91] : memref<20480x128xf32, #tpu.memory_space<hbm>> -> memref<640x64xf32, #tpu.memory_space<hbm>>
    tpu.enqueue_dma source(%arg23 : memref<640x64xf32, #tpu.memory_space<vmem>>) target(%dma_start3A_92 : memref<640x64xf32, #tpu.memory_space<hbm>>) target_semaphore(%arg29 : memref<!tpu.dma_semaphore, #tpu.memory_space<semaphore_mem>>)
    %dma_start3A_93 = arith.constant 64 : i32
    %dma_start3A_94 = tpu.memref_slice %arg18[%mul3A_2, %dma_start3A_93] : memref<20480x128xf32, #tpu.memory_space<hbm>> -> memref<640x64xf32, #tpu.memory_space<hbm>>
    %dma_start3A_95 = arith.constant 64 : i32
    %dma_start3A_96 = tpu.memref_slice %arg18[%mul3A_2, %dma_start3A_95] : memref<20480x128xf32, #tpu.memory_space<hbm>> -> memref<640x64xf32, #tpu.memory_space<hbm>>
    tpu.enqueue_dma source(%arg24 : memref<640x64xf32, #tpu.memory_space<vmem>>) target(%dma_start3A_96 : memref<640x64xf32, #tpu.memory_space<hbm>>) target_semaphore(%arg29 : memref<!tpu.dma_semaphore, #tpu.memory_space<semaphore_mem>>)
    %dma_wait3A_97 = arith.constant 64 : i32
    %dma_wait3A_98 = tpu.memref_slice %arg16[%mul3A_2, %dma_wait3A_97] : memref<20480x128xf32, #tpu.memory_space<hbm>> -> memref<640x64xf32, #tpu.memory_space<hbm>>
    %dma_wait3A_99 = arith.constant 64 : i32
    %dma_wait3A_100 = tpu.memref_slice %arg16[%mul3A_2, %dma_wait3A_99] : memref<20480x128xf32, #tpu.memory_space<hbm>> -> memref<640x64xf32, #tpu.memory_space<hbm>>
    tpu.wait_dma2 semaphore(%arg29 : memref<!tpu.dma_semaphore, #tpu.memory_space<semaphore_mem>>) src(%arg22 : memref<640x64xf32, #tpu.memory_space<vmem>>) dst(%dma_wait3A_100 : memref<640x64xf32, #tpu.memory_space<hbm>>)
    %dma_wait3A_101 = arith.constant 64 : i32
    %dma_wait3A_102 = tpu.memref_slice %arg17[%mul3A_2, %dma_wait3A_101] : memref<20480x128xf32, #tpu.memory_space<hbm>> -> memref<640x64xf32, #tpu.memory_space<hbm>>
    %dma_wait3A_103 = arith.constant 64 : i32
    %dma_wait3A_104 = tpu.memref_slice %arg17[%mul3A_2, %dma_wait3A_103] : memref<20480x128xf32, #tpu.memory_space<hbm>> -> memref<640x64xf32, #tpu.memory_space<hbm>>
    tpu.wait_dma2 semaphore(%arg29 : memref<!tpu.dma_semaphore, #tpu.memory_space<semaphore_mem>>) src(%arg23 : memref<640x64xf32, #tpu.memory_space<vmem>>) dst(%dma_wait3A_104 : memref<640x64xf32, #tpu.memory_space<hbm>>)
    %dma_wait3A_105 = arith.constant 64 : i32
    %dma_wait3A_106 = tpu.memref_slice %arg18[%mul3A_2, %dma_wait3A_105] : memref<20480x128xf32, #tpu.memory_space<hbm>> -> memref<640x64xf32, #tpu.memory_space<hbm>>
    %dma_wait3A_107 = arith.constant 64 : i32
    %dma_wait3A_108 = tpu.memref_slice %arg18[%mul3A_2, %dma_wait3A_107] : memref<20480x128xf32, #tpu.memory_space<hbm>> -> memref<640x64xf32, #tpu.memory_space<hbm>>
    tpu.wait_dma2 semaphore(%arg29 : memref<!tpu.dma_semaphore, #tpu.memory_space<semaphore_mem>>) src(%arg24 : memref<640x64xf32, #tpu.memory_space<vmem>>) dst(%dma_wait3A_108 : memref<640x64xf32, #tpu.memory_space<hbm>>)
    return
  }
}

#map = affine_map<(d0, d1) -> (0, 0)>
#map1 = affine_map<(d0, d1) -> (0)>
module attributes {stable_mosaic.version = 14 : i64} {
  func.func @k(%arg0: i32, %arg1: i32, %arg2: memref<100000x64xf32, #tpu.memory_space<hbm>>, %arg3: memref<1000x64xf32, #tpu.memory_space<hbm>>, %arg4: memref<52x64xf32, #tpu.memory_space<hbm>>, %arg5: memref<20480xi32, #tpu.memory_space<hbm>>, %arg6: memref<20480xi32, #tpu.memory_space<hbm>>, %arg7: memref<20480xi32, #tpu.memory_space<hbm>>, %arg8: memref<20480xi32, #tpu.memory_space<hbm>>, %arg9: memref<20480xi32, #tpu.memory_space<hbm>>, %arg10: memref<20480xi32, #tpu.memory_space<hbm>>, %arg11: memref<6400000xf32, #tpu.memory_space<hbm>>, %arg12: memref<6400000xf32, #tpu.memory_space<hbm>>, %arg13: memref<64000xf32, #tpu.memory_space<hbm>>, %arg14: memref<6400xf32, #tpu.memory_space<hbm>>, %arg15: memref<262144xi32, #tpu.memory_space<hbm>>, %arg16: memref<20480x128xf32, #tpu.memory_space<hbm>>, %arg17: memref<20480x128xf32, #tpu.memory_space<hbm>>, %arg18: memref<20480x128xf32, #tpu.memory_space<hbm>>, %arg19: memref<262144xf32, #tpu.memory_space<hbm>>, %arg20: memref<640xi32, #tpu.memory_space<vmem>>, %arg21: memref<640xi32, #tpu.memory_space<vmem>>, %arg22: memref<640xi32, #tpu.memory_space<vmem>>, %arg23: memref<640x64xf32, #tpu.memory_space<vmem>>, %arg24: memref<640x64xf32, #tpu.memory_space<vmem>>, %arg25: memref<640x64xf32, #tpu.memory_space<vmem>>, %arg26: memref<1024xi32, #tpu.memory_space<vmem>>, %arg27: memref<1024xf32, #tpu.memory_space<vmem>>, %arg28: memref<!tpu.dma_semaphore, #tpu.memory_space<semaphore_mem>>, %arg29: memref<!tpu.dma_semaphore, #tpu.memory_space<semaphore_mem>>, %arg30: memref<!tpu.dma_semaphore, #tpu.memory_space<semaphore_mem>>) attributes {dimension_semantics = [#tpu.dimension_semantics<core_parallel>, #tpu.dimension_semantics<subcore_parallel>], iteration_bounds = array<i64: 2, 16>, scalar_prefetch = 0 : i64, scratch_operands = 11 : i64, tpu.core_type = #tpu.core_type<sc_vector_subcore>, window_params = [{transform_indices = #map}, {transform_indices = #map}, {transform_indices = #map}, {transform_indices = #map1}, {transform_indices = #map1}, {transform_indices = #map1}, {transform_indices = #map1}, {transform_indices = #map1}, {transform_indices = #map1}, {transform_indices = #map1}, {transform_indices = #map1}, {transform_indices = #map1}, {transform_indices = #map1}, {transform_indices = #map1}, {transform_indices = #map}, {transform_indices = #map}, {transform_indices = #map}, {transform_indices = #map1}]} {
    %mul3A = arith.constant 2 : i32
    %mul3A_0 = arith.muli %arg1, %mul3A : i32
    %add3A = arith.addi %mul3A_0, %arg0 : i32
    %mul3A_1 = arith.constant 640 : i32
    %mul3A_2 = arith.muli %add3A, %mul3A_1 : i32
    %dma_start3A = tpu.memref_slice %arg5[%mul3A_2] : memref<20480xi32, #tpu.memory_space<hbm>> -> memref<640xi32, #tpu.memory_space<hbm>>
    %dma_start3A_3 = tpu.memref_slice %arg5[%mul3A_2] : memref<20480xi32, #tpu.memory_space<hbm>> -> memref<640xi32, #tpu.memory_space<hbm>>
    tpu.enqueue_dma source(%dma_start3A_3 : memref<640xi32, #tpu.memory_space<hbm>>) target(%arg20 : memref<640xi32, #tpu.memory_space<vmem>>) target_semaphore(%arg28 : memref<!tpu.dma_semaphore, #tpu.memory_space<semaphore_mem>>)
    %dma_start3A_4 = tpu.memref_slice %arg7[%mul3A_2] : memref<20480xi32, #tpu.memory_space<hbm>> -> memref<640xi32, #tpu.memory_space<hbm>>
    %dma_start3A_5 = tpu.memref_slice %arg7[%mul3A_2] : memref<20480xi32, #tpu.memory_space<hbm>> -> memref<640xi32, #tpu.memory_space<hbm>>
    tpu.enqueue_dma source(%dma_start3A_5 : memref<640xi32, #tpu.memory_space<hbm>>) target(%arg21 : memref<640xi32, #tpu.memory_space<vmem>>) target_semaphore(%arg28 : memref<!tpu.dma_semaphore, #tpu.memory_space<semaphore_mem>>)
    %dma_start3A_6 = tpu.memref_slice %arg9[%mul3A_2] : memref<20480xi32, #tpu.memory_space<hbm>> -> memref<640xi32, #tpu.memory_space<hbm>>
    %dma_start3A_7 = tpu.memref_slice %arg9[%mul3A_2] : memref<20480xi32, #tpu.memory_space<hbm>> -> memref<640xi32, #tpu.memory_space<hbm>>
    tpu.enqueue_dma source(%dma_start3A_7 : memref<640xi32, #tpu.memory_space<hbm>>) target(%arg22 : memref<640xi32, #tpu.memory_space<vmem>>) target_semaphore(%arg28 : memref<!tpu.dma_semaphore, #tpu.memory_space<semaphore_mem>>)
    %dma_wait3A = tpu.memref_slice %arg5[%mul3A_2] : memref<20480xi32, #tpu.memory_space<hbm>> -> memref<640xi32, #tpu.memory_space<hbm>>
    %dma_wait3A_8 = tpu.memref_slice %arg5[%mul3A_2] : memref<20480xi32, #tpu.memory_space<hbm>> -> memref<640xi32, #tpu.memory_space<hbm>>
    tpu.wait_dma2 semaphore(%arg28 : memref<!tpu.dma_semaphore, #tpu.memory_space<semaphore_mem>>) src(%dma_wait3A_8 : memref<640xi32, #tpu.memory_space<hbm>>) dst(%arg20 : memref<640xi32, #tpu.memory_space<vmem>>)
    %dma_wait3A_9 = tpu.memref_slice %arg7[%mul3A_2] : memref<20480xi32, #tpu.memory_space<hbm>> -> memref<640xi32, #tpu.memory_space<hbm>>
    %dma_wait3A_10 = tpu.memref_slice %arg7[%mul3A_2] : memref<20480xi32, #tpu.memory_space<hbm>> -> memref<640xi32, #tpu.memory_space<hbm>>
    tpu.wait_dma2 semaphore(%arg28 : memref<!tpu.dma_semaphore, #tpu.memory_space<semaphore_mem>>) src(%dma_wait3A_10 : memref<640xi32, #tpu.memory_space<hbm>>) dst(%arg21 : memref<640xi32, #tpu.memory_space<vmem>>)
    %dma_wait3A_11 = tpu.memref_slice %arg9[%mul3A_2] : memref<20480xi32, #tpu.memory_space<hbm>> -> memref<640xi32, #tpu.memory_space<hbm>>
    %dma_wait3A_12 = tpu.memref_slice %arg9[%mul3A_2] : memref<20480xi32, #tpu.memory_space<hbm>> -> memref<640xi32, #tpu.memory_space<hbm>>
    tpu.wait_dma2 semaphore(%arg28 : memref<!tpu.dma_semaphore, #tpu.memory_space<semaphore_mem>>) src(%dma_wait3A_12 : memref<640xi32, #tpu.memory_space<hbm>>) dst(%arg22 : memref<640xi32, #tpu.memory_space<vmem>>)
    %dma_start3A_13 = arith.constant 0 : i32
    %dma_start3A_14 = arith.constant 0 : i32
    %dma_start3A_15 = tpu.memref_slice %arg2[%dma_start3A_13, %dma_start3A_14] : memref<100000x64xf32, #tpu.memory_space<hbm>> -> memref<100000x64xf32, #tpu.memory_space<hbm>>
    tpu.enqueue_indirect_dma source(%dma_start3A_15 : memref<100000x64xf32, #tpu.memory_space<hbm>>) target(%arg23 : memref<640x64xf32, #tpu.memory_space<vmem>>) offsets(%arg20 : memref<640xi32, #tpu.memory_space<vmem>>) semaphore(%arg29 : memref<!tpu.dma_semaphore, #tpu.memory_space<semaphore_mem>>)
    %dma_start3A_16 = arith.constant 0 : i32
    %dma_start3A_17 = arith.constant 0 : i32
    %dma_start3A_18 = tpu.memref_slice %arg3[%dma_start3A_16, %dma_start3A_17] : memref<1000x64xf32, #tpu.memory_space<hbm>> -> memref<1000x64xf32, #tpu.memory_space<hbm>>
    tpu.enqueue_indirect_dma source(%dma_start3A_18 : memref<1000x64xf32, #tpu.memory_space<hbm>>) target(%arg24 : memref<640x64xf32, #tpu.memory_space<vmem>>) offsets(%arg21 : memref<640xi32, #tpu.memory_space<vmem>>) semaphore(%arg29 : memref<!tpu.dma_semaphore, #tpu.memory_space<semaphore_mem>>)
    %dma_start3A_19 = arith.constant 0 : i32
    %dma_start3A_20 = arith.constant 0 : i32
    %dma_start3A_21 = tpu.memref_slice %arg4[%dma_start3A_19, %dma_start3A_20] : memref<52x64xf32, #tpu.memory_space<hbm>> -> memref<52x64xf32, #tpu.memory_space<hbm>>
    tpu.enqueue_indirect_dma source(%dma_start3A_21 : memref<52x64xf32, #tpu.memory_space<hbm>>) target(%arg25 : memref<640x64xf32, #tpu.memory_space<vmem>>) offsets(%arg22 : memref<640xi32, #tpu.memory_space<vmem>>) semaphore(%arg29 : memref<!tpu.dma_semaphore, #tpu.memory_space<semaphore_mem>>)
    %dma_wait3A_22 = arith.constant 0 : i32
    %dma_wait3A_23 = arith.constant 0 : i32
    %dma_wait3A_24 = tpu.memref_slice %arg2[%dma_wait3A_22, %dma_wait3A_23] : memref<100000x64xf32, #tpu.memory_space<hbm>> -> memref<100000x64xf32, #tpu.memory_space<hbm>>
    tpu.wait_indirect_dma semaphore(%arg29 : memref<!tpu.dma_semaphore, #tpu.memory_space<semaphore_mem>>) src(%dma_wait3A_24 : memref<100000x64xf32, #tpu.memory_space<hbm>>) dst(%arg23 : memref<640x64xf32, #tpu.memory_space<vmem>>)
    %dma_wait3A_25 = arith.constant 0 : i32
    %dma_wait3A_26 = arith.constant 0 : i32
    %dma_wait3A_27 = tpu.memref_slice %arg3[%dma_wait3A_25, %dma_wait3A_26] : memref<1000x64xf32, #tpu.memory_space<hbm>> -> memref<1000x64xf32, #tpu.memory_space<hbm>>
    tpu.wait_indirect_dma semaphore(%arg29 : memref<!tpu.dma_semaphore, #tpu.memory_space<semaphore_mem>>) src(%dma_wait3A_27 : memref<1000x64xf32, #tpu.memory_space<hbm>>) dst(%arg24 : memref<640x64xf32, #tpu.memory_space<vmem>>)
    %dma_wait3A_28 = arith.constant 0 : i32
    %dma_wait3A_29 = arith.constant 0 : i32
    %dma_wait3A_30 = tpu.memref_slice %arg4[%dma_wait3A_28, %dma_wait3A_29] : memref<52x64xf32, #tpu.memory_space<hbm>> -> memref<52x64xf32, #tpu.memory_space<hbm>>
    tpu.wait_indirect_dma semaphore(%arg29 : memref<!tpu.dma_semaphore, #tpu.memory_space<semaphore_mem>>) src(%dma_wait3A_30 : memref<52x64xf32, #tpu.memory_space<hbm>>) dst(%arg25 : memref<640x64xf32, #tpu.memory_space<vmem>>)
    %dma_start3A_31 = arith.constant 0 : i32
    %dma_start3A_32 = tpu.memref_slice %arg16[%mul3A_2, %dma_start3A_31] : memref<20480x128xf32, #tpu.memory_space<hbm>> -> memref<640x64xf32, #tpu.memory_space<hbm>>
    %dma_start3A_33 = arith.constant 0 : i32
    %dma_start3A_34 = tpu.memref_slice %arg16[%mul3A_2, %dma_start3A_33] : memref<20480x128xf32, #tpu.memory_space<hbm>> -> memref<640x64xf32, #tpu.memory_space<hbm>>
    tpu.enqueue_dma source(%arg23 : memref<640x64xf32, #tpu.memory_space<vmem>>) target(%dma_start3A_34 : memref<640x64xf32, #tpu.memory_space<hbm>>) target_semaphore(%arg30 : memref<!tpu.dma_semaphore, #tpu.memory_space<semaphore_mem>>)
    %dma_start3A_35 = arith.constant 0 : i32
    %dma_start3A_36 = tpu.memref_slice %arg17[%mul3A_2, %dma_start3A_35] : memref<20480x128xf32, #tpu.memory_space<hbm>> -> memref<640x64xf32, #tpu.memory_space<hbm>>
    %dma_start3A_37 = arith.constant 0 : i32
    %dma_start3A_38 = tpu.memref_slice %arg17[%mul3A_2, %dma_start3A_37] : memref<20480x128xf32, #tpu.memory_space<hbm>> -> memref<640x64xf32, #tpu.memory_space<hbm>>
    tpu.enqueue_dma source(%arg24 : memref<640x64xf32, #tpu.memory_space<vmem>>) target(%dma_start3A_38 : memref<640x64xf32, #tpu.memory_space<hbm>>) target_semaphore(%arg30 : memref<!tpu.dma_semaphore, #tpu.memory_space<semaphore_mem>>)
    %dma_start3A_39 = arith.constant 0 : i32
    %dma_start3A_40 = tpu.memref_slice %arg18[%mul3A_2, %dma_start3A_39] : memref<20480x128xf32, #tpu.memory_space<hbm>> -> memref<640x64xf32, #tpu.memory_space<hbm>>
    %dma_start3A_41 = arith.constant 0 : i32
    %dma_start3A_42 = tpu.memref_slice %arg18[%mul3A_2, %dma_start3A_41] : memref<20480x128xf32, #tpu.memory_space<hbm>> -> memref<640x64xf32, #tpu.memory_space<hbm>>
    tpu.enqueue_dma source(%arg25 : memref<640x64xf32, #tpu.memory_space<vmem>>) target(%dma_start3A_42 : memref<640x64xf32, #tpu.memory_space<hbm>>) target_semaphore(%arg30 : memref<!tpu.dma_semaphore, #tpu.memory_space<semaphore_mem>>)
    %dma_start3A_43 = tpu.memref_slice %arg6[%mul3A_2] : memref<20480xi32, #tpu.memory_space<hbm>> -> memref<640xi32, #tpu.memory_space<hbm>>
    %dma_start3A_44 = tpu.memref_slice %arg6[%mul3A_2] : memref<20480xi32, #tpu.memory_space<hbm>> -> memref<640xi32, #tpu.memory_space<hbm>>
    tpu.enqueue_dma source(%dma_start3A_44 : memref<640xi32, #tpu.memory_space<hbm>>) target(%arg20 : memref<640xi32, #tpu.memory_space<vmem>>) target_semaphore(%arg28 : memref<!tpu.dma_semaphore, #tpu.memory_space<semaphore_mem>>)
    %dma_start3A_45 = tpu.memref_slice %arg8[%mul3A_2] : memref<20480xi32, #tpu.memory_space<hbm>> -> memref<640xi32, #tpu.memory_space<hbm>>
    %dma_start3A_46 = tpu.memref_slice %arg8[%mul3A_2] : memref<20480xi32, #tpu.memory_space<hbm>> -> memref<640xi32, #tpu.memory_space<hbm>>
    tpu.enqueue_dma source(%dma_start3A_46 : memref<640xi32, #tpu.memory_space<hbm>>) target(%arg21 : memref<640xi32, #tpu.memory_space<vmem>>) target_semaphore(%arg28 : memref<!tpu.dma_semaphore, #tpu.memory_space<semaphore_mem>>)
    %dma_start3A_47 = tpu.memref_slice %arg10[%mul3A_2] : memref<20480xi32, #tpu.memory_space<hbm>> -> memref<640xi32, #tpu.memory_space<hbm>>
    %dma_start3A_48 = tpu.memref_slice %arg10[%mul3A_2] : memref<20480xi32, #tpu.memory_space<hbm>> -> memref<640xi32, #tpu.memory_space<hbm>>
    tpu.enqueue_dma source(%dma_start3A_48 : memref<640xi32, #tpu.memory_space<hbm>>) target(%arg22 : memref<640xi32, #tpu.memory_space<vmem>>) target_semaphore(%arg28 : memref<!tpu.dma_semaphore, #tpu.memory_space<semaphore_mem>>)
    %dma_wait3A_49 = tpu.memref_slice %arg6[%mul3A_2] : memref<20480xi32, #tpu.memory_space<hbm>> -> memref<640xi32, #tpu.memory_space<hbm>>
    %dma_wait3A_50 = tpu.memref_slice %arg6[%mul3A_2] : memref<20480xi32, #tpu.memory_space<hbm>> -> memref<640xi32, #tpu.memory_space<hbm>>
    tpu.wait_dma2 semaphore(%arg28 : memref<!tpu.dma_semaphore, #tpu.memory_space<semaphore_mem>>) src(%dma_wait3A_50 : memref<640xi32, #tpu.memory_space<hbm>>) dst(%arg20 : memref<640xi32, #tpu.memory_space<vmem>>)
    %dma_wait3A_51 = tpu.memref_slice %arg8[%mul3A_2] : memref<20480xi32, #tpu.memory_space<hbm>> -> memref<640xi32, #tpu.memory_space<hbm>>
    %dma_wait3A_52 = tpu.memref_slice %arg8[%mul3A_2] : memref<20480xi32, #tpu.memory_space<hbm>> -> memref<640xi32, #tpu.memory_space<hbm>>
    tpu.wait_dma2 semaphore(%arg28 : memref<!tpu.dma_semaphore, #tpu.memory_space<semaphore_mem>>) src(%dma_wait3A_52 : memref<640xi32, #tpu.memory_space<hbm>>) dst(%arg21 : memref<640xi32, #tpu.memory_space<vmem>>)
    %dma_wait3A_53 = tpu.memref_slice %arg10[%mul3A_2] : memref<20480xi32, #tpu.memory_space<hbm>> -> memref<640xi32, #tpu.memory_space<hbm>>
    %dma_wait3A_54 = tpu.memref_slice %arg10[%mul3A_2] : memref<20480xi32, #tpu.memory_space<hbm>> -> memref<640xi32, #tpu.memory_space<hbm>>
    tpu.wait_dma2 semaphore(%arg28 : memref<!tpu.dma_semaphore, #tpu.memory_space<semaphore_mem>>) src(%dma_wait3A_54 : memref<640xi32, #tpu.memory_space<hbm>>) dst(%arg22 : memref<640xi32, #tpu.memory_space<vmem>>)
    %dma_wait3A_55 = arith.constant 0 : i32
    %dma_wait3A_56 = tpu.memref_slice %arg16[%mul3A_2, %dma_wait3A_55] : memref<20480x128xf32, #tpu.memory_space<hbm>> -> memref<640x64xf32, #tpu.memory_space<hbm>>
    %dma_wait3A_57 = arith.constant 0 : i32
    %dma_wait3A_58 = tpu.memref_slice %arg16[%mul3A_2, %dma_wait3A_57] : memref<20480x128xf32, #tpu.memory_space<hbm>> -> memref<640x64xf32, #tpu.memory_space<hbm>>
    tpu.wait_dma2 semaphore(%arg30 : memref<!tpu.dma_semaphore, #tpu.memory_space<semaphore_mem>>) src(%arg23 : memref<640x64xf32, #tpu.memory_space<vmem>>) dst(%dma_wait3A_58 : memref<640x64xf32, #tpu.memory_space<hbm>>)
    %dma_wait3A_59 = arith.constant 0 : i32
    %dma_wait3A_60 = tpu.memref_slice %arg17[%mul3A_2, %dma_wait3A_59] : memref<20480x128xf32, #tpu.memory_space<hbm>> -> memref<640x64xf32, #tpu.memory_space<hbm>>
    %dma_wait3A_61 = arith.constant 0 : i32
    %dma_wait3A_62 = tpu.memref_slice %arg17[%mul3A_2, %dma_wait3A_61] : memref<20480x128xf32, #tpu.memory_space<hbm>> -> memref<640x64xf32, #tpu.memory_space<hbm>>
    tpu.wait_dma2 semaphore(%arg30 : memref<!tpu.dma_semaphore, #tpu.memory_space<semaphore_mem>>) src(%arg24 : memref<640x64xf32, #tpu.memory_space<vmem>>) dst(%dma_wait3A_62 : memref<640x64xf32, #tpu.memory_space<hbm>>)
    %dma_wait3A_63 = arith.constant 0 : i32
    %dma_wait3A_64 = tpu.memref_slice %arg18[%mul3A_2, %dma_wait3A_63] : memref<20480x128xf32, #tpu.memory_space<hbm>> -> memref<640x64xf32, #tpu.memory_space<hbm>>
    %dma_wait3A_65 = arith.constant 0 : i32
    %dma_wait3A_66 = tpu.memref_slice %arg18[%mul3A_2, %dma_wait3A_65] : memref<20480x128xf32, #tpu.memory_space<hbm>> -> memref<640x64xf32, #tpu.memory_space<hbm>>
    tpu.wait_dma2 semaphore(%arg30 : memref<!tpu.dma_semaphore, #tpu.memory_space<semaphore_mem>>) src(%arg25 : memref<640x64xf32, #tpu.memory_space<vmem>>) dst(%dma_wait3A_66 : memref<640x64xf32, #tpu.memory_space<hbm>>)
    %dma_start3A_67 = arith.constant 0 : i32
    %dma_start3A_68 = arith.constant 0 : i32
    %dma_start3A_69 = tpu.memref_slice %arg2[%dma_start3A_67, %dma_start3A_68] : memref<100000x64xf32, #tpu.memory_space<hbm>> -> memref<100000x64xf32, #tpu.memory_space<hbm>>
    tpu.enqueue_indirect_dma source(%dma_start3A_69 : memref<100000x64xf32, #tpu.memory_space<hbm>>) target(%arg23 : memref<640x64xf32, #tpu.memory_space<vmem>>) offsets(%arg20 : memref<640xi32, #tpu.memory_space<vmem>>) semaphore(%arg29 : memref<!tpu.dma_semaphore, #tpu.memory_space<semaphore_mem>>)
    %dma_start3A_70 = arith.constant 0 : i32
    %dma_start3A_71 = arith.constant 0 : i32
    %dma_start3A_72 = tpu.memref_slice %arg3[%dma_start3A_70, %dma_start3A_71] : memref<1000x64xf32, #tpu.memory_space<hbm>> -> memref<1000x64xf32, #tpu.memory_space<hbm>>
    tpu.enqueue_indirect_dma source(%dma_start3A_72 : memref<1000x64xf32, #tpu.memory_space<hbm>>) target(%arg24 : memref<640x64xf32, #tpu.memory_space<vmem>>) offsets(%arg21 : memref<640xi32, #tpu.memory_space<vmem>>) semaphore(%arg29 : memref<!tpu.dma_semaphore, #tpu.memory_space<semaphore_mem>>)
    %dma_start3A_73 = arith.constant 0 : i32
    %dma_start3A_74 = arith.constant 0 : i32
    %dma_start3A_75 = tpu.memref_slice %arg4[%dma_start3A_73, %dma_start3A_74] : memref<52x64xf32, #tpu.memory_space<hbm>> -> memref<52x64xf32, #tpu.memory_space<hbm>>
    tpu.enqueue_indirect_dma source(%dma_start3A_75 : memref<52x64xf32, #tpu.memory_space<hbm>>) target(%arg25 : memref<640x64xf32, #tpu.memory_space<vmem>>) offsets(%arg22 : memref<640xi32, #tpu.memory_space<vmem>>) semaphore(%arg29 : memref<!tpu.dma_semaphore, #tpu.memory_space<semaphore_mem>>)
    %dma_wait3A_76 = arith.constant 0 : i32
    %dma_wait3A_77 = arith.constant 0 : i32
    %dma_wait3A_78 = tpu.memref_slice %arg2[%dma_wait3A_76, %dma_wait3A_77] : memref<100000x64xf32, #tpu.memory_space<hbm>> -> memref<100000x64xf32, #tpu.memory_space<hbm>>
    tpu.wait_indirect_dma semaphore(%arg29 : memref<!tpu.dma_semaphore, #tpu.memory_space<semaphore_mem>>) src(%dma_wait3A_78 : memref<100000x64xf32, #tpu.memory_space<hbm>>) dst(%arg23 : memref<640x64xf32, #tpu.memory_space<vmem>>)
    %dma_wait3A_79 = arith.constant 0 : i32
    %dma_wait3A_80 = arith.constant 0 : i32
    %dma_wait3A_81 = tpu.memref_slice %arg3[%dma_wait3A_79, %dma_wait3A_80] : memref<1000x64xf32, #tpu.memory_space<hbm>> -> memref<1000x64xf32, #tpu.memory_space<hbm>>
    tpu.wait_indirect_dma semaphore(%arg29 : memref<!tpu.dma_semaphore, #tpu.memory_space<semaphore_mem>>) src(%dma_wait3A_81 : memref<1000x64xf32, #tpu.memory_space<hbm>>) dst(%arg24 : memref<640x64xf32, #tpu.memory_space<vmem>>)
    %dma_wait3A_82 = arith.constant 0 : i32
    %dma_wait3A_83 = arith.constant 0 : i32
    %dma_wait3A_84 = tpu.memref_slice %arg4[%dma_wait3A_82, %dma_wait3A_83] : memref<52x64xf32, #tpu.memory_space<hbm>> -> memref<52x64xf32, #tpu.memory_space<hbm>>
    tpu.wait_indirect_dma semaphore(%arg29 : memref<!tpu.dma_semaphore, #tpu.memory_space<semaphore_mem>>) src(%dma_wait3A_84 : memref<52x64xf32, #tpu.memory_space<hbm>>) dst(%arg25 : memref<640x64xf32, #tpu.memory_space<vmem>>)
    %dma_start3A_85 = arith.constant 64 : i32
    %dma_start3A_86 = tpu.memref_slice %arg16[%mul3A_2, %dma_start3A_85] : memref<20480x128xf32, #tpu.memory_space<hbm>> -> memref<640x64xf32, #tpu.memory_space<hbm>>
    %dma_start3A_87 = arith.constant 64 : i32
    %dma_start3A_88 = tpu.memref_slice %arg16[%mul3A_2, %dma_start3A_87] : memref<20480x128xf32, #tpu.memory_space<hbm>> -> memref<640x64xf32, #tpu.memory_space<hbm>>
    tpu.enqueue_dma source(%arg23 : memref<640x64xf32, #tpu.memory_space<vmem>>) target(%dma_start3A_88 : memref<640x64xf32, #tpu.memory_space<hbm>>) target_semaphore(%arg30 : memref<!tpu.dma_semaphore, #tpu.memory_space<semaphore_mem>>)
    %dma_start3A_89 = arith.constant 64 : i32
    %dma_start3A_90 = tpu.memref_slice %arg17[%mul3A_2, %dma_start3A_89] : memref<20480x128xf32, #tpu.memory_space<hbm>> -> memref<640x64xf32, #tpu.memory_space<hbm>>
    %dma_start3A_91 = arith.constant 64 : i32
    %dma_start3A_92 = tpu.memref_slice %arg17[%mul3A_2, %dma_start3A_91] : memref<20480x128xf32, #tpu.memory_space<hbm>> -> memref<640x64xf32, #tpu.memory_space<hbm>>
    tpu.enqueue_dma source(%arg24 : memref<640x64xf32, #tpu.memory_space<vmem>>) target(%dma_start3A_92 : memref<640x64xf32, #tpu.memory_space<hbm>>) target_semaphore(%arg30 : memref<!tpu.dma_semaphore, #tpu.memory_space<semaphore_mem>>)
    %dma_start3A_93 = arith.constant 64 : i32
    %dma_start3A_94 = tpu.memref_slice %arg18[%mul3A_2, %dma_start3A_93] : memref<20480x128xf32, #tpu.memory_space<hbm>> -> memref<640x64xf32, #tpu.memory_space<hbm>>
    %dma_start3A_95 = arith.constant 64 : i32
    %dma_start3A_96 = tpu.memref_slice %arg18[%mul3A_2, %dma_start3A_95] : memref<20480x128xf32, #tpu.memory_space<hbm>> -> memref<640x64xf32, #tpu.memory_space<hbm>>
    tpu.enqueue_dma source(%arg25 : memref<640x64xf32, #tpu.memory_space<vmem>>) target(%dma_start3A_96 : memref<640x64xf32, #tpu.memory_space<hbm>>) target_semaphore(%arg30 : memref<!tpu.dma_semaphore, #tpu.memory_space<semaphore_mem>>)
    %dma_wait3A_97 = arith.constant 64 : i32
    %dma_wait3A_98 = tpu.memref_slice %arg16[%mul3A_2, %dma_wait3A_97] : memref<20480x128xf32, #tpu.memory_space<hbm>> -> memref<640x64xf32, #tpu.memory_space<hbm>>
    %dma_wait3A_99 = arith.constant 64 : i32
    %dma_wait3A_100 = tpu.memref_slice %arg16[%mul3A_2, %dma_wait3A_99] : memref<20480x128xf32, #tpu.memory_space<hbm>> -> memref<640x64xf32, #tpu.memory_space<hbm>>
    tpu.wait_dma2 semaphore(%arg30 : memref<!tpu.dma_semaphore, #tpu.memory_space<semaphore_mem>>) src(%arg23 : memref<640x64xf32, #tpu.memory_space<vmem>>) dst(%dma_wait3A_100 : memref<640x64xf32, #tpu.memory_space<hbm>>)
    %dma_wait3A_101 = arith.constant 64 : i32
    %dma_wait3A_102 = tpu.memref_slice %arg17[%mul3A_2, %dma_wait3A_101] : memref<20480x128xf32, #tpu.memory_space<hbm>> -> memref<640x64xf32, #tpu.memory_space<hbm>>
    %dma_wait3A_103 = arith.constant 64 : i32
    %dma_wait3A_104 = tpu.memref_slice %arg17[%mul3A_2, %dma_wait3A_103] : memref<20480x128xf32, #tpu.memory_space<hbm>> -> memref<640x64xf32, #tpu.memory_space<hbm>>
    tpu.wait_dma2 semaphore(%arg30 : memref<!tpu.dma_semaphore, #tpu.memory_space<semaphore_mem>>) src(%arg24 : memref<640x64xf32, #tpu.memory_space<vmem>>) dst(%dma_wait3A_104 : memref<640x64xf32, #tpu.memory_space<hbm>>)
    %dma_wait3A_105 = arith.constant 64 : i32
    %dma_wait3A_106 = tpu.memref_slice %arg18[%mul3A_2, %dma_wait3A_105] : memref<20480x128xf32, #tpu.memory_space<hbm>> -> memref<640x64xf32, #tpu.memory_space<hbm>>
    %dma_wait3A_107 = arith.constant 64 : i32
    %dma_wait3A_108 = tpu.memref_slice %arg18[%mul3A_2, %dma_wait3A_107] : memref<20480x128xf32, #tpu.memory_space<hbm>> -> memref<640x64xf32, #tpu.memory_space<hbm>>
    tpu.wait_dma2 semaphore(%arg30 : memref<!tpu.dma_semaphore, #tpu.memory_space<semaphore_mem>>) src(%arg25 : memref<640x64xf32, #tpu.memory_space<vmem>>) dst(%dma_wait3A_108 : memref<640x64xf32, #tpu.memory_space<hbm>>)
    %jit3A = arith.constant 8 : i32
    %div3A = arith.divsi %add3A, %jit3A : i32
    %sign3A = arith.constant 0 : i32
    %sign3A_109 = arith.cmpi sgt, %add3A, %sign3A : i32
    %sign3A_110 = arith.extui %sign3A_109 : i1 to i32
    %sign3A_111 = arith.constant 0 : i32
    %sign3A_112 = arith.cmpi slt, %add3A, %sign3A_111 : i32
    %sign3A_113 = arith.extui %sign3A_112 : i1 to i32
    %sign3A_114 = arith.subi %sign3A_110, %sign3A_113 : i32
    %sign3A_115 = arith.constant 0 : i32
    %sign3A_116 = arith.cmpi sgt, %jit3A, %sign3A_115 : i32
    %sign3A_117 = arith.extui %sign3A_116 : i1 to i32
    %sign3A_118 = arith.constant 0 : i32
    %sign3A_119 = arith.cmpi slt, %jit3A, %sign3A_118 : i32
    %sign3A_120 = arith.extui %sign3A_119 : i1 to i32
    %sign3A_121 = arith.subi %sign3A_117, %sign3A_120 : i32
    %ne3A = arith.cmpi ne, %sign3A_114, %sign3A_121 : i32
    %rem3A = arith.remsi %add3A, %jit3A : i32
    %ne3A_122 = arith.constant 0 : i32
    %ne3A_123 = arith.cmpi ne, %rem3A, %ne3A_122 : i32
    %and3A = arith.andi %ne3A, %ne3A_123 : i1
    %sub3A = arith.constant 1 : i32
    %sub3A_124 = arith.subi %div3A, %sub3A : i32
    %select_n3A = arith.select %and3A, %sub3A_124, %div3A : i32
    %jit3A_125 = arith.constant 8 : i32
    %eq3A = arith.constant 0 : i32
    %eq3A_126 = arith.cmpi eq, %jit3A_125, %eq3A : i32
    %jit3A_127 = arith.constant 1 : i32
    %select_n3A_128 = arith.select %eq3A_126, %jit3A_127, %jit3A_125 : i32
    %rem3A_129 = arith.remsi %add3A, %select_n3A_128 : i32
    %ne3A_130 = arith.constant 0 : i32
    %ne3A_131 = arith.cmpi ne, %rem3A_129, %ne3A_130 : i32
    %lt3A = arith.constant 0 : i32
    %lt3A_132 = arith.cmpi slt, %rem3A_129, %lt3A : i32
    %lt3A_133 = arith.constant 0 : i32
    %lt3A_134 = arith.cmpi slt, %select_n3A_128, %lt3A_133 : i32
    %ne3A_135 = arith.xori %lt3A_132, %lt3A_134 : i1
    %and3A_136 = arith.andi %ne3A_135, %ne3A_131 : i1
    %add3A_137 = arith.addi %rem3A_129, %select_n3A_128 : i32
    %select_n3A_138 = arith.select %and3A_136, %add3A_137, %rem3A_129 : i32
    %mul3A_139 = arith.constant 8 : i32
    %mul3A_140 = arith.muli %select_n3A_138, %mul3A_139 : i32
    %eq3A_141 = arith.constant 0 : i32
    %eq3A_142 = arith.cmpi eq, %select_n3A, %eq3A_141 : i32
    %convert_element_type3A = arith.extui %eq3A_142 : i1 to i32
    %cond3A = arith.constant 0 : i32
    %cond3A_143 = arith.cmpi ne, %convert_element_type3A, %cond3A : i32
    scf.if %cond3A_143 {
      %scan3A = arith.constant 0 : i32
      %scan3A_159 = arith.constant 0 : i32
      %scan3A_160 = arith.constant 8 : i32
      %scan3A_161 = arith.addi %scan3A_159, %scan3A_160 : i32
      %scan3A_162 = arith.constant 1 : i32
      %scan3A_163 = scf.for %scan3A_165 = %scan3A_159 to %scan3A_161 step %scan3A_162 iter_args(%scan3A_166 = %scan3A) -> (i32)  : i32 {
        %add3A_167 = arith.constant 0 : i32
        %add3A_168 = arith.addi %add3A_167, %mul3A_140 : i32
        %add3A_169 = arith.addi %add3A_168, %scan3A_165 : i32
        %mul3A_170 = arith.constant 1024 : i32
        %mul3A_171 = arith.muli %add3A_169, %mul3A_170 : i32
        "tpu.region"() ({
          %run_scoped3A = tpu.sem_alloc : memref<!tpu.dma_semaphore, #tpu.memory_space<semaphore_mem>>
          %dma_start3A_269 = tpu.memref_slice %arg15[%mul3A_171] : memref<262144xi32, #tpu.memory_space<hbm>> -> memref<1024xi32, #tpu.memory_space<hbm>>
          %dma_start3A_270 = tpu.memref_slice %arg15[%mul3A_171] : memref<262144xi32, #tpu.memory_space<hbm>> -> memref<1024xi32, #tpu.memory_space<hbm>>
          tpu.enqueue_dma source(%dma_start3A_270 : memref<1024xi32, #tpu.memory_space<hbm>>) target(%arg26 : memref<1024xi32, #tpu.memory_space<vmem>>) target_semaphore(%run_scoped3A : memref<!tpu.dma_semaphore, #tpu.memory_space<semaphore_mem>>)
          %dma_wait3A_271 = tpu.memref_slice %arg15[%mul3A_171] : memref<262144xi32, #tpu.memory_space<hbm>> -> memref<1024xi32, #tpu.memory_space<hbm>>
          %dma_wait3A_272 = tpu.memref_slice %arg15[%mul3A_171] : memref<262144xi32, #tpu.memory_space<hbm>> -> memref<1024xi32, #tpu.memory_space<hbm>>
          tpu.wait_dma2 semaphore(%run_scoped3A : memref<!tpu.dma_semaphore, #tpu.memory_space<semaphore_mem>>) src(%dma_wait3A_272 : memref<1024xi32, #tpu.memory_space<hbm>>) dst(%arg26 : memref<1024xi32, #tpu.memory_space<vmem>>)
          tpu.yield
        }) : () -> ()
        %dma_start3A_172 = arith.constant 0 : i32
        %dma_start3A_173 = tpu.memref_slice %arg27[%dma_start3A_172] : memref<1024xf32, #tpu.memory_space<vmem>> -> memref<128xf32, #tpu.memory_space<vmem>>
        %dma_start3A_174 = arith.constant 0 : i32
        %dma_start3A_175 = tpu.memref_slice %arg26[%dma_start3A_174] : memref<1024xi32, #tpu.memory_space<vmem>> -> memref<128xi32, #tpu.memory_space<vmem>>
        %dma_start3A_176 = arith.constant 0 : i32
        %dma_start3A_177 = tpu.memref_slice %arg11[%dma_start3A_176] : memref<6400000xf32, #tpu.memory_space<hbm>> -> memref<6400000xf32, #tpu.memory_space<hbm>>
        tpu.enqueue_indirect_dma source(%dma_start3A_177 : memref<6400000xf32, #tpu.memory_space<hbm>>) target(%dma_start3A_173 : memref<128xf32, #tpu.memory_space<vmem>>) offsets(%dma_start3A_175 : memref<128xi32, #tpu.memory_space<vmem>>) semaphore(%arg29 : memref<!tpu.dma_semaphore, #tpu.memory_space<semaphore_mem>>)
        %dma_start3A_178 = arith.constant 128 : i32
        %dma_start3A_179 = tpu.memref_slice %arg27[%dma_start3A_178] : memref<1024xf32, #tpu.memory_space<vmem>> -> memref<128xf32, #tpu.memory_space<vmem>>
        %dma_start3A_180 = arith.constant 128 : i32
        %dma_start3A_181 = tpu.memref_slice %arg26[%dma_start3A_180] : memref<1024xi32, #tpu.memory_space<vmem>> -> memref<128xi32, #tpu.memory_space<vmem>>
        %dma_start3A_182 = arith.constant 0 : i32
        %dma_start3A_183 = tpu.memref_slice %arg11[%dma_start3A_182] : memref<6400000xf32, #tpu.memory_space<hbm>> -> memref<6400000xf32, #tpu.memory_space<hbm>>
        tpu.enqueue_indirect_dma source(%dma_start3A_183 : memref<6400000xf32, #tpu.memory_space<hbm>>) target(%dma_start3A_179 : memref<128xf32, #tpu.memory_space<vmem>>) offsets(%dma_start3A_181 : memref<128xi32, #tpu.memory_space<vmem>>) semaphore(%arg29 : memref<!tpu.dma_semaphore, #tpu.memory_space<semaphore_mem>>)
        %dma_start3A_184 = arith.constant 256 : i32
        %dma_start3A_185 = tpu.memref_slice %arg27[%dma_start3A_184] : memref<1024xf32, #tpu.memory_space<vmem>> -> memref<128xf32, #tpu.memory_space<vmem>>
        %dma_start3A_186 = arith.constant 256 : i32
        %dma_start3A_187 = tpu.memref_slice %arg26[%dma_start3A_186] : memref<1024xi32, #tpu.memory_space<vmem>> -> memref<128xi32, #tpu.memory_space<vmem>>
        %dma_start3A_188 = arith.constant 0 : i32
        %dma_start3A_189 = tpu.memref_slice %arg11[%dma_start3A_188] : memref<6400000xf32, #tpu.memory_space<hbm>> -> memref<6400000xf32, #tpu.memory_space<hbm>>
        tpu.enqueue_indirect_dma source(%dma_start3A_189 : memref<6400000xf32, #tpu.memory_space<hbm>>) target(%dma_start3A_185 : memref<128xf32, #tpu.memory_space<vmem>>) offsets(%dma_start3A_187 : memref<128xi32, #tpu.memory_space<vmem>>) semaphore(%arg29 : memref<!tpu.dma_semaphore, #tpu.memory_space<semaphore_mem>>)
        %dma_start3A_190 = arith.constant 384 : i32
        %dma_start3A_191 = tpu.memref_slice %arg27[%dma_start3A_190] : memref<1024xf32, #tpu.memory_space<vmem>> -> memref<128xf32, #tpu.memory_space<vmem>>
        %dma_start3A_192 = arith.constant 384 : i32
        %dma_start3A_193 = tpu.memref_slice %arg26[%dma_start3A_192] : memref<1024xi32, #tpu.memory_space<vmem>> -> memref<128xi32, #tpu.memory_space<vmem>>
        %dma_start3A_194 = arith.constant 0 : i32
        %dma_start3A_195 = tpu.memref_slice %arg11[%dma_start3A_194] : memref<6400000xf32, #tpu.memory_space<hbm>> -> memref<6400000xf32, #tpu.memory_space<hbm>>
        tpu.enqueue_indirect_dma source(%dma_start3A_195 : memref<6400000xf32, #tpu.memory_space<hbm>>) target(%dma_start3A_191 : memref<128xf32, #tpu.memory_space<vmem>>) offsets(%dma_start3A_193 : memref<128xi32, #tpu.memory_space<vmem>>) semaphore(%arg29 : memref<!tpu.dma_semaphore, #tpu.memory_space<semaphore_mem>>)
        %dma_start3A_196 = arith.constant 512 : i32
        %dma_start3A_197 = tpu.memref_slice %arg27[%dma_start3A_196] : memref<1024xf32, #tpu.memory_space<vmem>> -> memref<128xf32, #tpu.memory_space<vmem>>
        %dma_start3A_198 = arith.constant 512 : i32
        %dma_start3A_199 = tpu.memref_slice %arg26[%dma_start3A_198] : memref<1024xi32, #tpu.memory_space<vmem>> -> memref<128xi32, #tpu.memory_space<vmem>>
        %dma_start3A_200 = arith.constant 0 : i32
        %dma_start3A_201 = tpu.memref_slice %arg11[%dma_start3A_200] : memref<6400000xf32, #tpu.memory_space<hbm>> -> memref<6400000xf32, #tpu.memory_space<hbm>>
        tpu.enqueue_indirect_dma source(%dma_start3A_201 : memref<6400000xf32, #tpu.memory_space<hbm>>) target(%dma_start3A_197 : memref<128xf32, #tpu.memory_space<vmem>>) offsets(%dma_start3A_199 : memref<128xi32, #tpu.memory_space<vmem>>) semaphore(%arg29 : memref<!tpu.dma_semaphore, #tpu.memory_space<semaphore_mem>>)
        %dma_start3A_202 = arith.constant 640 : i32
        %dma_start3A_203 = tpu.memref_slice %arg27[%dma_start3A_202] : memref<1024xf32, #tpu.memory_space<vmem>> -> memref<128xf32, #tpu.memory_space<vmem>>
        %dma_start3A_204 = arith.constant 640 : i32
        %dma_start3A_205 = tpu.memref_slice %arg26[%dma_start3A_204] : memref<1024xi32, #tpu.memory_space<vmem>> -> memref<128xi32, #tpu.memory_space<vmem>>
        %dma_start3A_206 = arith.constant 0 : i32
        %dma_start3A_207 = tpu.memref_slice %arg11[%dma_start3A_206] : memref<6400000xf32, #tpu.memory_space<hbm>> -> memref<6400000xf32, #tpu.memory_space<hbm>>
        tpu.enqueue_indirect_dma source(%dma_start3A_207 : memref<6400000xf32, #tpu.memory_space<hbm>>) target(%dma_start3A_203 : memref<128xf32, #tpu.memory_space<vmem>>) offsets(%dma_start3A_205 : memref<128xi32, #tpu.memory_space<vmem>>) semaphore(%arg29 : memref<!tpu.dma_semaphore, #tpu.memory_space<semaphore_mem>>)
        %dma_start3A_208 = arith.constant 768 : i32
        %dma_start3A_209 = tpu.memref_slice %arg27[%dma_start3A_208] : memref<1024xf32, #tpu.memory_space<vmem>> -> memref<128xf32, #tpu.memory_space<vmem>>
        %dma_start3A_210 = arith.constant 768 : i32
        %dma_start3A_211 = tpu.memref_slice %arg26[%dma_start3A_210] : memref<1024xi32, #tpu.memory_space<vmem>> -> memref<128xi32, #tpu.memory_space<vmem>>
        %dma_start3A_212 = arith.constant 0 : i32
        %dma_start3A_213 = tpu.memref_slice %arg11[%dma_start3A_212] : memref<6400000xf32, #tpu.memory_space<hbm>> -> memref<6400000xf32, #tpu.memory_space<hbm>>
        tpu.enqueue_indirect_dma source(%dma_start3A_213 : memref<6400000xf32, #tpu.memory_space<hbm>>) target(%dma_start3A_209 : memref<128xf32, #tpu.memory_space<vmem>>) offsets(%dma_start3A_211 : memref<128xi32, #tpu.memory_space<vmem>>) semaphore(%arg29 : memref<!tpu.dma_semaphore, #tpu.memory_space<semaphore_mem>>)
        %dma_start3A_214 = arith.constant 896 : i32
        %dma_start3A_215 = tpu.memref_slice %arg27[%dma_start3A_214] : memref<1024xf32, #tpu.memory_space<vmem>> -> memref<128xf32, #tpu.memory_space<vmem>>
        %dma_start3A_216 = arith.constant 896 : i32
        %dma_start3A_217 = tpu.memref_slice %arg26[%dma_start3A_216] : memref<1024xi32, #tpu.memory_space<vmem>> -> memref<128xi32, #tpu.memory_space<vmem>>
        %dma_start3A_218 = arith.constant 0 : i32
        %dma_start3A_219 = tpu.memref_slice %arg11[%dma_start3A_218] : memref<6400000xf32, #tpu.memory_space<hbm>> -> memref<6400000xf32, #tpu.memory_space<hbm>>
        tpu.enqueue_indirect_dma source(%dma_start3A_219 : memref<6400000xf32, #tpu.memory_space<hbm>>) target(%dma_start3A_215 : memref<128xf32, #tpu.memory_space<vmem>>) offsets(%dma_start3A_217 : memref<128xi32, #tpu.memory_space<vmem>>) semaphore(%arg29 : memref<!tpu.dma_semaphore, #tpu.memory_space<semaphore_mem>>)
        %dma_wait3A_220 = arith.constant 0 : i32
        %dma_wait3A_221 = tpu.memref_slice %arg27[%dma_wait3A_220] : memref<1024xf32, #tpu.memory_space<vmem>> -> memref<128xf32, #tpu.memory_space<vmem>>
        %dma_wait3A_222 = arith.constant 0 : i32
        %dma_wait3A_223 = tpu.memref_slice %arg26[%dma_wait3A_222] : memref<1024xi32, #tpu.memory_space<vmem>> -> memref<128xi32, #tpu.memory_space<vmem>>
        %dma_wait3A_224 = arith.constant 0 : i32
        %dma_wait3A_225 = tpu.memref_slice %arg11[%dma_wait3A_224] : memref<6400000xf32, #tpu.memory_space<hbm>> -> memref<6400000xf32, #tpu.memory_space<hbm>>
        tpu.wait_indirect_dma semaphore(%arg29 : memref<!tpu.dma_semaphore, #tpu.memory_space<semaphore_mem>>) src(%dma_wait3A_225 : memref<6400000xf32, #tpu.memory_space<hbm>>) dst(%dma_wait3A_221 : memref<128xf32, #tpu.memory_space<vmem>>)
        %dma_wait3A_226 = arith.constant 128 : i32
        %dma_wait3A_227 = tpu.memref_slice %arg27[%dma_wait3A_226] : memref<1024xf32, #tpu.memory_space<vmem>> -> memref<128xf32, #tpu.memory_space<vmem>>
        %dma_wait3A_228 = arith.constant 128 : i32
        %dma_wait3A_229 = tpu.memref_slice %arg26[%dma_wait3A_228] : memref<1024xi32, #tpu.memory_space<vmem>> -> memref<128xi32, #tpu.memory_space<vmem>>
        %dma_wait3A_230 = arith.constant 0 : i32
        %dma_wait3A_231 = tpu.memref_slice %arg11[%dma_wait3A_230] : memref<6400000xf32, #tpu.memory_space<hbm>> -> memref<6400000xf32, #tpu.memory_space<hbm>>
        tpu.wait_indirect_dma semaphore(%arg29 : memref<!tpu.dma_semaphore, #tpu.memory_space<semaphore_mem>>) src(%dma_wait3A_231 : memref<6400000xf32, #tpu.memory_space<hbm>>) dst(%dma_wait3A_227 : memref<128xf32, #tpu.memory_space<vmem>>)
        %dma_wait3A_232 = arith.constant 256 : i32
        %dma_wait3A_233 = tpu.memref_slice %arg27[%dma_wait3A_232] : memref<1024xf32, #tpu.memory_space<vmem>> -> memref<128xf32, #tpu.memory_space<vmem>>
        %dma_wait3A_234 = arith.constant 256 : i32
        %dma_wait3A_235 = tpu.memref_slice %arg26[%dma_wait3A_234] : memref<1024xi32, #tpu.memory_space<vmem>> -> memref<128xi32, #tpu.memory_space<vmem>>
        %dma_wait3A_236 = arith.constant 0 : i32
        %dma_wait3A_237 = tpu.memref_slice %arg11[%dma_wait3A_236] : memref<6400000xf32, #tpu.memory_space<hbm>> -> memref<6400000xf32, #tpu.memory_space<hbm>>
        tpu.wait_indirect_dma semaphore(%arg29 : memref<!tpu.dma_semaphore, #tpu.memory_space<semaphore_mem>>) src(%dma_wait3A_237 : memref<6400000xf32, #tpu.memory_space<hbm>>) dst(%dma_wait3A_233 : memref<128xf32, #tpu.memory_space<vmem>>)
        %dma_wait3A_238 = arith.constant 384 : i32
        %dma_wait3A_239 = tpu.memref_slice %arg27[%dma_wait3A_238] : memref<1024xf32, #tpu.memory_space<vmem>> -> memref<128xf32, #tpu.memory_space<vmem>>
        %dma_wait3A_240 = arith.constant 384 : i32
        %dma_wait3A_241 = tpu.memref_slice %arg26[%dma_wait3A_240] : memref<1024xi32, #tpu.memory_space<vmem>> -> memref<128xi32, #tpu.memory_space<vmem>>
        %dma_wait3A_242 = arith.constant 0 : i32
        %dma_wait3A_243 = tpu.memref_slice %arg11[%dma_wait3A_242] : memref<6400000xf32, #tpu.memory_space<hbm>> -> memref<6400000xf32, #tpu.memory_space<hbm>>
        tpu.wait_indirect_dma semaphore(%arg29 : memref<!tpu.dma_semaphore, #tpu.memory_space<semaphore_mem>>) src(%dma_wait3A_243 : memref<6400000xf32, #tpu.memory_space<hbm>>) dst(%dma_wait3A_239 : memref<128xf32, #tpu.memory_space<vmem>>)
        %dma_wait3A_244 = arith.constant 512 : i32
        %dma_wait3A_245 = tpu.memref_slice %arg27[%dma_wait3A_244] : memref<1024xf32, #tpu.memory_space<vmem>> -> memref<128xf32, #tpu.memory_space<vmem>>
        %dma_wait3A_246 = arith.constant 512 : i32
        %dma_wait3A_247 = tpu.memref_slice %arg26[%dma_wait3A_246] : memref<1024xi32, #tpu.memory_space<vmem>> -> memref<128xi32, #tpu.memory_space<vmem>>
        %dma_wait3A_248 = arith.constant 0 : i32
        %dma_wait3A_249 = tpu.memref_slice %arg11[%dma_wait3A_248] : memref<6400000xf32, #tpu.memory_space<hbm>> -> memref<6400000xf32, #tpu.memory_space<hbm>>
        tpu.wait_indirect_dma semaphore(%arg29 : memref<!tpu.dma_semaphore, #tpu.memory_space<semaphore_mem>>) src(%dma_wait3A_249 : memref<6400000xf32, #tpu.memory_space<hbm>>) dst(%dma_wait3A_245 : memref<128xf32, #tpu.memory_space<vmem>>)
        %dma_wait3A_250 = arith.constant 640 : i32
        %dma_wait3A_251 = tpu.memref_slice %arg27[%dma_wait3A_250] : memref<1024xf32, #tpu.memory_space<vmem>> -> memref<128xf32, #tpu.memory_space<vmem>>
        %dma_wait3A_252 = arith.constant 640 : i32
        %dma_wait3A_253 = tpu.memref_slice %arg26[%dma_wait3A_252] : memref<1024xi32, #tpu.memory_space<vmem>> -> memref<128xi32, #tpu.memory_space<vmem>>
        %dma_wait3A_254 = arith.constant 0 : i32
        %dma_wait3A_255 = tpu.memref_slice %arg11[%dma_wait3A_254] : memref<6400000xf32, #tpu.memory_space<hbm>> -> memref<6400000xf32, #tpu.memory_space<hbm>>
        tpu.wait_indirect_dma semaphore(%arg29 : memref<!tpu.dma_semaphore, #tpu.memory_space<semaphore_mem>>) src(%dma_wait3A_255 : memref<6400000xf32, #tpu.memory_space<hbm>>) dst(%dma_wait3A_251 : memref<128xf32, #tpu.memory_space<vmem>>)
        %dma_wait3A_256 = arith.constant 768 : i32
        %dma_wait3A_257 = tpu.memref_slice %arg27[%dma_wait3A_256] : memref<1024xf32, #tpu.memory_space<vmem>> -> memref<128xf32, #tpu.memory_space<vmem>>
        %dma_wait3A_258 = arith.constant 768 : i32
        %dma_wait3A_259 = tpu.memref_slice %arg26[%dma_wait3A_258] : memref<1024xi32, #tpu.memory_space<vmem>> -> memref<128xi32, #tpu.memory_space<vmem>>
        %dma_wait3A_260 = arith.constant 0 : i32
        %dma_wait3A_261 = tpu.memref_slice %arg11[%dma_wait3A_260] : memref<6400000xf32, #tpu.memory_space<hbm>> -> memref<6400000xf32, #tpu.memory_space<hbm>>
        tpu.wait_indirect_dma semaphore(%arg29 : memref<!tpu.dma_semaphore, #tpu.memory_space<semaphore_mem>>) src(%dma_wait3A_261 : memref<6400000xf32, #tpu.memory_space<hbm>>) dst(%dma_wait3A_257 : memref<128xf32, #tpu.memory_space<vmem>>)
        %dma_wait3A_262 = arith.constant 896 : i32
        %dma_wait3A_263 = tpu.memref_slice %arg27[%dma_wait3A_262] : memref<1024xf32, #tpu.memory_space<vmem>> -> memref<128xf32, #tpu.memory_space<vmem>>
        %dma_wait3A_264 = arith.constant 896 : i32
        %dma_wait3A_265 = tpu.memref_slice %arg26[%dma_wait3A_264] : memref<1024xi32, #tpu.memory_space<vmem>> -> memref<128xi32, #tpu.memory_space<vmem>>
        %dma_wait3A_266 = arith.constant 0 : i32
        %dma_wait3A_267 = tpu.memref_slice %arg11[%dma_wait3A_266] : memref<6400000xf32, #tpu.memory_space<hbm>> -> memref<6400000xf32, #tpu.memory_space<hbm>>
        tpu.wait_indirect_dma semaphore(%arg29 : memref<!tpu.dma_semaphore, #tpu.memory_space<semaphore_mem>>) src(%dma_wait3A_267 : memref<6400000xf32, #tpu.memory_space<hbm>>) dst(%dma_wait3A_263 : memref<128xf32, #tpu.memory_space<vmem>>)
        "tpu.region"() ({
          %run_scoped3A = tpu.sem_alloc : memref<!tpu.dma_semaphore, #tpu.memory_space<semaphore_mem>>
          %dma_start3A_269 = tpu.memref_slice %arg19[%mul3A_171] : memref<262144xf32, #tpu.memory_space<hbm>> -> memref<1024xf32, #tpu.memory_space<hbm>>
          %dma_start3A_270 = tpu.memref_slice %arg19[%mul3A_171] : memref<262144xf32, #tpu.memory_space<hbm>> -> memref<1024xf32, #tpu.memory_space<hbm>>
          tpu.enqueue_dma source(%arg27 : memref<1024xf32, #tpu.memory_space<vmem>>) target(%dma_start3A_270 : memref<1024xf32, #tpu.memory_space<hbm>>) target_semaphore(%run_scoped3A : memref<!tpu.dma_semaphore, #tpu.memory_space<semaphore_mem>>)
          %dma_wait3A_271 = tpu.memref_slice %arg19[%mul3A_171] : memref<262144xf32, #tpu.memory_space<hbm>> -> memref<1024xf32, #tpu.memory_space<hbm>>
          %dma_wait3A_272 = tpu.memref_slice %arg19[%mul3A_171] : memref<262144xf32, #tpu.memory_space<hbm>> -> memref<1024xf32, #tpu.memory_space<hbm>>
          tpu.wait_dma2 semaphore(%run_scoped3A : memref<!tpu.dma_semaphore, #tpu.memory_space<semaphore_mem>>) src(%arg27 : memref<1024xf32, #tpu.memory_space<vmem>>) dst(%dma_wait3A_272 : memref<1024xf32, #tpu.memory_space<hbm>>)
          tpu.yield
        }) : () -> ()
        %scan3A_268 = arith.constant 0 : i32
        scf.yield %scan3A_268 : i32
      }
      %scan3A_164 = arith.constant 8 : i32
    } else {
    }
    %eq3A_144 = arith.constant 1 : i32
    %eq3A_145 = arith.cmpi eq, %select_n3A, %eq3A_144 : i32
    %convert_element_type3A_146 = arith.extui %eq3A_145 : i1 to i32
    %cond3A_147 = arith.constant 0 : i32
    %cond3A_148 = arith.cmpi ne, %convert_element_type3A_146, %cond3A_147 : i32
    scf.if %cond3A_148 {
      %scan3A = arith.constant 0 : i32
      %scan3A_159 = arith.constant 0 : i32
      %scan3A_160 = arith.constant 8 : i32
      %scan3A_161 = arith.addi %scan3A_159, %scan3A_160 : i32
      %scan3A_162 = arith.constant 1 : i32
      %scan3A_163 = scf.for %scan3A_165 = %scan3A_159 to %scan3A_161 step %scan3A_162 iter_args(%scan3A_166 = %scan3A) -> (i32)  : i32 {
        %add3A_167 = arith.constant 64 : i32
        %add3A_168 = arith.addi %add3A_167, %mul3A_140 : i32
        %add3A_169 = arith.addi %add3A_168, %scan3A_165 : i32
        %mul3A_170 = arith.constant 1024 : i32
        %mul3A_171 = arith.muli %add3A_169, %mul3A_170 : i32
        "tpu.region"() ({
          %run_scoped3A = tpu.sem_alloc : memref<!tpu.dma_semaphore, #tpu.memory_space<semaphore_mem>>
          %dma_start3A_269 = tpu.memref_slice %arg15[%mul3A_171] : memref<262144xi32, #tpu.memory_space<hbm>> -> memref<1024xi32, #tpu.memory_space<hbm>>
          %dma_start3A_270 = tpu.memref_slice %arg15[%mul3A_171] : memref<262144xi32, #tpu.memory_space<hbm>> -> memref<1024xi32, #tpu.memory_space<hbm>>
          tpu.enqueue_dma source(%dma_start3A_270 : memref<1024xi32, #tpu.memory_space<hbm>>) target(%arg26 : memref<1024xi32, #tpu.memory_space<vmem>>) target_semaphore(%run_scoped3A : memref<!tpu.dma_semaphore, #tpu.memory_space<semaphore_mem>>)
          %dma_wait3A_271 = tpu.memref_slice %arg15[%mul3A_171] : memref<262144xi32, #tpu.memory_space<hbm>> -> memref<1024xi32, #tpu.memory_space<hbm>>
          %dma_wait3A_272 = tpu.memref_slice %arg15[%mul3A_171] : memref<262144xi32, #tpu.memory_space<hbm>> -> memref<1024xi32, #tpu.memory_space<hbm>>
          tpu.wait_dma2 semaphore(%run_scoped3A : memref<!tpu.dma_semaphore, #tpu.memory_space<semaphore_mem>>) src(%dma_wait3A_272 : memref<1024xi32, #tpu.memory_space<hbm>>) dst(%arg26 : memref<1024xi32, #tpu.memory_space<vmem>>)
          tpu.yield
        }) : () -> ()
        %dma_start3A_172 = arith.constant 0 : i32
        %dma_start3A_173 = tpu.memref_slice %arg27[%dma_start3A_172] : memref<1024xf32, #tpu.memory_space<vmem>> -> memref<128xf32, #tpu.memory_space<vmem>>
        %dma_start3A_174 = arith.constant 0 : i32
        %dma_start3A_175 = tpu.memref_slice %arg26[%dma_start3A_174] : memref<1024xi32, #tpu.memory_space<vmem>> -> memref<128xi32, #tpu.memory_space<vmem>>
        %dma_start3A_176 = arith.constant 0 : i32
        %dma_start3A_177 = tpu.memref_slice %arg12[%dma_start3A_176] : memref<6400000xf32, #tpu.memory_space<hbm>> -> memref<6400000xf32, #tpu.memory_space<hbm>>
        tpu.enqueue_indirect_dma source(%dma_start3A_177 : memref<6400000xf32, #tpu.memory_space<hbm>>) target(%dma_start3A_173 : memref<128xf32, #tpu.memory_space<vmem>>) offsets(%dma_start3A_175 : memref<128xi32, #tpu.memory_space<vmem>>) semaphore(%arg29 : memref<!tpu.dma_semaphore, #tpu.memory_space<semaphore_mem>>)
        %dma_start3A_178 = arith.constant 128 : i32
        %dma_start3A_179 = tpu.memref_slice %arg27[%dma_start3A_178] : memref<1024xf32, #tpu.memory_space<vmem>> -> memref<128xf32, #tpu.memory_space<vmem>>
        %dma_start3A_180 = arith.constant 128 : i32
        %dma_start3A_181 = tpu.memref_slice %arg26[%dma_start3A_180] : memref<1024xi32, #tpu.memory_space<vmem>> -> memref<128xi32, #tpu.memory_space<vmem>>
        %dma_start3A_182 = arith.constant 0 : i32
        %dma_start3A_183 = tpu.memref_slice %arg12[%dma_start3A_182] : memref<6400000xf32, #tpu.memory_space<hbm>> -> memref<6400000xf32, #tpu.memory_space<hbm>>
        tpu.enqueue_indirect_dma source(%dma_start3A_183 : memref<6400000xf32, #tpu.memory_space<hbm>>) target(%dma_start3A_179 : memref<128xf32, #tpu.memory_space<vmem>>) offsets(%dma_start3A_181 : memref<128xi32, #tpu.memory_space<vmem>>) semaphore(%arg29 : memref<!tpu.dma_semaphore, #tpu.memory_space<semaphore_mem>>)
        %dma_start3A_184 = arith.constant 256 : i32
        %dma_start3A_185 = tpu.memref_slice %arg27[%dma_start3A_184] : memref<1024xf32, #tpu.memory_space<vmem>> -> memref<128xf32, #tpu.memory_space<vmem>>
        %dma_start3A_186 = arith.constant 256 : i32
        %dma_start3A_187 = tpu.memref_slice %arg26[%dma_start3A_186] : memref<1024xi32, #tpu.memory_space<vmem>> -> memref<128xi32, #tpu.memory_space<vmem>>
        %dma_start3A_188 = arith.constant 0 : i32
        %dma_start3A_189 = tpu.memref_slice %arg12[%dma_start3A_188] : memref<6400000xf32, #tpu.memory_space<hbm>> -> memref<6400000xf32, #tpu.memory_space<hbm>>
        tpu.enqueue_indirect_dma source(%dma_start3A_189 : memref<6400000xf32, #tpu.memory_space<hbm>>) target(%dma_start3A_185 : memref<128xf32, #tpu.memory_space<vmem>>) offsets(%dma_start3A_187 : memref<128xi32, #tpu.memory_space<vmem>>) semaphore(%arg29 : memref<!tpu.dma_semaphore, #tpu.memory_space<semaphore_mem>>)
        %dma_start3A_190 = arith.constant 384 : i32
        %dma_start3A_191 = tpu.memref_slice %arg27[%dma_start3A_190] : memref<1024xf32, #tpu.memory_space<vmem>> -> memref<128xf32, #tpu.memory_space<vmem>>
        %dma_start3A_192 = arith.constant 384 : i32
        %dma_start3A_193 = tpu.memref_slice %arg26[%dma_start3A_192] : memref<1024xi32, #tpu.memory_space<vmem>> -> memref<128xi32, #tpu.memory_space<vmem>>
        %dma_start3A_194 = arith.constant 0 : i32
        %dma_start3A_195 = tpu.memref_slice %arg12[%dma_start3A_194] : memref<6400000xf32, #tpu.memory_space<hbm>> -> memref<6400000xf32, #tpu.memory_space<hbm>>
        tpu.enqueue_indirect_dma source(%dma_start3A_195 : memref<6400000xf32, #tpu.memory_space<hbm>>) target(%dma_start3A_191 : memref<128xf32, #tpu.memory_space<vmem>>) offsets(%dma_start3A_193 : memref<128xi32, #tpu.memory_space<vmem>>) semaphore(%arg29 : memref<!tpu.dma_semaphore, #tpu.memory_space<semaphore_mem>>)
        %dma_start3A_196 = arith.constant 512 : i32
        %dma_start3A_197 = tpu.memref_slice %arg27[%dma_start3A_196] : memref<1024xf32, #tpu.memory_space<vmem>> -> memref<128xf32, #tpu.memory_space<vmem>>
        %dma_start3A_198 = arith.constant 512 : i32
        %dma_start3A_199 = tpu.memref_slice %arg26[%dma_start3A_198] : memref<1024xi32, #tpu.memory_space<vmem>> -> memref<128xi32, #tpu.memory_space<vmem>>
        %dma_start3A_200 = arith.constant 0 : i32
        %dma_start3A_201 = tpu.memref_slice %arg12[%dma_start3A_200] : memref<6400000xf32, #tpu.memory_space<hbm>> -> memref<6400000xf32, #tpu.memory_space<hbm>>
        tpu.enqueue_indirect_dma source(%dma_start3A_201 : memref<6400000xf32, #tpu.memory_space<hbm>>) target(%dma_start3A_197 : memref<128xf32, #tpu.memory_space<vmem>>) offsets(%dma_start3A_199 : memref<128xi32, #tpu.memory_space<vmem>>) semaphore(%arg29 : memref<!tpu.dma_semaphore, #tpu.memory_space<semaphore_mem>>)
        %dma_start3A_202 = arith.constant 640 : i32
        %dma_start3A_203 = tpu.memref_slice %arg27[%dma_start3A_202] : memref<1024xf32, #tpu.memory_space<vmem>> -> memref<128xf32, #tpu.memory_space<vmem>>
        %dma_start3A_204 = arith.constant 640 : i32
        %dma_start3A_205 = tpu.memref_slice %arg26[%dma_start3A_204] : memref<1024xi32, #tpu.memory_space<vmem>> -> memref<128xi32, #tpu.memory_space<vmem>>
        %dma_start3A_206 = arith.constant 0 : i32
        %dma_start3A_207 = tpu.memref_slice %arg12[%dma_start3A_206] : memref<6400000xf32, #tpu.memory_space<hbm>> -> memref<6400000xf32, #tpu.memory_space<hbm>>
        tpu.enqueue_indirect_dma source(%dma_start3A_207 : memref<6400000xf32, #tpu.memory_space<hbm>>) target(%dma_start3A_203 : memref<128xf32, #tpu.memory_space<vmem>>) offsets(%dma_start3A_205 : memref<128xi32, #tpu.memory_space<vmem>>) semaphore(%arg29 : memref<!tpu.dma_semaphore, #tpu.memory_space<semaphore_mem>>)
        %dma_start3A_208 = arith.constant 768 : i32
        %dma_start3A_209 = tpu.memref_slice %arg27[%dma_start3A_208] : memref<1024xf32, #tpu.memory_space<vmem>> -> memref<128xf32, #tpu.memory_space<vmem>>
        %dma_start3A_210 = arith.constant 768 : i32
        %dma_start3A_211 = tpu.memref_slice %arg26[%dma_start3A_210] : memref<1024xi32, #tpu.memory_space<vmem>> -> memref<128xi32, #tpu.memory_space<vmem>>
        %dma_start3A_212 = arith.constant 0 : i32
        %dma_start3A_213 = tpu.memref_slice %arg12[%dma_start3A_212] : memref<6400000xf32, #tpu.memory_space<hbm>> -> memref<6400000xf32, #tpu.memory_space<hbm>>
        tpu.enqueue_indirect_dma source(%dma_start3A_213 : memref<6400000xf32, #tpu.memory_space<hbm>>) target(%dma_start3A_209 : memref<128xf32, #tpu.memory_space<vmem>>) offsets(%dma_start3A_211 : memref<128xi32, #tpu.memory_space<vmem>>) semaphore(%arg29 : memref<!tpu.dma_semaphore, #tpu.memory_space<semaphore_mem>>)
        %dma_start3A_214 = arith.constant 896 : i32
        %dma_start3A_215 = tpu.memref_slice %arg27[%dma_start3A_214] : memref<1024xf32, #tpu.memory_space<vmem>> -> memref<128xf32, #tpu.memory_space<vmem>>
        %dma_start3A_216 = arith.constant 896 : i32
        %dma_start3A_217 = tpu.memref_slice %arg26[%dma_start3A_216] : memref<1024xi32, #tpu.memory_space<vmem>> -> memref<128xi32, #tpu.memory_space<vmem>>
        %dma_start3A_218 = arith.constant 0 : i32
        %dma_start3A_219 = tpu.memref_slice %arg12[%dma_start3A_218] : memref<6400000xf32, #tpu.memory_space<hbm>> -> memref<6400000xf32, #tpu.memory_space<hbm>>
        tpu.enqueue_indirect_dma source(%dma_start3A_219 : memref<6400000xf32, #tpu.memory_space<hbm>>) target(%dma_start3A_215 : memref<128xf32, #tpu.memory_space<vmem>>) offsets(%dma_start3A_217 : memref<128xi32, #tpu.memory_space<vmem>>) semaphore(%arg29 : memref<!tpu.dma_semaphore, #tpu.memory_space<semaphore_mem>>)
        %dma_wait3A_220 = arith.constant 0 : i32
        %dma_wait3A_221 = tpu.memref_slice %arg27[%dma_wait3A_220] : memref<1024xf32, #tpu.memory_space<vmem>> -> memref<128xf32, #tpu.memory_space<vmem>>
        %dma_wait3A_222 = arith.constant 0 : i32
        %dma_wait3A_223 = tpu.memref_slice %arg26[%dma_wait3A_222] : memref<1024xi32, #tpu.memory_space<vmem>> -> memref<128xi32, #tpu.memory_space<vmem>>
        %dma_wait3A_224 = arith.constant 0 : i32
        %dma_wait3A_225 = tpu.memref_slice %arg12[%dma_wait3A_224] : memref<6400000xf32, #tpu.memory_space<hbm>> -> memref<6400000xf32, #tpu.memory_space<hbm>>
        tpu.wait_indirect_dma semaphore(%arg29 : memref<!tpu.dma_semaphore, #tpu.memory_space<semaphore_mem>>) src(%dma_wait3A_225 : memref<6400000xf32, #tpu.memory_space<hbm>>) dst(%dma_wait3A_221 : memref<128xf32, #tpu.memory_space<vmem>>)
        %dma_wait3A_226 = arith.constant 128 : i32
        %dma_wait3A_227 = tpu.memref_slice %arg27[%dma_wait3A_226] : memref<1024xf32, #tpu.memory_space<vmem>> -> memref<128xf32, #tpu.memory_space<vmem>>
        %dma_wait3A_228 = arith.constant 128 : i32
        %dma_wait3A_229 = tpu.memref_slice %arg26[%dma_wait3A_228] : memref<1024xi32, #tpu.memory_space<vmem>> -> memref<128xi32, #tpu.memory_space<vmem>>
        %dma_wait3A_230 = arith.constant 0 : i32
        %dma_wait3A_231 = tpu.memref_slice %arg12[%dma_wait3A_230] : memref<6400000xf32, #tpu.memory_space<hbm>> -> memref<6400000xf32, #tpu.memory_space<hbm>>
        tpu.wait_indirect_dma semaphore(%arg29 : memref<!tpu.dma_semaphore, #tpu.memory_space<semaphore_mem>>) src(%dma_wait3A_231 : memref<6400000xf32, #tpu.memory_space<hbm>>) dst(%dma_wait3A_227 : memref<128xf32, #tpu.memory_space<vmem>>)
        %dma_wait3A_232 = arith.constant 256 : i32
        %dma_wait3A_233 = tpu.memref_slice %arg27[%dma_wait3A_232] : memref<1024xf32, #tpu.memory_space<vmem>> -> memref<128xf32, #tpu.memory_space<vmem>>
        %dma_wait3A_234 = arith.constant 256 : i32
        %dma_wait3A_235 = tpu.memref_slice %arg26[%dma_wait3A_234] : memref<1024xi32, #tpu.memory_space<vmem>> -> memref<128xi32, #tpu.memory_space<vmem>>
        %dma_wait3A_236 = arith.constant 0 : i32
        %dma_wait3A_237 = tpu.memref_slice %arg12[%dma_wait3A_236] : memref<6400000xf32, #tpu.memory_space<hbm>> -> memref<6400000xf32, #tpu.memory_space<hbm>>
        tpu.wait_indirect_dma semaphore(%arg29 : memref<!tpu.dma_semaphore, #tpu.memory_space<semaphore_mem>>) src(%dma_wait3A_237 : memref<6400000xf32, #tpu.memory_space<hbm>>) dst(%dma_wait3A_233 : memref<128xf32, #tpu.memory_space<vmem>>)
        %dma_wait3A_238 = arith.constant 384 : i32
        %dma_wait3A_239 = tpu.memref_slice %arg27[%dma_wait3A_238] : memref<1024xf32, #tpu.memory_space<vmem>> -> memref<128xf32, #tpu.memory_space<vmem>>
        %dma_wait3A_240 = arith.constant 384 : i32
        %dma_wait3A_241 = tpu.memref_slice %arg26[%dma_wait3A_240] : memref<1024xi32, #tpu.memory_space<vmem>> -> memref<128xi32, #tpu.memory_space<vmem>>
        %dma_wait3A_242 = arith.constant 0 : i32
        %dma_wait3A_243 = tpu.memref_slice %arg12[%dma_wait3A_242] : memref<6400000xf32, #tpu.memory_space<hbm>> -> memref<6400000xf32, #tpu.memory_space<hbm>>
        tpu.wait_indirect_dma semaphore(%arg29 : memref<!tpu.dma_semaphore, #tpu.memory_space<semaphore_mem>>) src(%dma_wait3A_243 : memref<6400000xf32, #tpu.memory_space<hbm>>) dst(%dma_wait3A_239 : memref<128xf32, #tpu.memory_space<vmem>>)
        %dma_wait3A_244 = arith.constant 512 : i32
        %dma_wait3A_245 = tpu.memref_slice %arg27[%dma_wait3A_244] : memref<1024xf32, #tpu.memory_space<vmem>> -> memref<128xf32, #tpu.memory_space<vmem>>
        %dma_wait3A_246 = arith.constant 512 : i32
        %dma_wait3A_247 = tpu.memref_slice %arg26[%dma_wait3A_246] : memref<1024xi32, #tpu.memory_space<vmem>> -> memref<128xi32, #tpu.memory_space<vmem>>
        %dma_wait3A_248 = arith.constant 0 : i32
        %dma_wait3A_249 = tpu.memref_slice %arg12[%dma_wait3A_248] : memref<6400000xf32, #tpu.memory_space<hbm>> -> memref<6400000xf32, #tpu.memory_space<hbm>>
        tpu.wait_indirect_dma semaphore(%arg29 : memref<!tpu.dma_semaphore, #tpu.memory_space<semaphore_mem>>) src(%dma_wait3A_249 : memref<6400000xf32, #tpu.memory_space<hbm>>) dst(%dma_wait3A_245 : memref<128xf32, #tpu.memory_space<vmem>>)
        %dma_wait3A_250 = arith.constant 640 : i32
        %dma_wait3A_251 = tpu.memref_slice %arg27[%dma_wait3A_250] : memref<1024xf32, #tpu.memory_space<vmem>> -> memref<128xf32, #tpu.memory_space<vmem>>
        %dma_wait3A_252 = arith.constant 640 : i32
        %dma_wait3A_253 = tpu.memref_slice %arg26[%dma_wait3A_252] : memref<1024xi32, #tpu.memory_space<vmem>> -> memref<128xi32, #tpu.memory_space<vmem>>
        %dma_wait3A_254 = arith.constant 0 : i32
        %dma_wait3A_255 = tpu.memref_slice %arg12[%dma_wait3A_254] : memref<6400000xf32, #tpu.memory_space<hbm>> -> memref<6400000xf32, #tpu.memory_space<hbm>>
        tpu.wait_indirect_dma semaphore(%arg29 : memref<!tpu.dma_semaphore, #tpu.memory_space<semaphore_mem>>) src(%dma_wait3A_255 : memref<6400000xf32, #tpu.memory_space<hbm>>) dst(%dma_wait3A_251 : memref<128xf32, #tpu.memory_space<vmem>>)
        %dma_wait3A_256 = arith.constant 768 : i32
        %dma_wait3A_257 = tpu.memref_slice %arg27[%dma_wait3A_256] : memref<1024xf32, #tpu.memory_space<vmem>> -> memref<128xf32, #tpu.memory_space<vmem>>
        %dma_wait3A_258 = arith.constant 768 : i32
        %dma_wait3A_259 = tpu.memref_slice %arg26[%dma_wait3A_258] : memref<1024xi32, #tpu.memory_space<vmem>> -> memref<128xi32, #tpu.memory_space<vmem>>
        %dma_wait3A_260 = arith.constant 0 : i32
        %dma_wait3A_261 = tpu.memref_slice %arg12[%dma_wait3A_260] : memref<6400000xf32, #tpu.memory_space<hbm>> -> memref<6400000xf32, #tpu.memory_space<hbm>>
        tpu.wait_indirect_dma semaphore(%arg29 : memref<!tpu.dma_semaphore, #tpu.memory_space<semaphore_mem>>) src(%dma_wait3A_261 : memref<6400000xf32, #tpu.memory_space<hbm>>) dst(%dma_wait3A_257 : memref<128xf32, #tpu.memory_space<vmem>>)
        %dma_wait3A_262 = arith.constant 896 : i32
        %dma_wait3A_263 = tpu.memref_slice %arg27[%dma_wait3A_262] : memref<1024xf32, #tpu.memory_space<vmem>> -> memref<128xf32, #tpu.memory_space<vmem>>
        %dma_wait3A_264 = arith.constant 896 : i32
        %dma_wait3A_265 = tpu.memref_slice %arg26[%dma_wait3A_264] : memref<1024xi32, #tpu.memory_space<vmem>> -> memref<128xi32, #tpu.memory_space<vmem>>
        %dma_wait3A_266 = arith.constant 0 : i32
        %dma_wait3A_267 = tpu.memref_slice %arg12[%dma_wait3A_266] : memref<6400000xf32, #tpu.memory_space<hbm>> -> memref<6400000xf32, #tpu.memory_space<hbm>>
        tpu.wait_indirect_dma semaphore(%arg29 : memref<!tpu.dma_semaphore, #tpu.memory_space<semaphore_mem>>) src(%dma_wait3A_267 : memref<6400000xf32, #tpu.memory_space<hbm>>) dst(%dma_wait3A_263 : memref<128xf32, #tpu.memory_space<vmem>>)
        "tpu.region"() ({
          %run_scoped3A = tpu.sem_alloc : memref<!tpu.dma_semaphore, #tpu.memory_space<semaphore_mem>>
          %dma_start3A_269 = tpu.memref_slice %arg19[%mul3A_171] : memref<262144xf32, #tpu.memory_space<hbm>> -> memref<1024xf32, #tpu.memory_space<hbm>>
          %dma_start3A_270 = tpu.memref_slice %arg19[%mul3A_171] : memref<262144xf32, #tpu.memory_space<hbm>> -> memref<1024xf32, #tpu.memory_space<hbm>>
          tpu.enqueue_dma source(%arg27 : memref<1024xf32, #tpu.memory_space<vmem>>) target(%dma_start3A_270 : memref<1024xf32, #tpu.memory_space<hbm>>) target_semaphore(%run_scoped3A : memref<!tpu.dma_semaphore, #tpu.memory_space<semaphore_mem>>)
          %dma_wait3A_271 = tpu.memref_slice %arg19[%mul3A_171] : memref<262144xf32, #tpu.memory_space<hbm>> -> memref<1024xf32, #tpu.memory_space<hbm>>
          %dma_wait3A_272 = tpu.memref_slice %arg19[%mul3A_171] : memref<262144xf32, #tpu.memory_space<hbm>> -> memref<1024xf32, #tpu.memory_space<hbm>>
          tpu.wait_dma2 semaphore(%run_scoped3A : memref<!tpu.dma_semaphore, #tpu.memory_space<semaphore_mem>>) src(%arg27 : memref<1024xf32, #tpu.memory_space<vmem>>) dst(%dma_wait3A_272 : memref<1024xf32, #tpu.memory_space<hbm>>)
          tpu.yield
        }) : () -> ()
        %scan3A_268 = arith.constant 0 : i32
        scf.yield %scan3A_268 : i32
      }
      %scan3A_164 = arith.constant 8 : i32
    } else {
    }
    %eq3A_149 = arith.constant 2 : i32
    %eq3A_150 = arith.cmpi eq, %select_n3A, %eq3A_149 : i32
    %convert_element_type3A_151 = arith.extui %eq3A_150 : i1 to i32
    %cond3A_152 = arith.constant 0 : i32
    %cond3A_153 = arith.cmpi ne, %convert_element_type3A_151, %cond3A_152 : i32
    scf.if %cond3A_153 {
      %scan3A = arith.constant 0 : i32
      %scan3A_159 = arith.constant 0 : i32
      %scan3A_160 = arith.constant 8 : i32
      %scan3A_161 = arith.addi %scan3A_159, %scan3A_160 : i32
      %scan3A_162 = arith.constant 1 : i32
      %scan3A_163 = scf.for %scan3A_165 = %scan3A_159 to %scan3A_161 step %scan3A_162 iter_args(%scan3A_166 = %scan3A) -> (i32)  : i32 {
        %add3A_167 = arith.constant 128 : i32
        %add3A_168 = arith.addi %add3A_167, %mul3A_140 : i32
        %add3A_169 = arith.addi %add3A_168, %scan3A_165 : i32
        %mul3A_170 = arith.constant 1024 : i32
        %mul3A_171 = arith.muli %add3A_169, %mul3A_170 : i32
        "tpu.region"() ({
          %run_scoped3A = tpu.sem_alloc : memref<!tpu.dma_semaphore, #tpu.memory_space<semaphore_mem>>
          %dma_start3A_269 = tpu.memref_slice %arg15[%mul3A_171] : memref<262144xi32, #tpu.memory_space<hbm>> -> memref<1024xi32, #tpu.memory_space<hbm>>
          %dma_start3A_270 = tpu.memref_slice %arg15[%mul3A_171] : memref<262144xi32, #tpu.memory_space<hbm>> -> memref<1024xi32, #tpu.memory_space<hbm>>
          tpu.enqueue_dma source(%dma_start3A_270 : memref<1024xi32, #tpu.memory_space<hbm>>) target(%arg26 : memref<1024xi32, #tpu.memory_space<vmem>>) target_semaphore(%run_scoped3A : memref<!tpu.dma_semaphore, #tpu.memory_space<semaphore_mem>>)
          %dma_wait3A_271 = tpu.memref_slice %arg15[%mul3A_171] : memref<262144xi32, #tpu.memory_space<hbm>> -> memref<1024xi32, #tpu.memory_space<hbm>>
          %dma_wait3A_272 = tpu.memref_slice %arg15[%mul3A_171] : memref<262144xi32, #tpu.memory_space<hbm>> -> memref<1024xi32, #tpu.memory_space<hbm>>
          tpu.wait_dma2 semaphore(%run_scoped3A : memref<!tpu.dma_semaphore, #tpu.memory_space<semaphore_mem>>) src(%dma_wait3A_272 : memref<1024xi32, #tpu.memory_space<hbm>>) dst(%arg26 : memref<1024xi32, #tpu.memory_space<vmem>>)
          tpu.yield
        }) : () -> ()
        %dma_start3A_172 = arith.constant 0 : i32
        %dma_start3A_173 = tpu.memref_slice %arg27[%dma_start3A_172] : memref<1024xf32, #tpu.memory_space<vmem>> -> memref<128xf32, #tpu.memory_space<vmem>>
        %dma_start3A_174 = arith.constant 0 : i32
        %dma_start3A_175 = tpu.memref_slice %arg26[%dma_start3A_174] : memref<1024xi32, #tpu.memory_space<vmem>> -> memref<128xi32, #tpu.memory_space<vmem>>
        %dma_start3A_176 = arith.constant 0 : i32
        %dma_start3A_177 = tpu.memref_slice %arg13[%dma_start3A_176] : memref<64000xf32, #tpu.memory_space<hbm>> -> memref<64000xf32, #tpu.memory_space<hbm>>
        tpu.enqueue_indirect_dma source(%dma_start3A_177 : memref<64000xf32, #tpu.memory_space<hbm>>) target(%dma_start3A_173 : memref<128xf32, #tpu.memory_space<vmem>>) offsets(%dma_start3A_175 : memref<128xi32, #tpu.memory_space<vmem>>) semaphore(%arg29 : memref<!tpu.dma_semaphore, #tpu.memory_space<semaphore_mem>>)
        %dma_start3A_178 = arith.constant 128 : i32
        %dma_start3A_179 = tpu.memref_slice %arg27[%dma_start3A_178] : memref<1024xf32, #tpu.memory_space<vmem>> -> memref<128xf32, #tpu.memory_space<vmem>>
        %dma_start3A_180 = arith.constant 128 : i32
        %dma_start3A_181 = tpu.memref_slice %arg26[%dma_start3A_180] : memref<1024xi32, #tpu.memory_space<vmem>> -> memref<128xi32, #tpu.memory_space<vmem>>
        %dma_start3A_182 = arith.constant 0 : i32
        %dma_start3A_183 = tpu.memref_slice %arg13[%dma_start3A_182] : memref<64000xf32, #tpu.memory_space<hbm>> -> memref<64000xf32, #tpu.memory_space<hbm>>
        tpu.enqueue_indirect_dma source(%dma_start3A_183 : memref<64000xf32, #tpu.memory_space<hbm>>) target(%dma_start3A_179 : memref<128xf32, #tpu.memory_space<vmem>>) offsets(%dma_start3A_181 : memref<128xi32, #tpu.memory_space<vmem>>) semaphore(%arg29 : memref<!tpu.dma_semaphore, #tpu.memory_space<semaphore_mem>>)
        %dma_start3A_184 = arith.constant 256 : i32
        %dma_start3A_185 = tpu.memref_slice %arg27[%dma_start3A_184] : memref<1024xf32, #tpu.memory_space<vmem>> -> memref<128xf32, #tpu.memory_space<vmem>>
        %dma_start3A_186 = arith.constant 256 : i32
        %dma_start3A_187 = tpu.memref_slice %arg26[%dma_start3A_186] : memref<1024xi32, #tpu.memory_space<vmem>> -> memref<128xi32, #tpu.memory_space<vmem>>
        %dma_start3A_188 = arith.constant 0 : i32
        %dma_start3A_189 = tpu.memref_slice %arg13[%dma_start3A_188] : memref<64000xf32, #tpu.memory_space<hbm>> -> memref<64000xf32, #tpu.memory_space<hbm>>
        tpu.enqueue_indirect_dma source(%dma_start3A_189 : memref<64000xf32, #tpu.memory_space<hbm>>) target(%dma_start3A_185 : memref<128xf32, #tpu.memory_space<vmem>>) offsets(%dma_start3A_187 : memref<128xi32, #tpu.memory_space<vmem>>) semaphore(%arg29 : memref<!tpu.dma_semaphore, #tpu.memory_space<semaphore_mem>>)
        %dma_start3A_190 = arith.constant 384 : i32
        %dma_start3A_191 = tpu.memref_slice %arg27[%dma_start3A_190] : memref<1024xf32, #tpu.memory_space<vmem>> -> memref<128xf32, #tpu.memory_space<vmem>>
        %dma_start3A_192 = arith.constant 384 : i32
        %dma_start3A_193 = tpu.memref_slice %arg26[%dma_start3A_192] : memref<1024xi32, #tpu.memory_space<vmem>> -> memref<128xi32, #tpu.memory_space<vmem>>
        %dma_start3A_194 = arith.constant 0 : i32
        %dma_start3A_195 = tpu.memref_slice %arg13[%dma_start3A_194] : memref<64000xf32, #tpu.memory_space<hbm>> -> memref<64000xf32, #tpu.memory_space<hbm>>
        tpu.enqueue_indirect_dma source(%dma_start3A_195 : memref<64000xf32, #tpu.memory_space<hbm>>) target(%dma_start3A_191 : memref<128xf32, #tpu.memory_space<vmem>>) offsets(%dma_start3A_193 : memref<128xi32, #tpu.memory_space<vmem>>) semaphore(%arg29 : memref<!tpu.dma_semaphore, #tpu.memory_space<semaphore_mem>>)
        %dma_start3A_196 = arith.constant 512 : i32
        %dma_start3A_197 = tpu.memref_slice %arg27[%dma_start3A_196] : memref<1024xf32, #tpu.memory_space<vmem>> -> memref<128xf32, #tpu.memory_space<vmem>>
        %dma_start3A_198 = arith.constant 512 : i32
        %dma_start3A_199 = tpu.memref_slice %arg26[%dma_start3A_198] : memref<1024xi32, #tpu.memory_space<vmem>> -> memref<128xi32, #tpu.memory_space<vmem>>
        %dma_start3A_200 = arith.constant 0 : i32
        %dma_start3A_201 = tpu.memref_slice %arg13[%dma_start3A_200] : memref<64000xf32, #tpu.memory_space<hbm>> -> memref<64000xf32, #tpu.memory_space<hbm>>
        tpu.enqueue_indirect_dma source(%dma_start3A_201 : memref<64000xf32, #tpu.memory_space<hbm>>) target(%dma_start3A_197 : memref<128xf32, #tpu.memory_space<vmem>>) offsets(%dma_start3A_199 : memref<128xi32, #tpu.memory_space<vmem>>) semaphore(%arg29 : memref<!tpu.dma_semaphore, #tpu.memory_space<semaphore_mem>>)
        %dma_start3A_202 = arith.constant 640 : i32
        %dma_start3A_203 = tpu.memref_slice %arg27[%dma_start3A_202] : memref<1024xf32, #tpu.memory_space<vmem>> -> memref<128xf32, #tpu.memory_space<vmem>>
        %dma_start3A_204 = arith.constant 640 : i32
        %dma_start3A_205 = tpu.memref_slice %arg26[%dma_start3A_204] : memref<1024xi32, #tpu.memory_space<vmem>> -> memref<128xi32, #tpu.memory_space<vmem>>
        %dma_start3A_206 = arith.constant 0 : i32
        %dma_start3A_207 = tpu.memref_slice %arg13[%dma_start3A_206] : memref<64000xf32, #tpu.memory_space<hbm>> -> memref<64000xf32, #tpu.memory_space<hbm>>
        tpu.enqueue_indirect_dma source(%dma_start3A_207 : memref<64000xf32, #tpu.memory_space<hbm>>) target(%dma_start3A_203 : memref<128xf32, #tpu.memory_space<vmem>>) offsets(%dma_start3A_205 : memref<128xi32, #tpu.memory_space<vmem>>) semaphore(%arg29 : memref<!tpu.dma_semaphore, #tpu.memory_space<semaphore_mem>>)
        %dma_start3A_208 = arith.constant 768 : i32
        %dma_start3A_209 = tpu.memref_slice %arg27[%dma_start3A_208] : memref<1024xf32, #tpu.memory_space<vmem>> -> memref<128xf32, #tpu.memory_space<vmem>>
        %dma_start3A_210 = arith.constant 768 : i32
        %dma_start3A_211 = tpu.memref_slice %arg26[%dma_start3A_210] : memref<1024xi32, #tpu.memory_space<vmem>> -> memref<128xi32, #tpu.memory_space<vmem>>
        %dma_start3A_212 = arith.constant 0 : i32
        %dma_start3A_213 = tpu.memref_slice %arg13[%dma_start3A_212] : memref<64000xf32, #tpu.memory_space<hbm>> -> memref<64000xf32, #tpu.memory_space<hbm>>
        tpu.enqueue_indirect_dma source(%dma_start3A_213 : memref<64000xf32, #tpu.memory_space<hbm>>) target(%dma_start3A_209 : memref<128xf32, #tpu.memory_space<vmem>>) offsets(%dma_start3A_211 : memref<128xi32, #tpu.memory_space<vmem>>) semaphore(%arg29 : memref<!tpu.dma_semaphore, #tpu.memory_space<semaphore_mem>>)
        %dma_start3A_214 = arith.constant 896 : i32
        %dma_start3A_215 = tpu.memref_slice %arg27[%dma_start3A_214] : memref<1024xf32, #tpu.memory_space<vmem>> -> memref<128xf32, #tpu.memory_space<vmem>>
        %dma_start3A_216 = arith.constant 896 : i32
        %dma_start3A_217 = tpu.memref_slice %arg26[%dma_start3A_216] : memref<1024xi32, #tpu.memory_space<vmem>> -> memref<128xi32, #tpu.memory_space<vmem>>
        %dma_start3A_218 = arith.constant 0 : i32
        %dma_start3A_219 = tpu.memref_slice %arg13[%dma_start3A_218] : memref<64000xf32, #tpu.memory_space<hbm>> -> memref<64000xf32, #tpu.memory_space<hbm>>
        tpu.enqueue_indirect_dma source(%dma_start3A_219 : memref<64000xf32, #tpu.memory_space<hbm>>) target(%dma_start3A_215 : memref<128xf32, #tpu.memory_space<vmem>>) offsets(%dma_start3A_217 : memref<128xi32, #tpu.memory_space<vmem>>) semaphore(%arg29 : memref<!tpu.dma_semaphore, #tpu.memory_space<semaphore_mem>>)
        %dma_wait3A_220 = arith.constant 0 : i32
        %dma_wait3A_221 = tpu.memref_slice %arg27[%dma_wait3A_220] : memref<1024xf32, #tpu.memory_space<vmem>> -> memref<128xf32, #tpu.memory_space<vmem>>
        %dma_wait3A_222 = arith.constant 0 : i32
        %dma_wait3A_223 = tpu.memref_slice %arg26[%dma_wait3A_222] : memref<1024xi32, #tpu.memory_space<vmem>> -> memref<128xi32, #tpu.memory_space<vmem>>
        %dma_wait3A_224 = arith.constant 0 : i32
        %dma_wait3A_225 = tpu.memref_slice %arg13[%dma_wait3A_224] : memref<64000xf32, #tpu.memory_space<hbm>> -> memref<64000xf32, #tpu.memory_space<hbm>>
        tpu.wait_indirect_dma semaphore(%arg29 : memref<!tpu.dma_semaphore, #tpu.memory_space<semaphore_mem>>) src(%dma_wait3A_225 : memref<64000xf32, #tpu.memory_space<hbm>>) dst(%dma_wait3A_221 : memref<128xf32, #tpu.memory_space<vmem>>)
        %dma_wait3A_226 = arith.constant 128 : i32
        %dma_wait3A_227 = tpu.memref_slice %arg27[%dma_wait3A_226] : memref<1024xf32, #tpu.memory_space<vmem>> -> memref<128xf32, #tpu.memory_space<vmem>>
        %dma_wait3A_228 = arith.constant 128 : i32
        %dma_wait3A_229 = tpu.memref_slice %arg26[%dma_wait3A_228] : memref<1024xi32, #tpu.memory_space<vmem>> -> memref<128xi32, #tpu.memory_space<vmem>>
        %dma_wait3A_230 = arith.constant 0 : i32
        %dma_wait3A_231 = tpu.memref_slice %arg13[%dma_wait3A_230] : memref<64000xf32, #tpu.memory_space<hbm>> -> memref<64000xf32, #tpu.memory_space<hbm>>
        tpu.wait_indirect_dma semaphore(%arg29 : memref<!tpu.dma_semaphore, #tpu.memory_space<semaphore_mem>>) src(%dma_wait3A_231 : memref<64000xf32, #tpu.memory_space<hbm>>) dst(%dma_wait3A_227 : memref<128xf32, #tpu.memory_space<vmem>>)
        %dma_wait3A_232 = arith.constant 256 : i32
        %dma_wait3A_233 = tpu.memref_slice %arg27[%dma_wait3A_232] : memref<1024xf32, #tpu.memory_space<vmem>> -> memref<128xf32, #tpu.memory_space<vmem>>
        %dma_wait3A_234 = arith.constant 256 : i32
        %dma_wait3A_235 = tpu.memref_slice %arg26[%dma_wait3A_234] : memref<1024xi32, #tpu.memory_space<vmem>> -> memref<128xi32, #tpu.memory_space<vmem>>
        %dma_wait3A_236 = arith.constant 0 : i32
        %dma_wait3A_237 = tpu.memref_slice %arg13[%dma_wait3A_236] : memref<64000xf32, #tpu.memory_space<hbm>> -> memref<64000xf32, #tpu.memory_space<hbm>>
        tpu.wait_indirect_dma semaphore(%arg29 : memref<!tpu.dma_semaphore, #tpu.memory_space<semaphore_mem>>) src(%dma_wait3A_237 : memref<64000xf32, #tpu.memory_space<hbm>>) dst(%dma_wait3A_233 : memref<128xf32, #tpu.memory_space<vmem>>)
        %dma_wait3A_238 = arith.constant 384 : i32
        %dma_wait3A_239 = tpu.memref_slice %arg27[%dma_wait3A_238] : memref<1024xf32, #tpu.memory_space<vmem>> -> memref<128xf32, #tpu.memory_space<vmem>>
        %dma_wait3A_240 = arith.constant 384 : i32
        %dma_wait3A_241 = tpu.memref_slice %arg26[%dma_wait3A_240] : memref<1024xi32, #tpu.memory_space<vmem>> -> memref<128xi32, #tpu.memory_space<vmem>>
        %dma_wait3A_242 = arith.constant 0 : i32
        %dma_wait3A_243 = tpu.memref_slice %arg13[%dma_wait3A_242] : memref<64000xf32, #tpu.memory_space<hbm>> -> memref<64000xf32, #tpu.memory_space<hbm>>
        tpu.wait_indirect_dma semaphore(%arg29 : memref<!tpu.dma_semaphore, #tpu.memory_space<semaphore_mem>>) src(%dma_wait3A_243 : memref<64000xf32, #tpu.memory_space<hbm>>) dst(%dma_wait3A_239 : memref<128xf32, #tpu.memory_space<vmem>>)
        %dma_wait3A_244 = arith.constant 512 : i32
        %dma_wait3A_245 = tpu.memref_slice %arg27[%dma_wait3A_244] : memref<1024xf32, #tpu.memory_space<vmem>> -> memref<128xf32, #tpu.memory_space<vmem>>
        %dma_wait3A_246 = arith.constant 512 : i32
        %dma_wait3A_247 = tpu.memref_slice %arg26[%dma_wait3A_246] : memref<1024xi32, #tpu.memory_space<vmem>> -> memref<128xi32, #tpu.memory_space<vmem>>
        %dma_wait3A_248 = arith.constant 0 : i32
        %dma_wait3A_249 = tpu.memref_slice %arg13[%dma_wait3A_248] : memref<64000xf32, #tpu.memory_space<hbm>> -> memref<64000xf32, #tpu.memory_space<hbm>>
        tpu.wait_indirect_dma semaphore(%arg29 : memref<!tpu.dma_semaphore, #tpu.memory_space<semaphore_mem>>) src(%dma_wait3A_249 : memref<64000xf32, #tpu.memory_space<hbm>>) dst(%dma_wait3A_245 : memref<128xf32, #tpu.memory_space<vmem>>)
        %dma_wait3A_250 = arith.constant 640 : i32
        %dma_wait3A_251 = tpu.memref_slice %arg27[%dma_wait3A_250] : memref<1024xf32, #tpu.memory_space<vmem>> -> memref<128xf32, #tpu.memory_space<vmem>>
        %dma_wait3A_252 = arith.constant 640 : i32
        %dma_wait3A_253 = tpu.memref_slice %arg26[%dma_wait3A_252] : memref<1024xi32, #tpu.memory_space<vmem>> -> memref<128xi32, #tpu.memory_space<vmem>>
        %dma_wait3A_254 = arith.constant 0 : i32
        %dma_wait3A_255 = tpu.memref_slice %arg13[%dma_wait3A_254] : memref<64000xf32, #tpu.memory_space<hbm>> -> memref<64000xf32, #tpu.memory_space<hbm>>
        tpu.wait_indirect_dma semaphore(%arg29 : memref<!tpu.dma_semaphore, #tpu.memory_space<semaphore_mem>>) src(%dma_wait3A_255 : memref<64000xf32, #tpu.memory_space<hbm>>) dst(%dma_wait3A_251 : memref<128xf32, #tpu.memory_space<vmem>>)
        %dma_wait3A_256 = arith.constant 768 : i32
        %dma_wait3A_257 = tpu.memref_slice %arg27[%dma_wait3A_256] : memref<1024xf32, #tpu.memory_space<vmem>> -> memref<128xf32, #tpu.memory_space<vmem>>
        %dma_wait3A_258 = arith.constant 768 : i32
        %dma_wait3A_259 = tpu.memref_slice %arg26[%dma_wait3A_258] : memref<1024xi32, #tpu.memory_space<vmem>> -> memref<128xi32, #tpu.memory_space<vmem>>
        %dma_wait3A_260 = arith.constant 0 : i32
        %dma_wait3A_261 = tpu.memref_slice %arg13[%dma_wait3A_260] : memref<64000xf32, #tpu.memory_space<hbm>> -> memref<64000xf32, #tpu.memory_space<hbm>>
        tpu.wait_indirect_dma semaphore(%arg29 : memref<!tpu.dma_semaphore, #tpu.memory_space<semaphore_mem>>) src(%dma_wait3A_261 : memref<64000xf32, #tpu.memory_space<hbm>>) dst(%dma_wait3A_257 : memref<128xf32, #tpu.memory_space<vmem>>)
        %dma_wait3A_262 = arith.constant 896 : i32
        %dma_wait3A_263 = tpu.memref_slice %arg27[%dma_wait3A_262] : memref<1024xf32, #tpu.memory_space<vmem>> -> memref<128xf32, #tpu.memory_space<vmem>>
        %dma_wait3A_264 = arith.constant 896 : i32
        %dma_wait3A_265 = tpu.memref_slice %arg26[%dma_wait3A_264] : memref<1024xi32, #tpu.memory_space<vmem>> -> memref<128xi32, #tpu.memory_space<vmem>>
        %dma_wait3A_266 = arith.constant 0 : i32
        %dma_wait3A_267 = tpu.memref_slice %arg13[%dma_wait3A_266] : memref<64000xf32, #tpu.memory_space<hbm>> -> memref<64000xf32, #tpu.memory_space<hbm>>
        tpu.wait_indirect_dma semaphore(%arg29 : memref<!tpu.dma_semaphore, #tpu.memory_space<semaphore_mem>>) src(%dma_wait3A_267 : memref<64000xf32, #tpu.memory_space<hbm>>) dst(%dma_wait3A_263 : memref<128xf32, #tpu.memory_space<vmem>>)
        "tpu.region"() ({
          %run_scoped3A = tpu.sem_alloc : memref<!tpu.dma_semaphore, #tpu.memory_space<semaphore_mem>>
          %dma_start3A_269 = tpu.memref_slice %arg19[%mul3A_171] : memref<262144xf32, #tpu.memory_space<hbm>> -> memref<1024xf32, #tpu.memory_space<hbm>>
          %dma_start3A_270 = tpu.memref_slice %arg19[%mul3A_171] : memref<262144xf32, #tpu.memory_space<hbm>> -> memref<1024xf32, #tpu.memory_space<hbm>>
          tpu.enqueue_dma source(%arg27 : memref<1024xf32, #tpu.memory_space<vmem>>) target(%dma_start3A_270 : memref<1024xf32, #tpu.memory_space<hbm>>) target_semaphore(%run_scoped3A : memref<!tpu.dma_semaphore, #tpu.memory_space<semaphore_mem>>)
          %dma_wait3A_271 = tpu.memref_slice %arg19[%mul3A_171] : memref<262144xf32, #tpu.memory_space<hbm>> -> memref<1024xf32, #tpu.memory_space<hbm>>
          %dma_wait3A_272 = tpu.memref_slice %arg19[%mul3A_171] : memref<262144xf32, #tpu.memory_space<hbm>> -> memref<1024xf32, #tpu.memory_space<hbm>>
          tpu.wait_dma2 semaphore(%run_scoped3A : memref<!tpu.dma_semaphore, #tpu.memory_space<semaphore_mem>>) src(%arg27 : memref<1024xf32, #tpu.memory_space<vmem>>) dst(%dma_wait3A_272 : memref<1024xf32, #tpu.memory_space<hbm>>)
          tpu.yield
        }) : () -> ()
        %scan3A_268 = arith.constant 0 : i32
        scf.yield %scan3A_268 : i32
      }
      %scan3A_164 = arith.constant 8 : i32
    } else {
    }
    %eq3A_154 = arith.constant 3 : i32
    %eq3A_155 = arith.cmpi eq, %select_n3A, %eq3A_154 : i32
    %convert_element_type3A_156 = arith.extui %eq3A_155 : i1 to i32
    %cond3A_157 = arith.constant 0 : i32
    %cond3A_158 = arith.cmpi ne, %convert_element_type3A_156, %cond3A_157 : i32
    scf.if %cond3A_158 {
      %scan3A = arith.constant 0 : i32
      %scan3A_159 = arith.constant 0 : i32
      %scan3A_160 = arith.constant 8 : i32
      %scan3A_161 = arith.addi %scan3A_159, %scan3A_160 : i32
      %scan3A_162 = arith.constant 1 : i32
      %scan3A_163 = scf.for %scan3A_165 = %scan3A_159 to %scan3A_161 step %scan3A_162 iter_args(%scan3A_166 = %scan3A) -> (i32)  : i32 {
        %add3A_167 = arith.constant 192 : i32
        %add3A_168 = arith.addi %add3A_167, %mul3A_140 : i32
        %add3A_169 = arith.addi %add3A_168, %scan3A_165 : i32
        %mul3A_170 = arith.constant 1024 : i32
        %mul3A_171 = arith.muli %add3A_169, %mul3A_170 : i32
        "tpu.region"() ({
          %run_scoped3A = tpu.sem_alloc : memref<!tpu.dma_semaphore, #tpu.memory_space<semaphore_mem>>
          %dma_start3A_269 = tpu.memref_slice %arg15[%mul3A_171] : memref<262144xi32, #tpu.memory_space<hbm>> -> memref<1024xi32, #tpu.memory_space<hbm>>
          %dma_start3A_270 = tpu.memref_slice %arg15[%mul3A_171] : memref<262144xi32, #tpu.memory_space<hbm>> -> memref<1024xi32, #tpu.memory_space<hbm>>
          tpu.enqueue_dma source(%dma_start3A_270 : memref<1024xi32, #tpu.memory_space<hbm>>) target(%arg26 : memref<1024xi32, #tpu.memory_space<vmem>>) target_semaphore(%run_scoped3A : memref<!tpu.dma_semaphore, #tpu.memory_space<semaphore_mem>>)
          %dma_wait3A_271 = tpu.memref_slice %arg15[%mul3A_171] : memref<262144xi32, #tpu.memory_space<hbm>> -> memref<1024xi32, #tpu.memory_space<hbm>>
          %dma_wait3A_272 = tpu.memref_slice %arg15[%mul3A_171] : memref<262144xi32, #tpu.memory_space<hbm>> -> memref<1024xi32, #tpu.memory_space<hbm>>
          tpu.wait_dma2 semaphore(%run_scoped3A : memref<!tpu.dma_semaphore, #tpu.memory_space<semaphore_mem>>) src(%dma_wait3A_272 : memref<1024xi32, #tpu.memory_space<hbm>>) dst(%arg26 : memref<1024xi32, #tpu.memory_space<vmem>>)
          tpu.yield
        }) : () -> ()
        %dma_start3A_172 = arith.constant 0 : i32
        %dma_start3A_173 = tpu.memref_slice %arg27[%dma_start3A_172] : memref<1024xf32, #tpu.memory_space<vmem>> -> memref<128xf32, #tpu.memory_space<vmem>>
        %dma_start3A_174 = arith.constant 0 : i32
        %dma_start3A_175 = tpu.memref_slice %arg26[%dma_start3A_174] : memref<1024xi32, #tpu.memory_space<vmem>> -> memref<128xi32, #tpu.memory_space<vmem>>
        %dma_start3A_176 = arith.constant 0 : i32
        %dma_start3A_177 = tpu.memref_slice %arg14[%dma_start3A_176] : memref<6400xf32, #tpu.memory_space<hbm>> -> memref<6400xf32, #tpu.memory_space<hbm>>
        tpu.enqueue_indirect_dma source(%dma_start3A_177 : memref<6400xf32, #tpu.memory_space<hbm>>) target(%dma_start3A_173 : memref<128xf32, #tpu.memory_space<vmem>>) offsets(%dma_start3A_175 : memref<128xi32, #tpu.memory_space<vmem>>) semaphore(%arg29 : memref<!tpu.dma_semaphore, #tpu.memory_space<semaphore_mem>>)
        %dma_start3A_178 = arith.constant 128 : i32
        %dma_start3A_179 = tpu.memref_slice %arg27[%dma_start3A_178] : memref<1024xf32, #tpu.memory_space<vmem>> -> memref<128xf32, #tpu.memory_space<vmem>>
        %dma_start3A_180 = arith.constant 128 : i32
        %dma_start3A_181 = tpu.memref_slice %arg26[%dma_start3A_180] : memref<1024xi32, #tpu.memory_space<vmem>> -> memref<128xi32, #tpu.memory_space<vmem>>
        %dma_start3A_182 = arith.constant 0 : i32
        %dma_start3A_183 = tpu.memref_slice %arg14[%dma_start3A_182] : memref<6400xf32, #tpu.memory_space<hbm>> -> memref<6400xf32, #tpu.memory_space<hbm>>
        tpu.enqueue_indirect_dma source(%dma_start3A_183 : memref<6400xf32, #tpu.memory_space<hbm>>) target(%dma_start3A_179 : memref<128xf32, #tpu.memory_space<vmem>>) offsets(%dma_start3A_181 : memref<128xi32, #tpu.memory_space<vmem>>) semaphore(%arg29 : memref<!tpu.dma_semaphore, #tpu.memory_space<semaphore_mem>>)
        %dma_start3A_184 = arith.constant 256 : i32
        %dma_start3A_185 = tpu.memref_slice %arg27[%dma_start3A_184] : memref<1024xf32, #tpu.memory_space<vmem>> -> memref<128xf32, #tpu.memory_space<vmem>>
        %dma_start3A_186 = arith.constant 256 : i32
        %dma_start3A_187 = tpu.memref_slice %arg26[%dma_start3A_186] : memref<1024xi32, #tpu.memory_space<vmem>> -> memref<128xi32, #tpu.memory_space<vmem>>
        %dma_start3A_188 = arith.constant 0 : i32
        %dma_start3A_189 = tpu.memref_slice %arg14[%dma_start3A_188] : memref<6400xf32, #tpu.memory_space<hbm>> -> memref<6400xf32, #tpu.memory_space<hbm>>
        tpu.enqueue_indirect_dma source(%dma_start3A_189 : memref<6400xf32, #tpu.memory_space<hbm>>) target(%dma_start3A_185 : memref<128xf32, #tpu.memory_space<vmem>>) offsets(%dma_start3A_187 : memref<128xi32, #tpu.memory_space<vmem>>) semaphore(%arg29 : memref<!tpu.dma_semaphore, #tpu.memory_space<semaphore_mem>>)
        %dma_start3A_190 = arith.constant 384 : i32
        %dma_start3A_191 = tpu.memref_slice %arg27[%dma_start3A_190] : memref<1024xf32, #tpu.memory_space<vmem>> -> memref<128xf32, #tpu.memory_space<vmem>>
        %dma_start3A_192 = arith.constant 384 : i32
        %dma_start3A_193 = tpu.memref_slice %arg26[%dma_start3A_192] : memref<1024xi32, #tpu.memory_space<vmem>> -> memref<128xi32, #tpu.memory_space<vmem>>
        %dma_start3A_194 = arith.constant 0 : i32
        %dma_start3A_195 = tpu.memref_slice %arg14[%dma_start3A_194] : memref<6400xf32, #tpu.memory_space<hbm>> -> memref<6400xf32, #tpu.memory_space<hbm>>
        tpu.enqueue_indirect_dma source(%dma_start3A_195 : memref<6400xf32, #tpu.memory_space<hbm>>) target(%dma_start3A_191 : memref<128xf32, #tpu.memory_space<vmem>>) offsets(%dma_start3A_193 : memref<128xi32, #tpu.memory_space<vmem>>) semaphore(%arg29 : memref<!tpu.dma_semaphore, #tpu.memory_space<semaphore_mem>>)
        %dma_start3A_196 = arith.constant 512 : i32
        %dma_start3A_197 = tpu.memref_slice %arg27[%dma_start3A_196] : memref<1024xf32, #tpu.memory_space<vmem>> -> memref<128xf32, #tpu.memory_space<vmem>>
        %dma_start3A_198 = arith.constant 512 : i32
        %dma_start3A_199 = tpu.memref_slice %arg26[%dma_start3A_198] : memref<1024xi32, #tpu.memory_space<vmem>> -> memref<128xi32, #tpu.memory_space<vmem>>
        %dma_start3A_200 = arith.constant 0 : i32
        %dma_start3A_201 = tpu.memref_slice %arg14[%dma_start3A_200] : memref<6400xf32, #tpu.memory_space<hbm>> -> memref<6400xf32, #tpu.memory_space<hbm>>
        tpu.enqueue_indirect_dma source(%dma_start3A_201 : memref<6400xf32, #tpu.memory_space<hbm>>) target(%dma_start3A_197 : memref<128xf32, #tpu.memory_space<vmem>>) offsets(%dma_start3A_199 : memref<128xi32, #tpu.memory_space<vmem>>) semaphore(%arg29 : memref<!tpu.dma_semaphore, #tpu.memory_space<semaphore_mem>>)
        %dma_start3A_202 = arith.constant 640 : i32
        %dma_start3A_203 = tpu.memref_slice %arg27[%dma_start3A_202] : memref<1024xf32, #tpu.memory_space<vmem>> -> memref<128xf32, #tpu.memory_space<vmem>>
        %dma_start3A_204 = arith.constant 640 : i32
        %dma_start3A_205 = tpu.memref_slice %arg26[%dma_start3A_204] : memref<1024xi32, #tpu.memory_space<vmem>> -> memref<128xi32, #tpu.memory_space<vmem>>
        %dma_start3A_206 = arith.constant 0 : i32
        %dma_start3A_207 = tpu.memref_slice %arg14[%dma_start3A_206] : memref<6400xf32, #tpu.memory_space<hbm>> -> memref<6400xf32, #tpu.memory_space<hbm>>
        tpu.enqueue_indirect_dma source(%dma_start3A_207 : memref<6400xf32, #tpu.memory_space<hbm>>) target(%dma_start3A_203 : memref<128xf32, #tpu.memory_space<vmem>>) offsets(%dma_start3A_205 : memref<128xi32, #tpu.memory_space<vmem>>) semaphore(%arg29 : memref<!tpu.dma_semaphore, #tpu.memory_space<semaphore_mem>>)
        %dma_start3A_208 = arith.constant 768 : i32
        %dma_start3A_209 = tpu.memref_slice %arg27[%dma_start3A_208] : memref<1024xf32, #tpu.memory_space<vmem>> -> memref<128xf32, #tpu.memory_space<vmem>>
        %dma_start3A_210 = arith.constant 768 : i32
        %dma_start3A_211 = tpu.memref_slice %arg26[%dma_start3A_210] : memref<1024xi32, #tpu.memory_space<vmem>> -> memref<128xi32, #tpu.memory_space<vmem>>
        %dma_start3A_212 = arith.constant 0 : i32
        %dma_start3A_213 = tpu.memref_slice %arg14[%dma_start3A_212] : memref<6400xf32, #tpu.memory_space<hbm>> -> memref<6400xf32, #tpu.memory_space<hbm>>
        tpu.enqueue_indirect_dma source(%dma_start3A_213 : memref<6400xf32, #tpu.memory_space<hbm>>) target(%dma_start3A_209 : memref<128xf32, #tpu.memory_space<vmem>>) offsets(%dma_start3A_211 : memref<128xi32, #tpu.memory_space<vmem>>) semaphore(%arg29 : memref<!tpu.dma_semaphore, #tpu.memory_space<semaphore_mem>>)
        %dma_start3A_214 = arith.constant 896 : i32
        %dma_start3A_215 = tpu.memref_slice %arg27[%dma_start3A_214] : memref<1024xf32, #tpu.memory_space<vmem>> -> memref<128xf32, #tpu.memory_space<vmem>>
        %dma_start3A_216 = arith.constant 896 : i32
        %dma_start3A_217 = tpu.memref_slice %arg26[%dma_start3A_216] : memref<1024xi32, #tpu.memory_space<vmem>> -> memref<128xi32, #tpu.memory_space<vmem>>
        %dma_start3A_218 = arith.constant 0 : i32
        %dma_start3A_219 = tpu.memref_slice %arg14[%dma_start3A_218] : memref<6400xf32, #tpu.memory_space<hbm>> -> memref<6400xf32, #tpu.memory_space<hbm>>
        tpu.enqueue_indirect_dma source(%dma_start3A_219 : memref<6400xf32, #tpu.memory_space<hbm>>) target(%dma_start3A_215 : memref<128xf32, #tpu.memory_space<vmem>>) offsets(%dma_start3A_217 : memref<128xi32, #tpu.memory_space<vmem>>) semaphore(%arg29 : memref<!tpu.dma_semaphore, #tpu.memory_space<semaphore_mem>>)
        %dma_wait3A_220 = arith.constant 0 : i32
        %dma_wait3A_221 = tpu.memref_slice %arg27[%dma_wait3A_220] : memref<1024xf32, #tpu.memory_space<vmem>> -> memref<128xf32, #tpu.memory_space<vmem>>
        %dma_wait3A_222 = arith.constant 0 : i32
        %dma_wait3A_223 = tpu.memref_slice %arg26[%dma_wait3A_222] : memref<1024xi32, #tpu.memory_space<vmem>> -> memref<128xi32, #tpu.memory_space<vmem>>
        %dma_wait3A_224 = arith.constant 0 : i32
        %dma_wait3A_225 = tpu.memref_slice %arg14[%dma_wait3A_224] : memref<6400xf32, #tpu.memory_space<hbm>> -> memref<6400xf32, #tpu.memory_space<hbm>>
        tpu.wait_indirect_dma semaphore(%arg29 : memref<!tpu.dma_semaphore, #tpu.memory_space<semaphore_mem>>) src(%dma_wait3A_225 : memref<6400xf32, #tpu.memory_space<hbm>>) dst(%dma_wait3A_221 : memref<128xf32, #tpu.memory_space<vmem>>)
        %dma_wait3A_226 = arith.constant 128 : i32
        %dma_wait3A_227 = tpu.memref_slice %arg27[%dma_wait3A_226] : memref<1024xf32, #tpu.memory_space<vmem>> -> memref<128xf32, #tpu.memory_space<vmem>>
        %dma_wait3A_228 = arith.constant 128 : i32
        %dma_wait3A_229 = tpu.memref_slice %arg26[%dma_wait3A_228] : memref<1024xi32, #tpu.memory_space<vmem>> -> memref<128xi32, #tpu.memory_space<vmem>>
        %dma_wait3A_230 = arith.constant 0 : i32
        %dma_wait3A_231 = tpu.memref_slice %arg14[%dma_wait3A_230] : memref<6400xf32, #tpu.memory_space<hbm>> -> memref<6400xf32, #tpu.memory_space<hbm>>
        tpu.wait_indirect_dma semaphore(%arg29 : memref<!tpu.dma_semaphore, #tpu.memory_space<semaphore_mem>>) src(%dma_wait3A_231 : memref<6400xf32, #tpu.memory_space<hbm>>) dst(%dma_wait3A_227 : memref<128xf32, #tpu.memory_space<vmem>>)
        %dma_wait3A_232 = arith.constant 256 : i32
        %dma_wait3A_233 = tpu.memref_slice %arg27[%dma_wait3A_232] : memref<1024xf32, #tpu.memory_space<vmem>> -> memref<128xf32, #tpu.memory_space<vmem>>
        %dma_wait3A_234 = arith.constant 256 : i32
        %dma_wait3A_235 = tpu.memref_slice %arg26[%dma_wait3A_234] : memref<1024xi32, #tpu.memory_space<vmem>> -> memref<128xi32, #tpu.memory_space<vmem>>
        %dma_wait3A_236 = arith.constant 0 : i32
        %dma_wait3A_237 = tpu.memref_slice %arg14[%dma_wait3A_236] : memref<6400xf32, #tpu.memory_space<hbm>> -> memref<6400xf32, #tpu.memory_space<hbm>>
        tpu.wait_indirect_dma semaphore(%arg29 : memref<!tpu.dma_semaphore, #tpu.memory_space<semaphore_mem>>) src(%dma_wait3A_237 : memref<6400xf32, #tpu.memory_space<hbm>>) dst(%dma_wait3A_233 : memref<128xf32, #tpu.memory_space<vmem>>)
        %dma_wait3A_238 = arith.constant 384 : i32
        %dma_wait3A_239 = tpu.memref_slice %arg27[%dma_wait3A_238] : memref<1024xf32, #tpu.memory_space<vmem>> -> memref<128xf32, #tpu.memory_space<vmem>>
        %dma_wait3A_240 = arith.constant 384 : i32
        %dma_wait3A_241 = tpu.memref_slice %arg26[%dma_wait3A_240] : memref<1024xi32, #tpu.memory_space<vmem>> -> memref<128xi32, #tpu.memory_space<vmem>>
        %dma_wait3A_242 = arith.constant 0 : i32
        %dma_wait3A_243 = tpu.memref_slice %arg14[%dma_wait3A_242] : memref<6400xf32, #tpu.memory_space<hbm>> -> memref<6400xf32, #tpu.memory_space<hbm>>
        tpu.wait_indirect_dma semaphore(%arg29 : memref<!tpu.dma_semaphore, #tpu.memory_space<semaphore_mem>>) src(%dma_wait3A_243 : memref<6400xf32, #tpu.memory_space<hbm>>) dst(%dma_wait3A_239 : memref<128xf32, #tpu.memory_space<vmem>>)
        %dma_wait3A_244 = arith.constant 512 : i32
        %dma_wait3A_245 = tpu.memref_slice %arg27[%dma_wait3A_244] : memref<1024xf32, #tpu.memory_space<vmem>> -> memref<128xf32, #tpu.memory_space<vmem>>
        %dma_wait3A_246 = arith.constant 512 : i32
        %dma_wait3A_247 = tpu.memref_slice %arg26[%dma_wait3A_246] : memref<1024xi32, #tpu.memory_space<vmem>> -> memref<128xi32, #tpu.memory_space<vmem>>
        %dma_wait3A_248 = arith.constant 0 : i32
        %dma_wait3A_249 = tpu.memref_slice %arg14[%dma_wait3A_248] : memref<6400xf32, #tpu.memory_space<hbm>> -> memref<6400xf32, #tpu.memory_space<hbm>>
        tpu.wait_indirect_dma semaphore(%arg29 : memref<!tpu.dma_semaphore, #tpu.memory_space<semaphore_mem>>) src(%dma_wait3A_249 : memref<6400xf32, #tpu.memory_space<hbm>>) dst(%dma_wait3A_245 : memref<128xf32, #tpu.memory_space<vmem>>)
        %dma_wait3A_250 = arith.constant 640 : i32
        %dma_wait3A_251 = tpu.memref_slice %arg27[%dma_wait3A_250] : memref<1024xf32, #tpu.memory_space<vmem>> -> memref<128xf32, #tpu.memory_space<vmem>>
        %dma_wait3A_252 = arith.constant 640 : i32
        %dma_wait3A_253 = tpu.memref_slice %arg26[%dma_wait3A_252] : memref<1024xi32, #tpu.memory_space<vmem>> -> memref<128xi32, #tpu.memory_space<vmem>>
        %dma_wait3A_254 = arith.constant 0 : i32
        %dma_wait3A_255 = tpu.memref_slice %arg14[%dma_wait3A_254] : memref<6400xf32, #tpu.memory_space<hbm>> -> memref<6400xf32, #tpu.memory_space<hbm>>
        tpu.wait_indirect_dma semaphore(%arg29 : memref<!tpu.dma_semaphore, #tpu.memory_space<semaphore_mem>>) src(%dma_wait3A_255 : memref<6400xf32, #tpu.memory_space<hbm>>) dst(%dma_wait3A_251 : memref<128xf32, #tpu.memory_space<vmem>>)
        %dma_wait3A_256 = arith.constant 768 : i32
        %dma_wait3A_257 = tpu.memref_slice %arg27[%dma_wait3A_256] : memref<1024xf32, #tpu.memory_space<vmem>> -> memref<128xf32, #tpu.memory_space<vmem>>
        %dma_wait3A_258 = arith.constant 768 : i32
        %dma_wait3A_259 = tpu.memref_slice %arg26[%dma_wait3A_258] : memref<1024xi32, #tpu.memory_space<vmem>> -> memref<128xi32, #tpu.memory_space<vmem>>
        %dma_wait3A_260 = arith.constant 0 : i32
        %dma_wait3A_261 = tpu.memref_slice %arg14[%dma_wait3A_260] : memref<6400xf32, #tpu.memory_space<hbm>> -> memref<6400xf32, #tpu.memory_space<hbm>>
        tpu.wait_indirect_dma semaphore(%arg29 : memref<!tpu.dma_semaphore, #tpu.memory_space<semaphore_mem>>) src(%dma_wait3A_261 : memref<6400xf32, #tpu.memory_space<hbm>>) dst(%dma_wait3A_257 : memref<128xf32, #tpu.memory_space<vmem>>)
        %dma_wait3A_262 = arith.constant 896 : i32
        %dma_wait3A_263 = tpu.memref_slice %arg27[%dma_wait3A_262] : memref<1024xf32, #tpu.memory_space<vmem>> -> memref<128xf32, #tpu.memory_space<vmem>>
        %dma_wait3A_264 = arith.constant 896 : i32
        %dma_wait3A_265 = tpu.memref_slice %arg26[%dma_wait3A_264] : memref<1024xi32, #tpu.memory_space<vmem>> -> memref<128xi32, #tpu.memory_space<vmem>>
        %dma_wait3A_266 = arith.constant 0 : i32
        %dma_wait3A_267 = tpu.memref_slice %arg14[%dma_wait3A_266] : memref<6400xf32, #tpu.memory_space<hbm>> -> memref<6400xf32, #tpu.memory_space<hbm>>
        tpu.wait_indirect_dma semaphore(%arg29 : memref<!tpu.dma_semaphore, #tpu.memory_space<semaphore_mem>>) src(%dma_wait3A_267 : memref<6400xf32, #tpu.memory_space<hbm>>) dst(%dma_wait3A_263 : memref<128xf32, #tpu.memory_space<vmem>>)
        "tpu.region"() ({
          %run_scoped3A = tpu.sem_alloc : memref<!tpu.dma_semaphore, #tpu.memory_space<semaphore_mem>>
          %dma_start3A_269 = tpu.memref_slice %arg19[%mul3A_171] : memref<262144xf32, #tpu.memory_space<hbm>> -> memref<1024xf32, #tpu.memory_space<hbm>>
          %dma_start3A_270 = tpu.memref_slice %arg19[%mul3A_171] : memref<262144xf32, #tpu.memory_space<hbm>> -> memref<1024xf32, #tpu.memory_space<hbm>>
          tpu.enqueue_dma source(%arg27 : memref<1024xf32, #tpu.memory_space<vmem>>) target(%dma_start3A_270 : memref<1024xf32, #tpu.memory_space<hbm>>) target_semaphore(%run_scoped3A : memref<!tpu.dma_semaphore, #tpu.memory_space<semaphore_mem>>)
          %dma_wait3A_271 = tpu.memref_slice %arg19[%mul3A_171] : memref<262144xf32, #tpu.memory_space<hbm>> -> memref<1024xf32, #tpu.memory_space<hbm>>
          %dma_wait3A_272 = tpu.memref_slice %arg19[%mul3A_171] : memref<262144xf32, #tpu.memory_space<hbm>> -> memref<1024xf32, #tpu.memory_space<hbm>>
          tpu.wait_dma2 semaphore(%run_scoped3A : memref<!tpu.dma_semaphore, #tpu.memory_space<semaphore_mem>>) src(%arg27 : memref<1024xf32, #tpu.memory_space<vmem>>) dst(%dma_wait3A_272 : memref<1024xf32, #tpu.memory_space<hbm>>)
          tpu.yield
        }) : () -> ()
        %scan3A_268 = arith.constant 0 : i32
        scf.yield %scan3A_268 : i32
      }
      %scan3A_164 = arith.constant 8 : i32
    } else {
    }
    return
  }
}

#map = affine_map<(d0, d1) -> (0, 0)>
#map1 = affine_map<(d0, d1) -> (0)>
module attributes {stable_mosaic.version = 14 : i64} {
  func.func @k(%arg0: i32, %arg1: i32, %arg2: memref<100000x64xf32, #tpu.memory_space<hbm>>, %arg3: memref<1000x64xf32, #tpu.memory_space<hbm>>, %arg4: memref<52x64xf32, #tpu.memory_space<hbm>>, %arg5: memref<20480xi32, #tpu.memory_space<hbm>>, %arg6: memref<20480xi32, #tpu.memory_space<hbm>>, %arg7: memref<20480xi32, #tpu.memory_space<hbm>>, %arg8: memref<20480xi32, #tpu.memory_space<hbm>>, %arg9: memref<20480xi32, #tpu.memory_space<hbm>>, %arg10: memref<20480xi32, #tpu.memory_space<hbm>>, %arg11: memref<6400000xf32, #tpu.memory_space<hbm>>, %arg12: memref<6400000xf32, #tpu.memory_space<hbm>>, %arg13: memref<64000xf32, #tpu.memory_space<hbm>>, %arg14: memref<6400xf32, #tpu.memory_space<hbm>>, %arg15: memref<262144xi32, #tpu.memory_space<hbm>>, %arg16: memref<20480x128xf32, #tpu.memory_space<hbm>>, %arg17: memref<20480x128xf32, #tpu.memory_space<hbm>>, %arg18: memref<20480x128xf32, #tpu.memory_space<hbm>>, %arg19: memref<640xi32, #tpu.memory_space<vmem>>, %arg20: memref<640xi32, #tpu.memory_space<vmem>>, %arg21: memref<640xi32, #tpu.memory_space<vmem>>, %arg22: memref<640x64xf32, #tpu.memory_space<vmem>>, %arg23: memref<640x64xf32, #tpu.memory_space<vmem>>, %arg24: memref<640x64xf32, #tpu.memory_space<vmem>>, %arg25: memref<1024xi32, #tpu.memory_space<vmem>>, %arg26: memref<1024xf32, #tpu.memory_space<vmem>>, %arg27: memref<!tpu.dma_semaphore, #tpu.memory_space<semaphore_mem>>, %arg28: memref<!tpu.dma_semaphore, #tpu.memory_space<semaphore_mem>>, %arg29: memref<!tpu.dma_semaphore, #tpu.memory_space<semaphore_mem>>) attributes {dimension_semantics = [#tpu.dimension_semantics<core_parallel>, #tpu.dimension_semantics<subcore_parallel>], iteration_bounds = array<i64: 2, 16>, scalar_prefetch = 0 : i64, scratch_operands = 11 : i64, tpu.core_type = #tpu.core_type<sc_vector_subcore>, window_params = [{transform_indices = #map}, {transform_indices = #map}, {transform_indices = #map}, {transform_indices = #map1}, {transform_indices = #map1}, {transform_indices = #map1}, {transform_indices = #map1}, {transform_indices = #map1}, {transform_indices = #map1}, {transform_indices = #map1}, {transform_indices = #map1}, {transform_indices = #map1}, {transform_indices = #map1}, {transform_indices = #map1}, {transform_indices = #map}, {transform_indices = #map}, {transform_indices = #map}]} {
    %mul3A = arith.constant 2 : i32
    %mul3A_0 = arith.muli %arg1, %mul3A : i32
    %add3A = arith.addi %mul3A_0, %arg0 : i32
    %mul3A_1 = arith.constant 640 : i32
    %mul3A_2 = arith.muli %add3A, %mul3A_1 : i32
    %dma_start3A = tpu.memref_slice %arg5[%mul3A_2] : memref<20480xi32, #tpu.memory_space<hbm>> -> memref<640xi32, #tpu.memory_space<hbm>>
    %dma_start3A_3 = tpu.memref_slice %arg5[%mul3A_2] : memref<20480xi32, #tpu.memory_space<hbm>> -> memref<640xi32, #tpu.memory_space<hbm>>
    tpu.enqueue_dma source(%dma_start3A_3 : memref<640xi32, #tpu.memory_space<hbm>>) target(%arg19 : memref<640xi32, #tpu.memory_space<vmem>>) target_semaphore(%arg27 : memref<!tpu.dma_semaphore, #tpu.memory_space<semaphore_mem>>)
    %dma_start3A_4 = tpu.memref_slice %arg7[%mul3A_2] : memref<20480xi32, #tpu.memory_space<hbm>> -> memref<640xi32, #tpu.memory_space<hbm>>
    %dma_start3A_5 = tpu.memref_slice %arg7[%mul3A_2] : memref<20480xi32, #tpu.memory_space<hbm>> -> memref<640xi32, #tpu.memory_space<hbm>>
    tpu.enqueue_dma source(%dma_start3A_5 : memref<640xi32, #tpu.memory_space<hbm>>) target(%arg20 : memref<640xi32, #tpu.memory_space<vmem>>) target_semaphore(%arg27 : memref<!tpu.dma_semaphore, #tpu.memory_space<semaphore_mem>>)
    %dma_start3A_6 = tpu.memref_slice %arg9[%mul3A_2] : memref<20480xi32, #tpu.memory_space<hbm>> -> memref<640xi32, #tpu.memory_space<hbm>>
    %dma_start3A_7 = tpu.memref_slice %arg9[%mul3A_2] : memref<20480xi32, #tpu.memory_space<hbm>> -> memref<640xi32, #tpu.memory_space<hbm>>
    tpu.enqueue_dma source(%dma_start3A_7 : memref<640xi32, #tpu.memory_space<hbm>>) target(%arg21 : memref<640xi32, #tpu.memory_space<vmem>>) target_semaphore(%arg27 : memref<!tpu.dma_semaphore, #tpu.memory_space<semaphore_mem>>)
    %dma_wait3A = tpu.memref_slice %arg5[%mul3A_2] : memref<20480xi32, #tpu.memory_space<hbm>> -> memref<640xi32, #tpu.memory_space<hbm>>
    %dma_wait3A_8 = tpu.memref_slice %arg5[%mul3A_2] : memref<20480xi32, #tpu.memory_space<hbm>> -> memref<640xi32, #tpu.memory_space<hbm>>
    tpu.wait_dma2 semaphore(%arg27 : memref<!tpu.dma_semaphore, #tpu.memory_space<semaphore_mem>>) src(%dma_wait3A_8 : memref<640xi32, #tpu.memory_space<hbm>>) dst(%arg19 : memref<640xi32, #tpu.memory_space<vmem>>)
    %dma_wait3A_9 = tpu.memref_slice %arg7[%mul3A_2] : memref<20480xi32, #tpu.memory_space<hbm>> -> memref<640xi32, #tpu.memory_space<hbm>>
    %dma_wait3A_10 = tpu.memref_slice %arg7[%mul3A_2] : memref<20480xi32, #tpu.memory_space<hbm>> -> memref<640xi32, #tpu.memory_space<hbm>>
    tpu.wait_dma2 semaphore(%arg27 : memref<!tpu.dma_semaphore, #tpu.memory_space<semaphore_mem>>) src(%dma_wait3A_10 : memref<640xi32, #tpu.memory_space<hbm>>) dst(%arg20 : memref<640xi32, #tpu.memory_space<vmem>>)
    %dma_wait3A_11 = tpu.memref_slice %arg9[%mul3A_2] : memref<20480xi32, #tpu.memory_space<hbm>> -> memref<640xi32, #tpu.memory_space<hbm>>
    %dma_wait3A_12 = tpu.memref_slice %arg9[%mul3A_2] : memref<20480xi32, #tpu.memory_space<hbm>> -> memref<640xi32, #tpu.memory_space<hbm>>
    tpu.wait_dma2 semaphore(%arg27 : memref<!tpu.dma_semaphore, #tpu.memory_space<semaphore_mem>>) src(%dma_wait3A_12 : memref<640xi32, #tpu.memory_space<hbm>>) dst(%arg21 : memref<640xi32, #tpu.memory_space<vmem>>)
    %dma_start3A_13 = arith.constant 0 : i32
    %dma_start3A_14 = arith.constant 0 : i32
    %dma_start3A_15 = tpu.memref_slice %arg2[%dma_start3A_13, %dma_start3A_14] : memref<100000x64xf32, #tpu.memory_space<hbm>> -> memref<100000x64xf32, #tpu.memory_space<hbm>>
    tpu.enqueue_indirect_dma source(%dma_start3A_15 : memref<100000x64xf32, #tpu.memory_space<hbm>>) target(%arg22 : memref<640x64xf32, #tpu.memory_space<vmem>>) offsets(%arg19 : memref<640xi32, #tpu.memory_space<vmem>>) semaphore(%arg28 : memref<!tpu.dma_semaphore, #tpu.memory_space<semaphore_mem>>)
    %dma_start3A_16 = arith.constant 0 : i32
    %dma_start3A_17 = arith.constant 0 : i32
    %dma_start3A_18 = tpu.memref_slice %arg3[%dma_start3A_16, %dma_start3A_17] : memref<1000x64xf32, #tpu.memory_space<hbm>> -> memref<1000x64xf32, #tpu.memory_space<hbm>>
    tpu.enqueue_indirect_dma source(%dma_start3A_18 : memref<1000x64xf32, #tpu.memory_space<hbm>>) target(%arg23 : memref<640x64xf32, #tpu.memory_space<vmem>>) offsets(%arg20 : memref<640xi32, #tpu.memory_space<vmem>>) semaphore(%arg28 : memref<!tpu.dma_semaphore, #tpu.memory_space<semaphore_mem>>)
    %dma_start3A_19 = arith.constant 0 : i32
    %dma_start3A_20 = arith.constant 0 : i32
    %dma_start3A_21 = tpu.memref_slice %arg4[%dma_start3A_19, %dma_start3A_20] : memref<52x64xf32, #tpu.memory_space<hbm>> -> memref<52x64xf32, #tpu.memory_space<hbm>>
    tpu.enqueue_indirect_dma source(%dma_start3A_21 : memref<52x64xf32, #tpu.memory_space<hbm>>) target(%arg24 : memref<640x64xf32, #tpu.memory_space<vmem>>) offsets(%arg21 : memref<640xi32, #tpu.memory_space<vmem>>) semaphore(%arg28 : memref<!tpu.dma_semaphore, #tpu.memory_space<semaphore_mem>>)
    %dma_wait3A_22 = arith.constant 0 : i32
    %dma_wait3A_23 = arith.constant 0 : i32
    %dma_wait3A_24 = tpu.memref_slice %arg2[%dma_wait3A_22, %dma_wait3A_23] : memref<100000x64xf32, #tpu.memory_space<hbm>> -> memref<100000x64xf32, #tpu.memory_space<hbm>>
    tpu.wait_indirect_dma semaphore(%arg28 : memref<!tpu.dma_semaphore, #tpu.memory_space<semaphore_mem>>) src(%dma_wait3A_24 : memref<100000x64xf32, #tpu.memory_space<hbm>>) dst(%arg22 : memref<640x64xf32, #tpu.memory_space<vmem>>)
    %dma_wait3A_25 = arith.constant 0 : i32
    %dma_wait3A_26 = arith.constant 0 : i32
    %dma_wait3A_27 = tpu.memref_slice %arg3[%dma_wait3A_25, %dma_wait3A_26] : memref<1000x64xf32, #tpu.memory_space<hbm>> -> memref<1000x64xf32, #tpu.memory_space<hbm>>
    tpu.wait_indirect_dma semaphore(%arg28 : memref<!tpu.dma_semaphore, #tpu.memory_space<semaphore_mem>>) src(%dma_wait3A_27 : memref<1000x64xf32, #tpu.memory_space<hbm>>) dst(%arg23 : memref<640x64xf32, #tpu.memory_space<vmem>>)
    %dma_wait3A_28 = arith.constant 0 : i32
    %dma_wait3A_29 = arith.constant 0 : i32
    %dma_wait3A_30 = tpu.memref_slice %arg4[%dma_wait3A_28, %dma_wait3A_29] : memref<52x64xf32, #tpu.memory_space<hbm>> -> memref<52x64xf32, #tpu.memory_space<hbm>>
    tpu.wait_indirect_dma semaphore(%arg28 : memref<!tpu.dma_semaphore, #tpu.memory_space<semaphore_mem>>) src(%dma_wait3A_30 : memref<52x64xf32, #tpu.memory_space<hbm>>) dst(%arg24 : memref<640x64xf32, #tpu.memory_space<vmem>>)
    %dma_start3A_31 = arith.constant 0 : i32
    %dma_start3A_32 = tpu.memref_slice %arg16[%mul3A_2, %dma_start3A_31] : memref<20480x128xf32, #tpu.memory_space<hbm>> -> memref<640x64xf32, #tpu.memory_space<hbm>>
    %dma_start3A_33 = arith.constant 0 : i32
    %dma_start3A_34 = tpu.memref_slice %arg16[%mul3A_2, %dma_start3A_33] : memref<20480x128xf32, #tpu.memory_space<hbm>> -> memref<640x64xf32, #tpu.memory_space<hbm>>
    tpu.enqueue_dma source(%arg22 : memref<640x64xf32, #tpu.memory_space<vmem>>) target(%dma_start3A_34 : memref<640x64xf32, #tpu.memory_space<hbm>>) target_semaphore(%arg29 : memref<!tpu.dma_semaphore, #tpu.memory_space<semaphore_mem>>)
    %dma_start3A_35 = arith.constant 0 : i32
    %dma_start3A_36 = tpu.memref_slice %arg17[%mul3A_2, %dma_start3A_35] : memref<20480x128xf32, #tpu.memory_space<hbm>> -> memref<640x64xf32, #tpu.memory_space<hbm>>
    %dma_start3A_37 = arith.constant 0 : i32
    %dma_start3A_38 = tpu.memref_slice %arg17[%mul3A_2, %dma_start3A_37] : memref<20480x128xf32, #tpu.memory_space<hbm>> -> memref<640x64xf32, #tpu.memory_space<hbm>>
    tpu.enqueue_dma source(%arg23 : memref<640x64xf32, #tpu.memory_space<vmem>>) target(%dma_start3A_38 : memref<640x64xf32, #tpu.memory_space<hbm>>) target_semaphore(%arg29 : memref<!tpu.dma_semaphore, #tpu.memory_space<semaphore_mem>>)
    %dma_start3A_39 = arith.constant 0 : i32
    %dma_start3A_40 = tpu.memref_slice %arg18[%mul3A_2, %dma_start3A_39] : memref<20480x128xf32, #tpu.memory_space<hbm>> -> memref<640x64xf32, #tpu.memory_space<hbm>>
    %dma_start3A_41 = arith.constant 0 : i32
    %dma_start3A_42 = tpu.memref_slice %arg18[%mul3A_2, %dma_start3A_41] : memref<20480x128xf32, #tpu.memory_space<hbm>> -> memref<640x64xf32, #tpu.memory_space<hbm>>
    tpu.enqueue_dma source(%arg24 : memref<640x64xf32, #tpu.memory_space<vmem>>) target(%dma_start3A_42 : memref<640x64xf32, #tpu.memory_space<hbm>>) target_semaphore(%arg29 : memref<!tpu.dma_semaphore, #tpu.memory_space<semaphore_mem>>)
    %dma_start3A_43 = tpu.memref_slice %arg6[%mul3A_2] : memref<20480xi32, #tpu.memory_space<hbm>> -> memref<640xi32, #tpu.memory_space<hbm>>
    %dma_start3A_44 = tpu.memref_slice %arg6[%mul3A_2] : memref<20480xi32, #tpu.memory_space<hbm>> -> memref<640xi32, #tpu.memory_space<hbm>>
    tpu.enqueue_dma source(%dma_start3A_44 : memref<640xi32, #tpu.memory_space<hbm>>) target(%arg19 : memref<640xi32, #tpu.memory_space<vmem>>) target_semaphore(%arg27 : memref<!tpu.dma_semaphore, #tpu.memory_space<semaphore_mem>>)
    %dma_start3A_45 = tpu.memref_slice %arg8[%mul3A_2] : memref<20480xi32, #tpu.memory_space<hbm>> -> memref<640xi32, #tpu.memory_space<hbm>>
    %dma_start3A_46 = tpu.memref_slice %arg8[%mul3A_2] : memref<20480xi32, #tpu.memory_space<hbm>> -> memref<640xi32, #tpu.memory_space<hbm>>
    tpu.enqueue_dma source(%dma_start3A_46 : memref<640xi32, #tpu.memory_space<hbm>>) target(%arg20 : memref<640xi32, #tpu.memory_space<vmem>>) target_semaphore(%arg27 : memref<!tpu.dma_semaphore, #tpu.memory_space<semaphore_mem>>)
    %dma_start3A_47 = tpu.memref_slice %arg10[%mul3A_2] : memref<20480xi32, #tpu.memory_space<hbm>> -> memref<640xi32, #tpu.memory_space<hbm>>
    %dma_start3A_48 = tpu.memref_slice %arg10[%mul3A_2] : memref<20480xi32, #tpu.memory_space<hbm>> -> memref<640xi32, #tpu.memory_space<hbm>>
    tpu.enqueue_dma source(%dma_start3A_48 : memref<640xi32, #tpu.memory_space<hbm>>) target(%arg21 : memref<640xi32, #tpu.memory_space<vmem>>) target_semaphore(%arg27 : memref<!tpu.dma_semaphore, #tpu.memory_space<semaphore_mem>>)
    %dma_wait3A_49 = tpu.memref_slice %arg6[%mul3A_2] : memref<20480xi32, #tpu.memory_space<hbm>> -> memref<640xi32, #tpu.memory_space<hbm>>
    %dma_wait3A_50 = tpu.memref_slice %arg6[%mul3A_2] : memref<20480xi32, #tpu.memory_space<hbm>> -> memref<640xi32, #tpu.memory_space<hbm>>
    tpu.wait_dma2 semaphore(%arg27 : memref<!tpu.dma_semaphore, #tpu.memory_space<semaphore_mem>>) src(%dma_wait3A_50 : memref<640xi32, #tpu.memory_space<hbm>>) dst(%arg19 : memref<640xi32, #tpu.memory_space<vmem>>)
    %dma_wait3A_51 = tpu.memref_slice %arg8[%mul3A_2] : memref<20480xi32, #tpu.memory_space<hbm>> -> memref<640xi32, #tpu.memory_space<hbm>>
    %dma_wait3A_52 = tpu.memref_slice %arg8[%mul3A_2] : memref<20480xi32, #tpu.memory_space<hbm>> -> memref<640xi32, #tpu.memory_space<hbm>>
    tpu.wait_dma2 semaphore(%arg27 : memref<!tpu.dma_semaphore, #tpu.memory_space<semaphore_mem>>) src(%dma_wait3A_52 : memref<640xi32, #tpu.memory_space<hbm>>) dst(%arg20 : memref<640xi32, #tpu.memory_space<vmem>>)
    %dma_wait3A_53 = tpu.memref_slice %arg10[%mul3A_2] : memref<20480xi32, #tpu.memory_space<hbm>> -> memref<640xi32, #tpu.memory_space<hbm>>
    %dma_wait3A_54 = tpu.memref_slice %arg10[%mul3A_2] : memref<20480xi32, #tpu.memory_space<hbm>> -> memref<640xi32, #tpu.memory_space<hbm>>
    tpu.wait_dma2 semaphore(%arg27 : memref<!tpu.dma_semaphore, #tpu.memory_space<semaphore_mem>>) src(%dma_wait3A_54 : memref<640xi32, #tpu.memory_space<hbm>>) dst(%arg21 : memref<640xi32, #tpu.memory_space<vmem>>)
    %dma_wait3A_55 = arith.constant 0 : i32
    %dma_wait3A_56 = tpu.memref_slice %arg16[%mul3A_2, %dma_wait3A_55] : memref<20480x128xf32, #tpu.memory_space<hbm>> -> memref<640x64xf32, #tpu.memory_space<hbm>>
    %dma_wait3A_57 = arith.constant 0 : i32
    %dma_wait3A_58 = tpu.memref_slice %arg16[%mul3A_2, %dma_wait3A_57] : memref<20480x128xf32, #tpu.memory_space<hbm>> -> memref<640x64xf32, #tpu.memory_space<hbm>>
    tpu.wait_dma2 semaphore(%arg29 : memref<!tpu.dma_semaphore, #tpu.memory_space<semaphore_mem>>) src(%arg22 : memref<640x64xf32, #tpu.memory_space<vmem>>) dst(%dma_wait3A_58 : memref<640x64xf32, #tpu.memory_space<hbm>>)
    %dma_wait3A_59 = arith.constant 0 : i32
    %dma_wait3A_60 = tpu.memref_slice %arg17[%mul3A_2, %dma_wait3A_59] : memref<20480x128xf32, #tpu.memory_space<hbm>> -> memref<640x64xf32, #tpu.memory_space<hbm>>
    %dma_wait3A_61 = arith.constant 0 : i32
    %dma_wait3A_62 = tpu.memref_slice %arg17[%mul3A_2, %dma_wait3A_61] : memref<20480x128xf32, #tpu.memory_space<hbm>> -> memref<640x64xf32, #tpu.memory_space<hbm>>
    tpu.wait_dma2 semaphore(%arg29 : memref<!tpu.dma_semaphore, #tpu.memory_space<semaphore_mem>>) src(%arg23 : memref<640x64xf32, #tpu.memory_space<vmem>>) dst(%dma_wait3A_62 : memref<640x64xf32, #tpu.memory_space<hbm>>)
    %dma_wait3A_63 = arith.constant 0 : i32
    %dma_wait3A_64 = tpu.memref_slice %arg18[%mul3A_2, %dma_wait3A_63] : memref<20480x128xf32, #tpu.memory_space<hbm>> -> memref<640x64xf32, #tpu.memory_space<hbm>>
    %dma_wait3A_65 = arith.constant 0 : i32
    %dma_wait3A_66 = tpu.memref_slice %arg18[%mul3A_2, %dma_wait3A_65] : memref<20480x128xf32, #tpu.memory_space<hbm>> -> memref<640x64xf32, #tpu.memory_space<hbm>>
    tpu.wait_dma2 semaphore(%arg29 : memref<!tpu.dma_semaphore, #tpu.memory_space<semaphore_mem>>) src(%arg24 : memref<640x64xf32, #tpu.memory_space<vmem>>) dst(%dma_wait3A_66 : memref<640x64xf32, #tpu.memory_space<hbm>>)
    %dma_start3A_67 = arith.constant 0 : i32
    %dma_start3A_68 = arith.constant 0 : i32
    %dma_start3A_69 = tpu.memref_slice %arg2[%dma_start3A_67, %dma_start3A_68] : memref<100000x64xf32, #tpu.memory_space<hbm>> -> memref<100000x64xf32, #tpu.memory_space<hbm>>
    tpu.enqueue_indirect_dma source(%dma_start3A_69 : memref<100000x64xf32, #tpu.memory_space<hbm>>) target(%arg22 : memref<640x64xf32, #tpu.memory_space<vmem>>) offsets(%arg19 : memref<640xi32, #tpu.memory_space<vmem>>) semaphore(%arg28 : memref<!tpu.dma_semaphore, #tpu.memory_space<semaphore_mem>>)
    %dma_start3A_70 = arith.constant 0 : i32
    %dma_start3A_71 = arith.constant 0 : i32
    %dma_start3A_72 = tpu.memref_slice %arg3[%dma_start3A_70, %dma_start3A_71] : memref<1000x64xf32, #tpu.memory_space<hbm>> -> memref<1000x64xf32, #tpu.memory_space<hbm>>
    tpu.enqueue_indirect_dma source(%dma_start3A_72 : memref<1000x64xf32, #tpu.memory_space<hbm>>) target(%arg23 : memref<640x64xf32, #tpu.memory_space<vmem>>) offsets(%arg20 : memref<640xi32, #tpu.memory_space<vmem>>) semaphore(%arg28 : memref<!tpu.dma_semaphore, #tpu.memory_space<semaphore_mem>>)
    %dma_start3A_73 = arith.constant 0 : i32
    %dma_start3A_74 = arith.constant 0 : i32
    %dma_start3A_75 = tpu.memref_slice %arg4[%dma_start3A_73, %dma_start3A_74] : memref<52x64xf32, #tpu.memory_space<hbm>> -> memref<52x64xf32, #tpu.memory_space<hbm>>
    tpu.enqueue_indirect_dma source(%dma_start3A_75 : memref<52x64xf32, #tpu.memory_space<hbm>>) target(%arg24 : memref<640x64xf32, #tpu.memory_space<vmem>>) offsets(%arg21 : memref<640xi32, #tpu.memory_space<vmem>>) semaphore(%arg28 : memref<!tpu.dma_semaphore, #tpu.memory_space<semaphore_mem>>)
    %dma_wait3A_76 = arith.constant 0 : i32
    %dma_wait3A_77 = arith.constant 0 : i32
    %dma_wait3A_78 = tpu.memref_slice %arg2[%dma_wait3A_76, %dma_wait3A_77] : memref<100000x64xf32, #tpu.memory_space<hbm>> -> memref<100000x64xf32, #tpu.memory_space<hbm>>
    tpu.wait_indirect_dma semaphore(%arg28 : memref<!tpu.dma_semaphore, #tpu.memory_space<semaphore_mem>>) src(%dma_wait3A_78 : memref<100000x64xf32, #tpu.memory_space<hbm>>) dst(%arg22 : memref<640x64xf32, #tpu.memory_space<vmem>>)
    %dma_wait3A_79 = arith.constant 0 : i32
    %dma_wait3A_80 = arith.constant 0 : i32
    %dma_wait3A_81 = tpu.memref_slice %arg3[%dma_wait3A_79, %dma_wait3A_80] : memref<1000x64xf32, #tpu.memory_space<hbm>> -> memref<1000x64xf32, #tpu.memory_space<hbm>>
    tpu.wait_indirect_dma semaphore(%arg28 : memref<!tpu.dma_semaphore, #tpu.memory_space<semaphore_mem>>) src(%dma_wait3A_81 : memref<1000x64xf32, #tpu.memory_space<hbm>>) dst(%arg23 : memref<640x64xf32, #tpu.memory_space<vmem>>)
    %dma_wait3A_82 = arith.constant 0 : i32
    %dma_wait3A_83 = arith.constant 0 : i32
    %dma_wait3A_84 = tpu.memref_slice %arg4[%dma_wait3A_82, %dma_wait3A_83] : memref<52x64xf32, #tpu.memory_space<hbm>> -> memref<52x64xf32, #tpu.memory_space<hbm>>
    tpu.wait_indirect_dma semaphore(%arg28 : memref<!tpu.dma_semaphore, #tpu.memory_space<semaphore_mem>>) src(%dma_wait3A_84 : memref<52x64xf32, #tpu.memory_space<hbm>>) dst(%arg24 : memref<640x64xf32, #tpu.memory_space<vmem>>)
    %dma_start3A_85 = arith.constant 64 : i32
    %dma_start3A_86 = tpu.memref_slice %arg16[%mul3A_2, %dma_start3A_85] : memref<20480x128xf32, #tpu.memory_space<hbm>> -> memref<640x64xf32, #tpu.memory_space<hbm>>
    %dma_start3A_87 = arith.constant 64 : i32
    %dma_start3A_88 = tpu.memref_slice %arg16[%mul3A_2, %dma_start3A_87] : memref<20480x128xf32, #tpu.memory_space<hbm>> -> memref<640x64xf32, #tpu.memory_space<hbm>>
    tpu.enqueue_dma source(%arg22 : memref<640x64xf32, #tpu.memory_space<vmem>>) target(%dma_start3A_88 : memref<640x64xf32, #tpu.memory_space<hbm>>) target_semaphore(%arg29 : memref<!tpu.dma_semaphore, #tpu.memory_space<semaphore_mem>>)
    %dma_start3A_89 = arith.constant 64 : i32
    %dma_start3A_90 = tpu.memref_slice %arg17[%mul3A_2, %dma_start3A_89] : memref<20480x128xf32, #tpu.memory_space<hbm>> -> memref<640x64xf32, #tpu.memory_space<hbm>>
    %dma_start3A_91 = arith.constant 64 : i32
    %dma_start3A_92 = tpu.memref_slice %arg17[%mul3A_2, %dma_start3A_91] : memref<20480x128xf32, #tpu.memory_space<hbm>> -> memref<640x64xf32, #tpu.memory_space<hbm>>
    tpu.enqueue_dma source(%arg23 : memref<640x64xf32, #tpu.memory_space<vmem>>) target(%dma_start3A_92 : memref<640x64xf32, #tpu.memory_space<hbm>>) target_semaphore(%arg29 : memref<!tpu.dma_semaphore, #tpu.memory_space<semaphore_mem>>)
    %dma_start3A_93 = arith.constant 64 : i32
    %dma_start3A_94 = tpu.memref_slice %arg18[%mul3A_2, %dma_start3A_93] : memref<20480x128xf32, #tpu.memory_space<hbm>> -> memref<640x64xf32, #tpu.memory_space<hbm>>
    %dma_start3A_95 = arith.constant 64 : i32
    %dma_start3A_96 = tpu.memref_slice %arg18[%mul3A_2, %dma_start3A_95] : memref<20480x128xf32, #tpu.memory_space<hbm>> -> memref<640x64xf32, #tpu.memory_space<hbm>>
    tpu.enqueue_dma source(%arg24 : memref<640x64xf32, #tpu.memory_space<vmem>>) target(%dma_start3A_96 : memref<640x64xf32, #tpu.memory_space<hbm>>) target_semaphore(%arg29 : memref<!tpu.dma_semaphore, #tpu.memory_space<semaphore_mem>>)
    %dma_wait3A_97 = arith.constant 64 : i32
    %dma_wait3A_98 = tpu.memref_slice %arg16[%mul3A_2, %dma_wait3A_97] : memref<20480x128xf32, #tpu.memory_space<hbm>> -> memref<640x64xf32, #tpu.memory_space<hbm>>
    %dma_wait3A_99 = arith.constant 64 : i32
    %dma_wait3A_100 = tpu.memref_slice %arg16[%mul3A_2, %dma_wait3A_99] : memref<20480x128xf32, #tpu.memory_space<hbm>> -> memref<640x64xf32, #tpu.memory_space<hbm>>
    tpu.wait_dma2 semaphore(%arg29 : memref<!tpu.dma_semaphore, #tpu.memory_space<semaphore_mem>>) src(%arg22 : memref<640x64xf32, #tpu.memory_space<vmem>>) dst(%dma_wait3A_100 : memref<640x64xf32, #tpu.memory_space<hbm>>)
    %dma_wait3A_101 = arith.constant 64 : i32
    %dma_wait3A_102 = tpu.memref_slice %arg17[%mul3A_2, %dma_wait3A_101] : memref<20480x128xf32, #tpu.memory_space<hbm>> -> memref<640x64xf32, #tpu.memory_space<hbm>>
    %dma_wait3A_103 = arith.constant 64 : i32
    %dma_wait3A_104 = tpu.memref_slice %arg17[%mul3A_2, %dma_wait3A_103] : memref<20480x128xf32, #tpu.memory_space<hbm>> -> memref<640x64xf32, #tpu.memory_space<hbm>>
    tpu.wait_dma2 semaphore(%arg29 : memref<!tpu.dma_semaphore, #tpu.memory_space<semaphore_mem>>) src(%arg23 : memref<640x64xf32, #tpu.memory_space<vmem>>) dst(%dma_wait3A_104 : memref<640x64xf32, #tpu.memory_space<hbm>>)
    %dma_wait3A_105 = arith.constant 64 : i32
    %dma_wait3A_106 = tpu.memref_slice %arg18[%mul3A_2, %dma_wait3A_105] : memref<20480x128xf32, #tpu.memory_space<hbm>> -> memref<640x64xf32, #tpu.memory_space<hbm>>
    %dma_wait3A_107 = arith.constant 64 : i32
    %dma_wait3A_108 = tpu.memref_slice %arg18[%mul3A_2, %dma_wait3A_107] : memref<20480x128xf32, #tpu.memory_space<hbm>> -> memref<640x64xf32, #tpu.memory_space<hbm>>
    tpu.wait_dma2 semaphore(%arg29 : memref<!tpu.dma_semaphore, #tpu.memory_space<semaphore_mem>>) src(%arg24 : memref<640x64xf32, #tpu.memory_space<vmem>>) dst(%dma_wait3A_108 : memref<640x64xf32, #tpu.memory_space<hbm>>)
    return
  }
}

#map = affine_map<(d0, d1) -> (0, 0)>
#map1 = affine_map<(d0, d1) -> (0)>
module attributes {stable_mosaic.version = 14 : i64} {
  func.func @k(%arg0: i32, %arg1: i32, %arg2: memref<100000x64xf32, #tpu.memory_space<hbm>>, %arg3: memref<1000x64xf32, #tpu.memory_space<hbm>>, %arg4: memref<52x64xf32, #tpu.memory_space<hbm>>, %arg5: memref<20480xi32, #tpu.memory_space<hbm>>, %arg6: memref<20480xi32, #tpu.memory_space<hbm>>, %arg7: memref<20480xi32, #tpu.memory_space<hbm>>, %arg8: memref<20480xi32, #tpu.memory_space<hbm>>, %arg9: memref<20480xi32, #tpu.memory_space<hbm>>, %arg10: memref<20480xi32, #tpu.memory_space<hbm>>, %arg11: memref<6400000xf32, #tpu.memory_space<hbm>>, %arg12: memref<6400000xf32, #tpu.memory_space<hbm>>, %arg13: memref<64000xf32, #tpu.memory_space<hbm>>, %arg14: memref<6400xf32, #tpu.memory_space<hbm>>, %arg15: memref<262144xi32, #tpu.memory_space<hbm>>, %arg16: memref<20480x128xf32, #tpu.memory_space<hbm>>, %arg17: memref<20480x128xf32, #tpu.memory_space<hbm>>, %arg18: memref<20480x128xf32, #tpu.memory_space<hbm>>, %arg19: memref<640xi32, #tpu.memory_space<vmem>>, %arg20: memref<640xi32, #tpu.memory_space<vmem>>, %arg21: memref<640xi32, #tpu.memory_space<vmem>>, %arg22: memref<640x64xf32, #tpu.memory_space<vmem>>, %arg23: memref<640x64xf32, #tpu.memory_space<vmem>>, %arg24: memref<640x64xf32, #tpu.memory_space<vmem>>, %arg25: memref<1024xi32, #tpu.memory_space<vmem>>, %arg26: memref<1024xf32, #tpu.memory_space<vmem>>, %arg27: memref<!tpu.dma_semaphore, #tpu.memory_space<semaphore_mem>>, %arg28: memref<!tpu.dma_semaphore, #tpu.memory_space<semaphore_mem>>, %arg29: memref<!tpu.dma_semaphore, #tpu.memory_space<semaphore_mem>>) attributes {dimension_semantics = [#tpu.dimension_semantics<core_parallel>, #tpu.dimension_semantics<subcore_parallel>], iteration_bounds = array<i64: 2, 16>, scalar_prefetch = 0 : i64, scratch_operands = 11 : i64, tpu.core_type = #tpu.core_type<sc_vector_subcore>, window_params = [{transform_indices = #map}, {transform_indices = #map}, {transform_indices = #map}, {transform_indices = #map1}, {transform_indices = #map1}, {transform_indices = #map1}, {transform_indices = #map1}, {transform_indices = #map1}, {transform_indices = #map1}, {transform_indices = #map1}, {transform_indices = #map1}, {transform_indices = #map1}, {transform_indices = #map1}, {transform_indices = #map1}, {transform_indices = #map}, {transform_indices = #map}, {transform_indices = #map}]} {
    %mul3A = arith.constant 2 : i32
    %mul3A_0 = arith.muli %arg1, %mul3A : i32
    %add3A = arith.addi %mul3A_0, %arg0 : i32
    %mul3A_1 = arith.constant 640 : i32
    %mul3A_2 = arith.muli %add3A, %mul3A_1 : i32
    %dma_start3A = tpu.memref_slice %arg5[%mul3A_2] : memref<20480xi32, #tpu.memory_space<hbm>> -> memref<640xi32, #tpu.memory_space<hbm>>
    %dma_start3A_3 = tpu.memref_slice %arg5[%mul3A_2] : memref<20480xi32, #tpu.memory_space<hbm>> -> memref<640xi32, #tpu.memory_space<hbm>>
    tpu.enqueue_dma source(%dma_start3A_3 : memref<640xi32, #tpu.memory_space<hbm>>) target(%arg19 : memref<640xi32, #tpu.memory_space<vmem>>) target_semaphore(%arg27 : memref<!tpu.dma_semaphore, #tpu.memory_space<semaphore_mem>>)
    %dma_start3A_4 = tpu.memref_slice %arg7[%mul3A_2] : memref<20480xi32, #tpu.memory_space<hbm>> -> memref<640xi32, #tpu.memory_space<hbm>>
    %dma_start3A_5 = tpu.memref_slice %arg7[%mul3A_2] : memref<20480xi32, #tpu.memory_space<hbm>> -> memref<640xi32, #tpu.memory_space<hbm>>
    tpu.enqueue_dma source(%dma_start3A_5 : memref<640xi32, #tpu.memory_space<hbm>>) target(%arg20 : memref<640xi32, #tpu.memory_space<vmem>>) target_semaphore(%arg27 : memref<!tpu.dma_semaphore, #tpu.memory_space<semaphore_mem>>)
    %dma_start3A_6 = tpu.memref_slice %arg9[%mul3A_2] : memref<20480xi32, #tpu.memory_space<hbm>> -> memref<640xi32, #tpu.memory_space<hbm>>
    %dma_start3A_7 = tpu.memref_slice %arg9[%mul3A_2] : memref<20480xi32, #tpu.memory_space<hbm>> -> memref<640xi32, #tpu.memory_space<hbm>>
    tpu.enqueue_dma source(%dma_start3A_7 : memref<640xi32, #tpu.memory_space<hbm>>) target(%arg21 : memref<640xi32, #tpu.memory_space<vmem>>) target_semaphore(%arg27 : memref<!tpu.dma_semaphore, #tpu.memory_space<semaphore_mem>>)
    %dma_wait3A = tpu.memref_slice %arg5[%mul3A_2] : memref<20480xi32, #tpu.memory_space<hbm>> -> memref<640xi32, #tpu.memory_space<hbm>>
    %dma_wait3A_8 = tpu.memref_slice %arg5[%mul3A_2] : memref<20480xi32, #tpu.memory_space<hbm>> -> memref<640xi32, #tpu.memory_space<hbm>>
    tpu.wait_dma2 semaphore(%arg27 : memref<!tpu.dma_semaphore, #tpu.memory_space<semaphore_mem>>) src(%dma_wait3A_8 : memref<640xi32, #tpu.memory_space<hbm>>) dst(%arg19 : memref<640xi32, #tpu.memory_space<vmem>>)
    %dma_wait3A_9 = tpu.memref_slice %arg7[%mul3A_2] : memref<20480xi32, #tpu.memory_space<hbm>> -> memref<640xi32, #tpu.memory_space<hbm>>
    %dma_wait3A_10 = tpu.memref_slice %arg7[%mul3A_2] : memref<20480xi32, #tpu.memory_space<hbm>> -> memref<640xi32, #tpu.memory_space<hbm>>
    tpu.wait_dma2 semaphore(%arg27 : memref<!tpu.dma_semaphore, #tpu.memory_space<semaphore_mem>>) src(%dma_wait3A_10 : memref<640xi32, #tpu.memory_space<hbm>>) dst(%arg20 : memref<640xi32, #tpu.memory_space<vmem>>)
    %dma_wait3A_11 = tpu.memref_slice %arg9[%mul3A_2] : memref<20480xi32, #tpu.memory_space<hbm>> -> memref<640xi32, #tpu.memory_space<hbm>>
    %dma_wait3A_12 = tpu.memref_slice %arg9[%mul3A_2] : memref<20480xi32, #tpu.memory_space<hbm>> -> memref<640xi32, #tpu.memory_space<hbm>>
    tpu.wait_dma2 semaphore(%arg27 : memref<!tpu.dma_semaphore, #tpu.memory_space<semaphore_mem>>) src(%dma_wait3A_12 : memref<640xi32, #tpu.memory_space<hbm>>) dst(%arg21 : memref<640xi32, #tpu.memory_space<vmem>>)
    %dma_start3A_13 = arith.constant 0 : i32
    %dma_start3A_14 = arith.constant 0 : i32
    %dma_start3A_15 = tpu.memref_slice %arg2[%dma_start3A_13, %dma_start3A_14] : memref<100000x64xf32, #tpu.memory_space<hbm>> -> memref<100000x64xf32, #tpu.memory_space<hbm>>
    tpu.enqueue_indirect_dma source(%dma_start3A_15 : memref<100000x64xf32, #tpu.memory_space<hbm>>) target(%arg22 : memref<640x64xf32, #tpu.memory_space<vmem>>) offsets(%arg19 : memref<640xi32, #tpu.memory_space<vmem>>) semaphore(%arg28 : memref<!tpu.dma_semaphore, #tpu.memory_space<semaphore_mem>>)
    %dma_start3A_16 = arith.constant 0 : i32
    %dma_start3A_17 = arith.constant 0 : i32
    %dma_start3A_18 = tpu.memref_slice %arg3[%dma_start3A_16, %dma_start3A_17] : memref<1000x64xf32, #tpu.memory_space<hbm>> -> memref<1000x64xf32, #tpu.memory_space<hbm>>
    tpu.enqueue_indirect_dma source(%dma_start3A_18 : memref<1000x64xf32, #tpu.memory_space<hbm>>) target(%arg23 : memref<640x64xf32, #tpu.memory_space<vmem>>) offsets(%arg20 : memref<640xi32, #tpu.memory_space<vmem>>) semaphore(%arg28 : memref<!tpu.dma_semaphore, #tpu.memory_space<semaphore_mem>>)
    %dma_start3A_19 = arith.constant 0 : i32
    %dma_start3A_20 = arith.constant 0 : i32
    %dma_start3A_21 = tpu.memref_slice %arg4[%dma_start3A_19, %dma_start3A_20] : memref<52x64xf32, #tpu.memory_space<hbm>> -> memref<52x64xf32, #tpu.memory_space<hbm>>
    tpu.enqueue_indirect_dma source(%dma_start3A_21 : memref<52x64xf32, #tpu.memory_space<hbm>>) target(%arg24 : memref<640x64xf32, #tpu.memory_space<vmem>>) offsets(%arg21 : memref<640xi32, #tpu.memory_space<vmem>>) semaphore(%arg28 : memref<!tpu.dma_semaphore, #tpu.memory_space<semaphore_mem>>)
    %dma_wait3A_22 = arith.constant 0 : i32
    %dma_wait3A_23 = arith.constant 0 : i32
    %dma_wait3A_24 = tpu.memref_slice %arg2[%dma_wait3A_22, %dma_wait3A_23] : memref<100000x64xf32, #tpu.memory_space<hbm>> -> memref<100000x64xf32, #tpu.memory_space<hbm>>
    tpu.wait_indirect_dma semaphore(%arg28 : memref<!tpu.dma_semaphore, #tpu.memory_space<semaphore_mem>>) src(%dma_wait3A_24 : memref<100000x64xf32, #tpu.memory_space<hbm>>) dst(%arg22 : memref<640x64xf32, #tpu.memory_space<vmem>>)
    %dma_wait3A_25 = arith.constant 0 : i32
    %dma_wait3A_26 = arith.constant 0 : i32
    %dma_wait3A_27 = tpu.memref_slice %arg3[%dma_wait3A_25, %dma_wait3A_26] : memref<1000x64xf32, #tpu.memory_space<hbm>> -> memref<1000x64xf32, #tpu.memory_space<hbm>>
    tpu.wait_indirect_dma semaphore(%arg28 : memref<!tpu.dma_semaphore, #tpu.memory_space<semaphore_mem>>) src(%dma_wait3A_27 : memref<1000x64xf32, #tpu.memory_space<hbm>>) dst(%arg23 : memref<640x64xf32, #tpu.memory_space<vmem>>)
    %dma_wait3A_28 = arith.constant 0 : i32
    %dma_wait3A_29 = arith.constant 0 : i32
    %dma_wait3A_30 = tpu.memref_slice %arg4[%dma_wait3A_28, %dma_wait3A_29] : memref<52x64xf32, #tpu.memory_space<hbm>> -> memref<52x64xf32, #tpu.memory_space<hbm>>
    tpu.wait_indirect_dma semaphore(%arg28 : memref<!tpu.dma_semaphore, #tpu.memory_space<semaphore_mem>>) src(%dma_wait3A_30 : memref<52x64xf32, #tpu.memory_space<hbm>>) dst(%arg24 : memref<640x64xf32, #tpu.memory_space<vmem>>)
    %dma_start3A_31 = arith.constant 0 : i32
    %dma_start3A_32 = tpu.memref_slice %arg16[%mul3A_2, %dma_start3A_31] : memref<20480x128xf32, #tpu.memory_space<hbm>> -> memref<640x64xf32, #tpu.memory_space<hbm>>
    %dma_start3A_33 = arith.constant 0 : i32
    %dma_start3A_34 = tpu.memref_slice %arg16[%mul3A_2, %dma_start3A_33] : memref<20480x128xf32, #tpu.memory_space<hbm>> -> memref<640x64xf32, #tpu.memory_space<hbm>>
    tpu.enqueue_dma source(%arg22 : memref<640x64xf32, #tpu.memory_space<vmem>>) target(%dma_start3A_34 : memref<640x64xf32, #tpu.memory_space<hbm>>) target_semaphore(%arg29 : memref<!tpu.dma_semaphore, #tpu.memory_space<semaphore_mem>>)
    %dma_start3A_35 = arith.constant 0 : i32
    %dma_start3A_36 = tpu.memref_slice %arg17[%mul3A_2, %dma_start3A_35] : memref<20480x128xf32, #tpu.memory_space<hbm>> -> memref<640x64xf32, #tpu.memory_space<hbm>>
    %dma_start3A_37 = arith.constant 0 : i32
    %dma_start3A_38 = tpu.memref_slice %arg17[%mul3A_2, %dma_start3A_37] : memref<20480x128xf32, #tpu.memory_space<hbm>> -> memref<640x64xf32, #tpu.memory_space<hbm>>
    tpu.enqueue_dma source(%arg23 : memref<640x64xf32, #tpu.memory_space<vmem>>) target(%dma_start3A_38 : memref<640x64xf32, #tpu.memory_space<hbm>>) target_semaphore(%arg29 : memref<!tpu.dma_semaphore, #tpu.memory_space<semaphore_mem>>)
    %dma_start3A_39 = arith.constant 0 : i32
    %dma_start3A_40 = tpu.memref_slice %arg18[%mul3A_2, %dma_start3A_39] : memref<20480x128xf32, #tpu.memory_space<hbm>> -> memref<640x64xf32, #tpu.memory_space<hbm>>
    %dma_start3A_41 = arith.constant 0 : i32
    %dma_start3A_42 = tpu.memref_slice %arg18[%mul3A_2, %dma_start3A_41] : memref<20480x128xf32, #tpu.memory_space<hbm>> -> memref<640x64xf32, #tpu.memory_space<hbm>>
    tpu.enqueue_dma source(%arg24 : memref<640x64xf32, #tpu.memory_space<vmem>>) target(%dma_start3A_42 : memref<640x64xf32, #tpu.memory_space<hbm>>) target_semaphore(%arg29 : memref<!tpu.dma_semaphore, #tpu.memory_space<semaphore_mem>>)
    %dma_start3A_43 = tpu.memref_slice %arg6[%mul3A_2] : memref<20480xi32, #tpu.memory_space<hbm>> -> memref<640xi32, #tpu.memory_space<hbm>>
    %dma_start3A_44 = tpu.memref_slice %arg6[%mul3A_2] : memref<20480xi32, #tpu.memory_space<hbm>> -> memref<640xi32, #tpu.memory_space<hbm>>
    tpu.enqueue_dma source(%dma_start3A_44 : memref<640xi32, #tpu.memory_space<hbm>>) target(%arg19 : memref<640xi32, #tpu.memory_space<vmem>>) target_semaphore(%arg27 : memref<!tpu.dma_semaphore, #tpu.memory_space<semaphore_mem>>)
    %dma_start3A_45 = tpu.memref_slice %arg8[%mul3A_2] : memref<20480xi32, #tpu.memory_space<hbm>> -> memref<640xi32, #tpu.memory_space<hbm>>
    %dma_start3A_46 = tpu.memref_slice %arg8[%mul3A_2] : memref<20480xi32, #tpu.memory_space<hbm>> -> memref<640xi32, #tpu.memory_space<hbm>>
    tpu.enqueue_dma source(%dma_start3A_46 : memref<640xi32, #tpu.memory_space<hbm>>) target(%arg20 : memref<640xi32, #tpu.memory_space<vmem>>) target_semaphore(%arg27 : memref<!tpu.dma_semaphore, #tpu.memory_space<semaphore_mem>>)
    %dma_start3A_47 = tpu.memref_slice %arg10[%mul3A_2] : memref<20480xi32, #tpu.memory_space<hbm>> -> memref<640xi32, #tpu.memory_space<hbm>>
    %dma_start3A_48 = tpu.memref_slice %arg10[%mul3A_2] : memref<20480xi32, #tpu.memory_space<hbm>> -> memref<640xi32, #tpu.memory_space<hbm>>
    tpu.enqueue_dma source(%dma_start3A_48 : memref<640xi32, #tpu.memory_space<hbm>>) target(%arg21 : memref<640xi32, #tpu.memory_space<vmem>>) target_semaphore(%arg27 : memref<!tpu.dma_semaphore, #tpu.memory_space<semaphore_mem>>)
    %dma_wait3A_49 = tpu.memref_slice %arg6[%mul3A_2] : memref<20480xi32, #tpu.memory_space<hbm>> -> memref<640xi32, #tpu.memory_space<hbm>>
    %dma_wait3A_50 = tpu.memref_slice %arg6[%mul3A_2] : memref<20480xi32, #tpu.memory_space<hbm>> -> memref<640xi32, #tpu.memory_space<hbm>>
    tpu.wait_dma2 semaphore(%arg27 : memref<!tpu.dma_semaphore, #tpu.memory_space<semaphore_mem>>) src(%dma_wait3A_50 : memref<640xi32, #tpu.memory_space<hbm>>) dst(%arg19 : memref<640xi32, #tpu.memory_space<vmem>>)
    %dma_wait3A_51 = tpu.memref_slice %arg8[%mul3A_2] : memref<20480xi32, #tpu.memory_space<hbm>> -> memref<640xi32, #tpu.memory_space<hbm>>
    %dma_wait3A_52 = tpu.memref_slice %arg8[%mul3A_2] : memref<20480xi32, #tpu.memory_space<hbm>> -> memref<640xi32, #tpu.memory_space<hbm>>
    tpu.wait_dma2 semaphore(%arg27 : memref<!tpu.dma_semaphore, #tpu.memory_space<semaphore_mem>>) src(%dma_wait3A_52 : memref<640xi32, #tpu.memory_space<hbm>>) dst(%arg20 : memref<640xi32, #tpu.memory_space<vmem>>)
    %dma_wait3A_53 = tpu.memref_slice %arg10[%mul3A_2] : memref<20480xi32, #tpu.memory_space<hbm>> -> memref<640xi32, #tpu.memory_space<hbm>>
    %dma_wait3A_54 = tpu.memref_slice %arg10[%mul3A_2] : memref<20480xi32, #tpu.memory_space<hbm>> -> memref<640xi32, #tpu.memory_space<hbm>>
    tpu.wait_dma2 semaphore(%arg27 : memref<!tpu.dma_semaphore, #tpu.memory_space<semaphore_mem>>) src(%dma_wait3A_54 : memref<640xi32, #tpu.memory_space<hbm>>) dst(%arg21 : memref<640xi32, #tpu.memory_space<vmem>>)
    %dma_wait3A_55 = arith.constant 0 : i32
    %dma_wait3A_56 = tpu.memref_slice %arg16[%mul3A_2, %dma_wait3A_55] : memref<20480x128xf32, #tpu.memory_space<hbm>> -> memref<640x64xf32, #tpu.memory_space<hbm>>
    %dma_wait3A_57 = arith.constant 0 : i32
    %dma_wait3A_58 = tpu.memref_slice %arg16[%mul3A_2, %dma_wait3A_57] : memref<20480x128xf32, #tpu.memory_space<hbm>> -> memref<640x64xf32, #tpu.memory_space<hbm>>
    tpu.wait_dma2 semaphore(%arg29 : memref<!tpu.dma_semaphore, #tpu.memory_space<semaphore_mem>>) src(%arg22 : memref<640x64xf32, #tpu.memory_space<vmem>>) dst(%dma_wait3A_58 : memref<640x64xf32, #tpu.memory_space<hbm>>)
    %dma_wait3A_59 = arith.constant 0 : i32
    %dma_wait3A_60 = tpu.memref_slice %arg17[%mul3A_2, %dma_wait3A_59] : memref<20480x128xf32, #tpu.memory_space<hbm>> -> memref<640x64xf32, #tpu.memory_space<hbm>>
    %dma_wait3A_61 = arith.constant 0 : i32
    %dma_wait3A_62 = tpu.memref_slice %arg17[%mul3A_2, %dma_wait3A_61] : memref<20480x128xf32, #tpu.memory_space<hbm>> -> memref<640x64xf32, #tpu.memory_space<hbm>>
    tpu.wait_dma2 semaphore(%arg29 : memref<!tpu.dma_semaphore, #tpu.memory_space<semaphore_mem>>) src(%arg23 : memref<640x64xf32, #tpu.memory_space<vmem>>) dst(%dma_wait3A_62 : memref<640x64xf32, #tpu.memory_space<hbm>>)
    %dma_wait3A_63 = arith.constant 0 : i32
    %dma_wait3A_64 = tpu.memref_slice %arg18[%mul3A_2, %dma_wait3A_63] : memref<20480x128xf32, #tpu.memory_space<hbm>> -> memref<640x64xf32, #tpu.memory_space<hbm>>
    %dma_wait3A_65 = arith.constant 0 : i32
    %dma_wait3A_66 = tpu.memref_slice %arg18[%mul3A_2, %dma_wait3A_65] : memref<20480x128xf32, #tpu.memory_space<hbm>> -> memref<640x64xf32, #tpu.memory_space<hbm>>
    tpu.wait_dma2 semaphore(%arg29 : memref<!tpu.dma_semaphore, #tpu.memory_space<semaphore_mem>>) src(%arg24 : memref<640x64xf32, #tpu.memory_space<vmem>>) dst(%dma_wait3A_66 : memref<640x64xf32, #tpu.memory_space<hbm>>)
    %dma_start3A_67 = arith.constant 0 : i32
    %dma_start3A_68 = arith.constant 0 : i32
    %dma_start3A_69 = tpu.memref_slice %arg2[%dma_start3A_67, %dma_start3A_68] : memref<100000x64xf32, #tpu.memory_space<hbm>> -> memref<100000x64xf32, #tpu.memory_space<hbm>>
    tpu.enqueue_indirect_dma source(%dma_start3A_69 : memref<100000x64xf32, #tpu.memory_space<hbm>>) target(%arg22 : memref<640x64xf32, #tpu.memory_space<vmem>>) offsets(%arg19 : memref<640xi32, #tpu.memory_space<vmem>>) semaphore(%arg28 : memref<!tpu.dma_semaphore, #tpu.memory_space<semaphore_mem>>)
    %dma_start3A_70 = arith.constant 0 : i32
    %dma_start3A_71 = arith.constant 0 : i32
    %dma_start3A_72 = tpu.memref_slice %arg3[%dma_start3A_70, %dma_start3A_71] : memref<1000x64xf32, #tpu.memory_space<hbm>> -> memref<1000x64xf32, #tpu.memory_space<hbm>>
    tpu.enqueue_indirect_dma source(%dma_start3A_72 : memref<1000x64xf32, #tpu.memory_space<hbm>>) target(%arg23 : memref<640x64xf32, #tpu.memory_space<vmem>>) offsets(%arg20 : memref<640xi32, #tpu.memory_space<vmem>>) semaphore(%arg28 : memref<!tpu.dma_semaphore, #tpu.memory_space<semaphore_mem>>)
    %dma_start3A_73 = arith.constant 0 : i32
    %dma_start3A_74 = arith.constant 0 : i32
    %dma_start3A_75 = tpu.memref_slice %arg4[%dma_start3A_73, %dma_start3A_74] : memref<52x64xf32, #tpu.memory_space<hbm>> -> memref<52x64xf32, #tpu.memory_space<hbm>>
    tpu.enqueue_indirect_dma source(%dma_start3A_75 : memref<52x64xf32, #tpu.memory_space<hbm>>) target(%arg24 : memref<640x64xf32, #tpu.memory_space<vmem>>) offsets(%arg21 : memref<640xi32, #tpu.memory_space<vmem>>) semaphore(%arg28 : memref<!tpu.dma_semaphore, #tpu.memory_space<semaphore_mem>>)
    %dma_wait3A_76 = arith.constant 0 : i32
    %dma_wait3A_77 = arith.constant 0 : i32
    %dma_wait3A_78 = tpu.memref_slice %arg2[%dma_wait3A_76, %dma_wait3A_77] : memref<100000x64xf32, #tpu.memory_space<hbm>> -> memref<100000x64xf32, #tpu.memory_space<hbm>>
    tpu.wait_indirect_dma semaphore(%arg28 : memref<!tpu.dma_semaphore, #tpu.memory_space<semaphore_mem>>) src(%dma_wait3A_78 : memref<100000x64xf32, #tpu.memory_space<hbm>>) dst(%arg22 : memref<640x64xf32, #tpu.memory_space<vmem>>)
    %dma_wait3A_79 = arith.constant 0 : i32
    %dma_wait3A_80 = arith.constant 0 : i32
    %dma_wait3A_81 = tpu.memref_slice %arg3[%dma_wait3A_79, %dma_wait3A_80] : memref<1000x64xf32, #tpu.memory_space<hbm>> -> memref<1000x64xf32, #tpu.memory_space<hbm>>
    tpu.wait_indirect_dma semaphore(%arg28 : memref<!tpu.dma_semaphore, #tpu.memory_space<semaphore_mem>>) src(%dma_wait3A_81 : memref<1000x64xf32, #tpu.memory_space<hbm>>) dst(%arg23 : memref<640x64xf32, #tpu.memory_space<vmem>>)
    %dma_wait3A_82 = arith.constant 0 : i32
    %dma_wait3A_83 = arith.constant 0 : i32
    %dma_wait3A_84 = tpu.memref_slice %arg4[%dma_wait3A_82, %dma_wait3A_83] : memref<52x64xf32, #tpu.memory_space<hbm>> -> memref<52x64xf32, #tpu.memory_space<hbm>>
    tpu.wait_indirect_dma semaphore(%arg28 : memref<!tpu.dma_semaphore, #tpu.memory_space<semaphore_mem>>) src(%dma_wait3A_84 : memref<52x64xf32, #tpu.memory_space<hbm>>) dst(%arg24 : memref<640x64xf32, #tpu.memory_space<vmem>>)
    %dma_start3A_85 = arith.constant 64 : i32
    %dma_start3A_86 = tpu.memref_slice %arg16[%mul3A_2, %dma_start3A_85] : memref<20480x128xf32, #tpu.memory_space<hbm>> -> memref<640x64xf32, #tpu.memory_space<hbm>>
    %dma_start3A_87 = arith.constant 64 : i32
    %dma_start3A_88 = tpu.memref_slice %arg16[%mul3A_2, %dma_start3A_87] : memref<20480x128xf32, #tpu.memory_space<hbm>> -> memref<640x64xf32, #tpu.memory_space<hbm>>
    tpu.enqueue_dma source(%arg22 : memref<640x64xf32, #tpu.memory_space<vmem>>) target(%dma_start3A_88 : memref<640x64xf32, #tpu.memory_space<hbm>>) target_semaphore(%arg29 : memref<!tpu.dma_semaphore, #tpu.memory_space<semaphore_mem>>)
    %dma_start3A_89 = arith.constant 64 : i32
    %dma_start3A_90 = tpu.memref_slice %arg17[%mul3A_2, %dma_start3A_89] : memref<20480x128xf32, #tpu.memory_space<hbm>> -> memref<640x64xf32, #tpu.memory_space<hbm>>
    %dma_start3A_91 = arith.constant 64 : i32
    %dma_start3A_92 = tpu.memref_slice %arg17[%mul3A_2, %dma_start3A_91] : memref<20480x128xf32, #tpu.memory_space<hbm>> -> memref<640x64xf32, #tpu.memory_space<hbm>>
    tpu.enqueue_dma source(%arg23 : memref<640x64xf32, #tpu.memory_space<vmem>>) target(%dma_start3A_92 : memref<640x64xf32, #tpu.memory_space<hbm>>) target_semaphore(%arg29 : memref<!tpu.dma_semaphore, #tpu.memory_space<semaphore_mem>>)
    %dma_start3A_93 = arith.constant 64 : i32
    %dma_start3A_94 = tpu.memref_slice %arg18[%mul3A_2, %dma_start3A_93] : memref<20480x128xf32, #tpu.memory_space<hbm>> -> memref<640x64xf32, #tpu.memory_space<hbm>>
    %dma_start3A_95 = arith.constant 64 : i32
    %dma_start3A_96 = tpu.memref_slice %arg18[%mul3A_2, %dma_start3A_95] : memref<20480x128xf32, #tpu.memory_space<hbm>> -> memref<640x64xf32, #tpu.memory_space<hbm>>
    tpu.enqueue_dma source(%arg24 : memref<640x64xf32, #tpu.memory_space<vmem>>) target(%dma_start3A_96 : memref<640x64xf32, #tpu.memory_space<hbm>>) target_semaphore(%arg29 : memref<!tpu.dma_semaphore, #tpu.memory_space<semaphore_mem>>)
    %dma_wait3A_97 = arith.constant 64 : i32
    %dma_wait3A_98 = tpu.memref_slice %arg16[%mul3A_2, %dma_wait3A_97] : memref<20480x128xf32, #tpu.memory_space<hbm>> -> memref<640x64xf32, #tpu.memory_space<hbm>>
    %dma_wait3A_99 = arith.constant 64 : i32
    %dma_wait3A_100 = tpu.memref_slice %arg16[%mul3A_2, %dma_wait3A_99] : memref<20480x128xf32, #tpu.memory_space<hbm>> -> memref<640x64xf32, #tpu.memory_space<hbm>>
    tpu.wait_dma2 semaphore(%arg29 : memref<!tpu.dma_semaphore, #tpu.memory_space<semaphore_mem>>) src(%arg22 : memref<640x64xf32, #tpu.memory_space<vmem>>) dst(%dma_wait3A_100 : memref<640x64xf32, #tpu.memory_space<hbm>>)
    %dma_wait3A_101 = arith.constant 64 : i32
    %dma_wait3A_102 = tpu.memref_slice %arg17[%mul3A_2, %dma_wait3A_101] : memref<20480x128xf32, #tpu.memory_space<hbm>> -> memref<640x64xf32, #tpu.memory_space<hbm>>
    %dma_wait3A_103 = arith.constant 64 : i32
    %dma_wait3A_104 = tpu.memref_slice %arg17[%mul3A_2, %dma_wait3A_103] : memref<20480x128xf32, #tpu.memory_space<hbm>> -> memref<640x64xf32, #tpu.memory_space<hbm>>
    tpu.wait_dma2 semaphore(%arg29 : memref<!tpu.dma_semaphore, #tpu.memory_space<semaphore_mem>>) src(%arg23 : memref<640x64xf32, #tpu.memory_space<vmem>>) dst(%dma_wait3A_104 : memref<640x64xf32, #tpu.memory_space<hbm>>)
    %dma_wait3A_105 = arith.constant 64 : i32
    %dma_wait3A_106 = tpu.memref_slice %arg18[%mul3A_2, %dma_wait3A_105] : memref<20480x128xf32, #tpu.memory_space<hbm>> -> memref<640x64xf32, #tpu.memory_space<hbm>>
    %dma_wait3A_107 = arith.constant 64 : i32
    %dma_wait3A_108 = tpu.memref_slice %arg18[%mul3A_2, %dma_wait3A_107] : memref<20480x128xf32, #tpu.memory_space<hbm>> -> memref<640x64xf32, #tpu.memory_space<hbm>>
    tpu.wait_dma2 semaphore(%arg29 : memref<!tpu.dma_semaphore, #tpu.memory_space<semaphore_mem>>) src(%arg24 : memref<640x64xf32, #tpu.memory_space<vmem>>) dst(%dma_wait3A_108 : memref<640x64xf32, #tpu.memory_space<hbm>>)
    return
  }
}

#map = affine_map<(d0, d1) -> (0, 0)>
#map1 = affine_map<(d0, d1) -> (0)>
module attributes {stable_mosaic.version = 14 : i64} {
  func.func @k(%arg0: i32, %arg1: i32, %arg2: memref<100000x64xf32, #tpu.memory_space<hbm>>, %arg3: memref<1000x64xf32, #tpu.memory_space<hbm>>, %arg4: memref<52x64xf32, #tpu.memory_space<hbm>>, %arg5: memref<20480xi32, #tpu.memory_space<hbm>>, %arg6: memref<20480xi32, #tpu.memory_space<hbm>>, %arg7: memref<20480xi32, #tpu.memory_space<hbm>>, %arg8: memref<20480xi32, #tpu.memory_space<hbm>>, %arg9: memref<20480xi32, #tpu.memory_space<hbm>>, %arg10: memref<20480xi32, #tpu.memory_space<hbm>>, %arg11: memref<6400000xf32, #tpu.memory_space<hbm>>, %arg12: memref<6400000xf32, #tpu.memory_space<hbm>>, %arg13: memref<64000xf32, #tpu.memory_space<hbm>>, %arg14: memref<6400xf32, #tpu.memory_space<hbm>>, %arg15: memref<262144xi32, #tpu.memory_space<hbm>>, %arg16: memref<20480x128xf32, #tpu.memory_space<hbm>>, %arg17: memref<20480x128xf32, #tpu.memory_space<hbm>>, %arg18: memref<20480x128xf32, #tpu.memory_space<hbm>>, %arg19: memref<640xi32, #tpu.memory_space<vmem>>, %arg20: memref<640xi32, #tpu.memory_space<vmem>>, %arg21: memref<640xi32, #tpu.memory_space<vmem>>, %arg22: memref<640x64xf32, #tpu.memory_space<vmem>>, %arg23: memref<640x64xf32, #tpu.memory_space<vmem>>, %arg24: memref<640x64xf32, #tpu.memory_space<vmem>>, %arg25: memref<1024xi32, #tpu.memory_space<vmem>>, %arg26: memref<1024xf32, #tpu.memory_space<vmem>>, %arg27: memref<!tpu.dma_semaphore, #tpu.memory_space<semaphore_mem>>, %arg28: memref<!tpu.dma_semaphore, #tpu.memory_space<semaphore_mem>>, %arg29: memref<!tpu.dma_semaphore, #tpu.memory_space<semaphore_mem>>) attributes {dimension_semantics = [#tpu.dimension_semantics<core_parallel>, #tpu.dimension_semantics<subcore_parallel>], iteration_bounds = array<i64: 2, 16>, scalar_prefetch = 0 : i64, scratch_operands = 11 : i64, tpu.core_type = #tpu.core_type<sc_vector_subcore>, window_params = [{transform_indices = #map}, {transform_indices = #map}, {transform_indices = #map}, {transform_indices = #map1}, {transform_indices = #map1}, {transform_indices = #map1}, {transform_indices = #map1}, {transform_indices = #map1}, {transform_indices = #map1}, {transform_indices = #map1}, {transform_indices = #map1}, {transform_indices = #map1}, {transform_indices = #map1}, {transform_indices = #map1}, {transform_indices = #map}, {transform_indices = #map}, {transform_indices = #map}]} {
    %mul3A = arith.constant 2 : i32
    %mul3A_0 = arith.muli %arg1, %mul3A : i32
    %add3A = arith.addi %mul3A_0, %arg0 : i32
    %mul3A_1 = arith.constant 640 : i32
    %mul3A_2 = arith.muli %add3A, %mul3A_1 : i32
    %dma_start3A = tpu.memref_slice %arg5[%mul3A_2] : memref<20480xi32, #tpu.memory_space<hbm>> -> memref<640xi32, #tpu.memory_space<hbm>>
    %dma_start3A_3 = tpu.memref_slice %arg5[%mul3A_2] : memref<20480xi32, #tpu.memory_space<hbm>> -> memref<640xi32, #tpu.memory_space<hbm>>
    tpu.enqueue_dma source(%dma_start3A_3 : memref<640xi32, #tpu.memory_space<hbm>>) target(%arg19 : memref<640xi32, #tpu.memory_space<vmem>>) target_semaphore(%arg27 : memref<!tpu.dma_semaphore, #tpu.memory_space<semaphore_mem>>)
    %dma_start3A_4 = tpu.memref_slice %arg7[%mul3A_2] : memref<20480xi32, #tpu.memory_space<hbm>> -> memref<640xi32, #tpu.memory_space<hbm>>
    %dma_start3A_5 = tpu.memref_slice %arg7[%mul3A_2] : memref<20480xi32, #tpu.memory_space<hbm>> -> memref<640xi32, #tpu.memory_space<hbm>>
    tpu.enqueue_dma source(%dma_start3A_5 : memref<640xi32, #tpu.memory_space<hbm>>) target(%arg20 : memref<640xi32, #tpu.memory_space<vmem>>) target_semaphore(%arg27 : memref<!tpu.dma_semaphore, #tpu.memory_space<semaphore_mem>>)
    %dma_start3A_6 = tpu.memref_slice %arg9[%mul3A_2] : memref<20480xi32, #tpu.memory_space<hbm>> -> memref<640xi32, #tpu.memory_space<hbm>>
    %dma_start3A_7 = tpu.memref_slice %arg9[%mul3A_2] : memref<20480xi32, #tpu.memory_space<hbm>> -> memref<640xi32, #tpu.memory_space<hbm>>
    tpu.enqueue_dma source(%dma_start3A_7 : memref<640xi32, #tpu.memory_space<hbm>>) target(%arg21 : memref<640xi32, #tpu.memory_space<vmem>>) target_semaphore(%arg27 : memref<!tpu.dma_semaphore, #tpu.memory_space<semaphore_mem>>)
    %dma_wait3A = tpu.memref_slice %arg5[%mul3A_2] : memref<20480xi32, #tpu.memory_space<hbm>> -> memref<640xi32, #tpu.memory_space<hbm>>
    %dma_wait3A_8 = tpu.memref_slice %arg5[%mul3A_2] : memref<20480xi32, #tpu.memory_space<hbm>> -> memref<640xi32, #tpu.memory_space<hbm>>
    tpu.wait_dma2 semaphore(%arg27 : memref<!tpu.dma_semaphore, #tpu.memory_space<semaphore_mem>>) src(%dma_wait3A_8 : memref<640xi32, #tpu.memory_space<hbm>>) dst(%arg19 : memref<640xi32, #tpu.memory_space<vmem>>)
    %dma_wait3A_9 = tpu.memref_slice %arg7[%mul3A_2] : memref<20480xi32, #tpu.memory_space<hbm>> -> memref<640xi32, #tpu.memory_space<hbm>>
    %dma_wait3A_10 = tpu.memref_slice %arg7[%mul3A_2] : memref<20480xi32, #tpu.memory_space<hbm>> -> memref<640xi32, #tpu.memory_space<hbm>>
    tpu.wait_dma2 semaphore(%arg27 : memref<!tpu.dma_semaphore, #tpu.memory_space<semaphore_mem>>) src(%dma_wait3A_10 : memref<640xi32, #tpu.memory_space<hbm>>) dst(%arg20 : memref<640xi32, #tpu.memory_space<vmem>>)
    %dma_wait3A_11 = tpu.memref_slice %arg9[%mul3A_2] : memref<20480xi32, #tpu.memory_space<hbm>> -> memref<640xi32, #tpu.memory_space<hbm>>
    %dma_wait3A_12 = tpu.memref_slice %arg9[%mul3A_2] : memref<20480xi32, #tpu.memory_space<hbm>> -> memref<640xi32, #tpu.memory_space<hbm>>
    tpu.wait_dma2 semaphore(%arg27 : memref<!tpu.dma_semaphore, #tpu.memory_space<semaphore_mem>>) src(%dma_wait3A_12 : memref<640xi32, #tpu.memory_space<hbm>>) dst(%arg21 : memref<640xi32, #tpu.memory_space<vmem>>)
    %dma_start3A_13 = arith.constant 0 : i32
    %dma_start3A_14 = arith.constant 0 : i32
    %dma_start3A_15 = tpu.memref_slice %arg2[%dma_start3A_13, %dma_start3A_14] : memref<100000x64xf32, #tpu.memory_space<hbm>> -> memref<100000x64xf32, #tpu.memory_space<hbm>>
    tpu.enqueue_indirect_dma source(%dma_start3A_15 : memref<100000x64xf32, #tpu.memory_space<hbm>>) target(%arg22 : memref<640x64xf32, #tpu.memory_space<vmem>>) offsets(%arg19 : memref<640xi32, #tpu.memory_space<vmem>>) semaphore(%arg28 : memref<!tpu.dma_semaphore, #tpu.memory_space<semaphore_mem>>)
    %dma_start3A_16 = arith.constant 0 : i32
    %dma_start3A_17 = arith.constant 0 : i32
    %dma_start3A_18 = tpu.memref_slice %arg3[%dma_start3A_16, %dma_start3A_17] : memref<1000x64xf32, #tpu.memory_space<hbm>> -> memref<1000x64xf32, #tpu.memory_space<hbm>>
    tpu.enqueue_indirect_dma source(%dma_start3A_18 : memref<1000x64xf32, #tpu.memory_space<hbm>>) target(%arg23 : memref<640x64xf32, #tpu.memory_space<vmem>>) offsets(%arg20 : memref<640xi32, #tpu.memory_space<vmem>>) semaphore(%arg28 : memref<!tpu.dma_semaphore, #tpu.memory_space<semaphore_mem>>)
    %dma_start3A_19 = arith.constant 0 : i32
    %dma_start3A_20 = arith.constant 0 : i32
    %dma_start3A_21 = tpu.memref_slice %arg4[%dma_start3A_19, %dma_start3A_20] : memref<52x64xf32, #tpu.memory_space<hbm>> -> memref<52x64xf32, #tpu.memory_space<hbm>>
    tpu.enqueue_indirect_dma source(%dma_start3A_21 : memref<52x64xf32, #tpu.memory_space<hbm>>) target(%arg24 : memref<640x64xf32, #tpu.memory_space<vmem>>) offsets(%arg21 : memref<640xi32, #tpu.memory_space<vmem>>) semaphore(%arg28 : memref<!tpu.dma_semaphore, #tpu.memory_space<semaphore_mem>>)
    %dma_wait3A_22 = arith.constant 0 : i32
    %dma_wait3A_23 = arith.constant 0 : i32
    %dma_wait3A_24 = tpu.memref_slice %arg2[%dma_wait3A_22, %dma_wait3A_23] : memref<100000x64xf32, #tpu.memory_space<hbm>> -> memref<100000x64xf32, #tpu.memory_space<hbm>>
    tpu.wait_indirect_dma semaphore(%arg28 : memref<!tpu.dma_semaphore, #tpu.memory_space<semaphore_mem>>) src(%dma_wait3A_24 : memref<100000x64xf32, #tpu.memory_space<hbm>>) dst(%arg22 : memref<640x64xf32, #tpu.memory_space<vmem>>)
    %dma_wait3A_25 = arith.constant 0 : i32
    %dma_wait3A_26 = arith.constant 0 : i32
    %dma_wait3A_27 = tpu.memref_slice %arg3[%dma_wait3A_25, %dma_wait3A_26] : memref<1000x64xf32, #tpu.memory_space<hbm>> -> memref<1000x64xf32, #tpu.memory_space<hbm>>
    tpu.wait_indirect_dma semaphore(%arg28 : memref<!tpu.dma_semaphore, #tpu.memory_space<semaphore_mem>>) src(%dma_wait3A_27 : memref<1000x64xf32, #tpu.memory_space<hbm>>) dst(%arg23 : memref<640x64xf32, #tpu.memory_space<vmem>>)
    %dma_wait3A_28 = arith.constant 0 : i32
    %dma_wait3A_29 = arith.constant 0 : i32
    %dma_wait3A_30 = tpu.memref_slice %arg4[%dma_wait3A_28, %dma_wait3A_29] : memref<52x64xf32, #tpu.memory_space<hbm>> -> memref<52x64xf32, #tpu.memory_space<hbm>>
    tpu.wait_indirect_dma semaphore(%arg28 : memref<!tpu.dma_semaphore, #tpu.memory_space<semaphore_mem>>) src(%dma_wait3A_30 : memref<52x64xf32, #tpu.memory_space<hbm>>) dst(%arg24 : memref<640x64xf32, #tpu.memory_space<vmem>>)
    %dma_start3A_31 = arith.constant 0 : i32
    %dma_start3A_32 = tpu.memref_slice %arg16[%mul3A_2, %dma_start3A_31] : memref<20480x128xf32, #tpu.memory_space<hbm>> -> memref<640x64xf32, #tpu.memory_space<hbm>>
    %dma_start3A_33 = arith.constant 0 : i32
    %dma_start3A_34 = tpu.memref_slice %arg16[%mul3A_2, %dma_start3A_33] : memref<20480x128xf32, #tpu.memory_space<hbm>> -> memref<640x64xf32, #tpu.memory_space<hbm>>
    tpu.enqueue_dma source(%arg22 : memref<640x64xf32, #tpu.memory_space<vmem>>) target(%dma_start3A_34 : memref<640x64xf32, #tpu.memory_space<hbm>>) target_semaphore(%arg29 : memref<!tpu.dma_semaphore, #tpu.memory_space<semaphore_mem>>)
    %dma_start3A_35 = arith.constant 0 : i32
    %dma_start3A_36 = tpu.memref_slice %arg17[%mul3A_2, %dma_start3A_35] : memref<20480x128xf32, #tpu.memory_space<hbm>> -> memref<640x64xf32, #tpu.memory_space<hbm>>
    %dma_start3A_37 = arith.constant 0 : i32
    %dma_start3A_38 = tpu.memref_slice %arg17[%mul3A_2, %dma_start3A_37] : memref<20480x128xf32, #tpu.memory_space<hbm>> -> memref<640x64xf32, #tpu.memory_space<hbm>>
    tpu.enqueue_dma source(%arg23 : memref<640x64xf32, #tpu.memory_space<vmem>>) target(%dma_start3A_38 : memref<640x64xf32, #tpu.memory_space<hbm>>) target_semaphore(%arg29 : memref<!tpu.dma_semaphore, #tpu.memory_space<semaphore_mem>>)
    %dma_start3A_39 = arith.constant 0 : i32
    %dma_start3A_40 = tpu.memref_slice %arg18[%mul3A_2, %dma_start3A_39] : memref<20480x128xf32, #tpu.memory_space<hbm>> -> memref<640x64xf32, #tpu.memory_space<hbm>>
    %dma_start3A_41 = arith.constant 0 : i32
    %dma_start3A_42 = tpu.memref_slice %arg18[%mul3A_2, %dma_start3A_41] : memref<20480x128xf32, #tpu.memory_space<hbm>> -> memref<640x64xf32, #tpu.memory_space<hbm>>
    tpu.enqueue_dma source(%arg24 : memref<640x64xf32, #tpu.memory_space<vmem>>) target(%dma_start3A_42 : memref<640x64xf32, #tpu.memory_space<hbm>>) target_semaphore(%arg29 : memref<!tpu.dma_semaphore, #tpu.memory_space<semaphore_mem>>)
    %dma_start3A_43 = tpu.memref_slice %arg6[%mul3A_2] : memref<20480xi32, #tpu.memory_space<hbm>> -> memref<640xi32, #tpu.memory_space<hbm>>
    %dma_start3A_44 = tpu.memref_slice %arg6[%mul3A_2] : memref<20480xi32, #tpu.memory_space<hbm>> -> memref<640xi32, #tpu.memory_space<hbm>>
    tpu.enqueue_dma source(%dma_start3A_44 : memref<640xi32, #tpu.memory_space<hbm>>) target(%arg19 : memref<640xi32, #tpu.memory_space<vmem>>) target_semaphore(%arg27 : memref<!tpu.dma_semaphore, #tpu.memory_space<semaphore_mem>>)
    %dma_start3A_45 = tpu.memref_slice %arg8[%mul3A_2] : memref<20480xi32, #tpu.memory_space<hbm>> -> memref<640xi32, #tpu.memory_space<hbm>>
    %dma_start3A_46 = tpu.memref_slice %arg8[%mul3A_2] : memref<20480xi32, #tpu.memory_space<hbm>> -> memref<640xi32, #tpu.memory_space<hbm>>
    tpu.enqueue_dma source(%dma_start3A_46 : memref<640xi32, #tpu.memory_space<hbm>>) target(%arg20 : memref<640xi32, #tpu.memory_space<vmem>>) target_semaphore(%arg27 : memref<!tpu.dma_semaphore, #tpu.memory_space<semaphore_mem>>)
    %dma_start3A_47 = tpu.memref_slice %arg10[%mul3A_2] : memref<20480xi32, #tpu.memory_space<hbm>> -> memref<640xi32, #tpu.memory_space<hbm>>
    %dma_start3A_48 = tpu.memref_slice %arg10[%mul3A_2] : memref<20480xi32, #tpu.memory_space<hbm>> -> memref<640xi32, #tpu.memory_space<hbm>>
    tpu.enqueue_dma source(%dma_start3A_48 : memref<640xi32, #tpu.memory_space<hbm>>) target(%arg21 : memref<640xi32, #tpu.memory_space<vmem>>) target_semaphore(%arg27 : memref<!tpu.dma_semaphore, #tpu.memory_space<semaphore_mem>>)
    %dma_wait3A_49 = tpu.memref_slice %arg6[%mul3A_2] : memref<20480xi32, #tpu.memory_space<hbm>> -> memref<640xi32, #tpu.memory_space<hbm>>
    %dma_wait3A_50 = tpu.memref_slice %arg6[%mul3A_2] : memref<20480xi32, #tpu.memory_space<hbm>> -> memref<640xi32, #tpu.memory_space<hbm>>
    tpu.wait_dma2 semaphore(%arg27 : memref<!tpu.dma_semaphore, #tpu.memory_space<semaphore_mem>>) src(%dma_wait3A_50 : memref<640xi32, #tpu.memory_space<hbm>>) dst(%arg19 : memref<640xi32, #tpu.memory_space<vmem>>)
    %dma_wait3A_51 = tpu.memref_slice %arg8[%mul3A_2] : memref<20480xi32, #tpu.memory_space<hbm>> -> memref<640xi32, #tpu.memory_space<hbm>>
    %dma_wait3A_52 = tpu.memref_slice %arg8[%mul3A_2] : memref<20480xi32, #tpu.memory_space<hbm>> -> memref<640xi32, #tpu.memory_space<hbm>>
    tpu.wait_dma2 semaphore(%arg27 : memref<!tpu.dma_semaphore, #tpu.memory_space<semaphore_mem>>) src(%dma_wait3A_52 : memref<640xi32, #tpu.memory_space<hbm>>) dst(%arg20 : memref<640xi32, #tpu.memory_space<vmem>>)
    %dma_wait3A_53 = tpu.memref_slice %arg10[%mul3A_2] : memref<20480xi32, #tpu.memory_space<hbm>> -> memref<640xi32, #tpu.memory_space<hbm>>
    %dma_wait3A_54 = tpu.memref_slice %arg10[%mul3A_2] : memref<20480xi32, #tpu.memory_space<hbm>> -> memref<640xi32, #tpu.memory_space<hbm>>
    tpu.wait_dma2 semaphore(%arg27 : memref<!tpu.dma_semaphore, #tpu.memory_space<semaphore_mem>>) src(%dma_wait3A_54 : memref<640xi32, #tpu.memory_space<hbm>>) dst(%arg21 : memref<640xi32, #tpu.memory_space<vmem>>)
    %dma_wait3A_55 = arith.constant 0 : i32
    %dma_wait3A_56 = tpu.memref_slice %arg16[%mul3A_2, %dma_wait3A_55] : memref<20480x128xf32, #tpu.memory_space<hbm>> -> memref<640x64xf32, #tpu.memory_space<hbm>>
    %dma_wait3A_57 = arith.constant 0 : i32
    %dma_wait3A_58 = tpu.memref_slice %arg16[%mul3A_2, %dma_wait3A_57] : memref<20480x128xf32, #tpu.memory_space<hbm>> -> memref<640x64xf32, #tpu.memory_space<hbm>>
    tpu.wait_dma2 semaphore(%arg29 : memref<!tpu.dma_semaphore, #tpu.memory_space<semaphore_mem>>) src(%arg22 : memref<640x64xf32, #tpu.memory_space<vmem>>) dst(%dma_wait3A_58 : memref<640x64xf32, #tpu.memory_space<hbm>>)
    %dma_wait3A_59 = arith.constant 0 : i32
    %dma_wait3A_60 = tpu.memref_slice %arg17[%mul3A_2, %dma_wait3A_59] : memref<20480x128xf32, #tpu.memory_space<hbm>> -> memref<640x64xf32, #tpu.memory_space<hbm>>
    %dma_wait3A_61 = arith.constant 0 : i32
    %dma_wait3A_62 = tpu.memref_slice %arg17[%mul3A_2, %dma_wait3A_61] : memref<20480x128xf32, #tpu.memory_space<hbm>> -> memref<640x64xf32, #tpu.memory_space<hbm>>
    tpu.wait_dma2 semaphore(%arg29 : memref<!tpu.dma_semaphore, #tpu.memory_space<semaphore_mem>>) src(%arg23 : memref<640x64xf32, #tpu.memory_space<vmem>>) dst(%dma_wait3A_62 : memref<640x64xf32, #tpu.memory_space<hbm>>)
    %dma_wait3A_63 = arith.constant 0 : i32
    %dma_wait3A_64 = tpu.memref_slice %arg18[%mul3A_2, %dma_wait3A_63] : memref<20480x128xf32, #tpu.memory_space<hbm>> -> memref<640x64xf32, #tpu.memory_space<hbm>>
    %dma_wait3A_65 = arith.constant 0 : i32
    %dma_wait3A_66 = tpu.memref_slice %arg18[%mul3A_2, %dma_wait3A_65] : memref<20480x128xf32, #tpu.memory_space<hbm>> -> memref<640x64xf32, #tpu.memory_space<hbm>>
    tpu.wait_dma2 semaphore(%arg29 : memref<!tpu.dma_semaphore, #tpu.memory_space<semaphore_mem>>) src(%arg24 : memref<640x64xf32, #tpu.memory_space<vmem>>) dst(%dma_wait3A_66 : memref<640x64xf32, #tpu.memory_space<hbm>>)
    %dma_start3A_67 = arith.constant 0 : i32
    %dma_start3A_68 = arith.constant 0 : i32
    %dma_start3A_69 = tpu.memref_slice %arg2[%dma_start3A_67, %dma_start3A_68] : memref<100000x64xf32, #tpu.memory_space<hbm>> -> memref<100000x64xf32, #tpu.memory_space<hbm>>
    tpu.enqueue_indirect_dma source(%dma_start3A_69 : memref<100000x64xf32, #tpu.memory_space<hbm>>) target(%arg22 : memref<640x64xf32, #tpu.memory_space<vmem>>) offsets(%arg19 : memref<640xi32, #tpu.memory_space<vmem>>) semaphore(%arg28 : memref<!tpu.dma_semaphore, #tpu.memory_space<semaphore_mem>>)
    %dma_start3A_70 = arith.constant 0 : i32
    %dma_start3A_71 = arith.constant 0 : i32
    %dma_start3A_72 = tpu.memref_slice %arg3[%dma_start3A_70, %dma_start3A_71] : memref<1000x64xf32, #tpu.memory_space<hbm>> -> memref<1000x64xf32, #tpu.memory_space<hbm>>
    tpu.enqueue_indirect_dma source(%dma_start3A_72 : memref<1000x64xf32, #tpu.memory_space<hbm>>) target(%arg23 : memref<640x64xf32, #tpu.memory_space<vmem>>) offsets(%arg20 : memref<640xi32, #tpu.memory_space<vmem>>) semaphore(%arg28 : memref<!tpu.dma_semaphore, #tpu.memory_space<semaphore_mem>>)
    %dma_start3A_73 = arith.constant 0 : i32
    %dma_start3A_74 = arith.constant 0 : i32
    %dma_start3A_75 = tpu.memref_slice %arg4[%dma_start3A_73, %dma_start3A_74] : memref<52x64xf32, #tpu.memory_space<hbm>> -> memref<52x64xf32, #tpu.memory_space<hbm>>
    tpu.enqueue_indirect_dma source(%dma_start3A_75 : memref<52x64xf32, #tpu.memory_space<hbm>>) target(%arg24 : memref<640x64xf32, #tpu.memory_space<vmem>>) offsets(%arg21 : memref<640xi32, #tpu.memory_space<vmem>>) semaphore(%arg28 : memref<!tpu.dma_semaphore, #tpu.memory_space<semaphore_mem>>)
    %dma_wait3A_76 = arith.constant 0 : i32
    %dma_wait3A_77 = arith.constant 0 : i32
    %dma_wait3A_78 = tpu.memref_slice %arg2[%dma_wait3A_76, %dma_wait3A_77] : memref<100000x64xf32, #tpu.memory_space<hbm>> -> memref<100000x64xf32, #tpu.memory_space<hbm>>
    tpu.wait_indirect_dma semaphore(%arg28 : memref<!tpu.dma_semaphore, #tpu.memory_space<semaphore_mem>>) src(%dma_wait3A_78 : memref<100000x64xf32, #tpu.memory_space<hbm>>) dst(%arg22 : memref<640x64xf32, #tpu.memory_space<vmem>>)
    %dma_wait3A_79 = arith.constant 0 : i32
    %dma_wait3A_80 = arith.constant 0 : i32
    %dma_wait3A_81 = tpu.memref_slice %arg3[%dma_wait3A_79, %dma_wait3A_80] : memref<1000x64xf32, #tpu.memory_space<hbm>> -> memref<1000x64xf32, #tpu.memory_space<hbm>>
    tpu.wait_indirect_dma semaphore(%arg28 : memref<!tpu.dma_semaphore, #tpu.memory_space<semaphore_mem>>) src(%dma_wait3A_81 : memref<1000x64xf32, #tpu.memory_space<hbm>>) dst(%arg23 : memref<640x64xf32, #tpu.memory_space<vmem>>)
    %dma_wait3A_82 = arith.constant 0 : i32
    %dma_wait3A_83 = arith.constant 0 : i32
    %dma_wait3A_84 = tpu.memref_slice %arg4[%dma_wait3A_82, %dma_wait3A_83] : memref<52x64xf32, #tpu.memory_space<hbm>> -> memref<52x64xf32, #tpu.memory_space<hbm>>
    tpu.wait_indirect_dma semaphore(%arg28 : memref<!tpu.dma_semaphore, #tpu.memory_space<semaphore_mem>>) src(%dma_wait3A_84 : memref<52x64xf32, #tpu.memory_space<hbm>>) dst(%arg24 : memref<640x64xf32, #tpu.memory_space<vmem>>)
    %dma_start3A_85 = arith.constant 64 : i32
    %dma_start3A_86 = tpu.memref_slice %arg16[%mul3A_2, %dma_start3A_85] : memref<20480x128xf32, #tpu.memory_space<hbm>> -> memref<640x64xf32, #tpu.memory_space<hbm>>
    %dma_start3A_87 = arith.constant 64 : i32
    %dma_start3A_88 = tpu.memref_slice %arg16[%mul3A_2, %dma_start3A_87] : memref<20480x128xf32, #tpu.memory_space<hbm>> -> memref<640x64xf32, #tpu.memory_space<hbm>>
    tpu.enqueue_dma source(%arg22 : memref<640x64xf32, #tpu.memory_space<vmem>>) target(%dma_start3A_88 : memref<640x64xf32, #tpu.memory_space<hbm>>) target_semaphore(%arg29 : memref<!tpu.dma_semaphore, #tpu.memory_space<semaphore_mem>>)
    %dma_start3A_89 = arith.constant 64 : i32
    %dma_start3A_90 = tpu.memref_slice %arg17[%mul3A_2, %dma_start3A_89] : memref<20480x128xf32, #tpu.memory_space<hbm>> -> memref<640x64xf32, #tpu.memory_space<hbm>>
    %dma_start3A_91 = arith.constant 64 : i32
    %dma_start3A_92 = tpu.memref_slice %arg17[%mul3A_2, %dma_start3A_91] : memref<20480x128xf32, #tpu.memory_space<hbm>> -> memref<640x64xf32, #tpu.memory_space<hbm>>
    tpu.enqueue_dma source(%arg23 : memref<640x64xf32, #tpu.memory_space<vmem>>) target(%dma_start3A_92 : memref<640x64xf32, #tpu.memory_space<hbm>>) target_semaphore(%arg29 : memref<!tpu.dma_semaphore, #tpu.memory_space<semaphore_mem>>)
    %dma_start3A_93 = arith.constant 64 : i32
    %dma_start3A_94 = tpu.memref_slice %arg18[%mul3A_2, %dma_start3A_93] : memref<20480x128xf32, #tpu.memory_space<hbm>> -> memref<640x64xf32, #tpu.memory_space<hbm>>
    %dma_start3A_95 = arith.constant 64 : i32
    %dma_start3A_96 = tpu.memref_slice %arg18[%mul3A_2, %dma_start3A_95] : memref<20480x128xf32, #tpu.memory_space<hbm>> -> memref<640x64xf32, #tpu.memory_space<hbm>>
    tpu.enqueue_dma source(%arg24 : memref<640x64xf32, #tpu.memory_space<vmem>>) target(%dma_start3A_96 : memref<640x64xf32, #tpu.memory_space<hbm>>) target_semaphore(%arg29 : memref<!tpu.dma_semaphore, #tpu.memory_space<semaphore_mem>>)
    %dma_wait3A_97 = arith.constant 64 : i32
    %dma_wait3A_98 = tpu.memref_slice %arg16[%mul3A_2, %dma_wait3A_97] : memref<20480x128xf32, #tpu.memory_space<hbm>> -> memref<640x64xf32, #tpu.memory_space<hbm>>
    %dma_wait3A_99 = arith.constant 64 : i32
    %dma_wait3A_100 = tpu.memref_slice %arg16[%mul3A_2, %dma_wait3A_99] : memref<20480x128xf32, #tpu.memory_space<hbm>> -> memref<640x64xf32, #tpu.memory_space<hbm>>
    tpu.wait_dma2 semaphore(%arg29 : memref<!tpu.dma_semaphore, #tpu.memory_space<semaphore_mem>>) src(%arg22 : memref<640x64xf32, #tpu.memory_space<vmem>>) dst(%dma_wait3A_100 : memref<640x64xf32, #tpu.memory_space<hbm>>)
    %dma_wait3A_101 = arith.constant 64 : i32
    %dma_wait3A_102 = tpu.memref_slice %arg17[%mul3A_2, %dma_wait3A_101] : memref<20480x128xf32, #tpu.memory_space<hbm>> -> memref<640x64xf32, #tpu.memory_space<hbm>>
    %dma_wait3A_103 = arith.constant 64 : i32
    %dma_wait3A_104 = tpu.memref_slice %arg17[%mul3A_2, %dma_wait3A_103] : memref<20480x128xf32, #tpu.memory_space<hbm>> -> memref<640x64xf32, #tpu.memory_space<hbm>>
    tpu.wait_dma2 semaphore(%arg29 : memref<!tpu.dma_semaphore, #tpu.memory_space<semaphore_mem>>) src(%arg23 : memref<640x64xf32, #tpu.memory_space<vmem>>) dst(%dma_wait3A_104 : memref<640x64xf32, #tpu.memory_space<hbm>>)
    %dma_wait3A_105 = arith.constant 64 : i32
    %dma_wait3A_106 = tpu.memref_slice %arg18[%mul3A_2, %dma_wait3A_105] : memref<20480x128xf32, #tpu.memory_space<hbm>> -> memref<640x64xf32, #tpu.memory_space<hbm>>
    %dma_wait3A_107 = arith.constant 64 : i32
    %dma_wait3A_108 = tpu.memref_slice %arg18[%mul3A_2, %dma_wait3A_107] : memref<20480x128xf32, #tpu.memory_space<hbm>> -> memref<640x64xf32, #tpu.memory_space<hbm>>
    tpu.wait_dma2 semaphore(%arg29 : memref<!tpu.dma_semaphore, #tpu.memory_space<semaphore_mem>>) src(%arg24 : memref<640x64xf32, #tpu.memory_space<vmem>>) dst(%dma_wait3A_108 : memref<640x64xf32, #tpu.memory_space<hbm>>)
    return
  }
}

module attributes {stable_mosaic.version = 14 : i64} {
  func.func @body(%arg0: i32, %arg1: memref<1x8x1024xf32, #tpu.memory_space<vmem>>, %arg2: memref<1x512x128xf32, #tpu.memory_space<vmem>>, %arg3: memref<1x512x128xf32, #tpu.memory_space<vmem>>, %arg4: memref<1x512x128xf32, #tpu.memory_space<vmem>>, %arg5: memref<256x1xf32, #tpu.memory_space<vmem>>, %arg6: memref<256x1xf32, #tpu.memory_space<vmem>>, %arg7: memref<384x1xf32, #tpu.memory_space<vmem>>, %arg8: memref<384x1xf32, #tpu.memory_space<vmem>>, %arg9: memref<64x64xf32, #tpu.memory_space<vmem>>, %arg10: memref<1x448x1024xf32, #tpu.memory_space<vmem>>, %arg11: memref<1x384x1024xf32, #tpu.memory_space<vmem>>) attributes {dimension_semantics = [#tpu.dimension_semantics<arbitrary>], iteration_bounds = array<i64: 40>, scalar_prefetch = 0 : i64, scratch_operands = 0 : i64, tpu.core_type = #tpu.core_type<tc>, window_params = [{transform_indices = @transform_0, window_bounds = array<i64: 1, 8, 1024>}, {transform_indices = @transform_1, window_bounds = array<i64: 1, 512, 128>}, {transform_indices = @transform_2, window_bounds = array<i64: 1, 512, 128>}, {transform_indices = @transform_3, window_bounds = array<i64: 1, 512, 128>}, {pipeline_mode = #tpu.pipeline_mode<synchronous>, transform_indices = @transform_4, window_bounds = array<i64: 256, 1>}, {pipeline_mode = #tpu.pipeline_mode<synchronous>, transform_indices = @transform_5, window_bounds = array<i64: 256, 1>}, {pipeline_mode = #tpu.pipeline_mode<synchronous>, transform_indices = @transform_6, window_bounds = array<i64: 384, 1>}, {pipeline_mode = #tpu.pipeline_mode<synchronous>, transform_indices = @transform_7, window_bounds = array<i64: 384, 1>}, {pipeline_mode = #tpu.pipeline_mode<synchronous>, transform_indices = @transform_8, window_bounds = array<i64: 64, 64>}, {transform_indices = @transform_9, window_bounds = array<i64: 1, 448, 1024>}, {transform_indices = @transform_10, window_bounds = array<i64: 1, 384, 1024>}]} {
    %get3A = arith.constant 0 : index
    %get3A_0 = arith.constant 0 : index
    %get3A_1 = arith.constant 0 : index
    %get3A_2 = vector.load %arg1[%get3A, %get3A_0, %get3A_1] : memref<1x8x1024xf32, #tpu.memory_space<vmem>>, vector<1x8x1024xf32>
    %get3A_3 = vector.shape_cast %get3A_2 : vector<1x8x1024xf32> to vector<8x1024xf32>
    %slice3A = vector.extract_strided_slice %get3A_3 {offsets = [0, 0], sizes = [4, 1024], strides = [1, 1]} : vector<8x1024xf32> to vector<4x1024xf32>
    %broadcast_in_dim3A = vector.shape_cast %slice3A : vector<4x1024xf32> to vector<4x1x1024xf32>
    %broadcast_in_dim3A_4 = vector.shape_cast %broadcast_in_dim3A : vector<4x1x1024xf32> to vector<4x1x1024xf32>
    %broadcast_in_dim3A_5 = vector.broadcast %broadcast_in_dim3A_4 : vector<4x1x1024xf32> to vector<4x64x1024xf32>
    %reshape3A = vector.shape_cast %broadcast_in_dim3A_5 : vector<4x64x1024xf32> to vector<256x1024xf32>
    %get3A_6 = arith.constant 0 : index
    %get3A_7 = arith.constant 0 : index
    %get3A_8 = vector.load %arg5[%get3A_6, %get3A_7] : memref<256x1xf32, #tpu.memory_space<vmem>>, vector<256x1xf32>
    %mul3A = vector.broadcast %get3A_8 : vector<256x1xf32> to vector<256x1024xf32>
    %mul3A_9 = arith.mulf %reshape3A, %mul3A : vector<256x1024xf32>
    %get3A_10 = arith.constant 0 : index
    %get3A_11 = arith.constant 0 : index
    %get3A_12 = vector.load %arg6[%get3A_10, %get3A_11] : memref<256x1xf32, #tpu.memory_space<vmem>>, vector<256x1xf32>
    %add3A = vector.broadcast %get3A_12 : vector<256x1xf32> to vector<256x1024xf32>
    %add3A_13 = arith.addf %mul3A_9, %add3A : vector<256x1024xf32>
    %swap3A = arith.constant 0 : index
    %swap3A_14 = arith.constant 0 : index
    %swap3A_15 = arith.constant 0 : index
    %swap3A_16 = vector.load %arg10[%swap3A, %swap3A_14, %swap3A_15] : memref<1x448x1024xf32, #tpu.memory_space<vmem>>, vector<1x256x1024xf32>
    %swap3A_17 = vector.shape_cast %swap3A_16 : vector<1x256x1024xf32> to vector<256x1024xf32>
    %swap3A_18 = vector.shape_cast %add3A_13 : vector<256x1024xf32> to vector<1x256x1024xf32>
    tpu.vector_store %arg10[%swap3A, %swap3A_14, %swap3A_15], %swap3A_18 {strides = array<i32>} : memref<1x448x1024xf32, #tpu.memory_space<vmem>>, vector<1x256x1024xf32>,
    %get3A_19 = arith.constant 0 : index
    %get3A_20 = arith.constant 0 : index
    %get3A_21 = arith.constant 0 : index
    %get3A_22 = vector.load %arg2[%get3A_19, %get3A_20, %get3A_21] : memref<1x512x128xf32, #tpu.memory_space<vmem>>, vector<1x512x128xf32>
    %get3A_23 = vector.shape_cast %get3A_22 : vector<1x512x128xf32> to vector<512x128xf32>
    %get3A_24 = arith.constant 0 : index
    %get3A_25 = arith.constant 0 : index
    %get3A_26 = vector.load %arg9[%get3A_24, %get3A_25] : memref<64x64xf32, #tpu.memory_space<vmem>>, vector<64x64xf32>
    %slice3A_27 = vector.extract_strided_slice %get3A_23 {offsets = [0, 0], sizes = [512, 64], strides = [1, 1]} : vector<512x128xf32> to vector<512x64xf32>
    %dot_general3A = arith.constant dense<0.000000e+00> : vector<64x512xf32>
    %dot_general3A_28 = tpu.matmul %get3A_26, %slice3A_27, %dot_general3A {dimension_numbers = #tpu.dot_dimension_numbers<[1], [1], [0], [0], [0, 0, 1, 0], [], []>, transpose_lhs_hint = false} : vector<64x64xf32>, vector<512x64xf32>, vector<64x512xf32> -> vector<64x512xf32>
    %swap3A_29 = arith.constant 0 : index
    %swap3A_30 = arith.constant 256 : index
    %swap3A_31 = arith.constant 0 : index
    %swap3A_32 = vector.load %arg10[%swap3A_29, %swap3A_30, %swap3A_31] : memref<1x448x1024xf32, #tpu.memory_space<vmem>>, vector<1x64x512xf32>
    %swap3A_33 = vector.shape_cast %swap3A_32 : vector<1x64x512xf32> to vector<64x512xf32>
    %swap3A_34 = vector.shape_cast %dot_general3A_28 : vector<64x512xf32> to vector<1x64x512xf32>
    tpu.vector_store %arg10[%swap3A_29, %swap3A_30, %swap3A_31], %swap3A_34 {strides = array<i32>} : memref<1x448x1024xf32, #tpu.memory_space<vmem>>, vector<1x64x512xf32>,
    %get3A_35 = arith.constant 0 : index
    %get3A_36 = arith.constant 0 : index
    %get3A_37 = vector.load %arg9[%get3A_35, %get3A_36] : memref<64x64xf32, #tpu.memory_space<vmem>>, vector<64x64xf32>
    %slice3A_38 = vector.extract_strided_slice %get3A_23 {offsets = [0, 64], sizes = [512, 64], strides = [1, 1]} : vector<512x128xf32> to vector<512x64xf32>
    %dot_general3A_39 = arith.constant dense<0.000000e+00> : vector<64x512xf32>
    %dot_general3A_40 = tpu.matmul %get3A_37, %slice3A_38, %dot_general3A_39 {dimension_numbers = #tpu.dot_dimension_numbers<[1], [1], [0], [0], [0, 0, 1, 0], [], []>, transpose_lhs_hint = false} : vector<64x64xf32>, vector<512x64xf32>, vector<64x512xf32> -> vector<64x512xf32>
    %swap3A_41 = arith.constant 0 : index
    %swap3A_42 = arith.constant 256 : index
    %swap3A_43 = arith.constant 512 : index
    %swap3A_44 = vector.load %arg10[%swap3A_41, %swap3A_42, %swap3A_43] : memref<1x448x1024xf32, #tpu.memory_space<vmem>>, vector<1x64x512xf32>
    %swap3A_45 = vector.shape_cast %swap3A_44 : vector<1x64x512xf32> to vector<64x512xf32>
    %swap3A_46 = vector.shape_cast %dot_general3A_40 : vector<64x512xf32> to vector<1x64x512xf32>
    tpu.vector_store %arg10[%swap3A_41, %swap3A_42, %swap3A_43], %swap3A_46 {strides = array<i32>} : memref<1x448x1024xf32, #tpu.memory_space<vmem>>, vector<1x64x512xf32>,
    %get3A_47 = arith.constant 0 : index
    %get3A_48 = arith.constant 0 : index
    %get3A_49 = arith.constant 0 : index
    %get3A_50 = vector.load %arg3[%get3A_47, %get3A_48, %get3A_49] : memref<1x512x128xf32, #tpu.memory_space<vmem>>, vector<1x512x128xf32>
    %get3A_51 = vector.shape_cast %get3A_50 : vector<1x512x128xf32> to vector<512x128xf32>
    %get3A_52 = arith.constant 0 : index
    %get3A_53 = arith.constant 0 : index
    %get3A_54 = vector.load %arg9[%get3A_52, %get3A_53] : memref<64x64xf32, #tpu.memory_space<vmem>>, vector<64x64xf32>
    %slice3A_55 = vector.extract_strided_slice %get3A_51 {offsets = [0, 0], sizes = [512, 64], strides = [1, 1]} : vector<512x128xf32> to vector<512x64xf32>
    %dot_general3A_56 = arith.constant dense<0.000000e+00> : vector<64x512xf32>
    %dot_general3A_57 = tpu.matmul %get3A_54, %slice3A_55, %dot_general3A_56 {dimension_numbers = #tpu.dot_dimension_numbers<[1], [1], [0], [0], [0, 0, 1, 0], [], []>, transpose_lhs_hint = false} : vector<64x64xf32>, vector<512x64xf32>, vector<64x512xf32> -> vector<64x512xf32>
    %swap3A_58 = arith.constant 0 : index
    %swap3A_59 = arith.constant 320 : index
    %swap3A_60 = arith.constant 0 : index
    %swap3A_61 = vector.load %arg10[%swap3A_58, %swap3A_59, %swap3A_60] : memref<1x448x1024xf32, #tpu.memory_space<vmem>>, vector<1x64x512xf32>
    %swap3A_62 = vector.shape_cast %swap3A_61 : vector<1x64x512xf32> to vector<64x512xf32>
    %swap3A_63 = vector.shape_cast %dot_general3A_57 : vector<64x512xf32> to vector<1x64x512xf32>
    tpu.vector_store %arg10[%swap3A_58, %swap3A_59, %swap3A_60], %swap3A_63 {strides = array<i32>} : memref<1x448x1024xf32, #tpu.memory_space<vmem>>, vector<1x64x512xf32>,
    %get3A_64 = arith.constant 0 : index
    %get3A_65 = arith.constant 0 : index
    %get3A_66 = vector.load %arg9[%get3A_64, %get3A_65] : memref<64x64xf32, #tpu.memory_space<vmem>>, vector<64x64xf32>
    %slice3A_67 = vector.extract_strided_slice %get3A_51 {offsets = [0, 64], sizes = [512, 64], strides = [1, 1]} : vector<512x128xf32> to vector<512x64xf32>
    %dot_general3A_68 = arith.constant dense<0.000000e+00> : vector<64x512xf32>
    %dot_general3A_69 = tpu.matmul %get3A_66, %slice3A_67, %dot_general3A_68 {dimension_numbers = #tpu.dot_dimension_numbers<[1], [1], [0], [0], [0, 0, 1, 0], [], []>, transpose_lhs_hint = false} : vector<64x64xf32>, vector<512x64xf32>, vector<64x512xf32> -> vector<64x512xf32>
    %swap3A_70 = arith.constant 0 : index
    %swap3A_71 = arith.constant 320 : index
    %swap3A_72 = arith.constant 512 : index
    %swap3A_73 = vector.load %arg10[%swap3A_70, %swap3A_71, %swap3A_72] : memref<1x448x1024xf32, #tpu.memory_space<vmem>>, vector<1x64x512xf32>
    %swap3A_74 = vector.shape_cast %swap3A_73 : vector<1x64x512xf32> to vector<64x512xf32>
    %swap3A_75 = vector.shape_cast %dot_general3A_69 : vector<64x512xf32> to vector<1x64x512xf32>
    tpu.vector_store %arg10[%swap3A_70, %swap3A_71, %swap3A_72], %swap3A_75 {strides = array<i32>} : memref<1x448x1024xf32, #tpu.memory_space<vmem>>, vector<1x64x512xf32>,
    %get3A_76 = arith.constant 0 : index
    %get3A_77 = arith.constant 0 : index
    %get3A_78 = arith.constant 0 : index
    %get3A_79 = vector.load %arg4[%get3A_76, %get3A_77, %get3A_78] : memref<1x512x128xf32, #tpu.memory_space<vmem>>, vector<1x512x128xf32>
    %get3A_80 = vector.shape_cast %get3A_79 : vector<1x512x128xf32> to vector<512x128xf32>
    %get3A_81 = arith.constant 0 : index
    %get3A_82 = arith.constant 0 : index
    %get3A_83 = vector.load %arg9[%get3A_81, %get3A_82] : memref<64x64xf32, #tpu.memory_space<vmem>>, vector<64x64xf32>
    %slice3A_84 = vector.extract_strided_slice %get3A_80 {offsets = [0, 0], sizes = [512, 64], strides = [1, 1]} : vector<512x128xf32> to vector<512x64xf32>
    %dot_general3A_85 = arith.constant dense<0.000000e+00> : vector<64x512xf32>
    %dot_general3A_86 = tpu.matmul %get3A_83, %slice3A_84, %dot_general3A_85 {dimension_numbers = #tpu.dot_dimension_numbers<[1], [1], [0], [0], [0, 0, 1, 0], [], []>, transpose_lhs_hint = false} : vector<64x64xf32>, vector<512x64xf32>, vector<64x512xf32> -> vector<64x512xf32>
    %swap3A_87 = arith.constant 0 : index
    %swap3A_88 = arith.constant 384 : index
    %swap3A_89 = arith.constant 0 : index
    %swap3A_90 = vector.load %arg10[%swap3A_87, %swap3A_88, %swap3A_89] : memref<1x448x1024xf32, #tpu.memory_space<vmem>>, vector<1x64x512xf32>
    %swap3A_91 = vector.shape_cast %swap3A_90 : vector<1x64x512xf32> to vector<64x512xf32>
    %swap3A_92 = vector.shape_cast %dot_general3A_86 : vector<64x512xf32> to vector<1x64x512xf32>
    tpu.vector_store %arg10[%swap3A_87, %swap3A_88, %swap3A_89], %swap3A_92 {strides = array<i32>} : memref<1x448x1024xf32, #tpu.memory_space<vmem>>, vector<1x64x512xf32>,
    %get3A_93 = arith.constant 0 : index
    %get3A_94 = arith.constant 0 : index
    %get3A_95 = vector.load %arg9[%get3A_93, %get3A_94] : memref<64x64xf32, #tpu.memory_space<vmem>>, vector<64x64xf32>
    %slice3A_96 = vector.extract_strided_slice %get3A_80 {offsets = [0, 64], sizes = [512, 64], strides = [1, 1]} : vector<512x128xf32> to vector<512x64xf32>
    %dot_general3A_97 = arith.constant dense<0.000000e+00> : vector<64x512xf32>
    %dot_general3A_98 = tpu.matmul %get3A_95, %slice3A_96, %dot_general3A_97 {dimension_numbers = #tpu.dot_dimension_numbers<[1], [1], [0], [0], [0, 0, 1, 0], [], []>, transpose_lhs_hint = false} : vector<64x64xf32>, vector<512x64xf32>, vector<64x512xf32> -> vector<64x512xf32>
    %swap3A_99 = arith.constant 0 : index
    %swap3A_100 = arith.constant 384 : index
    %swap3A_101 = arith.constant 512 : index
    %swap3A_102 = vector.load %arg10[%swap3A_99, %swap3A_100, %swap3A_101] : memref<1x448x1024xf32, #tpu.memory_space<vmem>>, vector<1x64x512xf32>
    %swap3A_103 = vector.shape_cast %swap3A_102 : vector<1x64x512xf32> to vector<64x512xf32>
    %swap3A_104 = vector.shape_cast %dot_general3A_98 : vector<64x512xf32> to vector<1x64x512xf32>
    tpu.vector_store %arg10[%swap3A_99, %swap3A_100, %swap3A_101], %swap3A_104 {strides = array<i32>} : memref<1x448x1024xf32, #tpu.memory_space<vmem>>, vector<1x64x512xf32>,
    %slice3A_105 = vector.extract_strided_slice %get3A_3 {offsets = [0, 0], sizes = [6, 1024], strides = [1, 1]} : vector<8x1024xf32> to vector<6x1024xf32>
    %broadcast_in_dim3A_106 = vector.shape_cast %slice3A_105 : vector<6x1024xf32> to vector<6x1x1024xf32>
    %broadcast_in_dim3A_107 = vector.shape_cast %broadcast_in_dim3A_106 : vector<6x1x1024xf32> to vector<6x1x1024xf32>
    %broadcast_in_dim3A_108 = vector.broadcast %broadcast_in_dim3A_107 : vector<6x1x1024xf32> to vector<6x64x1024xf32>
    %reshape3A_109 = vector.shape_cast %broadcast_in_dim3A_108 : vector<6x64x1024xf32> to vector<384x1024xf32>
    %get3A_110 = arith.constant 0 : index
    %get3A_111 = arith.constant 0 : index
    %get3A_112 = vector.load %arg7[%get3A_110, %get3A_111] : memref<384x1xf32, #tpu.memory_space<vmem>>, vector<384x1xf32>
    %mul3A_113 = vector.broadcast %get3A_112 : vector<384x1xf32> to vector<384x1024xf32>
    %mul3A_114 = arith.mulf %reshape3A_109, %mul3A_113 : vector<384x1024xf32>
    %get3A_115 = arith.constant 0 : index
    %get3A_116 = arith.constant 0 : index
    %get3A_117 = vector.load %arg8[%get3A_115, %get3A_116] : memref<384x1xf32, #tpu.memory_space<vmem>>, vector<384x1xf32>
    %add3A_118 = vector.broadcast %get3A_117 : vector<384x1xf32> to vector<384x1024xf32>
    %add3A_119 = arith.addf %mul3A_114, %add3A_118 : vector<384x1024xf32>
    %swap3A_120 = arith.constant 0 : index
    %swap3A_121 = arith.constant 0 : index
    %swap3A_122 = arith.constant 0 : index
    %swap3A_123 = vector.load %arg11[%swap3A_120, %swap3A_121, %swap3A_122] : memref<1x384x1024xf32, #tpu.memory_space<vmem>>, vector<1x384x1024xf32>
    %swap3A_124 = vector.shape_cast %swap3A_123 : vector<1x384x1024xf32> to vector<384x1024xf32>
    %swap3A_125 = vector.shape_cast %add3A_119 : vector<384x1024xf32> to vector<1x384x1024xf32>
    tpu.vector_store %arg11[%swap3A_120, %swap3A_121, %swap3A_122], %swap3A_125 {strides = array<i32>} : memref<1x384x1024xf32, #tpu.memory_space<vmem>>, vector<1x384x1024xf32>,
    return
  }
  func.func @transform_0(%arg0: i32) -> (i32, i32, i32) {
    %add3A = arith.constant 0 : i32
    %add3A_0 = arith.addi %add3A, %arg0 : i32
    %c0_i32 = arith.constant 0 : i32
    %c0_i32_1 = arith.constant 0 : i32
    %c0_i32_2 = arith.constant 0 : i32
    return %add3A_0, %c0_i32, %c0_i32_1 : i32, i32, i32
  }
  func.func @transform_1(%arg0: i32) -> (i32, i32, i32) {
    %c0_i32 = arith.constant 0 : i32
    %c0_i32_0 = arith.constant 0 : i32
    %c0_i32_1 = arith.constant 0 : i32
    return %arg0, %c0_i32, %c0_i32_0 : i32, i32, i32
  }
  func.func @transform_2(%arg0: i32) -> (i32, i32, i32) {
    %c0_i32 = arith.constant 0 : i32
    %c0_i32_0 = arith.constant 0 : i32
    %c0_i32_1 = arith.constant 0 : i32
    return %arg0, %c0_i32, %c0_i32_0 : i32, i32, i32
  }
  func.func @transform_3(%arg0: i32) -> (i32, i32, i32) {
    %c0_i32 = arith.constant 0 : i32
    %c0_i32_0 = arith.constant 0 : i32
    %c0_i32_1 = arith.constant 0 : i32
    return %arg0, %c0_i32, %c0_i32_0 : i32, i32, i32
  }
  func.func @transform_4(%arg0: i32) -> (i32, i32) {
    %c0_i32 = arith.constant 0 : i32
    %c0_i32_0 = arith.constant 0 : i32
    %c0_i32_1 = arith.constant 0 : i32
    return %c0_i32, %c0_i32_0 : i32, i32
  }
  func.func @transform_5(%arg0: i32) -> (i32, i32) {
    %c0_i32 = arith.constant 0 : i32
    %c0_i32_0 = arith.constant 0 : i32
    %c0_i32_1 = arith.constant 0 : i32
    return %c0_i32, %c0_i32_0 : i32, i32
  }
  func.func @transform_6(%arg0: i32) -> (i32, i32) {
    %c0_i32 = arith.constant 0 : i32
    %c0_i32_0 = arith.constant 0 : i32
    %c0_i32_1 = arith.constant 0 : i32
    return %c0_i32, %c0_i32_0 : i32, i32
  }
  func.func @transform_7(%arg0: i32) -> (i32, i32) {
    %c0_i32 = arith.constant 0 : i32
    %c0_i32_0 = arith.constant 0 : i32
    %c0_i32_1 = arith.constant 0 : i32
    return %c0_i32, %c0_i32_0 : i32, i32
  }
  func.func @transform_8(%arg0: i32) -> (i32, i32) {
    %c0_i32 = arith.constant 0 : i32
    %c0_i32_0 = arith.constant 0 : i32
    %c0_i32_1 = arith.constant 0 : i32
    return %c0_i32, %c0_i32_0 : i32, i32
  }
  func.func @transform_9(%arg0: i32) -> (i32, i32, i32) {
    %add3A = arith.constant 0 : i32
    %add3A_0 = arith.addi %add3A, %arg0 : i32
    %c0_i32 = arith.constant 0 : i32
    %c0_i32_1 = arith.constant 0 : i32
    %c0_i32_2 = arith.constant 0 : i32
    return %add3A_0, %c0_i32, %c0_i32_1 : i32, i32, i32
  }
  func.func @transform_10(%arg0: i32) -> (i32, i32, i32) {
    %add3A = arith.constant 0 : i32
    %add3A_0 = arith.addi %add3A, %arg0 : i32
    %c0_i32 = arith.constant 0 : i32
    %c0_i32_1 = arith.constant 0 : i32
    %c0_i32_2 = arith.constant 0 : i32
    return %add3A_0, %c0_i32, %c0_i32_1 : i32, i32, i32
  }
}

module attributes {stable_mosaic.version = 14 : i64} {
  func.func @body(%arg0: i32, %arg1: memref<200x448x1024xf32, #tpu.memory_space<hbm>>, %arg2: memref<200x384x1024xf32, #tpu.memory_space<hbm>>, %arg3: memref<1x8x1024xf32, #tpu.memory_space<vmem>>, %arg4: memref<1x512x128xf32, #tpu.memory_space<vmem>>, %arg5: memref<1x512x128xf32, #tpu.memory_space<vmem>>, %arg6: memref<1x512x128xf32, #tpu.memory_space<vmem>>, %arg7: memref<256x1xf32, #tpu.memory_space<vmem>>, %arg8: memref<256x1xf32, #tpu.memory_space<vmem>>, %arg9: memref<384x1xf32, #tpu.memory_space<vmem>>, %arg10: memref<384x1xf32, #tpu.memory_space<vmem>>, %arg11: memref<64x64xf32, #tpu.memory_space<vmem>>, %arg12: memref<1x448x1024xf32, #tpu.memory_space<vmem>>, %arg13: memref<1x384x1024xf32, #tpu.memory_space<vmem>>) attributes {dimension_semantics = [#tpu.dimension_semantics<arbitrary>], iteration_bounds = array<i64: 40>, scalar_prefetch = 0 : i64, scratch_operands = 0 : i64, tpu.core_type = #tpu.core_type<tc>, window_params = [{}, {}, {transform_indices = @transform_2, window_bounds = array<i64: 1, 8, 1024>}, {transform_indices = @transform_3, window_bounds = array<i64: 1, 512, 128>}, {transform_indices = @transform_4, window_bounds = array<i64: 1, 512, 128>}, {transform_indices = @transform_5, window_bounds = array<i64: 1, 512, 128>}, {pipeline_mode = #tpu.pipeline_mode<synchronous>, transform_indices = @transform_6, window_bounds = array<i64: 256, 1>}, {pipeline_mode = #tpu.pipeline_mode<synchronous>, transform_indices = @transform_7, window_bounds = array<i64: 256, 1>}, {pipeline_mode = #tpu.pipeline_mode<synchronous>, transform_indices = @transform_8, window_bounds = array<i64: 384, 1>}, {pipeline_mode = #tpu.pipeline_mode<synchronous>, transform_indices = @transform_9, window_bounds = array<i64: 384, 1>}, {pipeline_mode = #tpu.pipeline_mode<synchronous>, transform_indices = @transform_10, window_bounds = array<i64: 64, 64>}, {transform_indices = @transform_11, window_bounds = array<i64: 1, 448, 1024>}, {transform_indices = @transform_12, window_bounds = array<i64: 1, 384, 1024>}]} {
    %get3A = arith.constant 0 : index
    %get3A_0 = arith.constant 0 : index
    %get3A_1 = arith.constant 0 : index
    %get3A_2 = vector.load %arg3[%get3A, %get3A_0, %get3A_1] : memref<1x8x1024xf32, #tpu.memory_space<vmem>>, vector<1x8x1024xf32>
    %get3A_3 = vector.shape_cast %get3A_2 : vector<1x8x1024xf32> to vector<8x1024xf32>
    %slice3A = vector.extract_strided_slice %get3A_3 {offsets = [0, 0], sizes = [4, 1024], strides = [1, 1]} : vector<8x1024xf32> to vector<4x1024xf32>
    %broadcast_in_dim3A = vector.shape_cast %slice3A : vector<4x1024xf32> to vector<4x1x1024xf32>
    %broadcast_in_dim3A_4 = vector.shape_cast %broadcast_in_dim3A : vector<4x1x1024xf32> to vector<4x1x1024xf32>
    %broadcast_in_dim3A_5 = vector.broadcast %broadcast_in_dim3A_4 : vector<4x1x1024xf32> to vector<4x64x1024xf32>
    %reshape3A = vector.shape_cast %broadcast_in_dim3A_5 : vector<4x64x1024xf32> to vector<256x1024xf32>
    %get3A_6 = arith.constant 0 : index
    %get3A_7 = arith.constant 0 : index
    %get3A_8 = vector.load %arg7[%get3A_6, %get3A_7] : memref<256x1xf32, #tpu.memory_space<vmem>>, vector<256x1xf32>
    %mul3A = vector.broadcast %get3A_8 : vector<256x1xf32> to vector<256x1024xf32>
    %mul3A_9 = arith.mulf %reshape3A, %mul3A : vector<256x1024xf32>
    %get3A_10 = arith.constant 0 : index
    %get3A_11 = arith.constant 0 : index
    %get3A_12 = vector.load %arg8[%get3A_10, %get3A_11] : memref<256x1xf32, #tpu.memory_space<vmem>>, vector<256x1xf32>
    %add3A = vector.broadcast %get3A_12 : vector<256x1xf32> to vector<256x1024xf32>
    %add3A_13 = arith.addf %mul3A_9, %add3A : vector<256x1024xf32>
    %swap3A = arith.constant 0 : index
    %swap3A_14 = arith.constant 0 : index
    %swap3A_15 = arith.constant 0 : index
    %swap3A_16 = vector.load %arg12[%swap3A, %swap3A_14, %swap3A_15] : memref<1x448x1024xf32, #tpu.memory_space<vmem>>, vector<1x256x1024xf32>
    %swap3A_17 = vector.shape_cast %swap3A_16 : vector<1x256x1024xf32> to vector<256x1024xf32>
    %swap3A_18 = vector.shape_cast %add3A_13 : vector<256x1024xf32> to vector<1x256x1024xf32>
    tpu.vector_store %arg12[%swap3A, %swap3A_14, %swap3A_15], %swap3A_18 {strides = array<i32>} : memref<1x448x1024xf32, #tpu.memory_space<vmem>>, vector<1x256x1024xf32>,
    %get3A_19 = arith.constant 0 : index
    %get3A_20 = arith.constant 0 : index
    %get3A_21 = arith.constant 0 : index
    %get3A_22 = vector.load %arg4[%get3A_19, %get3A_20, %get3A_21] : memref<1x512x128xf32, #tpu.memory_space<vmem>>, vector<1x512x128xf32>
    %get3A_23 = vector.shape_cast %get3A_22 : vector<1x512x128xf32> to vector<512x128xf32>
    %get3A_24 = arith.constant 0 : index
    %get3A_25 = arith.constant 0 : index
    %get3A_26 = vector.load %arg11[%get3A_24, %get3A_25] : memref<64x64xf32, #tpu.memory_space<vmem>>, vector<64x64xf32>
    %slice3A_27 = vector.extract_strided_slice %get3A_23 {offsets = [0, 0], sizes = [512, 64], strides = [1, 1]} : vector<512x128xf32> to vector<512x64xf32>
    %dot_general3A = arith.constant dense<0.000000e+00> : vector<64x512xf32>
    %dot_general3A_28 = tpu.matmul %get3A_26, %slice3A_27, %dot_general3A {dimension_numbers = #tpu.dot_dimension_numbers<[1], [1], [0], [0], [0, 0, 1, 0], [], []>, transpose_lhs_hint = false} : vector<64x64xf32>, vector<512x64xf32>, vector<64x512xf32> -> vector<64x512xf32>
    %swap3A_29 = arith.constant 0 : index
    %swap3A_30 = arith.constant 256 : index
    %swap3A_31 = arith.constant 0 : index
    %swap3A_32 = vector.load %arg12[%swap3A_29, %swap3A_30, %swap3A_31] : memref<1x448x1024xf32, #tpu.memory_space<vmem>>, vector<1x64x512xf32>
    %swap3A_33 = vector.shape_cast %swap3A_32 : vector<1x64x512xf32> to vector<64x512xf32>
    %swap3A_34 = vector.shape_cast %dot_general3A_28 : vector<64x512xf32> to vector<1x64x512xf32>
    tpu.vector_store %arg12[%swap3A_29, %swap3A_30, %swap3A_31], %swap3A_34 {strides = array<i32>} : memref<1x448x1024xf32, #tpu.memory_space<vmem>>, vector<1x64x512xf32>,
    %get3A_35 = arith.constant 0 : index
    %get3A_36 = arith.constant 0 : index
    %get3A_37 = vector.load %arg11[%get3A_35, %get3A_36] : memref<64x64xf32, #tpu.memory_space<vmem>>, vector<64x64xf32>
    %slice3A_38 = vector.extract_strided_slice %get3A_23 {offsets = [0, 64], sizes = [512, 64], strides = [1, 1]} : vector<512x128xf32> to vector<512x64xf32>
    %dot_general3A_39 = arith.constant dense<0.000000e+00> : vector<64x512xf32>
    %dot_general3A_40 = tpu.matmul %get3A_37, %slice3A_38, %dot_general3A_39 {dimension_numbers = #tpu.dot_dimension_numbers<[1], [1], [0], [0], [0, 0, 1, 0], [], []>, transpose_lhs_hint = false} : vector<64x64xf32>, vector<512x64xf32>, vector<64x512xf32> -> vector<64x512xf32>
    %swap3A_41 = arith.constant 0 : index
    %swap3A_42 = arith.constant 256 : index
    %swap3A_43 = arith.constant 512 : index
    %swap3A_44 = vector.load %arg12[%swap3A_41, %swap3A_42, %swap3A_43] : memref<1x448x1024xf32, #tpu.memory_space<vmem>>, vector<1x64x512xf32>
    %swap3A_45 = vector.shape_cast %swap3A_44 : vector<1x64x512xf32> to vector<64x512xf32>
    %swap3A_46 = vector.shape_cast %dot_general3A_40 : vector<64x512xf32> to vector<1x64x512xf32>
    tpu.vector_store %arg12[%swap3A_41, %swap3A_42, %swap3A_43], %swap3A_46 {strides = array<i32>} : memref<1x448x1024xf32, #tpu.memory_space<vmem>>, vector<1x64x512xf32>,
    %get3A_47 = arith.constant 0 : index
    %get3A_48 = arith.constant 0 : index
    %get3A_49 = arith.constant 0 : index
    %get3A_50 = vector.load %arg5[%get3A_47, %get3A_48, %get3A_49] : memref<1x512x128xf32, #tpu.memory_space<vmem>>, vector<1x512x128xf32>
    %get3A_51 = vector.shape_cast %get3A_50 : vector<1x512x128xf32> to vector<512x128xf32>
    %get3A_52 = arith.constant 0 : index
    %get3A_53 = arith.constant 0 : index
    %get3A_54 = vector.load %arg11[%get3A_52, %get3A_53] : memref<64x64xf32, #tpu.memory_space<vmem>>, vector<64x64xf32>
    %slice3A_55 = vector.extract_strided_slice %get3A_51 {offsets = [0, 0], sizes = [512, 64], strides = [1, 1]} : vector<512x128xf32> to vector<512x64xf32>
    %dot_general3A_56 = arith.constant dense<0.000000e+00> : vector<64x512xf32>
    %dot_general3A_57 = tpu.matmul %get3A_54, %slice3A_55, %dot_general3A_56 {dimension_numbers = #tpu.dot_dimension_numbers<[1], [1], [0], [0], [0, 0, 1, 0], [], []>, transpose_lhs_hint = false} : vector<64x64xf32>, vector<512x64xf32>, vector<64x512xf32> -> vector<64x512xf32>
    %swap3A_58 = arith.constant 0 : index
    %swap3A_59 = arith.constant 320 : index
    %swap3A_60 = arith.constant 0 : index
    %swap3A_61 = vector.load %arg12[%swap3A_58, %swap3A_59, %swap3A_60] : memref<1x448x1024xf32, #tpu.memory_space<vmem>>, vector<1x64x512xf32>
    %swap3A_62 = vector.shape_cast %swap3A_61 : vector<1x64x512xf32> to vector<64x512xf32>
    %swap3A_63 = vector.shape_cast %dot_general3A_57 : vector<64x512xf32> to vector<1x64x512xf32>
    tpu.vector_store %arg12[%swap3A_58, %swap3A_59, %swap3A_60], %swap3A_63 {strides = array<i32>} : memref<1x448x1024xf32, #tpu.memory_space<vmem>>, vector<1x64x512xf32>,
    %get3A_64 = arith.constant 0 : index
    %get3A_65 = arith.constant 0 : index
    %get3A_66 = vector.load %arg11[%get3A_64, %get3A_65] : memref<64x64xf32, #tpu.memory_space<vmem>>, vector<64x64xf32>
    %slice3A_67 = vector.extract_strided_slice %get3A_51 {offsets = [0, 64], sizes = [512, 64], strides = [1, 1]} : vector<512x128xf32> to vector<512x64xf32>
    %dot_general3A_68 = arith.constant dense<0.000000e+00> : vector<64x512xf32>
    %dot_general3A_69 = tpu.matmul %get3A_66, %slice3A_67, %dot_general3A_68 {dimension_numbers = #tpu.dot_dimension_numbers<[1], [1], [0], [0], [0, 0, 1, 0], [], []>, transpose_lhs_hint = false} : vector<64x64xf32>, vector<512x64xf32>, vector<64x512xf32> -> vector<64x512xf32>
    %swap3A_70 = arith.constant 0 : index
    %swap3A_71 = arith.constant 320 : index
    %swap3A_72 = arith.constant 512 : index
    %swap3A_73 = vector.load %arg12[%swap3A_70, %swap3A_71, %swap3A_72] : memref<1x448x1024xf32, #tpu.memory_space<vmem>>, vector<1x64x512xf32>
    %swap3A_74 = vector.shape_cast %swap3A_73 : vector<1x64x512xf32> to vector<64x512xf32>
    %swap3A_75 = vector.shape_cast %dot_general3A_69 : vector<64x512xf32> to vector<1x64x512xf32>
    tpu.vector_store %arg12[%swap3A_70, %swap3A_71, %swap3A_72], %swap3A_75 {strides = array<i32>} : memref<1x448x1024xf32, #tpu.memory_space<vmem>>, vector<1x64x512xf32>,
    %get3A_76 = arith.constant 0 : index
    %get3A_77 = arith.constant 0 : index
    %get3A_78 = arith.constant 0 : index
    %get3A_79 = vector.load %arg6[%get3A_76, %get3A_77, %get3A_78] : memref<1x512x128xf32, #tpu.memory_space<vmem>>, vector<1x512x128xf32>
    %get3A_80 = vector.shape_cast %get3A_79 : vector<1x512x128xf32> to vector<512x128xf32>
    %get3A_81 = arith.constant 0 : index
    %get3A_82 = arith.constant 0 : index
    %get3A_83 = vector.load %arg11[%get3A_81, %get3A_82] : memref<64x64xf32, #tpu.memory_space<vmem>>, vector<64x64xf32>
    %slice3A_84 = vector.extract_strided_slice %get3A_80 {offsets = [0, 0], sizes = [512, 64], strides = [1, 1]} : vector<512x128xf32> to vector<512x64xf32>
    %dot_general3A_85 = arith.constant dense<0.000000e+00> : vector<64x512xf32>
    %dot_general3A_86 = tpu.matmul %get3A_83, %slice3A_84, %dot_general3A_85 {dimension_numbers = #tpu.dot_dimension_numbers<[1], [1], [0], [0], [0, 0, 1, 0], [], []>, transpose_lhs_hint = false} : vector<64x64xf32>, vector<512x64xf32>, vector<64x512xf32> -> vector<64x512xf32>
    %swap3A_87 = arith.constant 0 : index
    %swap3A_88 = arith.constant 384 : index
    %swap3A_89 = arith.constant 0 : index
    %swap3A_90 = vector.load %arg12[%swap3A_87, %swap3A_88, %swap3A_89] : memref<1x448x1024xf32, #tpu.memory_space<vmem>>, vector<1x64x512xf32>
    %swap3A_91 = vector.shape_cast %swap3A_90 : vector<1x64x512xf32> to vector<64x512xf32>
    %swap3A_92 = vector.shape_cast %dot_general3A_86 : vector<64x512xf32> to vector<1x64x512xf32>
    tpu.vector_store %arg12[%swap3A_87, %swap3A_88, %swap3A_89], %swap3A_92 {strides = array<i32>} : memref<1x448x1024xf32, #tpu.memory_space<vmem>>, vector<1x64x512xf32>,
    %get3A_93 = arith.constant 0 : index
    %get3A_94 = arith.constant 0 : index
    %get3A_95 = vector.load %arg11[%get3A_93, %get3A_94] : memref<64x64xf32, #tpu.memory_space<vmem>>, vector<64x64xf32>
    %slice3A_96 = vector.extract_strided_slice %get3A_80 {offsets = [0, 64], sizes = [512, 64], strides = [1, 1]} : vector<512x128xf32> to vector<512x64xf32>
    %dot_general3A_97 = arith.constant dense<0.000000e+00> : vector<64x512xf32>
    %dot_general3A_98 = tpu.matmul %get3A_95, %slice3A_96, %dot_general3A_97 {dimension_numbers = #tpu.dot_dimension_numbers<[1], [1], [0], [0], [0, 0, 1, 0], [], []>, transpose_lhs_hint = false} : vector<64x64xf32>, vector<512x64xf32>, vector<64x512xf32> -> vector<64x512xf32>
    %swap3A_99 = arith.constant 0 : index
    %swap3A_100 = arith.constant 384 : index
    %swap3A_101 = arith.constant 512 : index
    %swap3A_102 = vector.load %arg12[%swap3A_99, %swap3A_100, %swap3A_101] : memref<1x448x1024xf32, #tpu.memory_space<vmem>>, vector<1x64x512xf32>
    %swap3A_103 = vector.shape_cast %swap3A_102 : vector<1x64x512xf32> to vector<64x512xf32>
    %swap3A_104 = vector.shape_cast %dot_general3A_98 : vector<64x512xf32> to vector<1x64x512xf32>
    tpu.vector_store %arg12[%swap3A_99, %swap3A_100, %swap3A_101], %swap3A_104 {strides = array<i32>} : memref<1x448x1024xf32, #tpu.memory_space<vmem>>, vector<1x64x512xf32>,
    %slice3A_105 = vector.extract_strided_slice %get3A_3 {offsets = [0, 0], sizes = [6, 1024], strides = [1, 1]} : vector<8x1024xf32> to vector<6x1024xf32>
    %broadcast_in_dim3A_106 = vector.shape_cast %slice3A_105 : vector<6x1024xf32> to vector<6x1x1024xf32>
    %broadcast_in_dim3A_107 = vector.shape_cast %broadcast_in_dim3A_106 : vector<6x1x1024xf32> to vector<6x1x1024xf32>
    %broadcast_in_dim3A_108 = vector.broadcast %broadcast_in_dim3A_107 : vector<6x1x1024xf32> to vector<6x64x1024xf32>
    %reshape3A_109 = vector.shape_cast %broadcast_in_dim3A_108 : vector<6x64x1024xf32> to vector<384x1024xf32>
    %get3A_110 = arith.constant 0 : index
    %get3A_111 = arith.constant 0 : index
    %get3A_112 = vector.load %arg9[%get3A_110, %get3A_111] : memref<384x1xf32, #tpu.memory_space<vmem>>, vector<384x1xf32>
    %mul3A_113 = vector.broadcast %get3A_112 : vector<384x1xf32> to vector<384x1024xf32>
    %mul3A_114 = arith.mulf %reshape3A_109, %mul3A_113 : vector<384x1024xf32>
    %get3A_115 = arith.constant 0 : index
    %get3A_116 = arith.constant 0 : index
    %get3A_117 = vector.load %arg10[%get3A_115, %get3A_116] : memref<384x1xf32, #tpu.memory_space<vmem>>, vector<384x1xf32>
    %add3A_118 = vector.broadcast %get3A_117 : vector<384x1xf32> to vector<384x1024xf32>
    %add3A_119 = arith.addf %mul3A_114, %add3A_118 : vector<384x1024xf32>
    %swap3A_120 = arith.constant 0 : index
    %swap3A_121 = arith.constant 0 : index
    %swap3A_122 = arith.constant 0 : index
    %swap3A_123 = vector.load %arg13[%swap3A_120, %swap3A_121, %swap3A_122] : memref<1x384x1024xf32, #tpu.memory_space<vmem>>, vector<1x384x1024xf32>
    %swap3A_124 = vector.shape_cast %swap3A_123 : vector<1x384x1024xf32> to vector<384x1024xf32>
    %swap3A_125 = vector.shape_cast %add3A_119 : vector<384x1024xf32> to vector<1x384x1024xf32>
    tpu.vector_store %arg13[%swap3A_120, %swap3A_121, %swap3A_122], %swap3A_125 {strides = array<i32>} : memref<1x384x1024xf32, #tpu.memory_space<vmem>>, vector<1x384x1024xf32>,
    return
  }
  func.func @transform_2(%arg0: i32) -> (i32, i32, i32) {
    %add3A = arith.constant 40 : i32
    %add3A_0 = arith.addi %add3A, %arg0 : i32
    %c0_i32 = arith.constant 0 : i32
    %c0_i32_1 = arith.constant 0 : i32
    %c0_i32_2 = arith.constant 0 : i32
    return %add3A_0, %c0_i32, %c0_i32_1 : i32, i32, i32
  }
  func.func @transform_3(%arg0: i32) -> (i32, i32, i32) {
    %c0_i32 = arith.constant 0 : i32
    %c0_i32_0 = arith.constant 0 : i32
    %c0_i32_1 = arith.constant 0 : i32
    return %arg0, %c0_i32, %c0_i32_0 : i32, i32, i32
  }
  func.func @transform_4(%arg0: i32) -> (i32, i32, i32) {
    %c0_i32 = arith.constant 0 : i32
    %c0_i32_0 = arith.constant 0 : i32
    %c0_i32_1 = arith.constant 0 : i32
    return %arg0, %c0_i32, %c0_i32_0 : i32, i32, i32
  }
  func.func @transform_5(%arg0: i32) -> (i32, i32, i32) {
    %c0_i32 = arith.constant 0 : i32
    %c0_i32_0 = arith.constant 0 : i32
    %c0_i32_1 = arith.constant 0 : i32
    return %arg0, %c0_i32, %c0_i32_0 : i32, i32, i32
  }
  func.func @transform_6(%arg0: i32) -> (i32, i32) {
    %c0_i32 = arith.constant 0 : i32
    %c0_i32_0 = arith.constant 0 : i32
    %c0_i32_1 = arith.constant 0 : i32
    return %c0_i32, %c0_i32_0 : i32, i32
  }
  func.func @transform_7(%arg0: i32) -> (i32, i32) {
    %c0_i32 = arith.constant 0 : i32
    %c0_i32_0 = arith.constant 0 : i32
    %c0_i32_1 = arith.constant 0 : i32
    return %c0_i32, %c0_i32_0 : i32, i32
  }
  func.func @transform_8(%arg0: i32) -> (i32, i32) {
    %c0_i32 = arith.constant 0 : i32
    %c0_i32_0 = arith.constant 0 : i32
    %c0_i32_1 = arith.constant 0 : i32
    return %c0_i32, %c0_i32_0 : i32, i32
  }
  func.func @transform_9(%arg0: i32) -> (i32, i32) {
    %c0_i32 = arith.constant 0 : i32
    %c0_i32_0 = arith.constant 0 : i32
    %c0_i32_1 = arith.constant 0 : i32
    return %c0_i32, %c0_i32_0 : i32, i32
  }
  func.func @transform_10(%arg0: i32) -> (i32, i32) {
    %c0_i32 = arith.constant 0 : i32
    %c0_i32_0 = arith.constant 0 : i32
    %c0_i32_1 = arith.constant 0 : i32
    return %c0_i32, %c0_i32_0 : i32, i32
  }
  func.func @transform_11(%arg0: i32) -> (i32, i32, i32) {
    %add3A = arith.constant 40 : i32
    %add3A_0 = arith.addi %add3A, %arg0 : i32
    %c0_i32 = arith.constant 0 : i32
    %c0_i32_1 = arith.constant 0 : i32
    %c0_i32_2 = arith.constant 0 : i32
    return %add3A_0, %c0_i32, %c0_i32_1 : i32, i32, i32
  }
  func.func @transform_12(%arg0: i32) -> (i32, i32, i32) {
    %add3A = arith.constant 40 : i32
    %add3A_0 = arith.addi %add3A, %arg0 : i32
    %c0_i32 = arith.constant 0 : i32
    %c0_i32_1 = arith.constant 0 : i32
    %c0_i32_2 = arith.constant 0 : i32
    return %add3A_0, %c0_i32, %c0_i32_1 : i32, i32, i32
  }
}

module attributes {stable_mosaic.version = 14 : i64} {
  func.func @body(%arg0: i32, %arg1: memref<200x448x1024xf32, #tpu.memory_space<hbm>>, %arg2: memref<200x384x1024xf32, #tpu.memory_space<hbm>>, %arg3: memref<1x8x1024xf32, #tpu.memory_space<vmem>>, %arg4: memref<1x512x128xf32, #tpu.memory_space<vmem>>, %arg5: memref<1x512x128xf32, #tpu.memory_space<vmem>>, %arg6: memref<1x512x128xf32, #tpu.memory_space<vmem>>, %arg7: memref<256x1xf32, #tpu.memory_space<vmem>>, %arg8: memref<256x1xf32, #tpu.memory_space<vmem>>, %arg9: memref<384x1xf32, #tpu.memory_space<vmem>>, %arg10: memref<384x1xf32, #tpu.memory_space<vmem>>, %arg11: memref<64x64xf32, #tpu.memory_space<vmem>>, %arg12: memref<1x448x1024xf32, #tpu.memory_space<vmem>>, %arg13: memref<1x384x1024xf32, #tpu.memory_space<vmem>>) attributes {dimension_semantics = [#tpu.dimension_semantics<arbitrary>], iteration_bounds = array<i64: 40>, scalar_prefetch = 0 : i64, scratch_operands = 0 : i64, tpu.core_type = #tpu.core_type<tc>, window_params = [{}, {}, {transform_indices = @transform_2, window_bounds = array<i64: 1, 8, 1024>}, {transform_indices = @transform_3, window_bounds = array<i64: 1, 512, 128>}, {transform_indices = @transform_4, window_bounds = array<i64: 1, 512, 128>}, {transform_indices = @transform_5, window_bounds = array<i64: 1, 512, 128>}, {pipeline_mode = #tpu.pipeline_mode<synchronous>, transform_indices = @transform_6, window_bounds = array<i64: 256, 1>}, {pipeline_mode = #tpu.pipeline_mode<synchronous>, transform_indices = @transform_7, window_bounds = array<i64: 256, 1>}, {pipeline_mode = #tpu.pipeline_mode<synchronous>, transform_indices = @transform_8, window_bounds = array<i64: 384, 1>}, {pipeline_mode = #tpu.pipeline_mode<synchronous>, transform_indices = @transform_9, window_bounds = array<i64: 384, 1>}, {pipeline_mode = #tpu.pipeline_mode<synchronous>, transform_indices = @transform_10, window_bounds = array<i64: 64, 64>}, {transform_indices = @transform_11, window_bounds = array<i64: 1, 448, 1024>}, {transform_indices = @transform_12, window_bounds = array<i64: 1, 384, 1024>}]} {
    %get3A = arith.constant 0 : index
    %get3A_0 = arith.constant 0 : index
    %get3A_1 = arith.constant 0 : index
    %get3A_2 = vector.load %arg3[%get3A, %get3A_0, %get3A_1] : memref<1x8x1024xf32, #tpu.memory_space<vmem>>, vector<1x8x1024xf32>
    %get3A_3 = vector.shape_cast %get3A_2 : vector<1x8x1024xf32> to vector<8x1024xf32>
    %slice3A = vector.extract_strided_slice %get3A_3 {offsets = [0, 0], sizes = [4, 1024], strides = [1, 1]} : vector<8x1024xf32> to vector<4x1024xf32>
    %broadcast_in_dim3A = vector.shape_cast %slice3A : vector<4x1024xf32> to vector<4x1x1024xf32>
    %broadcast_in_dim3A_4 = vector.shape_cast %broadcast_in_dim3A : vector<4x1x1024xf32> to vector<4x1x1024xf32>
    %broadcast_in_dim3A_5 = vector.broadcast %broadcast_in_dim3A_4 : vector<4x1x1024xf32> to vector<4x64x1024xf32>
    %reshape3A = vector.shape_cast %broadcast_in_dim3A_5 : vector<4x64x1024xf32> to vector<256x1024xf32>
    %get3A_6 = arith.constant 0 : index
    %get3A_7 = arith.constant 0 : index
    %get3A_8 = vector.load %arg7[%get3A_6, %get3A_7] : memref<256x1xf32, #tpu.memory_space<vmem>>, vector<256x1xf32>
    %mul3A = vector.broadcast %get3A_8 : vector<256x1xf32> to vector<256x1024xf32>
    %mul3A_9 = arith.mulf %reshape3A, %mul3A : vector<256x1024xf32>
    %get3A_10 = arith.constant 0 : index
    %get3A_11 = arith.constant 0 : index
    %get3A_12 = vector.load %arg8[%get3A_10, %get3A_11] : memref<256x1xf32, #tpu.memory_space<vmem>>, vector<256x1xf32>
    %add3A = vector.broadcast %get3A_12 : vector<256x1xf32> to vector<256x1024xf32>
    %add3A_13 = arith.addf %mul3A_9, %add3A : vector<256x1024xf32>
    %swap3A = arith.constant 0 : index
    %swap3A_14 = arith.constant 0 : index
    %swap3A_15 = arith.constant 0 : index
    %swap3A_16 = vector.load %arg12[%swap3A, %swap3A_14, %swap3A_15] : memref<1x448x1024xf32, #tpu.memory_space<vmem>>, vector<1x256x1024xf32>
    %swap3A_17 = vector.shape_cast %swap3A_16 : vector<1x256x1024xf32> to vector<256x1024xf32>
    %swap3A_18 = vector.shape_cast %add3A_13 : vector<256x1024xf32> to vector<1x256x1024xf32>
    tpu.vector_store %arg12[%swap3A, %swap3A_14, %swap3A_15], %swap3A_18 {strides = array<i32>} : memref<1x448x1024xf32, #tpu.memory_space<vmem>>, vector<1x256x1024xf32>,
    %get3A_19 = arith.constant 0 : index
    %get3A_20 = arith.constant 0 : index
    %get3A_21 = arith.constant 0 : index
    %get3A_22 = vector.load %arg4[%get3A_19, %get3A_20, %get3A_21] : memref<1x512x128xf32, #tpu.memory_space<vmem>>, vector<1x512x128xf32>
    %get3A_23 = vector.shape_cast %get3A_22 : vector<1x512x128xf32> to vector<512x128xf32>
    %get3A_24 = arith.constant 0 : index
    %get3A_25 = arith.constant 0 : index
    %get3A_26 = vector.load %arg11[%get3A_24, %get3A_25] : memref<64x64xf32, #tpu.memory_space<vmem>>, vector<64x64xf32>
    %slice3A_27 = vector.extract_strided_slice %get3A_23 {offsets = [0, 0], sizes = [512, 64], strides = [1, 1]} : vector<512x128xf32> to vector<512x64xf32>
    %dot_general3A = arith.constant dense<0.000000e+00> : vector<64x512xf32>
    %dot_general3A_28 = tpu.matmul %get3A_26, %slice3A_27, %dot_general3A {dimension_numbers = #tpu.dot_dimension_numbers<[1], [1], [0], [0], [0, 0, 1, 0], [], []>, transpose_lhs_hint = false} : vector<64x64xf32>, vector<512x64xf32>, vector<64x512xf32> -> vector<64x512xf32>
    %swap3A_29 = arith.constant 0 : index
    %swap3A_30 = arith.constant 256 : index
    %swap3A_31 = arith.constant 0 : index
    %swap3A_32 = vector.load %arg12[%swap3A_29, %swap3A_30, %swap3A_31] : memref<1x448x1024xf32, #tpu.memory_space<vmem>>, vector<1x64x512xf32>
    %swap3A_33 = vector.shape_cast %swap3A_32 : vector<1x64x512xf32> to vector<64x512xf32>
    %swap3A_34 = vector.shape_cast %dot_general3A_28 : vector<64x512xf32> to vector<1x64x512xf32>
    tpu.vector_store %arg12[%swap3A_29, %swap3A_30, %swap3A_31], %swap3A_34 {strides = array<i32>} : memref<1x448x1024xf32, #tpu.memory_space<vmem>>, vector<1x64x512xf32>,
    %get3A_35 = arith.constant 0 : index
    %get3A_36 = arith.constant 0 : index
    %get3A_37 = vector.load %arg11[%get3A_35, %get3A_36] : memref<64x64xf32, #tpu.memory_space<vmem>>, vector<64x64xf32>
    %slice3A_38 = vector.extract_strided_slice %get3A_23 {offsets = [0, 64], sizes = [512, 64], strides = [1, 1]} : vector<512x128xf32> to vector<512x64xf32>
    %dot_general3A_39 = arith.constant dense<0.000000e+00> : vector<64x512xf32>
    %dot_general3A_40 = tpu.matmul %get3A_37, %slice3A_38, %dot_general3A_39 {dimension_numbers = #tpu.dot_dimension_numbers<[1], [1], [0], [0], [0, 0, 1, 0], [], []>, transpose_lhs_hint = false} : vector<64x64xf32>, vector<512x64xf32>, vector<64x512xf32> -> vector<64x512xf32>
    %swap3A_41 = arith.constant 0 : index
    %swap3A_42 = arith.constant 256 : index
    %swap3A_43 = arith.constant 512 : index
    %swap3A_44 = vector.load %arg12[%swap3A_41, %swap3A_42, %swap3A_43] : memref<1x448x1024xf32, #tpu.memory_space<vmem>>, vector<1x64x512xf32>
    %swap3A_45 = vector.shape_cast %swap3A_44 : vector<1x64x512xf32> to vector<64x512xf32>
    %swap3A_46 = vector.shape_cast %dot_general3A_40 : vector<64x512xf32> to vector<1x64x512xf32>
    tpu.vector_store %arg12[%swap3A_41, %swap3A_42, %swap3A_43], %swap3A_46 {strides = array<i32>} : memref<1x448x1024xf32, #tpu.memory_space<vmem>>, vector<1x64x512xf32>,
    %get3A_47 = arith.constant 0 : index
    %get3A_48 = arith.constant 0 : index
    %get3A_49 = arith.constant 0 : index
    %get3A_50 = vector.load %arg5[%get3A_47, %get3A_48, %get3A_49] : memref<1x512x128xf32, #tpu.memory_space<vmem>>, vector<1x512x128xf32>
    %get3A_51 = vector.shape_cast %get3A_50 : vector<1x512x128xf32> to vector<512x128xf32>
    %get3A_52 = arith.constant 0 : index
    %get3A_53 = arith.constant 0 : index
    %get3A_54 = vector.load %arg11[%get3A_52, %get3A_53] : memref<64x64xf32, #tpu.memory_space<vmem>>, vector<64x64xf32>
    %slice3A_55 = vector.extract_strided_slice %get3A_51 {offsets = [0, 0], sizes = [512, 64], strides = [1, 1]} : vector<512x128xf32> to vector<512x64xf32>
    %dot_general3A_56 = arith.constant dense<0.000000e+00> : vector<64x512xf32>
    %dot_general3A_57 = tpu.matmul %get3A_54, %slice3A_55, %dot_general3A_56 {dimension_numbers = #tpu.dot_dimension_numbers<[1], [1], [0], [0], [0, 0, 1, 0], [], []>, transpose_lhs_hint = false} : vector<64x64xf32>, vector<512x64xf32>, vector<64x512xf32> -> vector<64x512xf32>
    %swap3A_58 = arith.constant 0 : index
    %swap3A_59 = arith.constant 320 : index
    %swap3A_60 = arith.constant 0 : index
    %swap3A_61 = vector.load %arg12[%swap3A_58, %swap3A_59, %swap3A_60] : memref<1x448x1024xf32, #tpu.memory_space<vmem>>, vector<1x64x512xf32>
    %swap3A_62 = vector.shape_cast %swap3A_61 : vector<1x64x512xf32> to vector<64x512xf32>
    %swap3A_63 = vector.shape_cast %dot_general3A_57 : vector<64x512xf32> to vector<1x64x512xf32>
    tpu.vector_store %arg12[%swap3A_58, %swap3A_59, %swap3A_60], %swap3A_63 {strides = array<i32>} : memref<1x448x1024xf32, #tpu.memory_space<vmem>>, vector<1x64x512xf32>,
    %get3A_64 = arith.constant 0 : index
    %get3A_65 = arith.constant 0 : index
    %get3A_66 = vector.load %arg11[%get3A_64, %get3A_65] : memref<64x64xf32, #tpu.memory_space<vmem>>, vector<64x64xf32>
    %slice3A_67 = vector.extract_strided_slice %get3A_51 {offsets = [0, 64], sizes = [512, 64], strides = [1, 1]} : vector<512x128xf32> to vector<512x64xf32>
    %dot_general3A_68 = arith.constant dense<0.000000e+00> : vector<64x512xf32>
    %dot_general3A_69 = tpu.matmul %get3A_66, %slice3A_67, %dot_general3A_68 {dimension_numbers = #tpu.dot_dimension_numbers<[1], [1], [0], [0], [0, 0, 1, 0], [], []>, transpose_lhs_hint = false} : vector<64x64xf32>, vector<512x64xf32>, vector<64x512xf32> -> vector<64x512xf32>
    %swap3A_70 = arith.constant 0 : index
    %swap3A_71 = arith.constant 320 : index
    %swap3A_72 = arith.constant 512 : index
    %swap3A_73 = vector.load %arg12[%swap3A_70, %swap3A_71, %swap3A_72] : memref<1x448x1024xf32, #tpu.memory_space<vmem>>, vector<1x64x512xf32>
    %swap3A_74 = vector.shape_cast %swap3A_73 : vector<1x64x512xf32> to vector<64x512xf32>
    %swap3A_75 = vector.shape_cast %dot_general3A_69 : vector<64x512xf32> to vector<1x64x512xf32>
    tpu.vector_store %arg12[%swap3A_70, %swap3A_71, %swap3A_72], %swap3A_75 {strides = array<i32>} : memref<1x448x1024xf32, #tpu.memory_space<vmem>>, vector<1x64x512xf32>,
    %get3A_76 = arith.constant 0 : index
    %get3A_77 = arith.constant 0 : index
    %get3A_78 = arith.constant 0 : index
    %get3A_79 = vector.load %arg6[%get3A_76, %get3A_77, %get3A_78] : memref<1x512x128xf32, #tpu.memory_space<vmem>>, vector<1x512x128xf32>
    %get3A_80 = vector.shape_cast %get3A_79 : vector<1x512x128xf32> to vector<512x128xf32>
    %get3A_81 = arith.constant 0 : index
    %get3A_82 = arith.constant 0 : index
    %get3A_83 = vector.load %arg11[%get3A_81, %get3A_82] : memref<64x64xf32, #tpu.memory_space<vmem>>, vector<64x64xf32>
    %slice3A_84 = vector.extract_strided_slice %get3A_80 {offsets = [0, 0], sizes = [512, 64], strides = [1, 1]} : vector<512x128xf32> to vector<512x64xf32>
    %dot_general3A_85 = arith.constant dense<0.000000e+00> : vector<64x512xf32>
    %dot_general3A_86 = tpu.matmul %get3A_83, %slice3A_84, %dot_general3A_85 {dimension_numbers = #tpu.dot_dimension_numbers<[1], [1], [0], [0], [0, 0, 1, 0], [], []>, transpose_lhs_hint = false} : vector<64x64xf32>, vector<512x64xf32>, vector<64x512xf32> -> vector<64x512xf32>
    %swap3A_87 = arith.constant 0 : index
    %swap3A_88 = arith.constant 384 : index
    %swap3A_89 = arith.constant 0 : index
    %swap3A_90 = vector.load %arg12[%swap3A_87, %swap3A_88, %swap3A_89] : memref<1x448x1024xf32, #tpu.memory_space<vmem>>, vector<1x64x512xf32>
    %swap3A_91 = vector.shape_cast %swap3A_90 : vector<1x64x512xf32> to vector<64x512xf32>
    %swap3A_92 = vector.shape_cast %dot_general3A_86 : vector<64x512xf32> to vector<1x64x512xf32>
    tpu.vector_store %arg12[%swap3A_87, %swap3A_88, %swap3A_89], %swap3A_92 {strides = array<i32>} : memref<1x448x1024xf32, #tpu.memory_space<vmem>>, vector<1x64x512xf32>,
    %get3A_93 = arith.constant 0 : index
    %get3A_94 = arith.constant 0 : index
    %get3A_95 = vector.load %arg11[%get3A_93, %get3A_94] : memref<64x64xf32, #tpu.memory_space<vmem>>, vector<64x64xf32>
    %slice3A_96 = vector.extract_strided_slice %get3A_80 {offsets = [0, 64], sizes = [512, 64], strides = [1, 1]} : vector<512x128xf32> to vector<512x64xf32>
    %dot_general3A_97 = arith.constant dense<0.000000e+00> : vector<64x512xf32>
    %dot_general3A_98 = tpu.matmul %get3A_95, %slice3A_96, %dot_general3A_97 {dimension_numbers = #tpu.dot_dimension_numbers<[1], [1], [0], [0], [0, 0, 1, 0], [], []>, transpose_lhs_hint = false} : vector<64x64xf32>, vector<512x64xf32>, vector<64x512xf32> -> vector<64x512xf32>
    %swap3A_99 = arith.constant 0 : index
    %swap3A_100 = arith.constant 384 : index
    %swap3A_101 = arith.constant 512 : index
    %swap3A_102 = vector.load %arg12[%swap3A_99, %swap3A_100, %swap3A_101] : memref<1x448x1024xf32, #tpu.memory_space<vmem>>, vector<1x64x512xf32>
    %swap3A_103 = vector.shape_cast %swap3A_102 : vector<1x64x512xf32> to vector<64x512xf32>
    %swap3A_104 = vector.shape_cast %dot_general3A_98 : vector<64x512xf32> to vector<1x64x512xf32>
    tpu.vector_store %arg12[%swap3A_99, %swap3A_100, %swap3A_101], %swap3A_104 {strides = array<i32>} : memref<1x448x1024xf32, #tpu.memory_space<vmem>>, vector<1x64x512xf32>,
    %slice3A_105 = vector.extract_strided_slice %get3A_3 {offsets = [0, 0], sizes = [6, 1024], strides = [1, 1]} : vector<8x1024xf32> to vector<6x1024xf32>
    %broadcast_in_dim3A_106 = vector.shape_cast %slice3A_105 : vector<6x1024xf32> to vector<6x1x1024xf32>
    %broadcast_in_dim3A_107 = vector.shape_cast %broadcast_in_dim3A_106 : vector<6x1x1024xf32> to vector<6x1x1024xf32>
    %broadcast_in_dim3A_108 = vector.broadcast %broadcast_in_dim3A_107 : vector<6x1x1024xf32> to vector<6x64x1024xf32>
    %reshape3A_109 = vector.shape_cast %broadcast_in_dim3A_108 : vector<6x64x1024xf32> to vector<384x1024xf32>
    %get3A_110 = arith.constant 0 : index
    %get3A_111 = arith.constant 0 : index
    %get3A_112 = vector.load %arg9[%get3A_110, %get3A_111] : memref<384x1xf32, #tpu.memory_space<vmem>>, vector<384x1xf32>
    %mul3A_113 = vector.broadcast %get3A_112 : vector<384x1xf32> to vector<384x1024xf32>
    %mul3A_114 = arith.mulf %reshape3A_109, %mul3A_113 : vector<384x1024xf32>
    %get3A_115 = arith.constant 0 : index
    %get3A_116 = arith.constant 0 : index
    %get3A_117 = vector.load %arg10[%get3A_115, %get3A_116] : memref<384x1xf32, #tpu.memory_space<vmem>>, vector<384x1xf32>
    %add3A_118 = vector.broadcast %get3A_117 : vector<384x1xf32> to vector<384x1024xf32>
    %add3A_119 = arith.addf %mul3A_114, %add3A_118 : vector<384x1024xf32>
    %swap3A_120 = arith.constant 0 : index
    %swap3A_121 = arith.constant 0 : index
    %swap3A_122 = arith.constant 0 : index
    %swap3A_123 = vector.load %arg13[%swap3A_120, %swap3A_121, %swap3A_122] : memref<1x384x1024xf32, #tpu.memory_space<vmem>>, vector<1x384x1024xf32>
    %swap3A_124 = vector.shape_cast %swap3A_123 : vector<1x384x1024xf32> to vector<384x1024xf32>
    %swap3A_125 = vector.shape_cast %add3A_119 : vector<384x1024xf32> to vector<1x384x1024xf32>
    tpu.vector_store %arg13[%swap3A_120, %swap3A_121, %swap3A_122], %swap3A_125 {strides = array<i32>} : memref<1x384x1024xf32, #tpu.memory_space<vmem>>, vector<1x384x1024xf32>,
    return
  }
  func.func @transform_2(%arg0: i32) -> (i32, i32, i32) {
    %add3A = arith.constant 80 : i32
    %add3A_0 = arith.addi %add3A, %arg0 : i32
    %c0_i32 = arith.constant 0 : i32
    %c0_i32_1 = arith.constant 0 : i32
    %c0_i32_2 = arith.constant 0 : i32
    return %add3A_0, %c0_i32, %c0_i32_1 : i32, i32, i32
  }
  func.func @transform_3(%arg0: i32) -> (i32, i32, i32) {
    %c0_i32 = arith.constant 0 : i32
    %c0_i32_0 = arith.constant 0 : i32
    %c0_i32_1 = arith.constant 0 : i32
    return %arg0, %c0_i32, %c0_i32_0 : i32, i32, i32
  }
  func.func @transform_4(%arg0: i32) -> (i32, i32, i32) {
    %c0_i32 = arith.constant 0 : i32
    %c0_i32_0 = arith.constant 0 : i32
    %c0_i32_1 = arith.constant 0 : i32
    return %arg0, %c0_i32, %c0_i32_0 : i32, i32, i32
  }
  func.func @transform_5(%arg0: i32) -> (i32, i32, i32) {
    %c0_i32 = arith.constant 0 : i32
    %c0_i32_0 = arith.constant 0 : i32
    %c0_i32_1 = arith.constant 0 : i32
    return %arg0, %c0_i32, %c0_i32_0 : i32, i32, i32
  }
  func.func @transform_6(%arg0: i32) -> (i32, i32) {
    %c0_i32 = arith.constant 0 : i32
    %c0_i32_0 = arith.constant 0 : i32
    %c0_i32_1 = arith.constant 0 : i32
    return %c0_i32, %c0_i32_0 : i32, i32
  }
  func.func @transform_7(%arg0: i32) -> (i32, i32) {
    %c0_i32 = arith.constant 0 : i32
    %c0_i32_0 = arith.constant 0 : i32
    %c0_i32_1 = arith.constant 0 : i32
    return %c0_i32, %c0_i32_0 : i32, i32
  }
  func.func @transform_8(%arg0: i32) -> (i32, i32) {
    %c0_i32 = arith.constant 0 : i32
    %c0_i32_0 = arith.constant 0 : i32
    %c0_i32_1 = arith.constant 0 : i32
    return %c0_i32, %c0_i32_0 : i32, i32
  }
  func.func @transform_9(%arg0: i32) -> (i32, i32) {
    %c0_i32 = arith.constant 0 : i32
    %c0_i32_0 = arith.constant 0 : i32
    %c0_i32_1 = arith.constant 0 : i32
    return %c0_i32, %c0_i32_0 : i32, i32
  }
  func.func @transform_10(%arg0: i32) -> (i32, i32) {
    %c0_i32 = arith.constant 0 : i32
    %c0_i32_0 = arith.constant 0 : i32
    %c0_i32_1 = arith.constant 0 : i32
    return %c0_i32, %c0_i32_0 : i32, i32
  }
  func.func @transform_11(%arg0: i32) -> (i32, i32, i32) {
    %add3A = arith.constant 80 : i32
    %add3A_0 = arith.addi %add3A, %arg0 : i32
    %c0_i32 = arith.constant 0 : i32
    %c0_i32_1 = arith.constant 0 : i32
    %c0_i32_2 = arith.constant 0 : i32
    return %add3A_0, %c0_i32, %c0_i32_1 : i32, i32, i32
  }
  func.func @transform_12(%arg0: i32) -> (i32, i32, i32) {
    %add3A = arith.constant 80 : i32
    %add3A_0 = arith.addi %add3A, %arg0 : i32
    %c0_i32 = arith.constant 0 : i32
    %c0_i32_1 = arith.constant 0 : i32
    %c0_i32_2 = arith.constant 0 : i32
    return %add3A_0, %c0_i32, %c0_i32_1 : i32, i32, i32
  }
}

module attributes {stable_mosaic.version = 14 : i64} {
  func.func @body(%arg0: i32, %arg1: memref<200x448x1024xf32, #tpu.memory_space<hbm>>, %arg2: memref<200x384x1024xf32, #tpu.memory_space<hbm>>, %arg3: memref<1x8x1024xf32, #tpu.memory_space<vmem>>, %arg4: memref<1x512x128xf32, #tpu.memory_space<vmem>>, %arg5: memref<1x512x128xf32, #tpu.memory_space<vmem>>, %arg6: memref<1x512x128xf32, #tpu.memory_space<vmem>>, %arg7: memref<256x1xf32, #tpu.memory_space<vmem>>, %arg8: memref<256x1xf32, #tpu.memory_space<vmem>>, %arg9: memref<384x1xf32, #tpu.memory_space<vmem>>, %arg10: memref<384x1xf32, #tpu.memory_space<vmem>>, %arg11: memref<64x64xf32, #tpu.memory_space<vmem>>, %arg12: memref<1x448x1024xf32, #tpu.memory_space<vmem>>, %arg13: memref<1x384x1024xf32, #tpu.memory_space<vmem>>) attributes {dimension_semantics = [#tpu.dimension_semantics<arbitrary>], iteration_bounds = array<i64: 40>, scalar_prefetch = 0 : i64, scratch_operands = 0 : i64, tpu.core_type = #tpu.core_type<tc>, window_params = [{}, {}, {transform_indices = @transform_2, window_bounds = array<i64: 1, 8, 1024>}, {transform_indices = @transform_3, window_bounds = array<i64: 1, 512, 128>}, {transform_indices = @transform_4, window_bounds = array<i64: 1, 512, 128>}, {transform_indices = @transform_5, window_bounds = array<i64: 1, 512, 128>}, {pipeline_mode = #tpu.pipeline_mode<synchronous>, transform_indices = @transform_6, window_bounds = array<i64: 256, 1>}, {pipeline_mode = #tpu.pipeline_mode<synchronous>, transform_indices = @transform_7, window_bounds = array<i64: 256, 1>}, {pipeline_mode = #tpu.pipeline_mode<synchronous>, transform_indices = @transform_8, window_bounds = array<i64: 384, 1>}, {pipeline_mode = #tpu.pipeline_mode<synchronous>, transform_indices = @transform_9, window_bounds = array<i64: 384, 1>}, {pipeline_mode = #tpu.pipeline_mode<synchronous>, transform_indices = @transform_10, window_bounds = array<i64: 64, 64>}, {transform_indices = @transform_11, window_bounds = array<i64: 1, 448, 1024>}, {transform_indices = @transform_12, window_bounds = array<i64: 1, 384, 1024>}]} {
    %get3A = arith.constant 0 : index
    %get3A_0 = arith.constant 0 : index
    %get3A_1 = arith.constant 0 : index
    %get3A_2 = vector.load %arg3[%get3A, %get3A_0, %get3A_1] : memref<1x8x1024xf32, #tpu.memory_space<vmem>>, vector<1x8x1024xf32>
    %get3A_3 = vector.shape_cast %get3A_2 : vector<1x8x1024xf32> to vector<8x1024xf32>
    %slice3A = vector.extract_strided_slice %get3A_3 {offsets = [0, 0], sizes = [4, 1024], strides = [1, 1]} : vector<8x1024xf32> to vector<4x1024xf32>
    %broadcast_in_dim3A = vector.shape_cast %slice3A : vector<4x1024xf32> to vector<4x1x1024xf32>
    %broadcast_in_dim3A_4 = vector.shape_cast %broadcast_in_dim3A : vector<4x1x1024xf32> to vector<4x1x1024xf32>
    %broadcast_in_dim3A_5 = vector.broadcast %broadcast_in_dim3A_4 : vector<4x1x1024xf32> to vector<4x64x1024xf32>
    %reshape3A = vector.shape_cast %broadcast_in_dim3A_5 : vector<4x64x1024xf32> to vector<256x1024xf32>
    %get3A_6 = arith.constant 0 : index
    %get3A_7 = arith.constant 0 : index
    %get3A_8 = vector.load %arg7[%get3A_6, %get3A_7] : memref<256x1xf32, #tpu.memory_space<vmem>>, vector<256x1xf32>
    %mul3A = vector.broadcast %get3A_8 : vector<256x1xf32> to vector<256x1024xf32>
    %mul3A_9 = arith.mulf %reshape3A, %mul3A : vector<256x1024xf32>
    %get3A_10 = arith.constant 0 : index
    %get3A_11 = arith.constant 0 : index
    %get3A_12 = vector.load %arg8[%get3A_10, %get3A_11] : memref<256x1xf32, #tpu.memory_space<vmem>>, vector<256x1xf32>
    %add3A = vector.broadcast %get3A_12 : vector<256x1xf32> to vector<256x1024xf32>
    %add3A_13 = arith.addf %mul3A_9, %add3A : vector<256x1024xf32>
    %swap3A = arith.constant 0 : index
    %swap3A_14 = arith.constant 0 : index
    %swap3A_15 = arith.constant 0 : index
    %swap3A_16 = vector.load %arg12[%swap3A, %swap3A_14, %swap3A_15] : memref<1x448x1024xf32, #tpu.memory_space<vmem>>, vector<1x256x1024xf32>
    %swap3A_17 = vector.shape_cast %swap3A_16 : vector<1x256x1024xf32> to vector<256x1024xf32>
    %swap3A_18 = vector.shape_cast %add3A_13 : vector<256x1024xf32> to vector<1x256x1024xf32>
    tpu.vector_store %arg12[%swap3A, %swap3A_14, %swap3A_15], %swap3A_18 {strides = array<i32>} : memref<1x448x1024xf32, #tpu.memory_space<vmem>>, vector<1x256x1024xf32>,
    %get3A_19 = arith.constant 0 : index
    %get3A_20 = arith.constant 0 : index
    %get3A_21 = arith.constant 0 : index
    %get3A_22 = vector.load %arg4[%get3A_19, %get3A_20, %get3A_21] : memref<1x512x128xf32, #tpu.memory_space<vmem>>, vector<1x512x128xf32>
    %get3A_23 = vector.shape_cast %get3A_22 : vector<1x512x128xf32> to vector<512x128xf32>
    %get3A_24 = arith.constant 0 : index
    %get3A_25 = arith.constant 0 : index
    %get3A_26 = vector.load %arg11[%get3A_24, %get3A_25] : memref<64x64xf32, #tpu.memory_space<vmem>>, vector<64x64xf32>
    %slice3A_27 = vector.extract_strided_slice %get3A_23 {offsets = [0, 0], sizes = [512, 64], strides = [1, 1]} : vector<512x128xf32> to vector<512x64xf32>
    %dot_general3A = arith.constant dense<0.000000e+00> : vector<64x512xf32>
    %dot_general3A_28 = tpu.matmul %get3A_26, %slice3A_27, %dot_general3A {dimension_numbers = #tpu.dot_dimension_numbers<[1], [1], [0], [0], [0, 0, 1, 0], [], []>, transpose_lhs_hint = false} : vector<64x64xf32>, vector<512x64xf32>, vector<64x512xf32> -> vector<64x512xf32>
    %swap3A_29 = arith.constant 0 : index
    %swap3A_30 = arith.constant 256 : index
    %swap3A_31 = arith.constant 0 : index
    %swap3A_32 = vector.load %arg12[%swap3A_29, %swap3A_30, %swap3A_31] : memref<1x448x1024xf32, #tpu.memory_space<vmem>>, vector<1x64x512xf32>
    %swap3A_33 = vector.shape_cast %swap3A_32 : vector<1x64x512xf32> to vector<64x512xf32>
    %swap3A_34 = vector.shape_cast %dot_general3A_28 : vector<64x512xf32> to vector<1x64x512xf32>
    tpu.vector_store %arg12[%swap3A_29, %swap3A_30, %swap3A_31], %swap3A_34 {strides = array<i32>} : memref<1x448x1024xf32, #tpu.memory_space<vmem>>, vector<1x64x512xf32>,
    %get3A_35 = arith.constant 0 : index
    %get3A_36 = arith.constant 0 : index
    %get3A_37 = vector.load %arg11[%get3A_35, %get3A_36] : memref<64x64xf32, #tpu.memory_space<vmem>>, vector<64x64xf32>
    %slice3A_38 = vector.extract_strided_slice %get3A_23 {offsets = [0, 64], sizes = [512, 64], strides = [1, 1]} : vector<512x128xf32> to vector<512x64xf32>
    %dot_general3A_39 = arith.constant dense<0.000000e+00> : vector<64x512xf32>
    %dot_general3A_40 = tpu.matmul %get3A_37, %slice3A_38, %dot_general3A_39 {dimension_numbers = #tpu.dot_dimension_numbers<[1], [1], [0], [0], [0, 0, 1, 0], [], []>, transpose_lhs_hint = false} : vector<64x64xf32>, vector<512x64xf32>, vector<64x512xf32> -> vector<64x512xf32>
    %swap3A_41 = arith.constant 0 : index
    %swap3A_42 = arith.constant 256 : index
    %swap3A_43 = arith.constant 512 : index
    %swap3A_44 = vector.load %arg12[%swap3A_41, %swap3A_42, %swap3A_43] : memref<1x448x1024xf32, #tpu.memory_space<vmem>>, vector<1x64x512xf32>
    %swap3A_45 = vector.shape_cast %swap3A_44 : vector<1x64x512xf32> to vector<64x512xf32>
    %swap3A_46 = vector.shape_cast %dot_general3A_40 : vector<64x512xf32> to vector<1x64x512xf32>
    tpu.vector_store %arg12[%swap3A_41, %swap3A_42, %swap3A_43], %swap3A_46 {strides = array<i32>} : memref<1x448x1024xf32, #tpu.memory_space<vmem>>, vector<1x64x512xf32>,
    %get3A_47 = arith.constant 0 : index
    %get3A_48 = arith.constant 0 : index
    %get3A_49 = arith.constant 0 : index
    %get3A_50 = vector.load %arg5[%get3A_47, %get3A_48, %get3A_49] : memref<1x512x128xf32, #tpu.memory_space<vmem>>, vector<1x512x128xf32>
    %get3A_51 = vector.shape_cast %get3A_50 : vector<1x512x128xf32> to vector<512x128xf32>
    %get3A_52 = arith.constant 0 : index
    %get3A_53 = arith.constant 0 : index
    %get3A_54 = vector.load %arg11[%get3A_52, %get3A_53] : memref<64x64xf32, #tpu.memory_space<vmem>>, vector<64x64xf32>
    %slice3A_55 = vector.extract_strided_slice %get3A_51 {offsets = [0, 0], sizes = [512, 64], strides = [1, 1]} : vector<512x128xf32> to vector<512x64xf32>
    %dot_general3A_56 = arith.constant dense<0.000000e+00> : vector<64x512xf32>
    %dot_general3A_57 = tpu.matmul %get3A_54, %slice3A_55, %dot_general3A_56 {dimension_numbers = #tpu.dot_dimension_numbers<[1], [1], [0], [0], [0, 0, 1, 0], [], []>, transpose_lhs_hint = false} : vector<64x64xf32>, vector<512x64xf32>, vector<64x512xf32> -> vector<64x512xf32>
    %swap3A_58 = arith.constant 0 : index
    %swap3A_59 = arith.constant 320 : index
    %swap3A_60 = arith.constant 0 : index
    %swap3A_61 = vector.load %arg12[%swap3A_58, %swap3A_59, %swap3A_60] : memref<1x448x1024xf32, #tpu.memory_space<vmem>>, vector<1x64x512xf32>
    %swap3A_62 = vector.shape_cast %swap3A_61 : vector<1x64x512xf32> to vector<64x512xf32>
    %swap3A_63 = vector.shape_cast %dot_general3A_57 : vector<64x512xf32> to vector<1x64x512xf32>
    tpu.vector_store %arg12[%swap3A_58, %swap3A_59, %swap3A_60], %swap3A_63 {strides = array<i32>} : memref<1x448x1024xf32, #tpu.memory_space<vmem>>, vector<1x64x512xf32>,
    %get3A_64 = arith.constant 0 : index
    %get3A_65 = arith.constant 0 : index
    %get3A_66 = vector.load %arg11[%get3A_64, %get3A_65] : memref<64x64xf32, #tpu.memory_space<vmem>>, vector<64x64xf32>
    %slice3A_67 = vector.extract_strided_slice %get3A_51 {offsets = [0, 64], sizes = [512, 64], strides = [1, 1]} : vector<512x128xf32> to vector<512x64xf32>
    %dot_general3A_68 = arith.constant dense<0.000000e+00> : vector<64x512xf32>
    %dot_general3A_69 = tpu.matmul %get3A_66, %slice3A_67, %dot_general3A_68 {dimension_numbers = #tpu.dot_dimension_numbers<[1], [1], [0], [0], [0, 0, 1, 0], [], []>, transpose_lhs_hint = false} : vector<64x64xf32>, vector<512x64xf32>, vector<64x512xf32> -> vector<64x512xf32>
    %swap3A_70 = arith.constant 0 : index
    %swap3A_71 = arith.constant 320 : index
    %swap3A_72 = arith.constant 512 : index
    %swap3A_73 = vector.load %arg12[%swap3A_70, %swap3A_71, %swap3A_72] : memref<1x448x1024xf32, #tpu.memory_space<vmem>>, vector<1x64x512xf32>
    %swap3A_74 = vector.shape_cast %swap3A_73 : vector<1x64x512xf32> to vector<64x512xf32>
    %swap3A_75 = vector.shape_cast %dot_general3A_69 : vector<64x512xf32> to vector<1x64x512xf32>
    tpu.vector_store %arg12[%swap3A_70, %swap3A_71, %swap3A_72], %swap3A_75 {strides = array<i32>} : memref<1x448x1024xf32, #tpu.memory_space<vmem>>, vector<1x64x512xf32>,
    %get3A_76 = arith.constant 0 : index
    %get3A_77 = arith.constant 0 : index
    %get3A_78 = arith.constant 0 : index
    %get3A_79 = vector.load %arg6[%get3A_76, %get3A_77, %get3A_78] : memref<1x512x128xf32, #tpu.memory_space<vmem>>, vector<1x512x128xf32>
    %get3A_80 = vector.shape_cast %get3A_79 : vector<1x512x128xf32> to vector<512x128xf32>
    %get3A_81 = arith.constant 0 : index
    %get3A_82 = arith.constant 0 : index
    %get3A_83 = vector.load %arg11[%get3A_81, %get3A_82] : memref<64x64xf32, #tpu.memory_space<vmem>>, vector<64x64xf32>
    %slice3A_84 = vector.extract_strided_slice %get3A_80 {offsets = [0, 0], sizes = [512, 64], strides = [1, 1]} : vector<512x128xf32> to vector<512x64xf32>
    %dot_general3A_85 = arith.constant dense<0.000000e+00> : vector<64x512xf32>
    %dot_general3A_86 = tpu.matmul %get3A_83, %slice3A_84, %dot_general3A_85 {dimension_numbers = #tpu.dot_dimension_numbers<[1], [1], [0], [0], [0, 0, 1, 0], [], []>, transpose_lhs_hint = false} : vector<64x64xf32>, vector<512x64xf32>, vector<64x512xf32> -> vector<64x512xf32>
    %swap3A_87 = arith.constant 0 : index
    %swap3A_88 = arith.constant 384 : index
    %swap3A_89 = arith.constant 0 : index
    %swap3A_90 = vector.load %arg12[%swap3A_87, %swap3A_88, %swap3A_89] : memref<1x448x1024xf32, #tpu.memory_space<vmem>>, vector<1x64x512xf32>
    %swap3A_91 = vector.shape_cast %swap3A_90 : vector<1x64x512xf32> to vector<64x512xf32>
    %swap3A_92 = vector.shape_cast %dot_general3A_86 : vector<64x512xf32> to vector<1x64x512xf32>
    tpu.vector_store %arg12[%swap3A_87, %swap3A_88, %swap3A_89], %swap3A_92 {strides = array<i32>} : memref<1x448x1024xf32, #tpu.memory_space<vmem>>, vector<1x64x512xf32>,
    %get3A_93 = arith.constant 0 : index
    %get3A_94 = arith.constant 0 : index
    %get3A_95 = vector.load %arg11[%get3A_93, %get3A_94] : memref<64x64xf32, #tpu.memory_space<vmem>>, vector<64x64xf32>
    %slice3A_96 = vector.extract_strided_slice %get3A_80 {offsets = [0, 64], sizes = [512, 64], strides = [1, 1]} : vector<512x128xf32> to vector<512x64xf32>
    %dot_general3A_97 = arith.constant dense<0.000000e+00> : vector<64x512xf32>
    %dot_general3A_98 = tpu.matmul %get3A_95, %slice3A_96, %dot_general3A_97 {dimension_numbers = #tpu.dot_dimension_numbers<[1], [1], [0], [0], [0, 0, 1, 0], [], []>, transpose_lhs_hint = false} : vector<64x64xf32>, vector<512x64xf32>, vector<64x512xf32> -> vector<64x512xf32>
    %swap3A_99 = arith.constant 0 : index
    %swap3A_100 = arith.constant 384 : index
    %swap3A_101 = arith.constant 512 : index
    %swap3A_102 = vector.load %arg12[%swap3A_99, %swap3A_100, %swap3A_101] : memref<1x448x1024xf32, #tpu.memory_space<vmem>>, vector<1x64x512xf32>
    %swap3A_103 = vector.shape_cast %swap3A_102 : vector<1x64x512xf32> to vector<64x512xf32>
    %swap3A_104 = vector.shape_cast %dot_general3A_98 : vector<64x512xf32> to vector<1x64x512xf32>
    tpu.vector_store %arg12[%swap3A_99, %swap3A_100, %swap3A_101], %swap3A_104 {strides = array<i32>} : memref<1x448x1024xf32, #tpu.memory_space<vmem>>, vector<1x64x512xf32>,
    %slice3A_105 = vector.extract_strided_slice %get3A_3 {offsets = [0, 0], sizes = [6, 1024], strides = [1, 1]} : vector<8x1024xf32> to vector<6x1024xf32>
    %broadcast_in_dim3A_106 = vector.shape_cast %slice3A_105 : vector<6x1024xf32> to vector<6x1x1024xf32>
    %broadcast_in_dim3A_107 = vector.shape_cast %broadcast_in_dim3A_106 : vector<6x1x1024xf32> to vector<6x1x1024xf32>
    %broadcast_in_dim3A_108 = vector.broadcast %broadcast_in_dim3A_107 : vector<6x1x1024xf32> to vector<6x64x1024xf32>
    %reshape3A_109 = vector.shape_cast %broadcast_in_dim3A_108 : vector<6x64x1024xf32> to vector<384x1024xf32>
    %get3A_110 = arith.constant 0 : index
    %get3A_111 = arith.constant 0 : index
    %get3A_112 = vector.load %arg9[%get3A_110, %get3A_111] : memref<384x1xf32, #tpu.memory_space<vmem>>, vector<384x1xf32>
    %mul3A_113 = vector.broadcast %get3A_112 : vector<384x1xf32> to vector<384x1024xf32>
    %mul3A_114 = arith.mulf %reshape3A_109, %mul3A_113 : vector<384x1024xf32>
    %get3A_115 = arith.constant 0 : index
    %get3A_116 = arith.constant 0 : index
    %get3A_117 = vector.load %arg10[%get3A_115, %get3A_116] : memref<384x1xf32, #tpu.memory_space<vmem>>, vector<384x1xf32>
    %add3A_118 = vector.broadcast %get3A_117 : vector<384x1xf32> to vector<384x1024xf32>
    %add3A_119 = arith.addf %mul3A_114, %add3A_118 : vector<384x1024xf32>
    %swap3A_120 = arith.constant 0 : index
    %swap3A_121 = arith.constant 0 : index
    %swap3A_122 = arith.constant 0 : index
    %swap3A_123 = vector.load %arg13[%swap3A_120, %swap3A_121, %swap3A_122] : memref<1x384x1024xf32, #tpu.memory_space<vmem>>, vector<1x384x1024xf32>
    %swap3A_124 = vector.shape_cast %swap3A_123 : vector<1x384x1024xf32> to vector<384x1024xf32>
    %swap3A_125 = vector.shape_cast %add3A_119 : vector<384x1024xf32> to vector<1x384x1024xf32>
    tpu.vector_store %arg13[%swap3A_120, %swap3A_121, %swap3A_122], %swap3A_125 {strides = array<i32>} : memref<1x384x1024xf32, #tpu.memory_space<vmem>>, vector<1x384x1024xf32>,
    return
  }
  func.func @transform_2(%arg0: i32) -> (i32, i32, i32) {
    %add3A = arith.constant 120 : i32
    %add3A_0 = arith.addi %add3A, %arg0 : i32
    %c0_i32 = arith.constant 0 : i32
    %c0_i32_1 = arith.constant 0 : i32
    %c0_i32_2 = arith.constant 0 : i32
    return %add3A_0, %c0_i32, %c0_i32_1 : i32, i32, i32
  }
  func.func @transform_3(%arg0: i32) -> (i32, i32, i32) {
    %c0_i32 = arith.constant 0 : i32
    %c0_i32_0 = arith.constant 0 : i32
    %c0_i32_1 = arith.constant 0 : i32
    return %arg0, %c0_i32, %c0_i32_0 : i32, i32, i32
  }
  func.func @transform_4(%arg0: i32) -> (i32, i32, i32) {
    %c0_i32 = arith.constant 0 : i32
    %c0_i32_0 = arith.constant 0 : i32
    %c0_i32_1 = arith.constant 0 : i32
    return %arg0, %c0_i32, %c0_i32_0 : i32, i32, i32
  }
  func.func @transform_5(%arg0: i32) -> (i32, i32, i32) {
    %c0_i32 = arith.constant 0 : i32
    %c0_i32_0 = arith.constant 0 : i32
    %c0_i32_1 = arith.constant 0 : i32
    return %arg0, %c0_i32, %c0_i32_0 : i32, i32, i32
  }
  func.func @transform_6(%arg0: i32) -> (i32, i32) {
    %c0_i32 = arith.constant 0 : i32
    %c0_i32_0 = arith.constant 0 : i32
    %c0_i32_1 = arith.constant 0 : i32
    return %c0_i32, %c0_i32_0 : i32, i32
  }
  func.func @transform_7(%arg0: i32) -> (i32, i32) {
    %c0_i32 = arith.constant 0 : i32
    %c0_i32_0 = arith.constant 0 : i32
    %c0_i32_1 = arith.constant 0 : i32
    return %c0_i32, %c0_i32_0 : i32, i32
  }
  func.func @transform_8(%arg0: i32) -> (i32, i32) {
    %c0_i32 = arith.constant 0 : i32
    %c0_i32_0 = arith.constant 0 : i32
    %c0_i32_1 = arith.constant 0 : i32
    return %c0_i32, %c0_i32_0 : i32, i32
  }
  func.func @transform_9(%arg0: i32) -> (i32, i32) {
    %c0_i32 = arith.constant 0 : i32
    %c0_i32_0 = arith.constant 0 : i32
    %c0_i32_1 = arith.constant 0 : i32
    return %c0_i32, %c0_i32_0 : i32, i32
  }
  func.func @transform_10(%arg0: i32) -> (i32, i32) {
    %c0_i32 = arith.constant 0 : i32
    %c0_i32_0 = arith.constant 0 : i32
    %c0_i32_1 = arith.constant 0 : i32
    return %c0_i32, %c0_i32_0 : i32, i32
  }
  func.func @transform_11(%arg0: i32) -> (i32, i32, i32) {
    %add3A = arith.constant 120 : i32
    %add3A_0 = arith.addi %add3A, %arg0 : i32
    %c0_i32 = arith.constant 0 : i32
    %c0_i32_1 = arith.constant 0 : i32
    %c0_i32_2 = arith.constant 0 : i32
    return %add3A_0, %c0_i32, %c0_i32_1 : i32, i32, i32
  }
  func.func @transform_12(%arg0: i32) -> (i32, i32, i32) {
    %add3A = arith.constant 120 : i32
    %add3A_0 = arith.addi %add3A, %arg0 : i32
    %c0_i32 = arith.constant 0 : i32
    %c0_i32_1 = arith.constant 0 : i32
    %c0_i32_2 = arith.constant 0 : i32
    return %add3A_0, %c0_i32, %c0_i32_1 : i32, i32, i32
  }
}

module attributes {stable_mosaic.version = 14 : i64} {
  func.func @body(%arg0: i32, %arg1: memref<200x448x1024xf32, #tpu.memory_space<hbm>>, %arg2: memref<200x384x1024xf32, #tpu.memory_space<hbm>>, %arg3: memref<1x8x1024xf32, #tpu.memory_space<vmem>>, %arg4: memref<1x512x128xf32, #tpu.memory_space<vmem>>, %arg5: memref<1x512x128xf32, #tpu.memory_space<vmem>>, %arg6: memref<1x512x128xf32, #tpu.memory_space<vmem>>, %arg7: memref<256x1xf32, #tpu.memory_space<vmem>>, %arg8: memref<256x1xf32, #tpu.memory_space<vmem>>, %arg9: memref<384x1xf32, #tpu.memory_space<vmem>>, %arg10: memref<384x1xf32, #tpu.memory_space<vmem>>, %arg11: memref<64x64xf32, #tpu.memory_space<vmem>>, %arg12: memref<1x448x1024xf32, #tpu.memory_space<vmem>>, %arg13: memref<1x384x1024xf32, #tpu.memory_space<vmem>>) attributes {dimension_semantics = [#tpu.dimension_semantics<arbitrary>], iteration_bounds = array<i64: 40>, scalar_prefetch = 0 : i64, scratch_operands = 0 : i64, tpu.core_type = #tpu.core_type<tc>, window_params = [{}, {}, {transform_indices = @transform_2, window_bounds = array<i64: 1, 8, 1024>}, {transform_indices = @transform_3, window_bounds = array<i64: 1, 512, 128>}, {transform_indices = @transform_4, window_bounds = array<i64: 1, 512, 128>}, {transform_indices = @transform_5, window_bounds = array<i64: 1, 512, 128>}, {pipeline_mode = #tpu.pipeline_mode<synchronous>, transform_indices = @transform_6, window_bounds = array<i64: 256, 1>}, {pipeline_mode = #tpu.pipeline_mode<synchronous>, transform_indices = @transform_7, window_bounds = array<i64: 256, 1>}, {pipeline_mode = #tpu.pipeline_mode<synchronous>, transform_indices = @transform_8, window_bounds = array<i64: 384, 1>}, {pipeline_mode = #tpu.pipeline_mode<synchronous>, transform_indices = @transform_9, window_bounds = array<i64: 384, 1>}, {pipeline_mode = #tpu.pipeline_mode<synchronous>, transform_indices = @transform_10, window_bounds = array<i64: 64, 64>}, {transform_indices = @transform_11, window_bounds = array<i64: 1, 448, 1024>}, {transform_indices = @transform_12, window_bounds = array<i64: 1, 384, 1024>}]} {
    %get3A = arith.constant 0 : index
    %get3A_0 = arith.constant 0 : index
    %get3A_1 = arith.constant 0 : index
    %get3A_2 = vector.load %arg3[%get3A, %get3A_0, %get3A_1] : memref<1x8x1024xf32, #tpu.memory_space<vmem>>, vector<1x8x1024xf32>
    %get3A_3 = vector.shape_cast %get3A_2 : vector<1x8x1024xf32> to vector<8x1024xf32>
    %slice3A = vector.extract_strided_slice %get3A_3 {offsets = [0, 0], sizes = [4, 1024], strides = [1, 1]} : vector<8x1024xf32> to vector<4x1024xf32>
    %broadcast_in_dim3A = vector.shape_cast %slice3A : vector<4x1024xf32> to vector<4x1x1024xf32>
    %broadcast_in_dim3A_4 = vector.shape_cast %broadcast_in_dim3A : vector<4x1x1024xf32> to vector<4x1x1024xf32>
    %broadcast_in_dim3A_5 = vector.broadcast %broadcast_in_dim3A_4 : vector<4x1x1024xf32> to vector<4x64x1024xf32>
    %reshape3A = vector.shape_cast %broadcast_in_dim3A_5 : vector<4x64x1024xf32> to vector<256x1024xf32>
    %get3A_6 = arith.constant 0 : index
    %get3A_7 = arith.constant 0 : index
    %get3A_8 = vector.load %arg7[%get3A_6, %get3A_7] : memref<256x1xf32, #tpu.memory_space<vmem>>, vector<256x1xf32>
    %mul3A = vector.broadcast %get3A_8 : vector<256x1xf32> to vector<256x1024xf32>
    %mul3A_9 = arith.mulf %reshape3A, %mul3A : vector<256x1024xf32>
    %get3A_10 = arith.constant 0 : index
    %get3A_11 = arith.constant 0 : index
    %get3A_12 = vector.load %arg8[%get3A_10, %get3A_11] : memref<256x1xf32, #tpu.memory_space<vmem>>, vector<256x1xf32>
    %add3A = vector.broadcast %get3A_12 : vector<256x1xf32> to vector<256x1024xf32>
    %add3A_13 = arith.addf %mul3A_9, %add3A : vector<256x1024xf32>
    %swap3A = arith.constant 0 : index
    %swap3A_14 = arith.constant 0 : index
    %swap3A_15 = arith.constant 0 : index
    %swap3A_16 = vector.load %arg12[%swap3A, %swap3A_14, %swap3A_15] : memref<1x448x1024xf32, #tpu.memory_space<vmem>>, vector<1x256x1024xf32>
    %swap3A_17 = vector.shape_cast %swap3A_16 : vector<1x256x1024xf32> to vector<256x1024xf32>
    %swap3A_18 = vector.shape_cast %add3A_13 : vector<256x1024xf32> to vector<1x256x1024xf32>
    tpu.vector_store %arg12[%swap3A, %swap3A_14, %swap3A_15], %swap3A_18 {strides = array<i32>} : memref<1x448x1024xf32, #tpu.memory_space<vmem>>, vector<1x256x1024xf32>,
    %get3A_19 = arith.constant 0 : index
    %get3A_20 = arith.constant 0 : index
    %get3A_21 = arith.constant 0 : index
    %get3A_22 = vector.load %arg4[%get3A_19, %get3A_20, %get3A_21] : memref<1x512x128xf32, #tpu.memory_space<vmem>>, vector<1x512x128xf32>
    %get3A_23 = vector.shape_cast %get3A_22 : vector<1x512x128xf32> to vector<512x128xf32>
    %get3A_24 = arith.constant 0 : index
    %get3A_25 = arith.constant 0 : index
    %get3A_26 = vector.load %arg11[%get3A_24, %get3A_25] : memref<64x64xf32, #tpu.memory_space<vmem>>, vector<64x64xf32>
    %slice3A_27 = vector.extract_strided_slice %get3A_23 {offsets = [0, 0], sizes = [512, 64], strides = [1, 1]} : vector<512x128xf32> to vector<512x64xf32>
    %dot_general3A = arith.constant dense<0.000000e+00> : vector<64x512xf32>
    %dot_general3A_28 = tpu.matmul %get3A_26, %slice3A_27, %dot_general3A {dimension_numbers = #tpu.dot_dimension_numbers<[1], [1], [0], [0], [0, 0, 1, 0], [], []>, transpose_lhs_hint = false} : vector<64x64xf32>, vector<512x64xf32>, vector<64x512xf32> -> vector<64x512xf32>
    %swap3A_29 = arith.constant 0 : index
    %swap3A_30 = arith.constant 256 : index
    %swap3A_31 = arith.constant 0 : index
    %swap3A_32 = vector.load %arg12[%swap3A_29, %swap3A_30, %swap3A_31] : memref<1x448x1024xf32, #tpu.memory_space<vmem>>, vector<1x64x512xf32>
    %swap3A_33 = vector.shape_cast %swap3A_32 : vector<1x64x512xf32> to vector<64x512xf32>
    %swap3A_34 = vector.shape_cast %dot_general3A_28 : vector<64x512xf32> to vector<1x64x512xf32>
    tpu.vector_store %arg12[%swap3A_29, %swap3A_30, %swap3A_31], %swap3A_34 {strides = array<i32>} : memref<1x448x1024xf32, #tpu.memory_space<vmem>>, vector<1x64x512xf32>,
    %get3A_35 = arith.constant 0 : index
    %get3A_36 = arith.constant 0 : index
    %get3A_37 = vector.load %arg11[%get3A_35, %get3A_36] : memref<64x64xf32, #tpu.memory_space<vmem>>, vector<64x64xf32>
    %slice3A_38 = vector.extract_strided_slice %get3A_23 {offsets = [0, 64], sizes = [512, 64], strides = [1, 1]} : vector<512x128xf32> to vector<512x64xf32>
    %dot_general3A_39 = arith.constant dense<0.000000e+00> : vector<64x512xf32>
    %dot_general3A_40 = tpu.matmul %get3A_37, %slice3A_38, %dot_general3A_39 {dimension_numbers = #tpu.dot_dimension_numbers<[1], [1], [0], [0], [0, 0, 1, 0], [], []>, transpose_lhs_hint = false} : vector<64x64xf32>, vector<512x64xf32>, vector<64x512xf32> -> vector<64x512xf32>
    %swap3A_41 = arith.constant 0 : index
    %swap3A_42 = arith.constant 256 : index
    %swap3A_43 = arith.constant 512 : index
    %swap3A_44 = vector.load %arg12[%swap3A_41, %swap3A_42, %swap3A_43] : memref<1x448x1024xf32, #tpu.memory_space<vmem>>, vector<1x64x512xf32>
    %swap3A_45 = vector.shape_cast %swap3A_44 : vector<1x64x512xf32> to vector<64x512xf32>
    %swap3A_46 = vector.shape_cast %dot_general3A_40 : vector<64x512xf32> to vector<1x64x512xf32>
    tpu.vector_store %arg12[%swap3A_41, %swap3A_42, %swap3A_43], %swap3A_46 {strides = array<i32>} : memref<1x448x1024xf32, #tpu.memory_space<vmem>>, vector<1x64x512xf32>,
    %get3A_47 = arith.constant 0 : index
    %get3A_48 = arith.constant 0 : index
    %get3A_49 = arith.constant 0 : index
    %get3A_50 = vector.load %arg5[%get3A_47, %get3A_48, %get3A_49] : memref<1x512x128xf32, #tpu.memory_space<vmem>>, vector<1x512x128xf32>
    %get3A_51 = vector.shape_cast %get3A_50 : vector<1x512x128xf32> to vector<512x128xf32>
    %get3A_52 = arith.constant 0 : index
    %get3A_53 = arith.constant 0 : index
    %get3A_54 = vector.load %arg11[%get3A_52, %get3A_53] : memref<64x64xf32, #tpu.memory_space<vmem>>, vector<64x64xf32>
    %slice3A_55 = vector.extract_strided_slice %get3A_51 {offsets = [0, 0], sizes = [512, 64], strides = [1, 1]} : vector<512x128xf32> to vector<512x64xf32>
    %dot_general3A_56 = arith.constant dense<0.000000e+00> : vector<64x512xf32>
    %dot_general3A_57 = tpu.matmul %get3A_54, %slice3A_55, %dot_general3A_56 {dimension_numbers = #tpu.dot_dimension_numbers<[1], [1], [0], [0], [0, 0, 1, 0], [], []>, transpose_lhs_hint = false} : vector<64x64xf32>, vector<512x64xf32>, vector<64x512xf32> -> vector<64x512xf32>
    %swap3A_58 = arith.constant 0 : index
    %swap3A_59 = arith.constant 320 : index
    %swap3A_60 = arith.constant 0 : index
    %swap3A_61 = vector.load %arg12[%swap3A_58, %swap3A_59, %swap3A_60] : memref<1x448x1024xf32, #tpu.memory_space<vmem>>, vector<1x64x512xf32>
    %swap3A_62 = vector.shape_cast %swap3A_61 : vector<1x64x512xf32> to vector<64x512xf32>
    %swap3A_63 = vector.shape_cast %dot_general3A_57 : vector<64x512xf32> to vector<1x64x512xf32>
    tpu.vector_store %arg12[%swap3A_58, %swap3A_59, %swap3A_60], %swap3A_63 {strides = array<i32>} : memref<1x448x1024xf32, #tpu.memory_space<vmem>>, vector<1x64x512xf32>,
    %get3A_64 = arith.constant 0 : index
    %get3A_65 = arith.constant 0 : index
    %get3A_66 = vector.load %arg11[%get3A_64, %get3A_65] : memref<64x64xf32, #tpu.memory_space<vmem>>, vector<64x64xf32>
    %slice3A_67 = vector.extract_strided_slice %get3A_51 {offsets = [0, 64], sizes = [512, 64], strides = [1, 1]} : vector<512x128xf32> to vector<512x64xf32>
    %dot_general3A_68 = arith.constant dense<0.000000e+00> : vector<64x512xf32>
    %dot_general3A_69 = tpu.matmul %get3A_66, %slice3A_67, %dot_general3A_68 {dimension_numbers = #tpu.dot_dimension_numbers<[1], [1], [0], [0], [0, 0, 1, 0], [], []>, transpose_lhs_hint = false} : vector<64x64xf32>, vector<512x64xf32>, vector<64x512xf32> -> vector<64x512xf32>
    %swap3A_70 = arith.constant 0 : index
    %swap3A_71 = arith.constant 320 : index
    %swap3A_72 = arith.constant 512 : index
    %swap3A_73 = vector.load %arg12[%swap3A_70, %swap3A_71, %swap3A_72] : memref<1x448x1024xf32, #tpu.memory_space<vmem>>, vector<1x64x512xf32>
    %swap3A_74 = vector.shape_cast %swap3A_73 : vector<1x64x512xf32> to vector<64x512xf32>
    %swap3A_75 = vector.shape_cast %dot_general3A_69 : vector<64x512xf32> to vector<1x64x512xf32>
    tpu.vector_store %arg12[%swap3A_70, %swap3A_71, %swap3A_72], %swap3A_75 {strides = array<i32>} : memref<1x448x1024xf32, #tpu.memory_space<vmem>>, vector<1x64x512xf32>,
    %get3A_76 = arith.constant 0 : index
    %get3A_77 = arith.constant 0 : index
    %get3A_78 = arith.constant 0 : index
    %get3A_79 = vector.load %arg6[%get3A_76, %get3A_77, %get3A_78] : memref<1x512x128xf32, #tpu.memory_space<vmem>>, vector<1x512x128xf32>
    %get3A_80 = vector.shape_cast %get3A_79 : vector<1x512x128xf32> to vector<512x128xf32>
    %get3A_81 = arith.constant 0 : index
    %get3A_82 = arith.constant 0 : index
    %get3A_83 = vector.load %arg11[%get3A_81, %get3A_82] : memref<64x64xf32, #tpu.memory_space<vmem>>, vector<64x64xf32>
    %slice3A_84 = vector.extract_strided_slice %get3A_80 {offsets = [0, 0], sizes = [512, 64], strides = [1, 1]} : vector<512x128xf32> to vector<512x64xf32>
    %dot_general3A_85 = arith.constant dense<0.000000e+00> : vector<64x512xf32>
    %dot_general3A_86 = tpu.matmul %get3A_83, %slice3A_84, %dot_general3A_85 {dimension_numbers = #tpu.dot_dimension_numbers<[1], [1], [0], [0], [0, 0, 1, 0], [], []>, transpose_lhs_hint = false} : vector<64x64xf32>, vector<512x64xf32>, vector<64x512xf32> -> vector<64x512xf32>
    %swap3A_87 = arith.constant 0 : index
    %swap3A_88 = arith.constant 384 : index
    %swap3A_89 = arith.constant 0 : index
    %swap3A_90 = vector.load %arg12[%swap3A_87, %swap3A_88, %swap3A_89] : memref<1x448x1024xf32, #tpu.memory_space<vmem>>, vector<1x64x512xf32>
    %swap3A_91 = vector.shape_cast %swap3A_90 : vector<1x64x512xf32> to vector<64x512xf32>
    %swap3A_92 = vector.shape_cast %dot_general3A_86 : vector<64x512xf32> to vector<1x64x512xf32>
    tpu.vector_store %arg12[%swap3A_87, %swap3A_88, %swap3A_89], %swap3A_92 {strides = array<i32>} : memref<1x448x1024xf32, #tpu.memory_space<vmem>>, vector<1x64x512xf32>,
    %get3A_93 = arith.constant 0 : index
    %get3A_94 = arith.constant 0 : index
    %get3A_95 = vector.load %arg11[%get3A_93, %get3A_94] : memref<64x64xf32, #tpu.memory_space<vmem>>, vector<64x64xf32>
    %slice3A_96 = vector.extract_strided_slice %get3A_80 {offsets = [0, 64], sizes = [512, 64], strides = [1, 1]} : vector<512x128xf32> to vector<512x64xf32>
    %dot_general3A_97 = arith.constant dense<0.000000e+00> : vector<64x512xf32>
    %dot_general3A_98 = tpu.matmul %get3A_95, %slice3A_96, %dot_general3A_97 {dimension_numbers = #tpu.dot_dimension_numbers<[1], [1], [0], [0], [0, 0, 1, 0], [], []>, transpose_lhs_hint = false} : vector<64x64xf32>, vector<512x64xf32>, vector<64x512xf32> -> vector<64x512xf32>
    %swap3A_99 = arith.constant 0 : index
    %swap3A_100 = arith.constant 384 : index
    %swap3A_101 = arith.constant 512 : index
    %swap3A_102 = vector.load %arg12[%swap3A_99, %swap3A_100, %swap3A_101] : memref<1x448x1024xf32, #tpu.memory_space<vmem>>, vector<1x64x512xf32>
    %swap3A_103 = vector.shape_cast %swap3A_102 : vector<1x64x512xf32> to vector<64x512xf32>
    %swap3A_104 = vector.shape_cast %dot_general3A_98 : vector<64x512xf32> to vector<1x64x512xf32>
    tpu.vector_store %arg12[%swap3A_99, %swap3A_100, %swap3A_101], %swap3A_104 {strides = array<i32>} : memref<1x448x1024xf32, #tpu.memory_space<vmem>>, vector<1x64x512xf32>,
    %slice3A_105 = vector.extract_strided_slice %get3A_3 {offsets = [0, 0], sizes = [6, 1024], strides = [1, 1]} : vector<8x1024xf32> to vector<6x1024xf32>
    %broadcast_in_dim3A_106 = vector.shape_cast %slice3A_105 : vector<6x1024xf32> to vector<6x1x1024xf32>
    %broadcast_in_dim3A_107 = vector.shape_cast %broadcast_in_dim3A_106 : vector<6x1x1024xf32> to vector<6x1x1024xf32>
    %broadcast_in_dim3A_108 = vector.broadcast %broadcast_in_dim3A_107 : vector<6x1x1024xf32> to vector<6x64x1024xf32>
    %reshape3A_109 = vector.shape_cast %broadcast_in_dim3A_108 : vector<6x64x1024xf32> to vector<384x1024xf32>
    %get3A_110 = arith.constant 0 : index
    %get3A_111 = arith.constant 0 : index
    %get3A_112 = vector.load %arg9[%get3A_110, %get3A_111] : memref<384x1xf32, #tpu.memory_space<vmem>>, vector<384x1xf32>
    %mul3A_113 = vector.broadcast %get3A_112 : vector<384x1xf32> to vector<384x1024xf32>
    %mul3A_114 = arith.mulf %reshape3A_109, %mul3A_113 : vector<384x1024xf32>
    %get3A_115 = arith.constant 0 : index
    %get3A_116 = arith.constant 0 : index
    %get3A_117 = vector.load %arg10[%get3A_115, %get3A_116] : memref<384x1xf32, #tpu.memory_space<vmem>>, vector<384x1xf32>
    %add3A_118 = vector.broadcast %get3A_117 : vector<384x1xf32> to vector<384x1024xf32>
    %add3A_119 = arith.addf %mul3A_114, %add3A_118 : vector<384x1024xf32>
    %swap3A_120 = arith.constant 0 : index
    %swap3A_121 = arith.constant 0 : index
    %swap3A_122 = arith.constant 0 : index
    %swap3A_123 = vector.load %arg13[%swap3A_120, %swap3A_121, %swap3A_122] : memref<1x384x1024xf32, #tpu.memory_space<vmem>>, vector<1x384x1024xf32>
    %swap3A_124 = vector.shape_cast %swap3A_123 : vector<1x384x1024xf32> to vector<384x1024xf32>
    %swap3A_125 = vector.shape_cast %add3A_119 : vector<384x1024xf32> to vector<1x384x1024xf32>
    tpu.vector_store %arg13[%swap3A_120, %swap3A_121, %swap3A_122], %swap3A_125 {strides = array<i32>} : memref<1x384x1024xf32, #tpu.memory_space<vmem>>, vector<1x384x1024xf32>,
    return
  }
  func.func @transform_2(%arg0: i32) -> (i32, i32, i32) {
    %add3A = arith.constant 160 : i32
    %add3A_0 = arith.addi %add3A, %arg0 : i32
    %c0_i32 = arith.constant 0 : i32
    %c0_i32_1 = arith.constant 0 : i32
    %c0_i32_2 = arith.constant 0 : i32
    return %add3A_0, %c0_i32, %c0_i32_1 : i32, i32, i32
  }
  func.func @transform_3(%arg0: i32) -> (i32, i32, i32) {
    %c0_i32 = arith.constant 0 : i32
    %c0_i32_0 = arith.constant 0 : i32
    %c0_i32_1 = arith.constant 0 : i32
    return %arg0, %c0_i32, %c0_i32_0 : i32, i32, i32
  }
  func.func @transform_4(%arg0: i32) -> (i32, i32, i32) {
    %c0_i32 = arith.constant 0 : i32
    %c0_i32_0 = arith.constant 0 : i32
    %c0_i32_1 = arith.constant 0 : i32
    return %arg0, %c0_i32, %c0_i32_0 : i32, i32, i32
  }
  func.func @transform_5(%arg0: i32) -> (i32, i32, i32) {
    %c0_i32 = arith.constant 0 : i32
    %c0_i32_0 = arith.constant 0 : i32
    %c0_i32_1 = arith.constant 0 : i32
    return %arg0, %c0_i32, %c0_i32_0 : i32, i32, i32
  }
  func.func @transform_6(%arg0: i32) -> (i32, i32) {
    %c0_i32 = arith.constant 0 : i32
    %c0_i32_0 = arith.constant 0 : i32
    %c0_i32_1 = arith.constant 0 : i32
    return %c0_i32, %c0_i32_0 : i32, i32
  }
  func.func @transform_7(%arg0: i32) -> (i32, i32) {
    %c0_i32 = arith.constant 0 : i32
    %c0_i32_0 = arith.constant 0 : i32
    %c0_i32_1 = arith.constant 0 : i32
    return %c0_i32, %c0_i32_0 : i32, i32
  }
  func.func @transform_8(%arg0: i32) -> (i32, i32) {
    %c0_i32 = arith.constant 0 : i32
    %c0_i32_0 = arith.constant 0 : i32
    %c0_i32_1 = arith.constant 0 : i32
    return %c0_i32, %c0_i32_0 : i32, i32
  }
  func.func @transform_9(%arg0: i32) -> (i32, i32) {
    %c0_i32 = arith.constant 0 : i32
    %c0_i32_0 = arith.constant 0 : i32
    %c0_i32_1 = arith.constant 0 : i32
    return %c0_i32, %c0_i32_0 : i32, i32
  }
  func.func @transform_10(%arg0: i32) -> (i32, i32) {
    %c0_i32 = arith.constant 0 : i32
    %c0_i32_0 = arith.constant 0 : i32
    %c0_i32_1 = arith.constant 0 : i32
    return %c0_i32, %c0_i32_0 : i32, i32
  }
  func.func @transform_11(%arg0: i32) -> (i32, i32, i32) {
    %add3A = arith.constant 160 : i32
    %add3A_0 = arith.addi %add3A, %arg0 : i32
    %c0_i32 = arith.constant 0 : i32
    %c0_i32_1 = arith.constant 0 : i32
    %c0_i32_2 = arith.constant 0 : i32
    return %add3A_0, %c0_i32, %c0_i32_1 : i32, i32, i32
  }
  func.func @transform_12(%arg0: i32) -> (i32, i32, i32) {
    %add3A = arith.constant 160 : i32
    %add3A_0 = arith.addi %add3A, %arg0 : i32
    %c0_i32 = arith.constant 0 : i32
    %c0_i32_1 = arith.constant 0 : i32
    %c0_i32_2 = arith.constant 0 : i32
    return %add3A_0, %c0_i32, %c0_i32_1 : i32, i32, i32
  }
}

</mosaic_0001>

<sc_bundles>
// kernel: kernel.12.cloned.1.call-start
scs
__scs_entry_jumppad:
0x0: {  	(pc) =	sbr.rel $0x88, $3  }
0x1: {  	(tag) =	ssettag $0x0;
	lr =	simm.s32 $0x1  }
0x2: {  	[smem:$0x3F95] =	sst lr;
	_ =	strace $0xD0000000  }
0x3: {  	_ = 	snop  }
0x4: {  	_ = 	snop  }
0x5: {  	_ = 	snop  }
0x6: {  	_ = 	snop  }
0x7: {  	_ = 	snop  }
__scs_overlays_trampoline_lowered:
0x8: {  	[smem:$0x3FA4] =	sst s0  }
0x9: {  	[smem:$0x3FA5] =	sst s1  }
0xa: {  	[smem:$0x3FA6] =	sst s2  }
0xb: {  	[smem:$0x3FA7] =	sst s3  }
0xc: {  	[smem:$0x3FA8] =	sst s4  }
0xd: {  	[smem:$0x3FA9] =	sst s5  }
0xe: {  	[smem:$0x3FAA] =	sst s6  }
0xf: {  	[smem:$0x3FAB] =	sst s7  }
0x10: {  	[smem:$0x3FAC] =	sst s8  }
0x11: {  	[smem:$0x3FAD] =	sst s9;
	s0 =	simm.s32 @!p0 $0x0  }
0x12: {  	s1 =	sld [smem:$0x3F93];
	s0 =	simm.s32 @p0 $0x1  }
0x13: {  	[smem:$0x3FAE] =	sst s0;
	s0 =	simm.s32 @!p1 $0x0  }
0x14: {  	s2 =	sld [smem:$0x3F92];
	s0 =	simm.s32 @p1 $0x1  }
0x15: {  	[smem:$0x3FAF] =	sst s0;
	s0 =	simm.s32 @!p2 $0x0  }
0x16: {  	s3 =	sld [smem:$0x3FDB];
	s0 =	simm.s32 @p2 $0x1  }
0x17: {  	s4 =	simm.s32 $0x1BF5;
	[smem:$0x3FB1] =	sst s0  }
0x18: {  	s0 =	sld [smem:$0x3F94];
	_ =	swait.ge [sflag:s4], $0x0  }
0x19: {  	s7 =	sld [smem:$0x3F95]  }
0x1a: {  	s8 =	sadd.s32 $0xFFFFE003, lr  }
0x1b: {  	s9 =	sadd.s32 $0xFFFFFEF7, lr;
	s5 =	simm.s32 $0xFFFFFFFF;
	p2 =	slt.u32 s8, $0xFFFFF086  }
0x1c: {  	p1 =	slt.u32 s9, $0xF7A;
	s5 =	simm.s32 @!p2 $0x0  }
0x1d: {  	s5 =	simm.s32 @p1 $0x1;
	p0 =	seq.s32 s7, s2  }
0x1e: {  	s7 =	smul.u32 @!p0 $0xF7A, s2;
	p2 =	seq.s32 @!p0 s5, $0x0  }
0x1f: {  	s9 =	smul.u32 $0xF7A, s1;
	s8 =	simm.s32 @!p0 $0x1BF5;
	p2 =	por !p2, p0  }
0x20: {  	[sflag:s8] =	ssyncset.s32 @!p0 $0xFFFFF086;
	s6 =	sadd.s32 @!p0 s3, s7;
	s7 =	simm.s32 @!p0 $0x108  }
0x21: {  	s3 =	sadd.s32 s3, s9;
	s6 =	sadd.s32 @!p0 $0x88, s6;
	s7 =	simm.s32 @p2 $0x1082  }
0x22: {  	[simem:s7], [sflag:s8] =	dma.local @!p0 [hbm:s6], $0xF7A  }
0x23: {  	s9 =	sor.u32 $0xD0000000, s2;
	s6 =	simm.s32 $0x108;
	_ =	swait.ge @!p0 [sflag:s8], $0x0  }
0x24: {  	s3 =	sadd.s32 $0x88, s3;
	s6 =	simm.s32 @!p1 $0x1082;
	[sflag:s4] =	ssyncset.s32 $0xFFFFF086  }
0x25: {  	[simem:s6], [sflag:s4] =	dma.local [hbm:s3], $0xF7A  }
0x26: {  	[smem:$0x3F95] =	sst s1;
	(tag) =	ssettag s2;
	_ =	strace s9  }
0x27: {  	s1 =	sld [smem:$0x3FA5]  }
0x28: {  	s2 =	sld [smem:$0x3FA6]  }
0x29: {  	s4 =	sld [smem:$0x3FA8]  }
0x2a: {  	p0 =	seq.s32 s5, $0x0;
	s5 =	sld [smem:$0x3FA9]  }
0x2b: {  	s6 =	sld [smem:$0x3FAA]  }
0x2c: {  	s7 =	sld [smem:$0x3FAB]  }
0x2d: {  	s3 =	simm.s32 $0x108;
	s8 =	sld [smem:$0x3FAC]  }
0x2e: {  	s3 =	simm.s32 @!p0 $0x1082;
	s9 =	sld [smem:$0x3FAD]  }
0x2f: {  	lr =	sadd.s32 s0, s3;
	s0 =	sld [smem:$0x3FA4]  }
0x30: {  	s3 =	sld [smem:$0x3FA7]  }
0x31: {  	[smem:$0x3FB0] =	sst s10  }
0x32: {  	s10 =	sld [smem:$0x3FAE];
	_ =	sdelay $0x3  }
0x33: {  	p0 =	seq.s32 s10, $0x1;
	s10 =	sld [smem:$0x3FB0];
	_ =	sdelay $0x3  }
0x34: {  	[smem:$0x3FB0] =	sst s10  }
0x35: {  	s10 =	sld [smem:$0x3FAF];
	_ =	sdelay $0x3  }
0x36: {  	p1 =	seq.s32 s10, $0x1;
	s10 =	sld [smem:$0x3FB0];
	_ =	sdelay $0x3  }
0x37: {  	[smem:$0x3FB0] =	sst s10  }
0x38: {  	s10 =	sld [smem:$0x3FB1]  }
0x39: {  	_ = 	snop;
	(pc) =	sbr.ind lr, $3  }
0x3a: {  	_ = 	snop  }
0x3b: {  	_ = 	snop  }
0x3c: {  	p2 =	seq.s32 s10, $0x1;
	s10 =	sld [smem:$0x3FB0]  }
0x3d: {  	_ =	shalt  }
0x3e: {  	_ =	shalt  }
0x3f: {  	_ =	shalt  }
0x40: {  	_ =	shalt  }
0x41: {  	_ =	shalt  }
0x42: {  	_ =	shalt  }
0x43: {  	_ =	shalt  }
0x44: {  	_ =	shalt  }
0x45: {  	_ =	shalt  }
0x46: {  	_ =	shalt  }
0x47: {  	_ =	shalt  }
0x48: {  	_ =	shalt  }
0x49: {  	_ =	shalt  }
0x4a: {  	_ =	shalt  }
0x4b: {  	_ =	shalt  }
0x4c: {  	_ =	shalt  }
0x4d: {  	_ =	shalt  }
0x4e: {  	_ =	shalt  }
0x4f: {  	_ =	shalt  }
0x50: {  	_ =	shalt  }
0x51: {  	_ =	shalt  }
0x52: {  	_ =	shalt  }
0x53: {  	_ =	shalt  }
0x54: {  	_ =	shalt  }
0x55: {  	_ =	shalt  }
0x56: {  	_ =	shalt  }
0x57: {  	_ =	shalt  }
0x58: {  	_ =	shalt  }
0x59: {  	_ =	shalt  }
0x5a: {  	_ =	shalt  }
0x5b: {  	_ =	shalt  }
0x5c: {  	_ =	shalt  }
0x5d: {  	_ =	shalt  }
0x5e: {  	_ =	shalt  }
0x5f: {  	_ =	shalt  }
0x60: {  	_ =	shalt  }
0x61: {  	_ =	shalt  }
0x62: {  	_ =	shalt  }
0x63: {  	_ =	shalt  }
0x64: {  	_ =	shalt  }
0x65: {  	_ =	shalt  }
0x66: {  	_ =	shalt  }
0x67: {  	_ =	shalt  }
0x68: {  	_ =	shalt  }
0x69: {  	_ =	shalt  }
0x6a: {  	_ =	shalt  }
0x6b: {  	_ =	shalt  }
0x6c: {  	_ =	shalt  }
0x6d: {  	_ =	shalt  }
0x6e: {  	_ =	shalt  }
0x6f: {  	_ =	shalt  }
0x70: {  	_ =	shalt  }
0x71: {  	_ =	shalt  }
0x72: {  	_ =	shalt  }
0x73: {  	_ =	shalt  }
0x74: {  	_ =	shalt  }
0x75: {  	_ =	shalt  }
0x76: {  	_ =	shalt  }
0x77: {  	_ =	shalt  }
0x78: {  	_ =	shalt  }
0x79: {  	_ =	shalt  }
0x7a: {  	_ =	shalt  }
0x7b: {  	_ =	shalt  }
0x7c: {  	_ =	shalt  }
0x7d: {  	_ =	shalt  }
0x7e: {  	_ =	shalt  }
0x7f: {  	_ =	shalt  }
0x80: {  	_ =	shalt  }
0x81: {  	_ =	shalt  }
0x82: {  	_ =	shalt  }
0x83: {  	_ =	shalt  }
0x84: {  	_ =	shalt  }
0x85: {  	_ =	shalt  }
0x86: {  	_ =	shalt  }
0x87: {  	_ =	shalt  }
.Lfunc_end0:
.L_simem_size_0:
called_computation_lowered:
.L_overlay_start_0:
0x88: {  	s2 =	sld [smem:$0x3FD9]  }
0x89: {  	s3 =	sld [smem:$0x3FFE];
	_ =	sdelay $0x1  }
0x8a: {  	s1 =	srdreg.scid  }
0x8b: {  	s0 =	sand.u32 $0x1, s1  }
0x8c: {  	s15 =	sshll.u32 s0, $0xA;
	s2 =	sadd.s32 s3, s2  }
0x8d: {  	s2 =	sadd.s32 s2, s15  }
0x8e: {  	[smem:$0x3FBC] =	sst s2  }
0x8f: {  	_ = 	snop  }
0x90: {  	s2 =	sld [smem:$0x3FD0];
	_ =	sdelay $0x2  }
0x91: {  	s16 =	simm.s32 $0xE;
	s4 =	simm.s32 $0x10  }
0x92: {  	[smem:s4], [sflag:s16] =	dma.local [hbm:s2], $0x1  }
0x93: {  	_ =	swait.eq [sflag:s16], $0x1  }
0x94: {  	[sflag:s16] =	ssyncset.done $0x0  }
0x95: {  	[sflag:s16] =	ssyncadd.s32 $0xFFFFFFFF  }
0x96: {  	s17 =	sld [smem:$0x12];
	(tm) =	ssettm $0x1  }
0x97: {  	s18 =	sld [smem:$0x3FFB];
	_ =	sdelay $0x3  }
0x98: {  	_ =	strace s18  }
0x99: {  	s2 =	sld [smem:$0x3FFC];
	_ =	sdelay $0x3  }
0x9a: {  	_ =	strace s2  }
0x9b: {  	s2 =	sld [smem:$0x3FFD];
	_ =	sdelay $0x3  }
0x9c: {  	_ =	strace s2  }
0x9d: {  	_ =	strace $0x8FFFFFFF  }
0x9e: {  	s19 =	sld [smem:$0x3FDB];
	_ =	sdelay $0x1  }
0x9f: {  	s20 =	simm.s32 $_scs_section_size  }
0xa0: {  	s5 =	simm.s32 $_size__tile_overlayer_lowered;
	s6 =	simm.s32 $_tile_overlayer_lowered  }
0xa1: {  	s7 =	simm.s32 $0x1BFF;
	s21 =	sshll.u32 s6, $0x1;
	s4 =	sadd.s32 s20, s19  }
0xa2: {  	s22 =	simm.s32 $0x0;
	s5 =	sshll.u32 s5, $0x1;
	s6 =	sadd.s32 s21, s4  }
0xa3: {  	[timem:s22], [sflag:s7] =	dma.local [hbm:s6], s5  }
0xa4: {  	_ =	swait.ge [sflag:s7], s5  }
0xa5: {  	s5 =	ssub.s32 $0x0, s5;
	[sflag:s7] =	ssyncset.done $0x0  }
0xa6: {  	[sflag:s7] =	ssyncadd.s32 s5;
	_ =	sdelay $0x1  }
0xa7: {  	s23 =	simm.s32 $0x1B8B  }
0xa8: {  	_ =	swait.ge [sflag:s23], $0x1  }
0xa9: {  	[sflag:s23] =	ssyncset.done $0x0  }
0xaa: {  	[sflag:s23] =	ssyncadd.s32 $0xFFFFFFFF  }
0xab: {  	s5 =	sld [smem:$0x0]  }
0xac: {  	s6 =	sand.u32 $0xFFFFFFFE, s1  }
0xad: {  	p0 =	sne.s32 s1, s6  }
0xae: {  	s6 =	sshll.u32 @p0 s6, $0xE  }
0xaf: {  	s6 =	sadd.s32 @p0 $0x11B8D, s6;
	s7 =	sshll.u32 @p0 s5, $0x11  }
0xb0: {  	s6 =	sor.u32 @p0 s7, s6  }
0xb1: {  	[sflag:s6] =	ssyncadd.remote.s32 @p0 $0x1;
	_ =	sdelay $0x1  }
0xb2: {  	s6 =	simm.s32 @p0 $0x1B8D  }
0xb3: {  	_ =	swait.eq @p0 [sflag:s6], $0x1  }
0xb4: {  	[sflag:s6] =	ssyncadd.s32 @p0 $0xFFFFFFFF  }
0xb5: {  	s7 =	sshll.u32 @!p0 s1, $0xE  }
0xb6: {  	s7 =	sor.u32 @!p0 $0x4000, s7;
	s6 =	simm.s32 @!p0 $0x1B8D  }
0xb7: {  	s5 =	sshll.u32 @!p0 s5, $0x11;
	s7 =	sadd.s32 @!p0 $0x11B8D, s7;
	_ =	swait.eq @!p0 [sflag:s6], $0x1  }
0xb8: {  	s5 =	sor.u32 @!p0 s5, s7;
	[sflag:s6] =	ssyncadd.s32 @!p0 $0xFFFFFFFF  }
0xb9: {  	s25 =	simm.s32 $0x1B8E;
	s24 =	sld [smem:$0x3FFE];
	[sflag:s5] =	ssyncadd.remote.s32 @!p0 $0x1  }
0xba: {  	s26 =	simm.s32 $execute0_lowered;
	[smem:$0x3FD2] =	sst s25  }
0xbb: {  	s6 =	sshll.u32 s26, $0x1;
	_ =	strace $0x80000049;
	[dreg:$0x1] =	wrdreg $0xFFFFFFFF  }
0xbc: {  	s28 =	simm.s32 $_size_execute0_lowered;
	s4 =	sadd.s32 s4, s6;
	[dreg:$0x0] =	wrdreg $0x0  }
0xbd: {  	s6 =	sshll.u32 s28, $0x1;
	[dreg:$0x2] =	wrdreg s4  }
0xbe: {  	[dreg:$0x3] =	wrdreg s6  }
0xbf: {  	[dreg:$0x4] =	wrdreg $0xC0  }
0xc0: {  	_ =	task [dreg:s22], $0x5FFFF  }
0xc1: {  	[dreg:$0x1] =	wrdreg $0xFFFFFFFF  }
0xc2: {  	[dreg:$0x0] =	wrdreg $0x60  }
0xc3: {  	[dreg:$0x2] =	wrdreg s24  }
0xc4: {  	[dreg:$0x3] =	wrdreg s17  }
0xc5: {  	[dreg:$0x4] =	wrdreg $0x9  }
0xc6: {  	_ =	task.clear_ibuf [dreg:s22], $0x5FFFF;
	_ =	strace $0x90000049  }
0xc7: {  	s29 =	simm.s32 $0x9;
	_ =	strace $0x8000004B  }
0xc8: {  	_ =	swait.ge [sflag:s29], $0x1  }
0xc9: {  	[sflag:s29] =	ssyncadd.s32 $0xFFFFFFFF  }
0xca: {  	_ =	strace $0x9000004B  }
0xcb: {  	_ =	sfence  }
0xcc: {  	s30 =	sld [smem:$0x0];
	_ =	sdelay $0x2  }
0xcd: {  	s31 =	sshll.u32 s1, $0xD;
	s1 =	sshrl.u32 s1, $0x2  }
0xce: {  	s4 =	sand.u32 $0x4000, s31;
	s1 =	sadd.s32 s1, s30  }
0xcf: {  	s0 =	sor.u32 s4, s0;
	s1 =	sshll.u32 s1, $0x11  }
0xd0: {  	s0 =	sor.u32 s1, s0  }
0xd1: {  	s0 =	sadd.s32 $0x8F2B, s0  }
0xd2: {  	[sflag:s0] =	ssyncadd.remote.s32 $0x1  }
0xd3: {  	_ =	sfence.sel $0xFFFF  }
0xd4: {  	[dreg:$0x0] =	wrdreg $0xFFFFFFFF;
	(pc) =	sbr.abs _section_cstart, $3  }
0xd5: {  	[dreg:$0x1] =	wrdreg $0xFFFFFFFF  }
0xd6: {  	_ =	task.clear_ibuf [dreg:s22], $0x2FFFF;
	_ =	strace $0x9FFFFFFF  }
0xd7: {  	(tm) =	ssettm $0x7FFFFFFF  }
tec
execute0_lowered:
.L_overlay_start_1:
0x0: {  	(tag) =	ssettag $0x1  }
0x1: {  	s1 =	srdreg.scid;
	s0 =	stileid.u32  }
0x2: {  	s29 =	sand.u32 $0x1, s1;
	s30 =	sshll.u32 s0, $0x1  }
0x3: {  	s16 =	sor.u32 s29, s30  }
0x4: {  	s19 =	rddreg [dreg:$0x0];
	s3 =	smul.u32 $0x50, s16  }
0x5: {  	s25 =	rddreg [dreg:$0x1];
	s2 =	simm.s32 $0x0  }
0x6: {  	[smem:$0x7FF] =	sst s2;
	s23 =	sadd.s32 s3, s19  }
0x7: {  	s1 =	rddreg [dreg:$0x2];
	_ =	strace $0x8000004A;
	s3 =	sadd.s32 $0x14400, s23  }
0x8: {  	[tilespmem:s2], [sflag:$0x1] =	stream.linear.gather [hbm4b:s3+s2], $0x280, $0x38;
	[tilespmem:$0x1E780] =	vst v63  }
0x9: {  	s5 =	simm.s32 $0x280;
	s4 =	sadd.s32 $0x35E800, s23  }
0xa: {  	[tilespmem:s5], [sflag:$0x1] =	stream.linear.gather [hbm4b:s4+s2], $0x280, $0x38;
	[tilespmem:$0x1E780] =	vst v63  }
0xb: {  	s7 =	simm.s32 $0x500;
	s8 =	simm.s32 $0x1;
	s6 =	sadd.s32 $0x35D400, s23  }
0xc: {  	[tilespmem:s7], [sflag:$0x1] =	stream.linear.gather [hbm4b:s6+s2], $0x280, $0x38;
	[tilespmem:$0x1E780] =	vst v63  }
0xd: {  	_ =	swait.ge [sflag:s8], $0x280  }
0xe: {  	[sflag:s8] =	ssyncset.done $0x0  }
0xf: {  	[sflag:s8] =	ssyncadd.s32 $0xFFFFFD80  }
0x10: {  	_ =	swait.ge [sflag:s8], $0x280  }
0x11: {  	[sflag:s8] =	ssyncset.done $0x0  }
0x12: {  	[sflag:s8] =	ssyncadd.s32 $0xFFFFFD80  }
0x13: {  	_ =	swait.ge [sflag:s8], $0x280  }
0x14: {  	[sflag:s8] =	ssyncset.done $0x0  }
0x15: {  	s10 =	simm.s32 $0x780;
	s9 =	sadd.s32 $0x16C00, s19;
	[sflag:s8] =	ssyncadd.s32 $0xFFFFFD80  }
0x16: {  	[tilespmem:s10], [sflag:$0x2] =	stream.indirect.gather [hbm4b:s9+s5], $0x40, s2, s5, $0xb8;
	[tilespmem:$0x1E780] =	vst v63  }
0x17: {  	s12 =	simm.s32 $0xA780;
	s11 =	sadd.s32 $0x260E00, s19  }
0x18: {  	[tilespmem:s12], [sflag:$0x2] =	stream.indirect.gather [hbm4b:s11+s5], $0x40, s5, s5, $0xb8;
	[tilespmem:$0x1E780] =	vst v63  }
0x19: {  	s14 =	simm.s32 $0x14780;
	s15 =	simm.s32 $0x2;
	s13 =	sadd.s32 $0x265200, s19  }
0x1a: {  	[tilespmem:s14], [sflag:$0x2] =	stream.indirect.gather [hbm4b:s13+s5], $0x40, s7, s5, $0xb8;
	[tilespmem:$0x1E780] =	vst v63  }
0x1b: {  	_ =	swait.ge [sflag:s15], $0xA000  }
0x1c: {  	[sflag:s15] =	ssyncset.done $0x0  }
0x1d: {  	[sflag:s15] =	ssyncadd.s32 $0xFFFF6000  }
0x1e: {  	_ =	swait.ge [sflag:s15], $0xA000  }
0x1f: {  	[sflag:s15] =	ssyncset.done $0x0  }
0x20: {  	[sflag:s15] =	ssyncadd.s32 $0xFFFF6000  }
0x21: {  	s26 =	smul.u32 $0x2800, s16;
	_ =	swait.ge [sflag:s15], $0xA000  }
0x22: {  	s17 =	simm.s32 $0x40;
	s18 =	simm.s32 $0x80;
	[sflag:s15] =	ssyncset.done $0x0  }
0x23: {  	s28 =	sadd.s32 $0x369200, s19;
	s16 =	sadd.s32 s25, s26;
	[sflag:s15] =	ssyncadd.s32 $0xFFFF6000  }
0x24: {  	[hbm4b:s16+s17] =	stream.strided.scatter [tilespmem:s10], [sflag:$0x3], $0xA000, s18, s17, $0x38;
	[tilespmem:$0x1E780] =	vst v63  }
0x25: {  	s30 =	sadd.s32 $0x3B9200, s19;
	s19 =	sadd.s32 s28, s26  }
0x26: {  	[hbm4b:s19+s17] =	stream.strided.scatter [tilespmem:s12], [sflag:$0x3], $0xA000, s18, s17, $0x38;
	[tilespmem:$0x1E780] =	vst v63  }
0x27: {  	s20 =	sadd.s32 s30, s26  }
0x28: {  	[hbm4b:s20+s17] =	stream.strided.scatter [tilespmem:s14], [sflag:$0x3], $0xA000, s18, s17, $0x38;
	[tilespmem:$0x1E780] =	vst v63  }
0x29: {  	s21 =	sadd.s32 $0x13A00, s23  }
0x2a: {  	[tilespmem:s2], [sflag:$0x1] =	stream.linear.gather [hbm4b:s21+s2], $0x280, $0x38;
	[tilespmem:$0x1E780] =	vst v63  }
0x2b: {  	s22 =	sadd.s32 $0x35DE00, s23  }
0x2c: {  	[tilespmem:s5], [sflag:$0x1] =	stream.linear.gather [hbm4b:s22+s2], $0x280, $0x38;
	[tilespmem:$0x1E780] =	vst v63  }
0x2d: {  	s23 =	sadd.s32 $0x14E00, s23  }
0x2e: {  	[tilespmem:s7], [sflag:$0x1] =	stream.linear.gather [hbm4b:s23+s2], $0x280, $0x38;
	[tilespmem:$0x1E780] =	vst v63  }
0x2f: {  	_ =	swait.ge [sflag:s8], $0x280  }
0x30: {  	[sflag:s8] =	ssyncset.done $0x0  }
0x31: {  	[sflag:s8] =	ssyncadd.s32 $0xFFFFFD80  }
0x32: {  	_ =	swait.ge [sflag:s8], $0x280  }
0x33: {  	[sflag:s8] =	ssyncset.done $0x0  }
0x34: {  	[sflag:s8] =	ssyncadd.s32 $0xFFFFFD80  }
0x35: {  	_ =	swait.ge [sflag:s8], $0x280  }
0x36: {  	[sflag:s8] =	ssyncset.done $0x0  }
0x37: {  	s24 =	simm.s32 $0x3;
	[sflag:s8] =	ssyncadd.s32 $0xFFFFFD80  }
0x38: {  	_ =	swait.ge [sflag:s24], $0xA000  }
0x39: {  	[sflag:s24] =	ssyncset.done $0x0  }
0x3a: {  	[sflag:s24] =	ssyncadd.s32 $0xFFFF6000  }
0x3b: {  	_ =	swait.ge [sflag:s24], $0xA000  }
0x3c: {  	[sflag:s24] =	ssyncset.done $0x0  }
0x3d: {  	[sflag:s24] =	ssyncadd.s32 $0xFFFF6000  }
0x3e: {  	_ =	swait.ge [sflag:s24], $0xA000  }
0x3f: {  	[sflag:s24] =	ssyncset.done $0x0  }
0x40: {  	[sflag:s24] =	ssyncadd.s32 $0xFFFF6000  }
0x41: {  	[tilespmem:s10], [sflag:$0x2] =	stream.indirect.gather [hbm4b:s9+s5], $0x40, s2, s5, $0xb8;
	[tilespmem:$0x1E780] =	vst v63  }
0x42: {  	_ = 	snop  }
0x43: {  	[tilespmem:s12], [sflag:$0x2] =	stream.indirect.gather [hbm4b:s11+s5], $0x40, s5, s5, $0xb8;
	[tilespmem:$0x1E780] =	vst v63  }
0x44: {  	_ = 	snop  }
0x45: {  	[tilespmem:s14], [sflag:$0x2] =	stream.indirect.gather [hbm4b:s13+s5], $0x40, s7, s5, $0xb8;
	[tilespmem:$0x1E780] =	vst v63  }
0x46: {  	_ =	swait.ge [sflag:s15], $0xA000  }
0x47: {  	[sflag:s15] =	ssyncset.done $0x0  }
0x48: {  	[sflag:s15] =	ssyncadd.s32 $0xFFFF6000  }
0x49: {  	_ =	swait.ge [sflag:s15], $0xA000  }
0x4a: {  	[sflag:s15] =	ssyncset.done $0x0  }
0x4b: {  	[sflag:s15] =	ssyncadd.s32 $0xFFFF6000  }
0x4c: {  	_ =	swait.ge [sflag:s15], $0xA000  }
0x4d: {  	s31 =	sor.u32 $0x8, s26;
	[sflag:s15] =	ssyncset.done $0x0  }
0x4e: {  	s25 =	sadd.s32 s25, s31;
	[sflag:s15] =	ssyncadd.s32 $0xFFFF6000  }
0x4f: {  	[hbm4b:s25+s17] =	stream.strided.scatter [tilespmem:s10], [sflag:$0x3], $0xA000, s18, s17, $0x38;
	[tilespmem:$0x1E780] =	vst v63  }
0x50: {  	s29 =	ssub.s32 $0x2, s29;
	s26 =	sadd.s32 s28, s31  }
0x51: {  	[hbm4b:s26+s17] =	stream.strided.scatter [tilespmem:s12], [sflag:$0x3], $0xA000, s18, s17, $0x38;
	[tilespmem:$0x1E780] =	vst v63  }
0x52: {  	s28 =	sadd.s32 s30, s31;
	s31 =	sshrl.u32 s29, $0x1  }
0x53: {  	[hbm4b:s28+s17] =	stream.strided.scatter [tilespmem:s14], [sflag:$0x3], $0xA000, s18, s17, $0x38;
	[tilespmem:$0x1E780] =	vst v63  }
0x54: {  	s29 =	ssub.s32 s29, s31;
	_ =	swait.ge [sflag:s24], $0xA000  }
0x55: {  	s29 =	smax.u32 s29, $0x1;
	[sflag:s24] =	ssyncset.done $0x0  }
0x56: {  	p0 =	sne.s32 s29, $0x1;
	[sflag:s24] =	ssyncadd.s32 $0xFFFF6000  }
.Ltmp0:
0x57: {  	_ =	swait.ge [sflag:s24], $0xA000;
	(pc) =	sbr.rel @!p0 .LBB2_2-.Ltmp0, $4  }
0x58: {  	[sflag:s24] =	ssyncset.done $0x0  }
0x59: {  	[sflag:s24] =	ssyncadd.s32 $0xFFFF6000  }
0x5a: {  	_ =	swait.ge [sflag:s24], $0xA000  }
0x5b: {  	s29 =	sadd.s32 $0xFFFFFFFF, s29;
	[sflag:s24] =	ssyncset.done $0x0  }
.LBB2_1:
0x5c: {  	p0 =	sne.s32 s29, $0x1;
	s29 =	sadd.s32 $0xFFFFFFFF, s29;
	[sflag:s24] =	ssyncadd.s32 $0xFFFF6000  }
0x5d: {  	[tilespmem:s2], [sflag:$0x1] =	stream.linear.gather [hbm4b:s3+s2], $0x280, $0x38;
	[tilespmem:$0x1E780] =	vst v63  }
0x5e: {  	_ = 	snop  }
0x5f: {  	[tilespmem:s5], [sflag:$0x1] =	stream.linear.gather [hbm4b:s4+s2], $0x280, $0x38;
	[tilespmem:$0x1E780] =	vst v63  }
0x60: {  	_ = 	snop  }
0x61: {  	[tilespmem:s7], [sflag:$0x1] =	stream.linear.gather [hbm4b:s6+s2], $0x280, $0x38;
	[tilespmem:$0x1E780] =	vst v63  }
0x62: {  	_ =	swait.ge [sflag:s8], $0x280  }
0x63: {  	[sflag:s8] =	ssyncset.done $0x0  }
0x64: {  	[sflag:s8] =	ssyncadd.s32 $0xFFFFFD80  }
0x65: {  	_ =	swait.ge [sflag:s8], $0x280  }
0x66: {  	[sflag:s8] =	ssyncset.done $0x0  }
0x67: {  	[sflag:s8] =	ssyncadd.s32 $0xFFFFFD80  }
0x68: {  	_ =	swait.ge [sflag:s8], $0x280  }
0x69: {  	[sflag:s8] =	ssyncset.done $0x0  }
0x6a: {  	[sflag:s8] =	ssyncadd.s32 $0xFFFFFD80  }
0x6b: {  	[tilespmem:s10], [sflag:$0x2] =	stream.indirect.gather [hbm4b:s9+s5], $0x40, s2, s5, $0xb8;
	[tilespmem:$0x1E780] =	vst v63  }
0x6c: {  	_ = 	snop  }
0x6d: {  	[tilespmem:s12], [sflag:$0x2] =	stream.indirect.gather [hbm4b:s11+s5], $0x40, s5, s5, $0xb8;
	[tilespmem:$0x1E780] =	vst v63  }
0x6e: {  	_ = 	snop  }
0x6f: {  	[tilespmem:s14], [sflag:$0x2] =	stream.indirect.gather [hbm4b:s13+s5], $0x40, s7, s5, $0xb8;
	[tilespmem:$0x1E780] =	vst v63  }
0x70: {  	_ =	swait.ge [sflag:s15], $0xA000  }
0x71: {  	[sflag:s15] =	ssyncset.done $0x0  }
0x72: {  	[sflag:s15] =	ssyncadd.s32 $0xFFFF6000  }
0x73: {  	_ =	swait.ge [sflag:s15], $0xA000  }
0x74: {  	[sflag:s15] =	ssyncset.done $0x0  }
0x75: {  	[sflag:s15] =	ssyncadd.s32 $0xFFFF6000  }
0x76: {  	_ =	swait.ge [sflag:s15], $0xA000  }
0x77: {  	[sflag:s15] =	ssyncset.done $0x0  }
0x78: {  	[sflag:s15] =	ssyncadd.s32 $0xFFFF6000  }
0x79: {  	[hbm4b:s16+s17] =	stream.strided.scatter [tilespmem:s10], [sflag:$0x3], $0xA000, s18, s17, $0x38;
	[tilespmem:$0x1E780] =	vst v63  }
0x7a: {  	_ = 	snop  }
0x7b: {  	[hbm4b:s19+s17] =	stream.strided.scatter [tilespmem:s12], [sflag:$0x3], $0xA000, s18, s17, $0x38;
	[tilespmem:$0x1E780] =	vst v63  }
0x7c: {  	_ = 	snop  }
0x7d: {  	[hbm4b:s20+s17] =	stream.strided.scatter [tilespmem:s14], [sflag:$0x3], $0xA000, s18, s17, $0x38;
	[tilespmem:$0x1E780] =	vst v63  }
0x7e: {  	_ = 	snop  }
0x7f: {  	[tilespmem:s2], [sflag:$0x1] =	stream.linear.gather [hbm4b:s21+s2], $0x280, $0x38;
	[tilespmem:$0x1E780] =	vst v63  }
0x80: {  	_ = 	snop  }
0x81: {  	[tilespmem:s5], [sflag:$0x1] =	stream.linear.gather [hbm4b:s22+s2], $0x280, $0x38;
	[tilespmem:$0x1E780] =	vst v63  }
0x82: {  	_ = 	snop  }
0x83: {  	[tilespmem:s7], [sflag:$0x1] =	stream.linear.gather [hbm4b:s23+s2], $0x280, $0x38;
	[tilespmem:$0x1E780] =	vst v63  }
0x84: {  	_ =	swait.ge [sflag:s8], $0x280  }
0x85: {  	[sflag:s8] =	ssyncset.done $0x0  }
0x86: {  	[sflag:s8] =	ssyncadd.s32 $0xFFFFFD80  }
0x87: {  	_ =	swait.ge [sflag:s8], $0x280  }
0x88: {  	[sflag:s8] =	ssyncset.done $0x0  }
0x89: {  	[sflag:s8] =	ssyncadd.s32 $0xFFFFFD80  }
0x8a: {  	_ =	swait.ge [sflag:s8], $0x280  }
0x8b: {  	[sflag:s8] =	ssyncset.done $0x0  }
0x8c: {  	[sflag:s8] =	ssyncadd.s32 $0xFFFFFD80  }
0x8d: {  	_ =	swait.ge [sflag:s24], $0xA000  }
0x8e: {  	[sflag:s24] =	ssyncset.done $0x0  }
0x8f: {  	[sflag:s24] =	ssyncadd.s32 $0xFFFF6000  }
0x90: {  	_ =	swait.ge [sflag:s24], $0xA000  }
0x91: {  	[sflag:s24] =	ssyncset.done $0x0  }
0x92: {  	[sflag:s24] =	ssyncadd.s32 $0xFFFF6000  }
0x93: {  	_ =	swait.ge [sflag:s24], $0xA000  }
0x94: {  	[sflag:s24] =	ssyncset.done $0x0  }
0x95: {  	[sflag:s24] =	ssyncadd.s32 $0xFFFF6000  }
0x96: {  	[tilespmem:s10], [sflag:$0x2] =	stream.indirect.gather [hbm4b:s9+s5], $0x40, s2, s5, $0xb8;
	[tilespmem:$0x1E780] =	vst v63  }
0x97: {  	_ = 	snop  }
0x98: {  	[tilespmem:s12], [sflag:$0x2] =	stream.indirect.gather [hbm4b:s11+s5], $0x40, s5, s5, $0xb8;
	[tilespmem:$0x1E780] =	vst v63  }
0x99: {  	_ = 	snop  }
0x9a: {  	[tilespmem:s14], [sflag:$0x2] =	stream.indirect.gather [hbm4b:s13+s5], $0x40, s7, s5, $0xb8;
	[tilespmem:$0x1E780] =	vst v63  }
0x9b: {  	_ =	swait.ge [sflag:s15], $0xA000  }
0x9c: {  	[sflag:s15] =	ssyncset.done $0x0  }
0x9d: {  	[sflag:s15] =	ssyncadd.s32 $0xFFFF6000  }
0x9e: {  	_ =	swait.ge [sflag:s15], $0xA000  }
0x9f: {  	[sflag:s15] =	ssyncset.done $0x0  }
0xa0: {  	[sflag:s15] =	ssyncadd.s32 $0xFFFF6000  }
0xa1: {  	_ =	swait.ge [sflag:s15], $0xA000  }
0xa2: {  	[sflag:s15] =	ssyncset.done $0x0  }
0xa3: {  	[sflag:s15] =	ssyncadd.s32 $0xFFFF6000  }
0xa4: {  	[hbm4b:s25+s17] =	stream.strided.scatter [tilespmem:s10], [sflag:$0x3], $0xA000, s18, s17, $0x38;
	[tilespmem:$0x1E780] =	vst v63  }
0xa5: {  	_ = 	snop  }
0xa6: {  	[hbm4b:s26+s17] =	stream.strided.scatter [tilespmem:s12], [sflag:$0x3], $0xA000, s18, s17, $0x38;
	[tilespmem:$0x1E780] =	vst v63  }
0xa7: {  	_ = 	snop  }
0xa8: {  	[hbm4b:s28+s17] =	stream.strided.scatter [tilespmem:s14], [sflag:$0x3], $0xA000, s18, s17, $0x38;
	[tilespmem:$0x1E780] =	vst v63  }
0xa9: {  	_ =	swait.ge [sflag:s24], $0xA000  }
0xaa: {  	[sflag:s24] =	ssyncset.done $0x0  }
0xab: {  	[sflag:s24] =	ssyncadd.s32 $0xFFFF6000  }
.Ltmp1:
0xac: {  	_ =	swait.ge [sflag:s24], $0xA000;
	(pc) =	sbr.rel @p0 .LBB2_1-.Ltmp1, $4  }
0xad: {  	[sflag:s24] =	ssyncset.done $0x0  }
0xae: {  	[sflag:s24] =	ssyncadd.s32 $0xFFFF6000  }
0xaf: {  	_ =	swait.ge [sflag:s24], $0xA000  }
0xb0: {  	[sflag:s24] =	ssyncset.done $0x0  }
.LBB2_2:
0xb1: {  	[sflag:s24] =	ssyncadd.s32 $0xFFFF6000  }
0xb2: {  	_ =	sfence.sel $0x180000  }
0xb3: {  	[bflag:$0x0] =	sbarrier.arrive $0xFFFF  }
0xb4: {  	p0 =	sne.s32 s0, $0x0;
	_ =	strace $0x9000004A  }
0xb5: {  	s0 =	sadd.s32 @!p0 $0x100000, s1;
	[bflag:$0x2] =	sbarrier.arrive $0xFFFF  }
0xb6: {  	[sflag:s0] =	ssyncadd.tile.s32 @!p0 $0x1;
	_ =	shalt  }
.Lfunc_end2:
_tile_overlayer_lowered:
.L_overlay_start_2:
0xb7: {  	(tag) =	ssettag $0x2  }
0xb8: {  	s0 =	rddreg [dreg:$0x0];
	s2 =	stileid.u32  }
0xb9: {  	s1 =	rddreg [dreg:$0x1];
	p0 =	sne.s32 s2, $0x0  }
0xba: {  	s3 =	rddreg [dreg:$0x2];
	[bflag:$0x3] =	sbarrier.arrive $0xFFFF;
	s2 =	simm.s32 @!p0 $0x1C04  }
0xbb: {  	[timem:s3], [sflag:s2] =	dma.local @!p0 [hbm:s0], s1  }
0xbc: {  	s0 =	simm.s32 @!p0 $0x4  }
0xbd: {  	_ =	swait.ge @!p0 [sflag:s0], s1  }
0xbe: {  	s1 =	ssub.s32 @!p0 $0x0, s1;
	[sflag:s0] =	ssyncset.done @!p0 $0x0  }
0xbf: {  	[sflag:s0] =	ssyncadd.s32 @!p0 s1  }
0xc0: {  	[bflag:$0x3] =	sbarrier.arrive $0xFFFF  }
0xc1: {  	_ =	shalt  }

// kernel: kernel.15.cloned.1.call-start
scs
__scs_entry_jumppad:
0x0: {  	(pc) =	sbr.rel $0x88, $3  }
0x1: {  	(tag) =	ssettag $0x0;
	lr =	simm.s32 $0x1  }
0x2: {  	[smem:$0x3F95] =	sst lr;
	_ =	strace $0xD0000000  }
0x3: {  	_ = 	snop  }
0x4: {  	_ = 	snop  }
0x5: {  	_ = 	snop  }
0x6: {  	_ = 	snop  }
0x7: {  	_ = 	snop  }
__scs_overlays_trampoline_lowered:
0x8: {  	[smem:$0x3FA4] =	sst s0  }
0x9: {  	[smem:$0x3FA5] =	sst s1  }
0xa: {  	[smem:$0x3FA6] =	sst s2  }
0xb: {  	[smem:$0x3FA7] =	sst s3  }
0xc: {  	[smem:$0x3FA8] =	sst s4  }
0xd: {  	[smem:$0x3FA9] =	sst s5  }
0xe: {  	[smem:$0x3FAA] =	sst s6  }
0xf: {  	[smem:$0x3FAB] =	sst s7  }
0x10: {  	[smem:$0x3FAC] =	sst s8  }
0x11: {  	[smem:$0x3FAD] =	sst s9;
	s0 =	simm.s32 @!p0 $0x0  }
0x12: {  	s1 =	sld [smem:$0x3F93];
	s0 =	simm.s32 @p0 $0x1  }
0x13: {  	[smem:$0x3FAE] =	sst s0;
	s0 =	simm.s32 @!p1 $0x0  }
0x14: {  	s2 =	sld [smem:$0x3F92];
	s0 =	simm.s32 @p1 $0x1  }
0x15: {  	[smem:$0x3FAF] =	sst s0;
	s0 =	simm.s32 @!p2 $0x0  }
0x16: {  	s3 =	sld [smem:$0x3FDB];
	s0 =	simm.s32 @p2 $0x1  }
0x17: {  	s4 =	simm.s32 $0x1BF5;
	[smem:$0x3FB1] =	sst s0  }
0x18: {  	s0 =	sld [smem:$0x3F94];
	_ =	swait.ge [sflag:s4], $0x0  }
0x19: {  	s7 =	sld [smem:$0x3F95]  }
0x1a: {  	s8 =	sadd.s32 $0xFFFFE003, lr  }
0x1b: {  	s9 =	sadd.s32 $0xFFFFFEF7, lr;
	s5 =	simm.s32 $0xFFFFFFFF;
	p2 =	slt.u32 s8, $0xFFFFF086  }
0x1c: {  	p1 =	slt.u32 s9, $0xF7A;
	s5 =	simm.s32 @!p2 $0x0  }
0x1d: {  	s5 =	simm.s32 @p1 $0x1;
	p0 =	seq.s32 s7, s2  }
0x1e: {  	s7 =	smul.u32 @!p0 $0xF7A, s2;
	p2 =	seq.s32 @!p0 s5, $0x0  }
0x1f: {  	s9 =	smul.u32 $0xF7A, s1;
	s8 =	simm.s32 @!p0 $0x1BF5;
	p2 =	por !p2, p0  }
0x20: {  	[sflag:s8] =	ssyncset.s32 @!p0 $0xFFFFF086;
	s6 =	sadd.s32 @!p0 s3, s7;
	s7 =	simm.s32 @!p0 $0x108  }
0x21: {  	s3 =	sadd.s32 s3, s9;
	s6 =	sadd.s32 @!p0 $0x88, s6;
	s7 =	simm.s32 @p2 $0x1082  }
0x22: {  	[simem:s7], [sflag:s8] =	dma.local @!p0 [hbm:s6], $0xF7A  }
0x23: {  	s9 =	sor.u32 $0xD0000000, s2;
	s6 =	simm.s32 $0x108;
	_ =	swait.ge @!p0 [sflag:s8], $0x0  }
0x24: {  	s3 =	sadd.s32 $0x88, s3;
	s6 =	simm.s32 @!p1 $0x1082;
	[sflag:s4] =	ssyncset.s32 $0xFFFFF086  }
0x25: {  	[simem:s6], [sflag:s4] =	dma.local [hbm:s3], $0xF7A  }
0x26: {  	[smem:$0x3F95] =	sst s1;
	(tag) =	ssettag s2;
	_ =	strace s9  }
0x27: {  	s1 =	sld [smem:$0x3FA5]  }
0x28: {  	s2 =	sld [smem:$0x3FA6]  }
0x29: {  	s4 =	sld [smem:$0x3FA8]  }
0x2a: {  	p0 =	seq.s32 s5, $0x0;
	s5 =	sld [smem:$0x3FA9]  }
0x2b: {  	s6 =	sld [smem:$0x3FAA]  }
0x2c: {  	s7 =	sld [smem:$0x3FAB]  }
0x2d: {  	s3 =	simm.s32 $0x108;
	s8 =	sld [smem:$0x3FAC]  }
0x2e: {  	s3 =	simm.s32 @!p0 $0x1082;
	s9 =	sld [smem:$0x3FAD]  }
0x2f: {  	lr =	sadd.s32 s0, s3;
	s0 =	sld [smem:$0x3FA4]  }
0x30: {  	s3 =	sld [smem:$0x3FA7]  }
0x31: {  	[smem:$0x3FB0] =	sst s10  }
0x32: {  	s10 =	sld [smem:$0x3FAE];
	_ =	sdelay $0x3  }
0x33: {  	p0 =	seq.s32 s10, $0x1;
	s10 =	sld [smem:$0x3FB0];
	_ =	sdelay $0x3  }
0x34: {  	[smem:$0x3FB0] =	sst s10  }
0x35: {  	s10 =	sld [smem:$0x3FAF];
	_ =	sdelay $0x3  }
0x36: {  	p1 =	seq.s32 s10, $0x1;
	s10 =	sld [smem:$0x3FB0];
	_ =	sdelay $0x3  }
0x37: {  	[smem:$0x3FB0] =	sst s10  }
0x38: {  	s10 =	sld [smem:$0x3FB1]  }
0x39: {  	_ = 	snop;
	(pc) =	sbr.ind lr, $3  }
0x3a: {  	_ = 	snop  }
0x3b: {  	_ = 	snop  }
0x3c: {  	p2 =	seq.s32 s10, $0x1;
	s10 =	sld [smem:$0x3FB0]  }
0x3d: {  	_ =	shalt  }
0x3e: {  	_ =	shalt  }
0x3f: {  	_ =	shalt  }
0x40: {  	_ =	shalt  }
0x41: {  	_ =	shalt  }
0x42: {  	_ =	shalt  }
0x43: {  	_ =	shalt  }
0x44: {  	_ =	shalt  }
0x45: {  	_ =	shalt  }
0x46: {  	_ =	shalt  }
0x47: {  	_ =	shalt  }
0x48: {  	_ =	shalt  }
0x49: {  	_ =	shalt  }
0x4a: {  	_ =	shalt  }
0x4b: {  	_ =	shalt  }
0x4c: {  	_ =	shalt  }
0x4d: {  	_ =	shalt  }
0x4e: {  	_ =	shalt  }
0x4f: {  	_ =	shalt  }
0x50: {  	_ =	shalt  }
0x51: {  	_ =	shalt  }
0x52: {  	_ =	shalt  }
0x53: {  	_ =	shalt  }
0x54: {  	_ =	shalt  }
0x55: {  	_ =	shalt  }
0x56: {  	_ =	shalt  }
0x57: {  	_ =	shalt  }
0x58: {  	_ =	shalt  }
0x59: {  	_ =	shalt  }
0x5a: {  	_ =	shalt  }
0x5b: {  	_ =	shalt  }
0x5c: {  	_ =	shalt  }
0x5d: {  	_ =	shalt  }
0x5e: {  	_ =	shalt  }
0x5f: {  	_ =	shalt  }
0x60: {  	_ =	shalt  }
0x61: {  	_ =	shalt  }
0x62: {  	_ =	shalt  }
0x63: {  	_ =	shalt  }
0x64: {  	_ =	shalt  }
0x65: {  	_ =	shalt  }
0x66: {  	_ =	shalt  }
0x67: {  	_ =	shalt  }
0x68: {  	_ =	shalt  }
0x69: {  	_ =	shalt  }
0x6a: {  	_ =	shalt  }
0x6b: {  	_ =	shalt  }
0x6c: {  	_ =	shalt  }
0x6d: {  	_ =	shalt  }
0x6e: {  	_ =	shalt  }
0x6f: {  	_ =	shalt  }
0x70: {  	_ =	shalt  }
0x71: {  	_ =	shalt  }
0x72: {  	_ =	shalt  }
0x73: {  	_ =	shalt  }
0x74: {  	_ =	shalt  }
0x75: {  	_ =	shalt  }
0x76: {  	_ =	shalt  }
0x77: {  	_ =	shalt  }
0x78: {  	_ =	shalt  }
0x79: {  	_ =	shalt  }
0x7a: {  	_ =	shalt  }
0x7b: {  	_ =	shalt  }
0x7c: {  	_ =	shalt  }
0x7d: {  	_ =	shalt  }
0x7e: {  	_ =	shalt  }
0x7f: {  	_ =	shalt  }
0x80: {  	_ =	shalt  }
0x81: {  	_ =	shalt  }
0x82: {  	_ =	shalt  }
0x83: {  	_ =	shalt  }
0x84: {  	_ =	shalt  }
0x85: {  	_ =	shalt  }
0x86: {  	_ =	shalt  }
0x87: {  	_ =	shalt  }
.Lfunc_end0:
.L_simem_size_0:
called_computation.1_lowered:
.L_overlay_start_0:
0x88: {  	s2 =	sld [smem:$0x3FD9]  }
0x89: {  	s3 =	sld [smem:$0x3FFE];
	_ =	sdelay $0x1  }
0x8a: {  	s1 =	srdreg.scid  }
0x8b: {  	s0 =	sand.u32 $0x1, s1  }
0x8c: {  	s17 =	sshll.u32 s0, $0xA;
	s2 =	sadd.s32 s3, s2  }
0x8d: {  	s2 =	sadd.s32 s2, s17  }
0x8e: {  	[smem:$0x3FBC] =	sst s2  }
0x8f: {  	_ = 	snop  }
0x90: {  	(tm) =	ssettm $0x1  }
0x91: {  	s18 =	sld [smem:$0x3FFB];
	_ =	sdelay $0x3  }
0x92: {  	_ =	strace s18  }
0x93: {  	s2 =	sld [smem:$0x3FFC];
	_ =	sdelay $0x3  }
0x94: {  	_ =	strace s2  }
0x95: {  	s2 =	sld [smem:$0x3FFD];
	_ =	sdelay $0x3  }
0x96: {  	_ =	strace s2  }
0x97: {  	_ =	strace $0x8FFFFFFF  }
0x98: {  	s19 =	sld [smem:$0x3FDB];
	_ =	sdelay $0x1  }
0x99: {  	s20 =	simm.s32 $_scs_section_size  }
0x9a: {  	s4 =	simm.s32 $_size__tile_overlayer_lowered;
	s5 =	simm.s32 $_tile_overlayer_lowered  }
0x9b: {  	s6 =	simm.s32 $0x1BFF;
	s21 =	sshll.u32 s5, $0x1;
	s3 =	sadd.s32 s20, s19  }
0x9c: {  	s22 =	simm.s32 $0x0;
	s4 =	sshll.u32 s4, $0x1;
	s5 =	sadd.s32 s21, s3  }
0x9d: {  	[timem:s22], [sflag:s6] =	dma.local [hbm:s5], s4  }
0x9e: {  	_ =	swait.ge [sflag:s6], s4  }
0x9f: {  	s4 =	ssub.s32 $0x0, s4;
	[sflag:s6] =	ssyncset.done $0x0  }
0xa0: {  	[sflag:s6] =	ssyncadd.s32 s4;
	_ =	sdelay $0x1  }
0xa1: {  	s23 =	simm.s32 $0x1B8B  }
0xa2: {  	_ =	swait.ge [sflag:s23], $0x1  }
0xa3: {  	[sflag:s23] =	ssyncset.done $0x0  }
0xa4: {  	[sflag:s23] =	ssyncadd.s32 $0xFFFFFFFF  }
0xa5: {  	s4 =	sld [smem:$0x0]  }
0xa6: {  	s5 =	sand.u32 $0xFFFFFFFE, s1  }
0xa7: {  	p0 =	sne.s32 s1, s5  }
0xa8: {  	s5 =	sshll.u32 @p0 s5, $0xE  }
0xa9: {  	s5 =	sadd.s32 @p0 $0x11B8D, s5;
	s6 =	sshll.u32 @p0 s4, $0x11  }
0xaa: {  	s5 =	sor.u32 @p0 s6, s5  }
0xab: {  	[sflag:s5] =	ssyncadd.remote.s32 @p0 $0x1;
	_ =	sdelay $0x1  }
0xac: {  	s5 =	simm.s32 @p0 $0x1B8D  }
0xad: {  	_ =	swait.eq @p0 [sflag:s5], $0x1  }
0xae: {  	[sflag:s5] =	ssyncadd.s32 @p0 $0xFFFFFFFF  }
0xaf: {  	s6 =	sshll.u32 @!p0 s1, $0xE  }
0xb0: {  	s6 =	sor.u32 @!p0 $0x4000, s6;
	s5 =	simm.s32 @!p0 $0x1B8D  }
0xb1: {  	s4 =	sshll.u32 @!p0 s4, $0x11;
	s6 =	sadd.s32 @!p0 $0x11B8D, s6;
	_ =	swait.eq @!p0 [sflag:s5], $0x1  }
0xb2: {  	s4 =	sor.u32 @!p0 s4, s6;
	[sflag:s5] =	ssyncadd.s32 @!p0 $0xFFFFFFFF  }
0xb3: {  	s25 =	simm.s32 $0x1B8E;
	s24 =	sld [smem:$0x3FFE];
	[sflag:s4] =	ssyncadd.remote.s32 @!p0 $0x1  }
0xb4: {  	s26 =	simm.s32 $execute0_lowered;
	[smem:$0x3FD2] =	sst s25  }
0xb5: {  	s5 =	sshll.u32 s26, $0x1;
	_ =	strace $0x8000004C;
	[dreg:$0x1] =	wrdreg $0xFFFFFFFF  }
0xb6: {  	s28 =	simm.s32 $_size_execute0_lowered;
	s3 =	sadd.s32 s3, s5;
	[dreg:$0x0] =	wrdreg $0x0  }
0xb7: {  	s5 =	sshll.u32 s28, $0x1;
	[dreg:$0x2] =	wrdreg s3  }
0xb8: {  	[dreg:$0x3] =	wrdreg s5  }
0xb9: {  	[dreg:$0x4] =	wrdreg $0xC0  }
0xba: {  	_ =	task [dreg:s22], $0x5FFFF  }
0xbb: {  	[dreg:$0x1] =	wrdreg $0xFFFFFFFF  }
0xbc: {  	[dreg:$0x0] =	wrdreg $0x60  }
0xbd: {  	[dreg:$0x2] =	wrdreg s24  }
0xbe: {  	[dreg:$0x3] =	wrdreg $0xA  }
0xbf: {  	_ =	task.clear_ibuf [dreg:s22], $0x4FFFF;
	_ =	strace $0x9000004C  }
0xc0: {  	s29 =	simm.s32 $0xA;
	_ =	strace $0x8000004E  }
0xc1: {  	_ =	swait.ge [sflag:s29], $0x1  }
0xc2: {  	[sflag:s29] =	ssyncadd.s32 $0xFFFFFFFF  }
0xc3: {  	_ =	strace $0x9000004E  }
0xc4: {  	_ =	sfence  }
0xc5: {  	s30 =	sld [smem:$0x0];
	_ =	sdelay $0x2  }
0xc6: {  	s31 =	sshll.u32 s1, $0xD;
	s1 =	sshrl.u32 s1, $0x2  }
0xc7: {  	s4 =	sand.u32 $0x4000, s31;
	s1 =	sadd.s32 s1, s30  }
0xc8: {  	s0 =	sor.u32 s4, s0;
	s1 =	sshll.u32 s1, $0x11  }
0xc9: {  	s0 =	sor.u32 s1, s0  }
0xca: {  	s0 =	sadd.s32 $0x8F2B, s0  }
0xcb: {  	[sflag:s0] =	ssyncadd.remote.s32 $0x1  }
0xcc: {  	_ =	sfence.sel $0xFFFF  }
0xcd: {  	[dreg:$0x0] =	wrdreg $0xFFFFFFFF;
	(pc) =	sbr.abs _section_cstart, $3  }
0xce: {  	[dreg:$0x1] =	wrdreg $0xFFFFFFFF  }
0xcf: {  	_ =	task.clear_ibuf [dreg:s22], $0x2FFFF;
	_ =	strace $0x9FFFFFFF  }
0xd0: {  	(tm) =	ssettm $0x7FFFFFFF  }
0xd1: {  	_ =	shalt  }
tec
execute0_lowered:
.L_overlay_start_1:
0x0: {  	(tag) =	ssettag $0x1  }
0x1: {  	s1 =	srdreg.scid;
	s0 =	stileid.u32  }
0x2: {  	s29 =	sand.u32 $0x1, s1;
	s30 =	sshll.u32 s0, $0x1  }
0x3: {  	s16 =	sor.u32 s29, s30  }
0x4: {  	s3 =	smul.u32 $0x50, s16  }
0x5: {  	s19 =	rddreg [dreg:$0x0];
	s2 =	simm.s32 $0x0  }
0x6: {  	[smem:$0x7FF] =	sst s2;
	s23 =	sadd.s32 s3, s19  }
0x7: {  	s1 =	rddreg [dreg:$0x1];
	_ =	strace $0x8000004D;
	s3 =	sadd.s32 $0x361A00, s23  }
0x8: {  	[tilespmem:s2], [sflag:$0x1] =	stream.linear.gather [hbm4b:s3+s2], $0x280, $0x38;
	[tilespmem:$0x1E780] =	vst v63  }
0x9: {  	s5 =	simm.s32 $0x280;
	s4 =	sadd.s32 $0x360600, s23  }
0xa: {  	[tilespmem:s5], [sflag:$0x1] =	stream.linear.gather [hbm4b:s4+s2], $0x280, $0x38;
	[tilespmem:$0x1E780] =	vst v63  }
0xb: {  	s7 =	simm.s32 $0x500;
	s8 =	simm.s32 $0x1;
	s6 =	sadd.s32 $0x35F200, s23  }
0xc: {  	[tilespmem:s7], [sflag:$0x1] =	stream.linear.gather [hbm4b:s6+s2], $0x280, $0x38;
	[tilespmem:$0x1E780] =	vst v63  }
0xd: {  	_ =	swait.ge [sflag:s8], $0x280  }
0xe: {  	[sflag:s8] =	ssyncset.done $0x0  }
0xf: {  	[sflag:s8] =	ssyncadd.s32 $0xFFFFFD80  }
0x10: {  	_ =	swait.ge [sflag:s8], $0x280  }
0x11: {  	[sflag:s8] =	ssyncset.done $0x0  }
0x12: {  	[sflag:s8] =	ssyncadd.s32 $0xFFFFFD80  }
0x13: {  	_ =	swait.ge [sflag:s8], $0x280  }
0x14: {  	[sflag:s8] =	ssyncset.done $0x0  }
0x15: {  	s10 =	simm.s32 $0x780;
	s9 =	sadd.s32 $0x16C00, s19;
	[sflag:s8] =	ssyncadd.s32 $0xFFFFFD80  }
0x16: {  	[tilespmem:s10], [sflag:$0x2] =	stream.indirect.gather [hbm4b:s9+s5], $0x40, s2, s5, $0xb8;
	[tilespmem:$0x1E780] =	vst v63  }
0x17: {  	s12 =	simm.s32 $0xA780;
	s11 =	sadd.s32 $0x260E00, s19  }
0x18: {  	[tilespmem:s12], [sflag:$0x2] =	stream.indirect.gather [hbm4b:s11+s5], $0x40, s5, s5, $0xb8;
	[tilespmem:$0x1E780] =	vst v63  }
0x19: {  	s14 =	simm.s32 $0x14780;
	s15 =	simm.s32 $0x2;
	s13 =	sadd.s32 $0x265200, s19  }
0x1a: {  	[tilespmem:s14], [sflag:$0x2] =	stream.indirect.gather [hbm4b:s13+s5], $0x40, s7, s5, $0xb8;
	[tilespmem:$0x1E780] =	vst v63  }
0x1b: {  	_ =	swait.ge [sflag:s15], $0xA000  }
0x1c: {  	[sflag:s15] =	ssyncset.done $0x0  }
0x1d: {  	[sflag:s15] =	ssyncadd.s32 $0xFFFF6000  }
0x1e: {  	_ =	swait.ge [sflag:s15], $0xA000  }
0x1f: {  	[sflag:s15] =	ssyncset.done $0x0  }
0x20: {  	[sflag:s15] =	ssyncadd.s32 $0xFFFF6000  }
0x21: {  	s17 =	simm.s32 $0x40;
	s25 =	smul.u32 $0x2800, s16;
	_ =	swait.ge [sflag:s15], $0xA000  }
0x22: {  	s18 =	simm.s32 $0x80;
	s26 =	sadd.s32 $0x409200, s19;
	[sflag:s15] =	ssyncset.done $0x0  }
0x23: {  	s28 =	sadd.s32 $0x459200, s19;
	s16 =	sadd.s32 s26, s25;
	[sflag:s15] =	ssyncadd.s32 $0xFFFF6000  }
0x24: {  	[hbm4b:s16+s17] =	stream.strided.scatter [tilespmem:s10], [sflag:$0x3], $0xA000, s18, s17, $0x38;
	[tilespmem:$0x1E780] =	vst v63  }
0x25: {  	s30 =	sadd.s32 $0x4A9200, s19;
	s19 =	sadd.s32 s28, s25  }
0x26: {  	[hbm4b:s19+s17] =	stream.strided.scatter [tilespmem:s12], [sflag:$0x3], $0xA000, s18, s17, $0x38;
	[tilespmem:$0x1E780] =	vst v63  }
0x27: {  	s20 =	sadd.s32 s30, s25  }
0x28: {  	[hbm4b:s20+s17] =	stream.strided.scatter [tilespmem:s14], [sflag:$0x3], $0xA000, s18, s17, $0x38;
	[tilespmem:$0x1E780] =	vst v63  }
0x29: {  	s21 =	sadd.s32 $0x361000, s23  }
0x2a: {  	[tilespmem:s2], [sflag:$0x1] =	stream.linear.gather [hbm4b:s21+s2], $0x280, $0x38;
	[tilespmem:$0x1E780] =	vst v63  }
0x2b: {  	s22 =	sadd.s32 $0x35FC00, s23  }
0x2c: {  	[tilespmem:s5], [sflag:$0x1] =	stream.linear.gather [hbm4b:s22+s2], $0x280, $0x38;
	[tilespmem:$0x1E780] =	vst v63  }
0x2d: {  	s23 =	sadd.s32 $0x15800, s23  }
0x2e: {  	[tilespmem:s7], [sflag:$0x1] =	stream.linear.gather [hbm4b:s23+s2], $0x280, $0x38;
	[tilespmem:$0x1E780] =	vst v63  }
0x2f: {  	_ =	swait.ge [sflag:s8], $0x280  }
0x30: {  	[sflag:s8] =	ssyncset.done $0x0  }
0x31: {  	[sflag:s8] =	ssyncadd.s32 $0xFFFFFD80  }
0x32: {  	_ =	swait.ge [sflag:s8], $0x280  }
0x33: {  	[sflag:s8] =	ssyncset.done $0x0  }
0x34: {  	[sflag:s8] =	ssyncadd.s32 $0xFFFFFD80  }
0x35: {  	_ =	swait.ge [sflag:s8], $0x280  }
0x36: {  	[sflag:s8] =	ssyncset.done $0x0  }
0x37: {  	s24 =	simm.s32 $0x3;
	[sflag:s8] =	ssyncadd.s32 $0xFFFFFD80  }
0x38: {  	_ =	swait.ge [sflag:s24], $0xA000  }
0x39: {  	[sflag:s24] =	ssyncset.done $0x0  }
0x3a: {  	[sflag:s24] =	ssyncadd.s32 $0xFFFF6000  }
0x3b: {  	_ =	swait.ge [sflag:s24], $0xA000  }
0x3c: {  	[sflag:s24] =	ssyncset.done $0x0  }
0x3d: {  	[sflag:s24] =	ssyncadd.s32 $0xFFFF6000  }
0x3e: {  	_ =	swait.ge [sflag:s24], $0xA000  }
0x3f: {  	[sflag:s24] =	ssyncset.done $0x0  }
0x40: {  	[sflag:s24] =	ssyncadd.s32 $0xFFFF6000  }
0x41: {  	[tilespmem:s10], [sflag:$0x2] =	stream.indirect.gather [hbm4b:s9+s5], $0x40, s2, s5, $0xb8;
	[tilespmem:$0x1E780] =	vst v63  }
0x42: {  	_ = 	snop  }
0x43: {  	[tilespmem:s12], [sflag:$0x2] =	stream.indirect.gather [hbm4b:s11+s5], $0x40, s5, s5, $0xb8;
	[tilespmem:$0x1E780] =	vst v63  }
0x44: {  	_ = 	snop  }
0x45: {  	[tilespmem:s14], [sflag:$0x2] =	stream.indirect.gather [hbm4b:s13+s5], $0x40, s7, s5, $0xb8;
	[tilespmem:$0x1E780] =	vst v63  }
0x46: {  	_ =	swait.ge [sflag:s15], $0xA000  }
0x47: {  	[sflag:s15] =	ssyncset.done $0x0  }
0x48: {  	[sflag:s15] =	ssyncadd.s32 $0xFFFF6000  }
0x49: {  	_ =	swait.ge [sflag:s15], $0xA000  }
0x4a: {  	[sflag:s15] =	ssyncset.done $0x0  }
0x4b: {  	[sflag:s15] =	ssyncadd.s32 $0xFFFF6000  }
0x4c: {  	_ =	swait.ge [sflag:s15], $0xA000  }
0x4d: {  	s31 =	sor.u32 $0x8, s25;
	[sflag:s15] =	ssyncset.done $0x0  }
0x4e: {  	s25 =	sadd.s32 s26, s31;
	[sflag:s15] =	ssyncadd.s32 $0xFFFF6000  }
0x4f: {  	[hbm4b:s25+s17] =	stream.strided.scatter [tilespmem:s10], [sflag:$0x3], $0xA000, s18, s17, $0x38;
	[tilespmem:$0x1E780] =	vst v63  }
0x50: {  	s29 =	ssub.s32 $0x2, s29;
	s26 =	sadd.s32 s28, s31  }
0x51: {  	[hbm4b:s26+s17] =	stream.strided.scatter [tilespmem:s12], [sflag:$0x3], $0xA000, s18, s17, $0x38;
	[tilespmem:$0x1E780] =	vst v63  }
0x52: {  	s28 =	sadd.s32 s30, s31;
	s31 =	sshrl.u32 s29, $0x1  }
0x53: {  	[hbm4b:s28+s17] =	stream.strided.scatter [tilespmem:s14], [sflag:$0x3], $0xA000, s18, s17, $0x38;
	[tilespmem:$0x1E780] =	vst v63  }
0x54: {  	s29 =	ssub.s32 s29, s31;
	_ =	swait.ge [sflag:s24], $0xA000  }
0x55: {  	s29 =	smax.u32 s29, $0x1;
	[sflag:s24] =	ssyncset.done $0x0  }
0x56: {  	p0 =	sne.s32 s29, $0x1;
	[sflag:s24] =	ssyncadd.s32 $0xFFFF6000  }
.Ltmp0:
0x57: {  	_ =	swait.ge [sflag:s24], $0xA000;
	(pc) =	sbr.rel @!p0 .LBB2_2-.Ltmp0, $4  }
0x58: {  	[sflag:s24] =	ssyncset.done $0x0  }
0x59: {  	[sflag:s24] =	ssyncadd.s32 $0xFFFF6000  }
0x5a: {  	_ =	swait.ge [sflag:s24], $0xA000  }
0x5b: {  	s29 =	sadd.s32 $0xFFFFFFFF, s29;
	[sflag:s24] =	ssyncset.done $0x0  }
.LBB2_1:
0x5c: {  	p0 =	sne.s32 s29, $0x1;
	s29 =	sadd.s32 $0xFFFFFFFF, s29;
	[sflag:s24] =	ssyncadd.s32 $0xFFFF6000  }
0x5d: {  	[tilespmem:s2], [sflag:$0x1] =	stream.linear.gather [hbm4b:s3+s2], $0x280, $0x38;
	[tilespmem:$0x1E780] =	vst v63  }
0x5e: {  	_ = 	snop  }
0x5f: {  	[tilespmem:s5], [sflag:$0x1] =	stream.linear.gather [hbm4b:s4+s2], $0x280, $0x38;
	[tilespmem:$0x1E780] =	vst v63  }
0x60: {  	_ = 	snop  }
0x61: {  	[tilespmem:s7], [sflag:$0x1] =	stream.linear.gather [hbm4b:s6+s2], $0x280, $0x38;
	[tilespmem:$0x1E780] =	vst v63  }
0x62: {  	_ =	swait.ge [sflag:s8], $0x280  }
0x63: {  	[sflag:s8] =	ssyncset.done $0x0  }
0x64: {  	[sflag:s8] =	ssyncadd.s32 $0xFFFFFD80  }
0x65: {  	_ =	swait.ge [sflag:s8], $0x280  }
0x66: {  	[sflag:s8] =	ssyncset.done $0x0  }
0x67: {  	[sflag:s8] =	ssyncadd.s32 $0xFFFFFD80  }
0x68: {  	_ =	swait.ge [sflag:s8], $0x280  }
0x69: {  	[sflag:s8] =	ssyncset.done $0x0  }
0x6a: {  	[sflag:s8] =	ssyncadd.s32 $0xFFFFFD80  }
0x6b: {  	[tilespmem:s10], [sflag:$0x2] =	stream.indirect.gather [hbm4b:s9+s5], $0x40, s2, s5, $0xb8;
	[tilespmem:$0x1E780] =	vst v63  }
0x6c: {  	_ = 	snop  }
0x6d: {  	[tilespmem:s12], [sflag:$0x2] =	stream.indirect.gather [hbm4b:s11+s5], $0x40, s5, s5, $0xb8;
	[tilespmem:$0x1E780] =	vst v63  }
0x6e: {  	_ = 	snop  }
0x6f: {  	[tilespmem:s14], [sflag:$0x2] =	stream.indirect.gather [hbm4b:s13+s5], $0x40, s7, s5, $0xb8;
	[tilespmem:$0x1E780] =	vst v63  }
0x70: {  	_ =	swait.ge [sflag:s15], $0xA000  }
0x71: {  	[sflag:s15] =	ssyncset.done $0x0  }
0x72: {  	[sflag:s15] =	ssyncadd.s32 $0xFFFF6000  }
0x73: {  	_ =	swait.ge [sflag:s15], $0xA000  }
0x74: {  	[sflag:s15] =	ssyncset.done $0x0  }
0x75: {  	[sflag:s15] =	ssyncadd.s32 $0xFFFF6000  }
0x76: {  	_ =	swait.ge [sflag:s15], $0xA000  }
0x77: {  	[sflag:s15] =	ssyncset.done $0x0  }
0x78: {  	[sflag:s15] =	ssyncadd.s32 $0xFFFF6000  }
0x79: {  	[hbm4b:s16+s17] =	stream.strided.scatter [tilespmem:s10], [sflag:$0x3], $0xA000, s18, s17, $0x38;
	[tilespmem:$0x1E780] =	vst v63  }
0x7a: {  	_ = 	snop  }
0x7b: {  	[hbm4b:s19+s17] =	stream.strided.scatter [tilespmem:s12], [sflag:$0x3], $0xA000, s18, s17, $0x38;
	[tilespmem:$0x1E780] =	vst v63  }
0x7c: {  	_ = 	snop  }
0x7d: {  	[hbm4b:s20+s17] =	stream.strided.scatter [tilespmem:s14], [sflag:$0x3], $0xA000, s18, s17, $0x38;
	[tilespmem:$0x1E780] =	vst v63  }
0x7e: {  	_ = 	snop  }
0x7f: {  	[tilespmem:s2], [sflag:$0x1] =	stream.linear.gather [hbm4b:s21+s2], $0x280, $0x38;
	[tilespmem:$0x1E780] =	vst v63  }
0x80: {  	_ = 	snop  }
0x81: {  	[tilespmem:s5], [sflag:$0x1] =	stream.linear.gather [hbm4b:s22+s2], $0x280, $0x38;
	[tilespmem:$0x1E780] =	vst v63  }
0x82: {  	_ = 	snop  }
0x83: {  	[tilespmem:s7], [sflag:$0x1] =	stream.linear.gather [hbm4b:s23+s2], $0x280, $0x38;
	[tilespmem:$0x1E780] =	vst v63  }
0x84: {  	_ =	swait.ge [sflag:s8], $0x280  }
0x85: {  	[sflag:s8] =	ssyncset.done $0x0  }
0x86: {  	[sflag:s8] =	ssyncadd.s32 $0xFFFFFD80  }
0x87: {  	_ =	swait.ge [sflag:s8], $0x280  }
0x88: {  	[sflag:s8] =	ssyncset.done $0x0  }
0x89: {  	[sflag:s8] =	ssyncadd.s32 $0xFFFFFD80  }
0x8a: {  	_ =	swait.ge [sflag:s8], $0x280  }
0x8b: {  	[sflag:s8] =	ssyncset.done $0x0  }
0x8c: {  	[sflag:s8] =	ssyncadd.s32 $0xFFFFFD80  }
0x8d: {  	_ =	swait.ge [sflag:s24], $0xA000  }
0x8e: {  	[sflag:s24] =	ssyncset.done $0x0  }
0x8f: {  	[sflag:s24] =	ssyncadd.s32 $0xFFFF6000  }
0x90: {  	_ =	swait.ge [sflag:s24], $0xA000  }
0x91: {  	[sflag:s24] =	ssyncset.done $0x0  }
0x92: {  	[sflag:s24] =	ssyncadd.s32 $0xFFFF6000  }
0x93: {  	_ =	swait.ge [sflag:s24], $0xA000  }
0x94: {  	[sflag:s24] =	ssyncset.done $0x0  }
0x95: {  	[sflag:s24] =	ssyncadd.s32 $0xFFFF6000  }
0x96: {  	[tilespmem:s10], [sflag:$0x2] =	stream.indirect.gather [hbm4b:s9+s5], $0x40, s2, s5, $0xb8;
	[tilespmem:$0x1E780] =	vst v63  }
0x97: {  	_ = 	snop  }
0x98: {  	[tilespmem:s12], [sflag:$0x2] =	stream.indirect.gather [hbm4b:s11+s5], $0x40, s5, s5, $0xb8;
	[tilespmem:$0x1E780] =	vst v63  }
0x99: {  	_ = 	snop  }
0x9a: {  	[tilespmem:s14], [sflag:$0x2] =	stream.indirect.gather [hbm4b:s13+s5], $0x40, s7, s5, $0xb8;
	[tilespmem:$0x1E780] =	vst v63  }
0x9b: {  	_ =	swait.ge [sflag:s15], $0xA000  }
0x9c: {  	[sflag:s15] =	ssyncset.done $0x0  }
0x9d: {  	[sflag:s15] =	ssyncadd.s32 $0xFFFF6000  }
0x9e: {  	_ =	swait.ge [sflag:s15], $0xA000  }
0x9f: {  	[sflag:s15] =	ssyncset.done $0x0  }
0xa0: {  	[sflag:s15] =	ssyncadd.s32 $0xFFFF6000  }
0xa1: {  	_ =	swait.ge [sflag:s15], $0xA000  }
0xa2: {  	[sflag:s15] =	ssyncset.done $0x0  }
0xa3: {  	[sflag:s15] =	ssyncadd.s32 $0xFFFF6000  }
0xa4: {  	[hbm4b:s25+s17] =	stream.strided.scatter [tilespmem:s10], [sflag:$0x3], $0xA000, s18, s17, $0x38;
	[tilespmem:$0x1E780] =	vst v63  }
0xa5: {  	_ = 	snop  }
0xa6: {  	[hbm4b:s26+s17] =	stream.strided.scatter [tilespmem:s12], [sflag:$0x3], $0xA000, s18, s17, $0x38;
	[tilespmem:$0x1E780] =	vst v63  }
0xa7: {  	_ = 	snop  }
0xa8: {  	[hbm4b:s28+s17] =	stream.strided.scatter [tilespmem:s14], [sflag:$0x3], $0xA000, s18, s17, $0x38;
	[tilespmem:$0x1E780] =	vst v63  }
0xa9: {  	_ =	swait.ge [sflag:s24], $0xA000  }
0xaa: {  	[sflag:s24] =	ssyncset.done $0x0  }
0xab: {  	[sflag:s24] =	ssyncadd.s32 $0xFFFF6000  }
.Ltmp1:
0xac: {  	_ =	swait.ge [sflag:s24], $0xA000;
	(pc) =	sbr.rel @p0 .LBB2_1-.Ltmp1, $4  }
0xad: {  	[sflag:s24] =	ssyncset.done $0x0  }
0xae: {  	[sflag:s24] =	ssyncadd.s32 $0xFFFF6000  }
0xaf: {  	_ =	swait.ge [sflag:s24], $0xA000  }
0xb0: {  	[sflag:s24] =	ssyncset.done $0x0  }
.LBB2_2:
0xb1: {  	[sflag:s24] =	ssyncadd.s32 $0xFFFF6000  }
0xb2: {  	_ =	sfence.sel $0x180000  }
0xb3: {  	[bflag:$0x0] =	sbarrier.arrive $0xFFFF  }
0xb4: {  	p0 =	sne.s32 s0, $0x0;
	_ =	strace $0x9000004D  }
0xb5: {  	s0 =	sadd.s32 @!p0 $0x100000, s1;
	[bflag:$0x2] =	sbarrier.arrive $0xFFFF  }
0xb6: {  	[sflag:s0] =	ssyncadd.tile.s32 @!p0 $0x1;
	_ =	shalt  }
.Lfunc_end2:
_tile_overlayer_lowered:
.L_overlay_start_2:
0xb7: {  	(tag) =	ssettag $0x2  }
0xb8: {  	s0 =	rddreg [dreg:$0x0];
	s2 =	stileid.u32  }
0xb9: {  	s1 =	rddreg [dreg:$0x1];
	p0 =	sne.s32 s2, $0x0  }
0xba: {  	s3 =	rddreg [dreg:$0x2];
	[bflag:$0x3] =	sbarrier.arrive $0xFFFF;
	s2 =	simm.s32 @!p0 $0x1C04  }
0xbb: {  	[timem:s3], [sflag:s2] =	dma.local @!p0 [hbm:s0], s1  }
0xbc: {  	s0 =	simm.s32 @!p0 $0x4  }
0xbd: {  	_ =	swait.ge @!p0 [sflag:s0], s1  }
0xbe: {  	s1 =	ssub.s32 @!p0 $0x0, s1;
	[sflag:s0] =	ssyncset.done @!p0 $0x0  }
0xbf: {  	[sflag:s0] =	ssyncadd.s32 @!p0 s1  }
0xc0: {  	[bflag:$0x3] =	sbarrier.arrive $0xFFFF  }
0xc1: {  	_ =	shalt  }

// kernel: kernel.18.cloned.1.call-start
scs
__scs_entry_jumppad:
0x0: {  	(pc) =	sbr.rel $0x88, $3  }
0x1: {  	(tag) =	ssettag $0x0;
	lr =	simm.s32 $0x1  }
0x2: {  	[smem:$0x3F95] =	sst lr;
	_ =	strace $0xD0000000  }
0x3: {  	_ = 	snop  }
0x4: {  	_ = 	snop  }
0x5: {  	_ = 	snop  }
0x6: {  	_ = 	snop  }
0x7: {  	_ = 	snop  }
__scs_overlays_trampoline_lowered:
0x8: {  	[smem:$0x3FA4] =	sst s0  }
0x9: {  	[smem:$0x3FA5] =	sst s1  }
0xa: {  	[smem:$0x3FA6] =	sst s2  }
0xb: {  	[smem:$0x3FA7] =	sst s3  }
0xc: {  	[smem:$0x3FA8] =	sst s4  }
0xd: {  	[smem:$0x3FA9] =	sst s5  }
0xe: {  	[smem:$0x3FAA] =	sst s6  }
0xf: {  	[smem:$0x3FAB] =	sst s7  }
0x10: {  	[smem:$0x3FAC] =	sst s8  }
0x11: {  	[smem:$0x3FAD] =	sst s9;
	s0 =	simm.s32 @!p0 $0x0  }
0x12: {  	s1 =	sld [smem:$0x3F93];
	s0 =	simm.s32 @p0 $0x1  }
0x13: {  	[smem:$0x3FAE] =	sst s0;
	s0 =	simm.s32 @!p1 $0x0  }
0x14: {  	s2 =	sld [smem:$0x3F92];
	s0 =	simm.s32 @p1 $0x1  }
0x15: {  	[smem:$0x3FAF] =	sst s0;
	s0 =	simm.s32 @!p2 $0x0  }
0x16: {  	s3 =	sld [smem:$0x3FDB];
	s0 =	simm.s32 @p2 $0x1  }
0x17: {  	s4 =	simm.s32 $0x1BF5;
	[smem:$0x3FB1] =	sst s0  }
0x18: {  	s0 =	sld [smem:$0x3F94];
	_ =	swait.ge [sflag:s4], $0x0  }
0x19: {  	s7 =	sld [smem:$0x3F95]  }
0x1a: {  	s8 =	sadd.s32 $0xFFFFE003, lr  }
0x1b: {  	s9 =	sadd.s32 $0xFFFFFEF7, lr;
	s5 =	simm.s32 $0xFFFFFFFF;
	p2 =	slt.u32 s8, $0xFFFFF086  }
0x1c: {  	p1 =	slt.u32 s9, $0xF7A;
	s5 =	simm.s32 @!p2 $0x0  }
0x1d: {  	s5 =	simm.s32 @p1 $0x1;
	p0 =	seq.s32 s7, s2  }
0x1e: {  	s7 =	smul.u32 @!p0 $0xF7A, s2;
	p2 =	seq.s32 @!p0 s5, $0x0  }
0x1f: {  	s9 =	smul.u32 $0xF7A, s1;
	s8 =	simm.s32 @!p0 $0x1BF5;
	p2 =	por !p2, p0  }
0x20: {  	[sflag:s8] =	ssyncset.s32 @!p0 $0xFFFFF086;
	s6 =	sadd.s32 @!p0 s3, s7;
	s7 =	simm.s32 @!p0 $0x108  }
0x21: {  	s3 =	sadd.s32 s3, s9;
	s6 =	sadd.s32 @!p0 $0x88, s6;
	s7 =	simm.s32 @p2 $0x1082  }
0x22: {  	[simem:s7], [sflag:s8] =	dma.local @!p0 [hbm:s6], $0xF7A  }
0x23: {  	s9 =	sor.u32 $0xD0000000, s2;
	s6 =	simm.s32 $0x108;
	_ =	swait.ge @!p0 [sflag:s8], $0x0  }
0x24: {  	s3 =	sadd.s32 $0x88, s3;
	s6 =	simm.s32 @!p1 $0x1082;
	[sflag:s4] =	ssyncset.s32 $0xFFFFF086  }
0x25: {  	[simem:s6], [sflag:s4] =	dma.local [hbm:s3], $0xF7A  }
0x26: {  	[smem:$0x3F95] =	sst s1;
	(tag) =	ssettag s2;
	_ =	strace s9  }
0x27: {  	s1 =	sld [smem:$0x3FA5]  }
0x28: {  	s2 =	sld [smem:$0x3FA6]  }
0x29: {  	s4 =	sld [smem:$0x3FA8]  }
0x2a: {  	p0 =	seq.s32 s5, $0x0;
	s5 =	sld [smem:$0x3FA9]  }
0x2b: {  	s6 =	sld [smem:$0x3FAA]  }
0x2c: {  	s7 =	sld [smem:$0x3FAB]  }
0x2d: {  	s3 =	simm.s32 $0x108;
	s8 =	sld [smem:$0x3FAC]  }
0x2e: {  	s3 =	simm.s32 @!p0 $0x1082;
	s9 =	sld [smem:$0x3FAD]  }
0x2f: {  	lr =	sadd.s32 s0, s3;
	s0 =	sld [smem:$0x3FA4]  }
0x30: {  	s3 =	sld [smem:$0x3FA7]  }
0x31: {  	[smem:$0x3FB0] =	sst s10  }
0x32: {  	s10 =	sld [smem:$0x3FAE];
	_ =	sdelay $0x3  }
0x33: {  	p0 =	seq.s32 s10, $0x1;
	s10 =	sld [smem:$0x3FB0];
	_ =	sdelay $0x3  }
0x34: {  	[smem:$0x3FB0] =	sst s10  }
0x35: {  	s10 =	sld [smem:$0x3FAF];
	_ =	sdelay $0x3  }
0x36: {  	p1 =	seq.s32 s10, $0x1;
	s10 =	sld [smem:$0x3FB0];
	_ =	sdelay $0x3  }
0x37: {  	[smem:$0x3FB0] =	sst s10  }
0x38: {  	s10 =	sld [smem:$0x3FB1]  }
0x39: {  	_ = 	snop;
	(pc) =	sbr.ind lr, $3  }
0x3a: {  	_ = 	snop  }
0x3b: {  	_ = 	snop  }
0x3c: {  	p2 =	seq.s32 s10, $0x1;
	s10 =	sld [smem:$0x3FB0]  }
0x3d: {  	_ =	shalt  }
0x3e: {  	_ =	shalt  }
0x3f: {  	_ =	shalt  }
0x40: {  	_ =	shalt  }
0x41: {  	_ =	shalt  }
0x42: {  	_ =	shalt  }
0x43: {  	_ =	shalt  }
0x44: {  	_ =	shalt  }
0x45: {  	_ =	shalt  }
0x46: {  	_ =	shalt  }
0x47: {  	_ =	shalt  }
0x48: {  	_ =	shalt  }
0x49: {  	_ =	shalt  }
0x4a: {  	_ =	shalt  }
0x4b: {  	_ =	shalt  }
0x4c: {  	_ =	shalt  }
0x4d: {  	_ =	shalt  }
0x4e: {  	_ =	shalt  }
0x4f: {  	_ =	shalt  }
0x50: {  	_ =	shalt  }
0x51: {  	_ =	shalt  }
0x52: {  	_ =	shalt  }
0x53: {  	_ =	shalt  }
0x54: {  	_ =	shalt  }
0x55: {  	_ =	shalt  }
0x56: {  	_ =	shalt  }
0x57: {  	_ =	shalt  }
0x58: {  	_ =	shalt  }
0x59: {  	_ =	shalt  }
0x5a: {  	_ =	shalt  }
0x5b: {  	_ =	shalt  }
0x5c: {  	_ =	shalt  }
0x5d: {  	_ =	shalt  }
0x5e: {  	_ =	shalt  }
0x5f: {  	_ =	shalt  }
0x60: {  	_ =	shalt  }
0x61: {  	_ =	shalt  }
0x62: {  	_ =	shalt  }
0x63: {  	_ =	shalt  }
0x64: {  	_ =	shalt  }
0x65: {  	_ =	shalt  }
0x66: {  	_ =	shalt  }
0x67: {  	_ =	shalt  }
0x68: {  	_ =	shalt  }
0x69: {  	_ =	shalt  }
0x6a: {  	_ =	shalt  }
0x6b: {  	_ =	shalt  }
0x6c: {  	_ =	shalt  }
0x6d: {  	_ =	shalt  }
0x6e: {  	_ =	shalt  }
0x6f: {  	_ =	shalt  }
0x70: {  	_ =	shalt  }
0x71: {  	_ =	shalt  }
0x72: {  	_ =	shalt  }
0x73: {  	_ =	shalt  }
0x74: {  	_ =	shalt  }
0x75: {  	_ =	shalt  }
0x76: {  	_ =	shalt  }
0x77: {  	_ =	shalt  }
0x78: {  	_ =	shalt  }
0x79: {  	_ =	shalt  }
0x7a: {  	_ =	shalt  }
0x7b: {  	_ =	shalt  }
0x7c: {  	_ =	shalt  }
0x7d: {  	_ =	shalt  }
0x7e: {  	_ =	shalt  }
0x7f: {  	_ =	shalt  }
0x80: {  	_ =	shalt  }
0x81: {  	_ =	shalt  }
0x82: {  	_ =	shalt  }
0x83: {  	_ =	shalt  }
0x84: {  	_ =	shalt  }
0x85: {  	_ =	shalt  }
0x86: {  	_ =	shalt  }
0x87: {  	_ =	shalt  }
.Lfunc_end0:
.L_simem_size_0:
called_computation.2_lowered:
.L_overlay_start_0:
0x88: {  	s2 =	sld [smem:$0x3FD9]  }
0x89: {  	s3 =	sld [smem:$0x3FFE];
	_ =	sdelay $0x1  }
0x8a: {  	s1 =	srdreg.scid  }
0x8b: {  	s0 =	sand.u32 $0x1, s1  }
0x8c: {  	s17 =	sshll.u32 s0, $0xA;
	s2 =	sadd.s32 s3, s2  }
0x8d: {  	s2 =	sadd.s32 s2, s17  }
0x8e: {  	[smem:$0x3FBC] =	sst s2  }
0x8f: {  	_ = 	snop  }
0x90: {  	(tm) =	ssettm $0x1  }
0x91: {  	s18 =	sld [smem:$0x3FFB];
	_ =	sdelay $0x3  }
0x92: {  	_ =	strace s18  }
0x93: {  	s2 =	sld [smem:$0x3FFC];
	_ =	sdelay $0x3  }
0x94: {  	_ =	strace s2  }
0x95: {  	s2 =	sld [smem:$0x3FFD];
	_ =	sdelay $0x3  }
0x96: {  	_ =	strace s2  }
0x97: {  	_ =	strace $0x8FFFFFFF  }
0x98: {  	s19 =	sld [smem:$0x3FDB];
	_ =	sdelay $0x1  }
0x99: {  	s20 =	simm.s32 $_scs_section_size  }
0x9a: {  	s4 =	simm.s32 $_size__tile_overlayer_lowered;
	s5 =	simm.s32 $_tile_overlayer_lowered  }
0x9b: {  	s6 =	simm.s32 $0x1BFF;
	s21 =	sshll.u32 s5, $0x1;
	s3 =	sadd.s32 s20, s19  }
0x9c: {  	s22 =	simm.s32 $0x0;
	s4 =	sshll.u32 s4, $0x1;
	s5 =	sadd.s32 s21, s3  }
0x9d: {  	[timem:s22], [sflag:s6] =	dma.local [hbm:s5], s4  }
0x9e: {  	_ =	swait.ge [sflag:s6], s4  }
0x9f: {  	s4 =	ssub.s32 $0x0, s4;
	[sflag:s6] =	ssyncset.done $0x0  }
0xa0: {  	[sflag:s6] =	ssyncadd.s32 s4;
	_ =	sdelay $0x1  }
0xa1: {  	s23 =	simm.s32 $0x1B8B  }
0xa2: {  	_ =	swait.ge [sflag:s23], $0x1  }
0xa3: {  	[sflag:s23] =	ssyncset.done $0x0  }
0xa4: {  	[sflag:s23] =	ssyncadd.s32 $0xFFFFFFFF  }
0xa5: {  	s4 =	sld [smem:$0x0]  }
0xa6: {  	s5 =	sand.u32 $0xFFFFFFFE, s1  }
0xa7: {  	p0 =	sne.s32 s1, s5  }
0xa8: {  	s5 =	sshll.u32 @p0 s5, $0xE  }
0xa9: {  	s5 =	sadd.s32 @p0 $0x11B8D, s5;
	s6 =	sshll.u32 @p0 s4, $0x11  }
0xaa: {  	s5 =	sor.u32 @p0 s6, s5  }
0xab: {  	[sflag:s5] =	ssyncadd.remote.s32 @p0 $0x1;
	_ =	sdelay $0x1  }
0xac: {  	s5 =	simm.s32 @p0 $0x1B8D  }
0xad: {  	_ =	swait.eq @p0 [sflag:s5], $0x1  }
0xae: {  	[sflag:s5] =	ssyncadd.s32 @p0 $0xFFFFFFFF  }
0xaf: {  	s6 =	sshll.u32 @!p0 s1, $0xE  }
0xb0: {  	s6 =	sor.u32 @!p0 $0x4000, s6;
	s5 =	simm.s32 @!p0 $0x1B8D  }
0xb1: {  	s4 =	sshll.u32 @!p0 s4, $0x11;
	s6 =	sadd.s32 @!p0 $0x11B8D, s6;
	_ =	swait.eq @!p0 [sflag:s5], $0x1  }
0xb2: {  	s4 =	sor.u32 @!p0 s4, s6;
	[sflag:s5] =	ssyncadd.s32 @!p0 $0xFFFFFFFF  }
0xb3: {  	s25 =	simm.s32 $0x1B8E;
	s24 =	sld [smem:$0x3FFE];
	[sflag:s4] =	ssyncadd.remote.s32 @!p0 $0x1  }
0xb4: {  	s26 =	simm.s32 $execute0_lowered;
	[smem:$0x3FD2] =	sst s25  }
0xb5: {  	s5 =	sshll.u32 s26, $0x1;
	_ =	strace $0x8000004F;
	[dreg:$0x1] =	wrdreg $0xFFFFFFFF  }
0xb6: {  	s28 =	simm.s32 $_size_execute0_lowered;
	s3 =	sadd.s32 s3, s5;
	[dreg:$0x0] =	wrdreg $0x0  }
0xb7: {  	s5 =	sshll.u32 s28, $0x1;
	[dreg:$0x2] =	wrdreg s3  }
0xb8: {  	[dreg:$0x3] =	wrdreg s5  }
0xb9: {  	[dreg:$0x4] =	wrdreg $0xC0  }
0xba: {  	_ =	task [dreg:s22], $0x5FFFF  }
0xbb: {  	[dreg:$0x1] =	wrdreg $0xFFFFFFFF  }
0xbc: {  	[dreg:$0x0] =	wrdreg $0x60  }
0xbd: {  	[dreg:$0x2] =	wrdreg s24  }
0xbe: {  	[dreg:$0x3] =	wrdreg $0xB  }
0xbf: {  	_ =	task.clear_ibuf [dreg:s22], $0x4FFFF;
	_ =	strace $0x9000004F  }
0xc0: {  	s29 =	simm.s32 $0xB;
	_ =	strace $0x80000051  }
0xc1: {  	_ =	swait.ge [sflag:s29], $0x1  }
0xc2: {  	[sflag:s29] =	ssyncadd.s32 $0xFFFFFFFF  }
0xc3: {  	_ =	strace $0x90000051  }
0xc4: {  	_ =	sfence  }
0xc5: {  	s30 =	sld [smem:$0x0];
	_ =	sdelay $0x2  }
0xc6: {  	s31 =	sshll.u32 s1, $0xD;
	s1 =	sshrl.u32 s1, $0x2  }
0xc7: {  	s4 =	sand.u32 $0x4000, s31;
	s1 =	sadd.s32 s1, s30  }
0xc8: {  	s0 =	sor.u32 s4, s0;
	s1 =	sshll.u32 s1, $0x11  }
0xc9: {  	s0 =	sor.u32 s1, s0  }
0xca: {  	s0 =	sadd.s32 $0x8F2B, s0  }
0xcb: {  	[sflag:s0] =	ssyncadd.remote.s32 $0x1  }
0xcc: {  	_ =	sfence.sel $0xFFFF  }
0xcd: {  	[dreg:$0x0] =	wrdreg $0xFFFFFFFF;
	(pc) =	sbr.abs _section_cstart, $3  }
0xce: {  	[dreg:$0x1] =	wrdreg $0xFFFFFFFF  }
0xcf: {  	_ =	task.clear_ibuf [dreg:s22], $0x2FFFF;
	_ =	strace $0x9FFFFFFF  }
0xd0: {  	(tm) =	ssettm $0x7FFFFFFF  }
0xd1: {  	_ =	shalt  }
tec
execute0_lowered:
.L_overlay_start_1:
0x0: {  	(tag) =	ssettag $0x1  }
0x1: {  	s1 =	srdreg.scid;
	s0 =	stileid.u32  }
0x2: {  	s29 =	sand.u32 $0x1, s1;
	s30 =	sshll.u32 s0, $0x1  }
0x3: {  	s16 =	sor.u32 s29, s30  }
0x4: {  	s3 =	smul.u32 $0x50, s16  }
0x5: {  	s19 =	rddreg [dreg:$0x0];
	s2 =	simm.s32 $0x0  }
0x6: {  	[smem:$0x7FF] =	sst s2;
	s23 =	sadd.s32 s3, s19  }
0x7: {  	s1 =	rddreg [dreg:$0x1];
	_ =	strace $0x80000050;
	s3 =	sadd.s32 $0x364C00, s23  }
0x8: {  	[tilespmem:s2], [sflag:$0x1] =	stream.linear.gather [hbm4b:s3+s2], $0x280, $0x38;
	[tilespmem:$0x1E780] =	vst v63  }
0x9: {  	s5 =	simm.s32 $0x280;
	s4 =	sadd.s32 $0x363800, s23  }
0xa: {  	[tilespmem:s5], [sflag:$0x1] =	stream.linear.gather [hbm4b:s4+s2], $0x280, $0x38;
	[tilespmem:$0x1E780] =	vst v63  }
0xb: {  	s7 =	simm.s32 $0x500;
	s8 =	simm.s32 $0x1;
	s6 =	sadd.s32 $0x362400, s23  }
0xc: {  	[tilespmem:s7], [sflag:$0x1] =	stream.linear.gather [hbm4b:s6+s2], $0x280, $0x38;
	[tilespmem:$0x1E780] =	vst v63  }
0xd: {  	_ =	swait.ge [sflag:s8], $0x280  }
0xe: {  	[sflag:s8] =	ssyncset.done $0x0  }
0xf: {  	[sflag:s8] =	ssyncadd.s32 $0xFFFFFD80  }
0x10: {  	_ =	swait.ge [sflag:s8], $0x280  }
0x11: {  	[sflag:s8] =	ssyncset.done $0x0  }
0x12: {  	[sflag:s8] =	ssyncadd.s32 $0xFFFFFD80  }
0x13: {  	_ =	swait.ge [sflag:s8], $0x280  }
0x14: {  	[sflag:s8] =	ssyncset.done $0x0  }
0x15: {  	s10 =	simm.s32 $0x780;
	s9 =	sadd.s32 $0x16C00, s19;
	[sflag:s8] =	ssyncadd.s32 $0xFFFFFD80  }
0x16: {  	[tilespmem:s10], [sflag:$0x2] =	stream.indirect.gather [hbm4b:s9+s5], $0x40, s2, s5, $0xb8;
	[tilespmem:$0x1E780] =	vst v63  }
0x17: {  	s12 =	simm.s32 $0xA780;
	s11 =	sadd.s32 $0x260E00, s19  }
0x18: {  	[tilespmem:s12], [sflag:$0x2] =	stream.indirect.gather [hbm4b:s11+s5], $0x40, s5, s5, $0xb8;
	[tilespmem:$0x1E780] =	vst v63  }
0x19: {  	s14 =	simm.s32 $0x14780;
	s15 =	simm.s32 $0x2;
	s13 =	sadd.s32 $0x265200, s19  }
0x1a: {  	[tilespmem:s14], [sflag:$0x2] =	stream.indirect.gather [hbm4b:s13+s5], $0x40, s7, s5, $0xb8;
	[tilespmem:$0x1E780] =	vst v63  }
0x1b: {  	_ =	swait.ge [sflag:s15], $0xA000  }
0x1c: {  	[sflag:s15] =	ssyncset.done $0x0  }
0x1d: {  	[sflag:s15] =	ssyncadd.s32 $0xFFFF6000  }
0x1e: {  	_ =	swait.ge [sflag:s15], $0xA000  }
0x1f: {  	[sflag:s15] =	ssyncset.done $0x0  }
0x20: {  	[sflag:s15] =	ssyncadd.s32 $0xFFFF6000  }
0x21: {  	s17 =	simm.s32 $0x40;
	s25 =	smul.u32 $0x2800, s16;
	_ =	swait.ge [sflag:s15], $0xA000  }
0x22: {  	s18 =	simm.s32 $0x80;
	s26 =	sadd.s32 $0x4F9200, s19;
	[sflag:s15] =	ssyncset.done $0x0  }
0x23: {  	s28 =	sadd.s32 $0x549200, s19;
	s16 =	sadd.s32 s26, s25;
	[sflag:s15] =	ssyncadd.s32 $0xFFFF6000  }
0x24: {  	[hbm4b:s16+s17] =	stream.strided.scatter [tilespmem:s10], [sflag:$0x3], $0xA000, s18, s17, $0x38;
	[tilespmem:$0x1E780] =	vst v63  }
0x25: {  	s30 =	sadd.s32 $0x599200, s19;
	s19 =	sadd.s32 s28, s25  }
0x26: {  	[hbm4b:s19+s17] =	stream.strided.scatter [tilespmem:s12], [sflag:$0x3], $0xA000, s18, s17, $0x38;
	[tilespmem:$0x1E780] =	vst v63  }
0x27: {  	s20 =	sadd.s32 s30, s25  }
0x28: {  	[hbm4b:s20+s17] =	stream.strided.scatter [tilespmem:s14], [sflag:$0x3], $0xA000, s18, s17, $0x38;
	[tilespmem:$0x1E780] =	vst v63  }
0x29: {  	s21 =	sadd.s32 $0x364200, s23  }
0x2a: {  	[tilespmem:s2], [sflag:$0x1] =	stream.linear.gather [hbm4b:s21+s2], $0x280, $0x38;
	[tilespmem:$0x1E780] =	vst v63  }
0x2b: {  	s22 =	sadd.s32 $0x362E00, s23  }
0x2c: {  	[tilespmem:s5], [sflag:$0x1] =	stream.linear.gather [hbm4b:s22+s2], $0x280, $0x38;
	[tilespmem:$0x1E780] =	vst v63  }
0x2d: {  	s23 =	sadd.s32 $0x16200, s23  }
0x2e: {  	[tilespmem:s7], [sflag:$0x1] =	stream.linear.gather [hbm4b:s23+s2], $0x280, $0x38;
	[tilespmem:$0x1E780] =	vst v63  }
0x2f: {  	_ =	swait.ge [sflag:s8], $0x280  }
0x30: {  	[sflag:s8] =	ssyncset.done $0x0  }
0x31: {  	[sflag:s8] =	ssyncadd.s32 $0xFFFFFD80  }
0x32: {  	_ =	swait.ge [sflag:s8], $0x280  }
0x33: {  	[sflag:s8] =	ssyncset.done $0x0  }
0x34: {  	[sflag:s8] =	ssyncadd.s32 $0xFFFFFD80  }
0x35: {  	_ =	swait.ge [sflag:s8], $0x280  }
0x36: {  	[sflag:s8] =	ssyncset.done $0x0  }
0x37: {  	s24 =	simm.s32 $0x3;
	[sflag:s8] =	ssyncadd.s32 $0xFFFFFD80  }
0x38: {  	_ =	swait.ge [sflag:s24], $0xA000  }
0x39: {  	[sflag:s24] =	ssyncset.done $0x0  }
0x3a: {  	[sflag:s24] =	ssyncadd.s32 $0xFFFF6000  }
0x3b: {  	_ =	swait.ge [sflag:s24], $0xA000  }
0x3c: {  	[sflag:s24] =	ssyncset.done $0x0  }
0x3d: {  	[sflag:s24] =	ssyncadd.s32 $0xFFFF6000  }
0x3e: {  	_ =	swait.ge [sflag:s24], $0xA000  }
0x3f: {  	[sflag:s24] =	ssyncset.done $0x0  }
0x40: {  	[sflag:s24] =	ssyncadd.s32 $0xFFFF6000  }
0x41: {  	[tilespmem:s10], [sflag:$0x2] =	stream.indirect.gather [hbm4b:s9+s5], $0x40, s2, s5, $0xb8;
	[tilespmem:$0x1E780] =	vst v63  }
0x42: {  	_ = 	snop  }
0x43: {  	[tilespmem:s12], [sflag:$0x2] =	stream.indirect.gather [hbm4b:s11+s5], $0x40, s5, s5, $0xb8;
	[tilespmem:$0x1E780] =	vst v63  }
0x44: {  	_ = 	snop  }
0x45: {  	[tilespmem:s14], [sflag:$0x2] =	stream.indirect.gather [hbm4b:s13+s5], $0x40, s7, s5, $0xb8;
	[tilespmem:$0x1E780] =	vst v63  }
0x46: {  	_ =	swait.ge [sflag:s15], $0xA000  }
0x47: {  	[sflag:s15] =	ssyncset.done $0x0  }
0x48: {  	[sflag:s15] =	ssyncadd.s32 $0xFFFF6000  }
0x49: {  	_ =	swait.ge [sflag:s15], $0xA000  }
0x4a: {  	[sflag:s15] =	ssyncset.done $0x0  }
0x4b: {  	[sflag:s15] =	ssyncadd.s32 $0xFFFF6000  }
0x4c: {  	_ =	swait.ge [sflag:s15], $0xA000  }
0x4d: {  	s31 =	sor.u32 $0x8, s25;
	[sflag:s15] =	ssyncset.done $0x0  }
0x4e: {  	s25 =	sadd.s32 s26, s31;
	[sflag:s15] =	ssyncadd.s32 $0xFFFF6000  }
0x4f: {  	[hbm4b:s25+s17] =	stream.strided.scatter [tilespmem:s10], [sflag:$0x3], $0xA000, s18, s17, $0x38;
	[tilespmem:$0x1E780] =	vst v63  }
0x50: {  	s29 =	ssub.s32 $0x2, s29;
	s26 =	sadd.s32 s28, s31  }
0x51: {  	[hbm4b:s26+s17] =	stream.strided.scatter [tilespmem:s12], [sflag:$0x3], $0xA000, s18, s17, $0x38;
	[tilespmem:$0x1E780] =	vst v63  }
0x52: {  	s28 =	sadd.s32 s30, s31;
	s31 =	sshrl.u32 s29, $0x1  }
0x53: {  	[hbm4b:s28+s17] =	stream.strided.scatter [tilespmem:s14], [sflag:$0x3], $0xA000, s18, s17, $0x38;
	[tilespmem:$0x1E780] =	vst v63  }
0x54: {  	s29 =	ssub.s32 s29, s31;
	_ =	swait.ge [sflag:s24], $0xA000  }
0x55: {  	s29 =	smax.u32 s29, $0x1;
	[sflag:s24] =	ssyncset.done $0x0  }
0x56: {  	p0 =	sne.s32 s29, $0x1;
	[sflag:s24] =	ssyncadd.s32 $0xFFFF6000  }
.Ltmp0:
0x57: {  	_ =	swait.ge [sflag:s24], $0xA000;
	(pc) =	sbr.rel @!p0 .LBB2_2-.Ltmp0, $4  }
0x58: {  	[sflag:s24] =	ssyncset.done $0x0  }
0x59: {  	[sflag:s24] =	ssyncadd.s32 $0xFFFF6000  }
0x5a: {  	_ =	swait.ge [sflag:s24], $0xA000  }
0x5b: {  	s29 =	sadd.s32 $0xFFFFFFFF, s29;
	[sflag:s24] =	ssyncset.done $0x0  }
.LBB2_1:
0x5c: {  	p0 =	sne.s32 s29, $0x1;
	s29 =	sadd.s32 $0xFFFFFFFF, s29;
	[sflag:s24] =	ssyncadd.s32 $0xFFFF6000  }
0x5d: {  	[tilespmem:s2], [sflag:$0x1] =	stream.linear.gather [hbm4b:s3+s2], $0x280, $0x38;
	[tilespmem:$0x1E780] =	vst v63  }
0x5e: {  	_ = 	snop  }
0x5f: {  	[tilespmem:s5], [sflag:$0x1] =	stream.linear.gather [hbm4b:s4+s2], $0x280, $0x38;
	[tilespmem:$0x1E780] =	vst v63  }
0x60: {  	_ = 	snop  }
0x61: {  	[tilespmem:s7], [sflag:$0x1] =	stream.linear.gather [hbm4b:s6+s2], $0x280, $0x38;
	[tilespmem:$0x1E780] =	vst v63  }
0x62: {  	_ =	swait.ge [sflag:s8], $0x280  }
0x63: {  	[sflag:s8] =	ssyncset.done $0x0  }
0x64: {  	[sflag:s8] =	ssyncadd.s32 $0xFFFFFD80  }
0x65: {  	_ =	swait.ge [sflag:s8], $0x280  }
0x66: {  	[sflag:s8] =	ssyncset.done $0x0  }
0x67: {  	[sflag:s8] =	ssyncadd.s32 $0xFFFFFD80  }
0x68: {  	_ =	swait.ge [sflag:s8], $0x280  }
0x69: {  	[sflag:s8] =	ssyncset.done $0x0  }
0x6a: {  	[sflag:s8] =	ssyncadd.s32 $0xFFFFFD80  }
0x6b: {  	[tilespmem:s10], [sflag:$0x2] =	stream.indirect.gather [hbm4b:s9+s5], $0x40, s2, s5, $0xb8;
	[tilespmem:$0x1E780] =	vst v63  }
0x6c: {  	_ = 	snop  }
0x6d: {  	[tilespmem:s12], [sflag:$0x2] =	stream.indirect.gather [hbm4b:s11+s5], $0x40, s5, s5, $0xb8;
	[tilespmem:$0x1E780] =	vst v63  }
0x6e: {  	_ = 	snop  }
0x6f: {  	[tilespmem:s14], [sflag:$0x2] =	stream.indirect.gather [hbm4b:s13+s5], $0x40, s7, s5, $0xb8;
	[tilespmem:$0x1E780] =	vst v63  }
0x70: {  	_ =	swait.ge [sflag:s15], $0xA000  }
0x71: {  	[sflag:s15] =	ssyncset.done $0x0  }
0x72: {  	[sflag:s15] =	ssyncadd.s32 $0xFFFF6000  }
0x73: {  	_ =	swait.ge [sflag:s15], $0xA000  }
0x74: {  	[sflag:s15] =	ssyncset.done $0x0  }
0x75: {  	[sflag:s15] =	ssyncadd.s32 $0xFFFF6000  }
0x76: {  	_ =	swait.ge [sflag:s15], $0xA000  }
0x77: {  	[sflag:s15] =	ssyncset.done $0x0  }
0x78: {  	[sflag:s15] =	ssyncadd.s32 $0xFFFF6000  }
0x79: {  	[hbm4b:s16+s17] =	stream.strided.scatter [tilespmem:s10], [sflag:$0x3], $0xA000, s18, s17, $0x38;
	[tilespmem:$0x1E780] =	vst v63  }
0x7a: {  	_ = 	snop  }
0x7b: {  	[hbm4b:s19+s17] =	stream.strided.scatter [tilespmem:s12], [sflag:$0x3], $0xA000, s18, s17, $0x38;
	[tilespmem:$0x1E780] =	vst v63  }
0x7c: {  	_ = 	snop  }
0x7d: {  	[hbm4b:s20+s17] =	stream.strided.scatter [tilespmem:s14], [sflag:$0x3], $0xA000, s18, s17, $0x38;
	[tilespmem:$0x1E780] =	vst v63  }
0x7e: {  	_ = 	snop  }
0x7f: {  	[tilespmem:s2], [sflag:$0x1] =	stream.linear.gather [hbm4b:s21+s2], $0x280, $0x38;
	[tilespmem:$0x1E780] =	vst v63  }
0x80: {  	_ = 	snop  }
0x81: {  	[tilespmem:s5], [sflag:$0x1] =	stream.linear.gather [hbm4b:s22+s2], $0x280, $0x38;
	[tilespmem:$0x1E780] =	vst v63  }
0x82: {  	_ = 	snop  }
0x83: {  	[tilespmem:s7], [sflag:$0x1] =	stream.linear.gather [hbm4b:s23+s2], $0x280, $0x38;
	[tilespmem:$0x1E780] =	vst v63  }
0x84: {  	_ =	swait.ge [sflag:s8], $0x280  }
0x85: {  	[sflag:s8] =	ssyncset.done $0x0  }
0x86: {  	[sflag:s8] =	ssyncadd.s32 $0xFFFFFD80  }
0x87: {  	_ =	swait.ge [sflag:s8], $0x280  }
0x88: {  	[sflag:s8] =	ssyncset.done $0x0  }
0x89: {  	[sflag:s8] =	ssyncadd.s32 $0xFFFFFD80  }
0x8a: {  	_ =	swait.ge [sflag:s8], $0x280  }
0x8b: {  	[sflag:s8] =	ssyncset.done $0x0  }
0x8c: {  	[sflag:s8] =	ssyncadd.s32 $0xFFFFFD80  }
0x8d: {  	_ =	swait.ge [sflag:s24], $0xA000  }
0x8e: {  	[sflag:s24] =	ssyncset.done $0x0  }
0x8f: {  	[sflag:s24] =	ssyncadd.s32 $0xFFFF6000  }
0x90: {  	_ =	swait.ge [sflag:s24], $0xA000  }
0x91: {  	[sflag:s24] =	ssyncset.done $0x0  }
0x92: {  	[sflag:s24] =	ssyncadd.s32 $0xFFFF6000  }
0x93: {  	_ =	swait.ge [sflag:s24], $0xA000  }
0x94: {  	[sflag:s24] =	ssyncset.done $0x0  }
0x95: {  	[sflag:s24] =	ssyncadd.s32 $0xFFFF6000  }
0x96: {  	[tilespmem:s10], [sflag:$0x2] =	stream.indirect.gather [hbm4b:s9+s5], $0x40, s2, s5, $0xb8;
	[tilespmem:$0x1E780] =	vst v63  }
0x97: {  	_ = 	snop  }
0x98: {  	[tilespmem:s12], [sflag:$0x2] =	stream.indirect.gather [hbm4b:s11+s5], $0x40, s5, s5, $0xb8;
	[tilespmem:$0x1E780] =	vst v63  }
0x99: {  	_ = 	snop  }
0x9a: {  	[tilespmem:s14], [sflag:$0x2] =	stream.indirect.gather [hbm4b:s13+s5], $0x40, s7, s5, $0xb8;
	[tilespmem:$0x1E780] =	vst v63  }
0x9b: {  	_ =	swait.ge [sflag:s15], $0xA000  }
0x9c: {  	[sflag:s15] =	ssyncset.done $0x0  }
0x9d: {  	[sflag:s15] =	ssyncadd.s32 $0xFFFF6000  }
0x9e: {  	_ =	swait.ge [sflag:s15], $0xA000  }
0x9f: {  	[sflag:s15] =	ssyncset.done $0x0  }
0xa0: {  	[sflag:s15] =	ssyncadd.s32 $0xFFFF6000  }
0xa1: {  	_ =	swait.ge [sflag:s15], $0xA000  }
0xa2: {  	[sflag:s15] =	ssyncset.done $0x0  }
0xa3: {  	[sflag:s15] =	ssyncadd.s32 $0xFFFF6000  }
0xa4: {  	[hbm4b:s25+s17] =	stream.strided.scatter [tilespmem:s10], [sflag:$0x3], $0xA000, s18, s17, $0x38;
	[tilespmem:$0x1E780] =	vst v63  }
0xa5: {  	_ = 	snop  }
0xa6: {  	[hbm4b:s26+s17] =	stream.strided.scatter [tilespmem:s12], [sflag:$0x3], $0xA000, s18, s17, $0x38;
	[tilespmem:$0x1E780] =	vst v63  }
0xa7: {  	_ = 	snop  }
0xa8: {  	[hbm4b:s28+s17] =	stream.strided.scatter [tilespmem:s14], [sflag:$0x3], $0xA000, s18, s17, $0x38;
	[tilespmem:$0x1E780] =	vst v63  }
0xa9: {  	_ =	swait.ge [sflag:s24], $0xA000  }
0xaa: {  	[sflag:s24] =	ssyncset.done $0x0  }
0xab: {  	[sflag:s24] =	ssyncadd.s32 $0xFFFF6000  }
.Ltmp1:
0xac: {  	_ =	swait.ge [sflag:s24], $0xA000;
	(pc) =	sbr.rel @p0 .LBB2_1-.Ltmp1, $4  }
0xad: {  	[sflag:s24] =	ssyncset.done $0x0  }
0xae: {  	[sflag:s24] =	ssyncadd.s32 $0xFFFF6000  }
0xaf: {  	_ =	swait.ge [sflag:s24], $0xA000  }
0xb0: {  	[sflag:s24] =	ssyncset.done $0x0  }
.LBB2_2:
0xb1: {  	[sflag:s24] =	ssyncadd.s32 $0xFFFF6000  }
0xb2: {  	_ =	sfence.sel $0x180000  }
0xb3: {  	[bflag:$0x0] =	sbarrier.arrive $0xFFFF  }
0xb4: {  	p0 =	sne.s32 s0, $0x0;
	_ =	strace $0x90000050  }
0xb5: {  	s0 =	sadd.s32 @!p0 $0x100000, s1;
	[bflag:$0x2] =	sbarrier.arrive $0xFFFF  }
0xb6: {  	[sflag:s0] =	ssyncadd.tile.s32 @!p0 $0x1;
	_ =	shalt  }
.Lfunc_end2:
_tile_overlayer_lowered:
.L_overlay_start_2:
0xb7: {  	(tag) =	ssettag $0x2  }
0xb8: {  	s0 =	rddreg [dreg:$0x0];
	s2 =	stileid.u32  }
0xb9: {  	s1 =	rddreg [dreg:$0x1];
	p0 =	sne.s32 s2, $0x0  }
0xba: {  	s3 =	rddreg [dreg:$0x2];
	[bflag:$0x3] =	sbarrier.arrive $0xFFFF;
	s2 =	simm.s32 @!p0 $0x1C04  }
0xbb: {  	[timem:s3], [sflag:s2] =	dma.local @!p0 [hbm:s0], s1  }
0xbc: {  	s0 =	simm.s32 @!p0 $0x4  }
0xbd: {  	_ =	swait.ge @!p0 [sflag:s0], s1  }
0xbe: {  	s1 =	ssub.s32 @!p0 $0x0, s1;
	[sflag:s0] =	ssyncset.done @!p0 $0x0  }
0xbf: {  	[sflag:s0] =	ssyncadd.s32 @!p0 s1  }
0xc0: {  	[bflag:$0x3] =	sbarrier.arrive $0xFFFF  }
0xc1: {  	_ =	shalt  }

// kernel: kernel.21.cloned.1.call-start
scs
__scs_entry_jumppad:
0x0: {  	(pc) =	sbr.rel $0x88, $3  }
0x1: {  	(tag) =	ssettag $0x0;
	lr =	simm.s32 $0x1  }
0x2: {  	[smem:$0x3F95] =	sst lr;
	_ =	strace $0xD0000000  }
0x3: {  	_ = 	snop  }
0x4: {  	_ = 	snop  }
0x5: {  	_ = 	snop  }
0x6: {  	_ = 	snop  }
0x7: {  	_ = 	snop  }
__scs_overlays_trampoline_lowered:
0x8: {  	[smem:$0x3FA4] =	sst s0  }
0x9: {  	[smem:$0x3FA5] =	sst s1  }
0xa: {  	[smem:$0x3FA6] =	sst s2  }
0xb: {  	[smem:$0x3FA7] =	sst s3  }
0xc: {  	[smem:$0x3FA8] =	sst s4  }
0xd: {  	[smem:$0x3FA9] =	sst s5  }
0xe: {  	[smem:$0x3FAA] =	sst s6  }
0xf: {  	[smem:$0x3FAB] =	sst s7  }
0x10: {  	[smem:$0x3FAC] =	sst s8  }
0x11: {  	[smem:$0x3FAD] =	sst s9;
	s0 =	simm.s32 @!p0 $0x0  }
0x12: {  	s1 =	sld [smem:$0x3F93];
	s0 =	simm.s32 @p0 $0x1  }
0x13: {  	[smem:$0x3FAE] =	sst s0;
	s0 =	simm.s32 @!p1 $0x0  }
0x14: {  	s2 =	sld [smem:$0x3F92];
	s0 =	simm.s32 @p1 $0x1  }
0x15: {  	[smem:$0x3FAF] =	sst s0;
	s0 =	simm.s32 @!p2 $0x0  }
0x16: {  	s3 =	sld [smem:$0x3FDB];
	s0 =	simm.s32 @p2 $0x1  }
0x17: {  	s4 =	simm.s32 $0x1BF5;
	[smem:$0x3FB1] =	sst s0  }
0x18: {  	s0 =	sld [smem:$0x3F94];
	_ =	swait.ge [sflag:s4], $0x0  }
0x19: {  	s7 =	sld [smem:$0x3F95]  }
0x1a: {  	s8 =	sadd.s32 $0xFFFFE003, lr  }
0x1b: {  	s9 =	sadd.s32 $0xFFFFFEF7, lr;
	s5 =	simm.s32 $0xFFFFFFFF;
	p2 =	slt.u32 s8, $0xFFFFF086  }
0x1c: {  	p1 =	slt.u32 s9, $0xF7A;
	s5 =	simm.s32 @!p2 $0x0  }
0x1d: {  	s5 =	simm.s32 @p1 $0x1;
	p0 =	seq.s32 s7, s2  }
0x1e: {  	s7 =	smul.u32 @!p0 $0xF7A, s2;
	p2 =	seq.s32 @!p0 s5, $0x0  }
0x1f: {  	s9 =	smul.u32 $0xF7A, s1;
	s8 =	simm.s32 @!p0 $0x1BF5;
	p2 =	por !p2, p0  }
0x20: {  	[sflag:s8] =	ssyncset.s32 @!p0 $0xFFFFF086;
	s6 =	sadd.s32 @!p0 s3, s7;
	s7 =	simm.s32 @!p0 $0x108  }
0x21: {  	s3 =	sadd.s32 s3, s9;
	s6 =	sadd.s32 @!p0 $0x88, s6;
	s7 =	simm.s32 @p2 $0x1082  }
0x22: {  	[simem:s7], [sflag:s8] =	dma.local @!p0 [hbm:s6], $0xF7A  }
0x23: {  	s9 =	sor.u32 $0xD0000000, s2;
	s6 =	simm.s32 $0x108;
	_ =	swait.ge @!p0 [sflag:s8], $0x0  }
0x24: {  	s3 =	sadd.s32 $0x88, s3;
	s6 =	simm.s32 @!p1 $0x1082;
	[sflag:s4] =	ssyncset.s32 $0xFFFFF086  }
0x25: {  	[simem:s6], [sflag:s4] =	dma.local [hbm:s3], $0xF7A  }
0x26: {  	[smem:$0x3F95] =	sst s1;
	(tag) =	ssettag s2;
	_ =	strace s9  }
0x27: {  	s1 =	sld [smem:$0x3FA5]  }
0x28: {  	s2 =	sld [smem:$0x3FA6]  }
0x29: {  	s4 =	sld [smem:$0x3FA8]  }
0x2a: {  	p0 =	seq.s32 s5, $0x0;
	s5 =	sld [smem:$0x3FA9]  }
0x2b: {  	s6 =	sld [smem:$0x3FAA]  }
0x2c: {  	s7 =	sld [smem:$0x3FAB]  }
0x2d: {  	s3 =	simm.s32 $0x108;
	s8 =	sld [smem:$0x3FAC]  }
0x2e: {  	s3 =	simm.s32 @!p0 $0x1082;
	s9 =	sld [smem:$0x3FAD]  }
0x2f: {  	lr =	sadd.s32 s0, s3;
	s0 =	sld [smem:$0x3FA4]  }
0x30: {  	s3 =	sld [smem:$0x3FA7]  }
0x31: {  	[smem:$0x3FB0] =	sst s10  }
0x32: {  	s10 =	sld [smem:$0x3FAE];
	_ =	sdelay $0x3  }
0x33: {  	p0 =	seq.s32 s10, $0x1;
	s10 =	sld [smem:$0x3FB0];
	_ =	sdelay $0x3  }
0x34: {  	[smem:$0x3FB0] =	sst s10  }
0x35: {  	s10 =	sld [smem:$0x3FAF];
	_ =	sdelay $0x3  }
0x36: {  	p1 =	seq.s32 s10, $0x1;
	s10 =	sld [smem:$0x3FB0];
	_ =	sdelay $0x3  }
0x37: {  	[smem:$0x3FB0] =	sst s10  }
0x38: {  	s10 =	sld [smem:$0x3FB1]  }
0x39: {  	_ = 	snop;
	(pc) =	sbr.ind lr, $3  }
0x3a: {  	_ = 	snop  }
0x3b: {  	_ = 	snop  }
0x3c: {  	p2 =	seq.s32 s10, $0x1;
	s10 =	sld [smem:$0x3FB0]  }
0x3d: {  	_ =	shalt  }
0x3e: {  	_ =	shalt  }
0x3f: {  	_ =	shalt  }
0x40: {  	_ =	shalt  }
0x41: {  	_ =	shalt  }
0x42: {  	_ =	shalt  }
0x43: {  	_ =	shalt  }
0x44: {  	_ =	shalt  }
0x45: {  	_ =	shalt  }
0x46: {  	_ =	shalt  }
0x47: {  	_ =	shalt  }
0x48: {  	_ =	shalt  }
0x49: {  	_ =	shalt  }
0x4a: {  	_ =	shalt  }
0x4b: {  	_ =	shalt  }
0x4c: {  	_ =	shalt  }
0x4d: {  	_ =	shalt  }
0x4e: {  	_ =	shalt  }
0x4f: {  	_ =	shalt  }
0x50: {  	_ =	shalt  }
0x51: {  	_ =	shalt  }
0x52: {  	_ =	shalt  }
0x53: {  	_ =	shalt  }
0x54: {  	_ =	shalt  }
0x55: {  	_ =	shalt  }
0x56: {  	_ =	shalt  }
0x57: {  	_ =	shalt  }
0x58: {  	_ =	shalt  }
0x59: {  	_ =	shalt  }
0x5a: {  	_ =	shalt  }
0x5b: {  	_ =	shalt  }
0x5c: {  	_ =	shalt  }
0x5d: {  	_ =	shalt  }
0x5e: {  	_ =	shalt  }
0x5f: {  	_ =	shalt  }
0x60: {  	_ =	shalt  }
0x61: {  	_ =	shalt  }
0x62: {  	_ =	shalt  }
0x63: {  	_ =	shalt  }
0x64: {  	_ =	shalt  }
0x65: {  	_ =	shalt  }
0x66: {  	_ =	shalt  }
0x67: {  	_ =	shalt  }
0x68: {  	_ =	shalt  }
0x69: {  	_ =	shalt  }
0x6a: {  	_ =	shalt  }
0x6b: {  	_ =	shalt  }
0x6c: {  	_ =	shalt  }
0x6d: {  	_ =	shalt  }
0x6e: {  	_ =	shalt  }
0x6f: {  	_ =	shalt  }
0x70: {  	_ =	shalt  }
0x71: {  	_ =	shalt  }
0x72: {  	_ =	shalt  }
0x73: {  	_ =	shalt  }
0x74: {  	_ =	shalt  }
0x75: {  	_ =	shalt  }
0x76: {  	_ =	shalt  }
0x77: {  	_ =	shalt  }
0x78: {  	_ =	shalt  }
0x79: {  	_ =	shalt  }
0x7a: {  	_ =	shalt  }
0x7b: {  	_ =	shalt  }
0x7c: {  	_ =	shalt  }
0x7d: {  	_ =	shalt  }
0x7e: {  	_ =	shalt  }
0x7f: {  	_ =	shalt  }
0x80: {  	_ =	shalt  }
0x81: {  	_ =	shalt  }
0x82: {  	_ =	shalt  }
0x83: {  	_ =	shalt  }
0x84: {  	_ =	shalt  }
0x85: {  	_ =	shalt  }
0x86: {  	_ =	shalt  }
0x87: {  	_ =	shalt  }
.Lfunc_end0:
.L_simem_size_0:
called_computation.3_lowered:
.L_overlay_start_0:
0x88: {  	s2 =	sld [smem:$0x3FD9]  }
0x89: {  	s3 =	sld [smem:$0x3FFE];
	_ =	sdelay $0x1  }
0x8a: {  	s1 =	srdreg.scid  }
0x8b: {  	s0 =	sand.u32 $0x1, s1  }
0x8c: {  	s17 =	sshll.u32 s0, $0xA;
	s2 =	sadd.s32 s3, s2  }
0x8d: {  	s2 =	sadd.s32 s2, s17  }
0x8e: {  	[smem:$0x3FBC] =	sst s2  }
0x8f: {  	_ = 	snop  }
0x90: {  	(tm) =	ssettm $0x1  }
0x91: {  	s18 =	sld [smem:$0x3FFB];
	_ =	sdelay $0x3  }
0x92: {  	_ =	strace s18  }
0x93: {  	s2 =	sld [smem:$0x3FFC];
	_ =	sdelay $0x3  }
0x94: {  	_ =	strace s2  }
0x95: {  	s2 =	sld [smem:$0x3FFD];
	_ =	sdelay $0x3  }
0x96: {  	_ =	strace s2  }
0x97: {  	_ =	strace $0x8FFFFFFF  }
0x98: {  	s19 =	sld [smem:$0x3FDB];
	_ =	sdelay $0x1  }
0x99: {  	s20 =	simm.s32 $_scs_section_size  }
0x9a: {  	s4 =	simm.s32 $_size__tile_overlayer_lowered;
	s5 =	simm.s32 $_tile_overlayer_lowered  }
0x9b: {  	s6 =	simm.s32 $0x1BFF;
	s21 =	sshll.u32 s5, $0x1;
	s3 =	sadd.s32 s20, s19  }
0x9c: {  	s22 =	simm.s32 $0x0;
	s4 =	sshll.u32 s4, $0x1;
	s5 =	sadd.s32 s21, s3  }
0x9d: {  	[timem:s22], [sflag:s6] =	dma.local [hbm:s5], s4  }
0x9e: {  	_ =	swait.ge [sflag:s6], s4  }
0x9f: {  	s4 =	ssub.s32 $0x0, s4;
	[sflag:s6] =	ssyncset.done $0x0  }
0xa0: {  	[sflag:s6] =	ssyncadd.s32 s4;
	_ =	sdelay $0x1  }
0xa1: {  	s23 =	simm.s32 $0x1B8B  }
0xa2: {  	_ =	swait.ge [sflag:s23], $0x1  }
0xa3: {  	[sflag:s23] =	ssyncset.done $0x0  }
0xa4: {  	[sflag:s23] =	ssyncadd.s32 $0xFFFFFFFF  }
0xa5: {  	s4 =	sld [smem:$0x0]  }
0xa6: {  	s5 =	sand.u32 $0xFFFFFFFE, s1  }
0xa7: {  	p0 =	sne.s32 s1, s5  }
0xa8: {  	s5 =	sshll.u32 @p0 s5, $0xE  }
0xa9: {  	s5 =	sadd.s32 @p0 $0x11B8D, s5;
	s6 =	sshll.u32 @p0 s4, $0x11  }
0xaa: {  	s5 =	sor.u32 @p0 s6, s5  }
0xab: {  	[sflag:s5] =	ssyncadd.remote.s32 @p0 $0x1;
	_ =	sdelay $0x1  }
0xac: {  	s5 =	simm.s32 @p0 $0x1B8D  }
0xad: {  	_ =	swait.eq @p0 [sflag:s5], $0x1  }
0xae: {  	[sflag:s5] =	ssyncadd.s32 @p0 $0xFFFFFFFF  }
0xaf: {  	s6 =	sshll.u32 @!p0 s1, $0xE  }
0xb0: {  	s6 =	sor.u32 @!p0 $0x4000, s6;
	s5 =	simm.s32 @!p0 $0x1B8D  }
0xb1: {  	s4 =	sshll.u32 @!p0 s4, $0x11;
	s6 =	sadd.s32 @!p0 $0x11B8D, s6;
	_ =	swait.eq @!p0 [sflag:s5], $0x1  }
0xb2: {  	s4 =	sor.u32 @!p0 s4, s6;
	[sflag:s5] =	ssyncadd.s32 @!p0 $0xFFFFFFFF  }
0xb3: {  	s25 =	simm.s32 $0x1B8E;
	s24 =	sld [smem:$0x3FFE];
	[sflag:s4] =	ssyncadd.remote.s32 @!p0 $0x1  }
0xb4: {  	s26 =	simm.s32 $execute0_lowered;
	[smem:$0x3FD2] =	sst s25  }
0xb5: {  	s5 =	sshll.u32 s26, $0x1;
	_ =	strace $0x80000052;
	[dreg:$0x1] =	wrdreg $0xFFFFFFFF  }
0xb6: {  	s28 =	simm.s32 $_size_execute0_lowered;
	s3 =	sadd.s32 s3, s5;
	[dreg:$0x0] =	wrdreg $0x0  }
0xb7: {  	s5 =	sshll.u32 s28, $0x1;
	[dreg:$0x2] =	wrdreg s3  }
0xb8: {  	[dreg:$0x3] =	wrdreg s5  }
0xb9: {  	[dreg:$0x4] =	wrdreg $0xC0  }
0xba: {  	_ =	task [dreg:s22], $0x5FFFF  }
0xbb: {  	[dreg:$0x1] =	wrdreg $0xFFFFFFFF  }
0xbc: {  	[dreg:$0x0] =	wrdreg $0x60  }
0xbd: {  	[dreg:$0x2] =	wrdreg s24  }
0xbe: {  	[dreg:$0x3] =	wrdreg $0xC  }
0xbf: {  	_ =	task.clear_ibuf [dreg:s22], $0x4FFFF;
	_ =	strace $0x90000052  }
0xc0: {  	s29 =	simm.s32 $0xC;
	_ =	strace $0x80000054  }
0xc1: {  	_ =	swait.ge [sflag:s29], $0x1  }
0xc2: {  	[sflag:s29] =	ssyncadd.s32 $0xFFFFFFFF  }
0xc3: {  	_ =	strace $0x90000054  }
0xc4: {  	_ =	sfence  }
0xc5: {  	s30 =	sld [smem:$0x0];
	_ =	sdelay $0x2  }
0xc6: {  	s31 =	sshll.u32 s1, $0xD;
	s1 =	sshrl.u32 s1, $0x2  }
0xc7: {  	s4 =	sand.u32 $0x4000, s31;
	s1 =	sadd.s32 s1, s30  }
0xc8: {  	s0 =	sor.u32 s4, s0;
	s1 =	sshll.u32 s1, $0x11  }
0xc9: {  	s0 =	sor.u32 s1, s0  }
0xca: {  	s0 =	sadd.s32 $0x8F2B, s0  }
0xcb: {  	[sflag:s0] =	ssyncadd.remote.s32 $0x1  }
0xcc: {  	_ =	sfence.sel $0xFFFF  }
0xcd: {  	[dreg:$0x0] =	wrdreg $0xFFFFFFFF;
	(pc) =	sbr.abs _section_cstart, $3  }
0xce: {  	[dreg:$0x1] =	wrdreg $0xFFFFFFFF  }
0xcf: {  	_ =	task.clear_ibuf [dreg:s22], $0x2FFFF;
	_ =	strace $0x9FFFFFFF  }
0xd0: {  	(tm) =	ssettm $0x7FFFFFFF  }
0xd1: {  	_ =	shalt  }
tec
execute0_lowered:
.L_overlay_start_1:
0x0: {  	(tag) =	ssettag $0x1  }
0x1: {  	s1 =	srdreg.scid;
	s0 =	stileid.u32  }
0x2: {  	s29 =	sand.u32 $0x1, s1;
	s30 =	sshll.u32 s0, $0x1  }
0x3: {  	s16 =	sor.u32 s29, s30  }
0x4: {  	s3 =	smul.u32 $0x50, s16  }
0x5: {  	s19 =	rddreg [dreg:$0x0];
	s2 =	simm.s32 $0x0  }
0x6: {  	[smem:$0x7FF] =	sst s2;
	s23 =	sadd.s32 s3, s19  }
0x7: {  	s1 =	rddreg [dreg:$0x1];
	_ =	strace $0x80000053;
	s3 =	sadd.s32 $0x368800, s23  }
0x8: {  	[tilespmem:s2], [sflag:$0x1] =	stream.linear.gather [hbm4b:s3+s2], $0x280, $0x38;
	[tilespmem:$0x1E780] =	vst v63  }
0x9: {  	s5 =	simm.s32 $0x280;
	s4 =	sadd.s32 $0x367400, s23  }
0xa: {  	[tilespmem:s5], [sflag:$0x1] =	stream.linear.gather [hbm4b:s4+s2], $0x280, $0x38;
	[tilespmem:$0x1E780] =	vst v63  }
0xb: {  	s7 =	simm.s32 $0x500;
	s8 =	simm.s32 $0x1;
	s6 =	sadd.s32 $0x366000, s23  }
0xc: {  	[tilespmem:s7], [sflag:$0x1] =	stream.linear.gather [hbm4b:s6+s2], $0x280, $0x38;
	[tilespmem:$0x1E780] =	vst v63  }
0xd: {  	_ =	swait.ge [sflag:s8], $0x280  }
0xe: {  	[sflag:s8] =	ssyncset.done $0x0  }
0xf: {  	[sflag:s8] =	ssyncadd.s32 $0xFFFFFD80  }
0x10: {  	_ =	swait.ge [sflag:s8], $0x280  }
0x11: {  	[sflag:s8] =	ssyncset.done $0x0  }
0x12: {  	[sflag:s8] =	ssyncadd.s32 $0xFFFFFD80  }
0x13: {  	_ =	swait.ge [sflag:s8], $0x280  }
0x14: {  	[sflag:s8] =	ssyncset.done $0x0  }
0x15: {  	s10 =	simm.s32 $0x780;
	s9 =	sadd.s32 $0x16C00, s19;
	[sflag:s8] =	ssyncadd.s32 $0xFFFFFD80  }
0x16: {  	[tilespmem:s10], [sflag:$0x2] =	stream.indirect.gather [hbm4b:s9+s5], $0x40, s2, s5, $0xb8;
	[tilespmem:$0x1E780] =	vst v63  }
0x17: {  	s12 =	simm.s32 $0xA780;
	s11 =	sadd.s32 $0x260E00, s19  }
0x18: {  	[tilespmem:s12], [sflag:$0x2] =	stream.indirect.gather [hbm4b:s11+s5], $0x40, s5, s5, $0xb8;
	[tilespmem:$0x1E780] =	vst v63  }
0x19: {  	s14 =	simm.s32 $0x14780;
	s15 =	simm.s32 $0x2;
	s13 =	sadd.s32 $0x265200, s19  }
0x1a: {  	[tilespmem:s14], [sflag:$0x2] =	stream.indirect.gather [hbm4b:s13+s5], $0x40, s7, s5, $0xb8;
	[tilespmem:$0x1E780] =	vst v63  }
0x1b: {  	_ =	swait.ge [sflag:s15], $0xA000  }
0x1c: {  	[sflag:s15] =	ssyncset.done $0x0  }
0x1d: {  	[sflag:s15] =	ssyncadd.s32 $0xFFFF6000  }
0x1e: {  	_ =	swait.ge [sflag:s15], $0xA000  }
0x1f: {  	[sflag:s15] =	ssyncset.done $0x0  }
0x20: {  	[sflag:s15] =	ssyncadd.s32 $0xFFFF6000  }
0x21: {  	s17 =	simm.s32 $0x40;
	s25 =	smul.u32 $0x2800, s16;
	_ =	swait.ge [sflag:s15], $0xA000  }
0x22: {  	s18 =	simm.s32 $0x80;
	s26 =	sadd.s32 $0x5E9200, s19;
	[sflag:s15] =	ssyncset.done $0x0  }
0x23: {  	s28 =	sadd.s32 $0x639200, s19;
	s16 =	sadd.s32 s26, s25;
	[sflag:s15] =	ssyncadd.s32 $0xFFFF6000  }
0x24: {  	[hbm4b:s16+s17] =	stream.strided.scatter [tilespmem:s10], [sflag:$0x3], $0xA000, s18, s17, $0x38;
	[tilespmem:$0x1E780] =	vst v63  }
0x25: {  	s30 =	sadd.s32 $0x689200, s19;
	s19 =	sadd.s32 s28, s25  }
0x26: {  	[hbm4b:s19+s17] =	stream.strided.scatter [tilespmem:s12], [sflag:$0x3], $0xA000, s18, s17, $0x38;
	[tilespmem:$0x1E780] =	vst v63  }
0x27: {  	s20 =	sadd.s32 s30, s25  }
0x28: {  	[hbm4b:s20+s17] =	stream.strided.scatter [tilespmem:s14], [sflag:$0x3], $0xA000, s18, s17, $0x38;
	[tilespmem:$0x1E780] =	vst v63  }
0x29: {  	s21 =	sadd.s32 $0x367E00, s23  }
0x2a: {  	[tilespmem:s2], [sflag:$0x1] =	stream.linear.gather [hbm4b:s21+s2], $0x280, $0x38;
	[tilespmem:$0x1E780] =	vst v63  }
0x2b: {  	s22 =	sadd.s32 $0x366A00, s23  }
0x2c: {  	[tilespmem:s5], [sflag:$0x1] =	stream.linear.gather [hbm4b:s22+s2], $0x280, $0x38;
	[tilespmem:$0x1E780] =	vst v63  }
0x2d: {  	s23 =	sadd.s32 $0x365600, s23  }
0x2e: {  	[tilespmem:s7], [sflag:$0x1] =	stream.linear.gather [hbm4b:s23+s2], $0x280, $0x38;
	[tilespmem:$0x1E780] =	vst v63  }
0x2f: {  	_ =	swait.ge [sflag:s8], $0x280  }
0x30: {  	[sflag:s8] =	ssyncset.done $0x0  }
0x31: {  	[sflag:s8] =	ssyncadd.s32 $0xFFFFFD80  }
0x32: {  	_ =	swait.ge [sflag:s8], $0x280  }
0x33: {  	[sflag:s8] =	ssyncset.done $0x0  }
0x34: {  	[sflag:s8] =	ssyncadd.s32 $0xFFFFFD80  }
0x35: {  	_ =	swait.ge [sflag:s8], $0x280  }
0x36: {  	[sflag:s8] =	ssyncset.done $0x0  }
0x37: {  	s24 =	simm.s32 $0x3;
	[sflag:s8] =	ssyncadd.s32 $0xFFFFFD80  }
0x38: {  	_ =	swait.ge [sflag:s24], $0xA000  }
0x39: {  	[sflag:s24] =	ssyncset.done $0x0  }
0x3a: {  	[sflag:s24] =	ssyncadd.s32 $0xFFFF6000  }
0x3b: {  	_ =	swait.ge [sflag:s24], $0xA000  }
0x3c: {  	[sflag:s24] =	ssyncset.done $0x0  }
0x3d: {  	[sflag:s24] =	ssyncadd.s32 $0xFFFF6000  }
0x3e: {  	_ =	swait.ge [sflag:s24], $0xA000  }
0x3f: {  	[sflag:s24] =	ssyncset.done $0x0  }
0x40: {  	[sflag:s24] =	ssyncadd.s32 $0xFFFF6000  }
0x41: {  	[tilespmem:s10], [sflag:$0x2] =	stream.indirect.gather [hbm4b:s9+s5], $0x40, s2, s5, $0xb8;
	[tilespmem:$0x1E780] =	vst v63  }
0x42: {  	_ = 	snop  }
0x43: {  	[tilespmem:s12], [sflag:$0x2] =	stream.indirect.gather [hbm4b:s11+s5], $0x40, s5, s5, $0xb8;
	[tilespmem:$0x1E780] =	vst v63  }
0x44: {  	_ = 	snop  }
0x45: {  	[tilespmem:s14], [sflag:$0x2] =	stream.indirect.gather [hbm4b:s13+s5], $0x40, s7, s5, $0xb8;
	[tilespmem:$0x1E780] =	vst v63  }
0x46: {  	_ =	swait.ge [sflag:s15], $0xA000  }
0x47: {  	[sflag:s15] =	ssyncset.done $0x0  }
0x48: {  	[sflag:s15] =	ssyncadd.s32 $0xFFFF6000  }
0x49: {  	_ =	swait.ge [sflag:s15], $0xA000  }
0x4a: {  	[sflag:s15] =	ssyncset.done $0x0  }
0x4b: {  	[sflag:s15] =	ssyncadd.s32 $0xFFFF6000  }
0x4c: {  	_ =	swait.ge [sflag:s15], $0xA000  }
0x4d: {  	s31 =	sor.u32 $0x8, s25;
	[sflag:s15] =	ssyncset.done $0x0  }
0x4e: {  	s25 =	sadd.s32 s26, s31;
	[sflag:s15] =	ssyncadd.s32 $0xFFFF6000  }
0x4f: {  	[hbm4b:s25+s17] =	stream.strided.scatter [tilespmem:s10], [sflag:$0x3], $0xA000, s18, s17, $0x38;
	[tilespmem:$0x1E780] =	vst v63  }
0x50: {  	s29 =	ssub.s32 $0x2, s29;
	s26 =	sadd.s32 s28, s31  }
0x51: {  	[hbm4b:s26+s17] =	stream.strided.scatter [tilespmem:s12], [sflag:$0x3], $0xA000, s18, s17, $0x38;
	[tilespmem:$0x1E780] =	vst v63  }
0x52: {  	s28 =	sadd.s32 s30, s31;
	s31 =	sshrl.u32 s29, $0x1  }
0x53: {  	[hbm4b:s28+s17] =	stream.strided.scatter [tilespmem:s14], [sflag:$0x3], $0xA000, s18, s17, $0x38;
	[tilespmem:$0x1E780] =	vst v63  }
0x54: {  	s29 =	ssub.s32 s29, s31;
	_ =	swait.ge [sflag:s24], $0xA000  }
0x55: {  	s29 =	smax.u32 s29, $0x1;
	[sflag:s24] =	ssyncset.done $0x0  }
0x56: {  	p0 =	sne.s32 s29, $0x1;
	[sflag:s24] =	ssyncadd.s32 $0xFFFF6000  }
.Ltmp0:
0x57: {  	_ =	swait.ge [sflag:s24], $0xA000;
	(pc) =	sbr.rel @!p0 .LBB2_2-.Ltmp0, $4  }
0x58: {  	[sflag:s24] =	ssyncset.done $0x0  }
0x59: {  	[sflag:s24] =	ssyncadd.s32 $0xFFFF6000  }
0x5a: {  	_ =	swait.ge [sflag:s24], $0xA000  }
0x5b: {  	s29 =	sadd.s32 $0xFFFFFFFF, s29;
	[sflag:s24] =	ssyncset.done $0x0  }
.LBB2_1:
0x5c: {  	p0 =	sne.s32 s29, $0x1;
	s29 =	sadd.s32 $0xFFFFFFFF, s29;
	[sflag:s24] =	ssyncadd.s32 $0xFFFF6000  }
0x5d: {  	[tilespmem:s2], [sflag:$0x1] =	stream.linear.gather [hbm4b:s3+s2], $0x280, $0x38;
	[tilespmem:$0x1E780] =	vst v63  }
0x5e: {  	_ = 	snop  }
0x5f: {  	[tilespmem:s5], [sflag:$0x1] =	stream.linear.gather [hbm4b:s4+s2], $0x280, $0x38;
	[tilespmem:$0x1E780] =	vst v63  }
0x60: {  	_ = 	snop  }
0x61: {  	[tilespmem:s7], [sflag:$0x1] =	stream.linear.gather [hbm4b:s6+s2], $0x280, $0x38;
	[tilespmem:$0x1E780] =	vst v63  }
0x62: {  	_ =	swait.ge [sflag:s8], $0x280  }
0x63: {  	[sflag:s8] =	ssyncset.done $0x0  }
0x64: {  	[sflag:s8] =	ssyncadd.s32 $0xFFFFFD80  }
0x65: {  	_ =	swait.ge [sflag:s8], $0x280  }
0x66: {  	[sflag:s8] =	ssyncset.done $0x0  }
0x67: {  	[sflag:s8] =	ssyncadd.s32 $0xFFFFFD80  }
0x68: {  	_ =	swait.ge [sflag:s8], $0x280  }
0x69: {  	[sflag:s8] =	ssyncset.done $0x0  }
0x6a: {  	[sflag:s8] =	ssyncadd.s32 $0xFFFFFD80  }
0x6b: {  	[tilespmem:s10], [sflag:$0x2] =	stream.indirect.gather [hbm4b:s9+s5], $0x40, s2, s5, $0xb8;
	[tilespmem:$0x1E780] =	vst v63  }
0x6c: {  	_ = 	snop  }
0x6d: {  	[tilespmem:s12], [sflag:$0x2] =	stream.indirect.gather [hbm4b:s11+s5], $0x40, s5, s5, $0xb8;
	[tilespmem:$0x1E780] =	vst v63  }
0x6e: {  	_ = 	snop  }
0x6f: {  	[tilespmem:s14], [sflag:$0x2] =	stream.indirect.gather [hbm4b:s13+s5], $0x40, s7, s5, $0xb8;
	[tilespmem:$0x1E780] =	vst v63  }
0x70: {  	_ =	swait.ge [sflag:s15], $0xA000  }
0x71: {  	[sflag:s15] =	ssyncset.done $0x0  }
0x72: {  	[sflag:s15] =	ssyncadd.s32 $0xFFFF6000  }
0x73: {  	_ =	swait.ge [sflag:s15], $0xA000  }
0x74: {  	[sflag:s15] =	ssyncset.done $0x0  }
0x75: {  	[sflag:s15] =	ssyncadd.s32 $0xFFFF6000  }
0x76: {  	_ =	swait.ge [sflag:s15], $0xA000  }
0x77: {  	[sflag:s15] =	ssyncset.done $0x0  }
0x78: {  	[sflag:s15] =	ssyncadd.s32 $0xFFFF6000  }
0x79: {  	[hbm4b:s16+s17] =	stream.strided.scatter [tilespmem:s10], [sflag:$0x3], $0xA000, s18, s17, $0x38;
	[tilespmem:$0x1E780] =	vst v63  }
0x7a: {  	_ = 	snop  }
0x7b: {  	[hbm4b:s19+s17] =	stream.strided.scatter [tilespmem:s12], [sflag:$0x3], $0xA000, s18, s17, $0x38;
	[tilespmem:$0x1E780] =	vst v63  }
0x7c: {  	_ = 	snop  }
0x7d: {  	[hbm4b:s20+s17] =	stream.strided.scatter [tilespmem:s14], [sflag:$0x3], $0xA000, s18, s17, $0x38;
	[tilespmem:$0x1E780] =	vst v63  }
0x7e: {  	_ = 	snop  }
0x7f: {  	[tilespmem:s2], [sflag:$0x1] =	stream.linear.gather [hbm4b:s21+s2], $0x280, $0x38;
	[tilespmem:$0x1E780] =	vst v63  }
0x80: {  	_ = 	snop  }
0x81: {  	[tilespmem:s5], [sflag:$0x1] =	stream.linear.gather [hbm4b:s22+s2], $0x280, $0x38;
	[tilespmem:$0x1E780] =	vst v63  }
0x82: {  	_ = 	snop  }
0x83: {  	[tilespmem:s7], [sflag:$0x1] =	stream.linear.gather [hbm4b:s23+s2], $0x280, $0x38;
	[tilespmem:$0x1E780] =	vst v63  }
0x84: {  	_ =	swait.ge [sflag:s8], $0x280  }
0x85: {  	[sflag:s8] =	ssyncset.done $0x0  }
0x86: {  	[sflag:s8] =	ssyncadd.s32 $0xFFFFFD80  }
0x87: {  	_ =	swait.ge [sflag:s8], $0x280  }
0x88: {  	[sflag:s8] =	ssyncset.done $0x0  }
0x89: {  	[sflag:s8] =	ssyncadd.s32 $0xFFFFFD80  }
0x8a: {  	_ =	swait.ge [sflag:s8], $0x280  }
0x8b: {  	[sflag:s8] =	ssyncset.done $0x0  }
0x8c: {  	[sflag:s8] =	ssyncadd.s32 $0xFFFFFD80  }
0x8d: {  	_ =	swait.ge [sflag:s24], $0xA000  }
0x8e: {  	[sflag:s24] =	ssyncset.done $0x0  }
0x8f: {  	[sflag:s24] =	ssyncadd.s32 $0xFFFF6000  }
0x90: {  	_ =	swait.ge [sflag:s24], $0xA000  }
0x91: {  	[sflag:s24] =	ssyncset.done $0x0  }
0x92: {  	[sflag:s24] =	ssyncadd.s32 $0xFFFF6000  }
0x93: {  	_ =	swait.ge [sflag:s24], $0xA000  }
0x94: {  	[sflag:s24] =	ssyncset.done $0x0  }
0x95: {  	[sflag:s24] =	ssyncadd.s32 $0xFFFF6000  }
0x96: {  	[tilespmem:s10], [sflag:$0x2] =	stream.indirect.gather [hbm4b:s9+s5], $0x40, s2, s5, $0xb8;
	[tilespmem:$0x1E780] =	vst v63  }
0x97: {  	_ = 	snop  }
0x98: {  	[tilespmem:s12], [sflag:$0x2] =	stream.indirect.gather [hbm4b:s11+s5], $0x40, s5, s5, $0xb8;
	[tilespmem:$0x1E780] =	vst v63  }
0x99: {  	_ = 	snop  }
0x9a: {  	[tilespmem:s14], [sflag:$0x2] =	stream.indirect.gather [hbm4b:s13+s5], $0x40, s7, s5, $0xb8;
	[tilespmem:$0x1E780] =	vst v63  }
0x9b: {  	_ =	swait.ge [sflag:s15], $0xA000  }
0x9c: {  	[sflag:s15] =	ssyncset.done $0x0  }
0x9d: {  	[sflag:s15] =	ssyncadd.s32 $0xFFFF6000  }
0x9e: {  	_ =	swait.ge [sflag:s15], $0xA000  }
0x9f: {  	[sflag:s15] =	ssyncset.done $0x0  }
0xa0: {  	[sflag:s15] =	ssyncadd.s32 $0xFFFF6000  }
0xa1: {  	_ =	swait.ge [sflag:s15], $0xA000  }
0xa2: {  	[sflag:s15] =	ssyncset.done $0x0  }
0xa3: {  	[sflag:s15] =	ssyncadd.s32 $0xFFFF6000  }
0xa4: {  	[hbm4b:s25+s17] =	stream.strided.scatter [tilespmem:s10], [sflag:$0x3], $0xA000, s18, s17, $0x38;
	[tilespmem:$0x1E780] =	vst v63  }
0xa5: {  	_ = 	snop  }
0xa6: {  	[hbm4b:s26+s17] =	stream.strided.scatter [tilespmem:s12], [sflag:$0x3], $0xA000, s18, s17, $0x38;
	[tilespmem:$0x1E780] =	vst v63  }
0xa7: {  	_ = 	snop  }
0xa8: {  	[hbm4b:s28+s17] =	stream.strided.scatter [tilespmem:s14], [sflag:$0x3], $0xA000, s18, s17, $0x38;
	[tilespmem:$0x1E780] =	vst v63  }
0xa9: {  	_ =	swait.ge [sflag:s24], $0xA000  }
0xaa: {  	[sflag:s24] =	ssyncset.done $0x0  }
0xab: {  	[sflag:s24] =	ssyncadd.s32 $0xFFFF6000  }
.Ltmp1:
0xac: {  	_ =	swait.ge [sflag:s24], $0xA000;
	(pc) =	sbr.rel @p0 .LBB2_1-.Ltmp1, $4  }
0xad: {  	[sflag:s24] =	ssyncset.done $0x0  }
0xae: {  	[sflag:s24] =	ssyncadd.s32 $0xFFFF6000  }
0xaf: {  	_ =	swait.ge [sflag:s24], $0xA000  }
0xb0: {  	[sflag:s24] =	ssyncset.done $0x0  }
.LBB2_2:
0xb1: {  	[sflag:s24] =	ssyncadd.s32 $0xFFFF6000  }
0xb2: {  	_ =	sfence.sel $0x180000  }
0xb3: {  	[bflag:$0x0] =	sbarrier.arrive $0xFFFF  }
0xb4: {  	p0 =	sne.s32 s0, $0x0;
	_ =	strace $0x90000053  }
0xb5: {  	s0 =	sadd.s32 @!p0 $0x100000, s1;
	[bflag:$0x2] =	sbarrier.arrive $0xFFFF  }
0xb6: {  	[sflag:s0] =	ssyncadd.tile.s32 @!p0 $0x1;
	_ =	shalt  }
.Lfunc_end2:
_tile_overlayer_lowered:
.L_overlay_start_2:
0xb7: {  	(tag) =	ssettag $0x2  }
0xb8: {  	s0 =	rddreg [dreg:$0x0];
	s2 =	stileid.u32  }
0xb9: {  	s1 =	rddreg [dreg:$0x1];
	p0 =	sne.s32 s2, $0x0  }
0xba: {  	s3 =	rddreg [dreg:$0x2];
	[bflag:$0x3] =	sbarrier.arrive $0xFFFF;
	s2 =	simm.s32 @!p0 $0x1C04  }
0xbb: {  	[timem:s3], [sflag:s2] =	dma.local @!p0 [hbm:s0], s1  }
0xbc: {  	s0 =	simm.s32 @!p0 $0x4  }
0xbd: {  	_ =	swait.ge @!p0 [sflag:s0], s1  }
0xbe: {  	s1 =	ssub.s32 @!p0 $0x0, s1;
	[sflag:s0] =	ssyncset.done @!p0 $0x0  }
0xbf: {  	[sflag:s0] =	ssyncadd.s32 @!p0 s1  }
0xc0: {  	[bflag:$0x3] =	sbarrier.arrive $0xFFFF  }
0xc1: {  	_ =	shalt  }

// kernel: kernel.24.cloned.1.call-start
scs
__scs_entry_jumppad:
0x0: {  	(pc) =	sbr.rel $0x88, $3  }
0x1: {  	(tag) =	ssettag $0x0;
	lr =	simm.s32 $0x1  }
0x2: {  	[smem:$0x3F95] =	sst lr;
	_ =	strace $0xD0000000  }
0x3: {  	_ = 	snop  }
0x4: {  	_ = 	snop  }
0x5: {  	_ = 	snop  }
0x6: {  	_ = 	snop  }
0x7: {  	_ = 	snop  }
__scs_overlays_trampoline_lowered:
0x8: {  	[smem:$0x3FA4] =	sst s0  }
0x9: {  	[smem:$0x3FA5] =	sst s1  }
0xa: {  	[smem:$0x3FA6] =	sst s2  }
0xb: {  	[smem:$0x3FA7] =	sst s3  }
0xc: {  	[smem:$0x3FA8] =	sst s4  }
0xd: {  	[smem:$0x3FA9] =	sst s5  }
0xe: {  	[smem:$0x3FAA] =	sst s6  }
0xf: {  	[smem:$0x3FAB] =	sst s7  }
0x10: {  	[smem:$0x3FAC] =	sst s8  }
0x11: {  	[smem:$0x3FAD] =	sst s9;
	s0 =	simm.s32 @!p0 $0x0  }
0x12: {  	s1 =	sld [smem:$0x3F93];
	s0 =	simm.s32 @p0 $0x1  }
0x13: {  	[smem:$0x3FAE] =	sst s0;
	s0 =	simm.s32 @!p1 $0x0  }
0x14: {  	s2 =	sld [smem:$0x3F92];
	s0 =	simm.s32 @p1 $0x1  }
0x15: {  	[smem:$0x3FAF] =	sst s0;
	s0 =	simm.s32 @!p2 $0x0  }
0x16: {  	s3 =	sld [smem:$0x3FDB];
	s0 =	simm.s32 @p2 $0x1  }
0x17: {  	s4 =	simm.s32 $0x1BF5;
	[smem:$0x3FB1] =	sst s0  }
0x18: {  	s0 =	sld [smem:$0x3F94];
	_ =	swait.ge [sflag:s4], $0x0  }
0x19: {  	s7 =	sld [smem:$0x3F95]  }
0x1a: {  	s8 =	sadd.s32 $0xFFFFE003, lr  }
0x1b: {  	s9 =	sadd.s32 $0xFFFFFEF7, lr;
	s5 =	simm.s32 $0xFFFFFFFF;
	p2 =	slt.u32 s8, $0xFFFFF086  }
0x1c: {  	p1 =	slt.u32 s9, $0xF7A;
	s5 =	simm.s32 @!p2 $0x0  }
0x1d: {  	s5 =	simm.s32 @p1 $0x1;
	p0 =	seq.s32 s7, s2  }
0x1e: {  	s7 =	smul.u32 @!p0 $0xF7A, s2;
	p2 =	seq.s32 @!p0 s5, $0x0  }
0x1f: {  	s9 =	smul.u32 $0xF7A, s1;
	s8 =	simm.s32 @!p0 $0x1BF5;
	p2 =	por !p2, p0  }
0x20: {  	[sflag:s8] =	ssyncset.s32 @!p0 $0xFFFFF086;
	s6 =	sadd.s32 @!p0 s3, s7;
	s7 =	simm.s32 @!p0 $0x108  }
0x21: {  	s3 =	sadd.s32 s3, s9;
	s6 =	sadd.s32 @!p0 $0x88, s6;
	s7 =	simm.s32 @p2 $0x1082  }
0x22: {  	[simem:s7], [sflag:s8] =	dma.local @!p0 [hbm:s6], $0xF7A  }
0x23: {  	s9 =	sor.u32 $0xD0000000, s2;
	s6 =	simm.s32 $0x108;
	_ =	swait.ge @!p0 [sflag:s8], $0x0  }
0x24: {  	s3 =	sadd.s32 $0x88, s3;
	s6 =	simm.s32 @!p1 $0x1082;
	[sflag:s4] =	ssyncset.s32 $0xFFFFF086  }
0x25: {  	[simem:s6], [sflag:s4] =	dma.local [hbm:s3], $0xF7A  }
0x26: {  	[smem:$0x3F95] =	sst s1;
	(tag) =	ssettag s2;
	_ =	strace s9  }
0x27: {  	s1 =	sld [smem:$0x3FA5]  }
0x28: {  	s2 =	sld [smem:$0x3FA6]  }
0x29: {  	s4 =	sld [smem:$0x3FA8]  }
0x2a: {  	p0 =	seq.s32 s5, $0x0;
	s5 =	sld [smem:$0x3FA9]  }
0x2b: {  	s6 =	sld [smem:$0x3FAA]  }
0x2c: {  	s7 =	sld [smem:$0x3FAB]  }
0x2d: {  	s3 =	simm.s32 $0x108;
	s8 =	sld [smem:$0x3FAC]  }
0x2e: {  	s3 =	simm.s32 @!p0 $0x1082;
	s9 =	sld [smem:$0x3FAD]  }
0x2f: {  	lr =	sadd.s32 s0, s3;
	s0 =	sld [smem:$0x3FA4]  }
0x30: {  	s3 =	sld [smem:$0x3FA7]  }
0x31: {  	[smem:$0x3FB0] =	sst s10  }
0x32: {  	s10 =	sld [smem:$0x3FAE];
	_ =	sdelay $0x3  }
0x33: {  	p0 =	seq.s32 s10, $0x1;
	s10 =	sld [smem:$0x3FB0];
	_ =	sdelay $0x3  }
0x34: {  	[smem:$0x3FB0] =	sst s10  }
0x35: {  	s10 =	sld [smem:$0x3FAF];
	_ =	sdelay $0x3  }
0x36: {  	p1 =	seq.s32 s10, $0x1;
	s10 =	sld [smem:$0x3FB0];
	_ =	sdelay $0x3  }
0x37: {  	[smem:$0x3FB0] =	sst s10  }
0x38: {  	s10 =	sld [smem:$0x3FB1]  }
0x39: {  	_ = 	snop;
	(pc) =	sbr.ind lr, $3  }
0x3a: {  	_ = 	snop  }
0x3b: {  	_ = 	snop  }
0x3c: {  	p2 =	seq.s32 s10, $0x1;
	s10 =	sld [smem:$0x3FB0]  }
0x3d: {  	_ =	shalt  }
0x3e: {  	_ =	shalt  }
0x3f: {  	_ =	shalt  }
0x40: {  	_ =	shalt  }
0x41: {  	_ =	shalt  }
0x42: {  	_ =	shalt  }
0x43: {  	_ =	shalt  }
0x44: {  	_ =	shalt  }
0x45: {  	_ =	shalt  }
0x46: {  	_ =	shalt  }
0x47: {  	_ =	shalt  }
0x48: {  	_ =	shalt  }
0x49: {  	_ =	shalt  }
0x4a: {  	_ =	shalt  }
0x4b: {  	_ =	shalt  }
0x4c: {  	_ =	shalt  }
0x4d: {  	_ =	shalt  }
0x4e: {  	_ =	shalt  }
0x4f: {  	_ =	shalt  }
0x50: {  	_ =	shalt  }
0x51: {  	_ =	shalt  }
0x52: {  	_ =	shalt  }
0x53: {  	_ =	shalt  }
0x54: {  	_ =	shalt  }
0x55: {  	_ =	shalt  }
0x56: {  	_ =	shalt  }
0x57: {  	_ =	shalt  }
0x58: {  	_ =	shalt  }
0x59: {  	_ =	shalt  }
0x5a: {  	_ =	shalt  }
0x5b: {  	_ =	shalt  }
0x5c: {  	_ =	shalt  }
0x5d: {  	_ =	shalt  }
0x5e: {  	_ =	shalt  }
0x5f: {  	_ =	shalt  }
0x60: {  	_ =	shalt  }
0x61: {  	_ =	shalt  }
0x62: {  	_ =	shalt  }
0x63: {  	_ =	shalt  }
0x64: {  	_ =	shalt  }
0x65: {  	_ =	shalt  }
0x66: {  	_ =	shalt  }
0x67: {  	_ =	shalt  }
0x68: {  	_ =	shalt  }
0x69: {  	_ =	shalt  }
0x6a: {  	_ =	shalt  }
0x6b: {  	_ =	shalt  }
0x6c: {  	_ =	shalt  }
0x6d: {  	_ =	shalt  }
0x6e: {  	_ =	shalt  }
0x6f: {  	_ =	shalt  }
0x70: {  	_ =	shalt  }
0x71: {  	_ =	shalt  }
0x72: {  	_ =	shalt  }
0x73: {  	_ =	shalt  }
0x74: {  	_ =	shalt  }
0x75: {  	_ =	shalt  }
0x76: {  	_ =	shalt  }
0x77: {  	_ =	shalt  }
0x78: {  	_ =	shalt  }
0x79: {  	_ =	shalt  }
0x7a: {  	_ =	shalt  }
0x7b: {  	_ =	shalt  }
0x7c: {  	_ =	shalt  }
0x7d: {  	_ =	shalt  }
0x7e: {  	_ =	shalt  }
0x7f: {  	_ =	shalt  }
0x80: {  	_ =	shalt  }
0x81: {  	_ =	shalt  }
0x82: {  	_ =	shalt  }
0x83: {  	_ =	shalt  }
0x84: {  	_ =	shalt  }
0x85: {  	_ =	shalt  }
0x86: {  	_ =	shalt  }
0x87: {  	_ =	shalt  }
.Lfunc_end0:
.L_simem_size_0:
called_computation.4_lowered:
.L_overlay_start_0:
0x88: {  	s2 =	sld [smem:$0x3FD9]  }
0x89: {  	s3 =	sld [smem:$0x3FFE];
	_ =	sdelay $0x1  }
0x8a: {  	s1 =	srdreg.scid  }
0x8b: {  	s0 =	sand.u32 $0x1, s1  }
0x8c: {  	s14 =	sshll.u32 s0, $0xA;
	s2 =	sadd.s32 s3, s2  }
0x8d: {  	s2 =	sadd.s32 s2, s14  }
0x8e: {  	[smem:$0x3FBC] =	sst s2  }
0x8f: {  	_ = 	snop  }
0x90: {  	s2 =	sld [smem:$0x3FD0];
	_ =	sdelay $0x2  }
0x91: {  	s15 =	simm.s32 $0xE;
	s4 =	simm.s32 $0x10  }
0x92: {  	[smem:s4], [sflag:s15] =	dma.local [hbm:s2], $0x1  }
0x93: {  	_ =	swait.eq [sflag:s15], $0x1  }
0x94: {  	[sflag:s15] =	ssyncset.done $0x0  }
0x95: {  	[sflag:s15] =	ssyncadd.s32 $0xFFFFFFFF  }
0x96: {  	s16 =	sld [smem:$0x10];
	(tm) =	ssettm $0x1  }
0x97: {  	s17 =	sld [smem:$0x3FFB];
	_ =	sdelay $0x3  }
0x98: {  	_ =	strace s17  }
0x99: {  	s3 =	sld [smem:$0x3FFC];
	_ =	sdelay $0x3  }
0x9a: {  	_ =	strace s3  }
0x9b: {  	s3 =	sld [smem:$0x3FFD];
	_ =	sdelay $0x3  }
0x9c: {  	_ =	strace s3  }
0x9d: {  	_ =	strace $0x8FFFFFFF  }
0x9e: {  	s18 =	sld [smem:$0x3FDB];
	_ =	sdelay $0x1  }
0x9f: {  	s19 =	simm.s32 $_scs_section_size  }
0xa0: {  	s5 =	simm.s32 $_size__tile_overlayer_lowered;
	s6 =	simm.s32 $_tile_overlayer_lowered  }
0xa1: {  	s22 =	simm.s32 $0x1BFF;
	s21 =	sshll.u32 s6, $0x1;
	s3 =	sadd.s32 s19, s18  }
0xa2: {  	s7 =	simm.s32 $0x0;
	s20 =	sshll.u32 s5, $0x1;
	s5 =	sadd.s32 s21, s3  }
0xa3: {  	[timem:s7], [sflag:s22] =	dma.local [hbm:s5], s20  }
0xa4: {  	_ =	swait.ge [sflag:s22], s20  }
0xa5: {  	s4 =	ssub.s32 $0x0, s20;
	[sflag:s22] =	ssyncset.done $0x0  }
0xa6: {  	[sflag:s22] =	ssyncadd.s32 s4;
	_ =	sdelay $0x1  }
0xa7: {  	s23 =	simm.s32 $0x1B8B  }
0xa8: {  	_ =	swait.ge [sflag:s23], $0x1  }
0xa9: {  	[sflag:s23] =	ssyncset.done $0x0  }
0xaa: {  	s25 =	simm.s32 $0x1B8E;
	s24 =	sld [smem:$0x3FFE];
	[sflag:s23] =	ssyncadd.s32 $0xFFFFFFFF  }
0xab: {  	s26 =	simm.s32 $execute0_lowered;
	[smem:$0x3FD2] =	sst s25  }
0xac: {  	s5 =	sshll.u32 s26, $0x1;
	_ =	strace $0x80000046;
	[dreg:$0x1] =	wrdreg $0xFFFFFFFF  }
0xad: {  	s28 =	simm.s32 $_size_execute0_lowered;
	s3 =	sadd.s32 s3, s5;
	[dreg:$0x0] =	wrdreg $0x0  }
0xae: {  	s5 =	sshll.u32 s28, $0x1;
	[dreg:$0x2] =	wrdreg s3  }
0xaf: {  	[dreg:$0x3] =	wrdreg s5  }
0xb0: {  	[dreg:$0x4] =	wrdreg $0xC0  }
0xb1: {  	_ =	task [dreg:s7], $0x5FFFF  }
0xb2: {  	[dreg:$0x1] =	wrdreg $0xFFFFFFFF  }
0xb3: {  	[dreg:$0x0] =	wrdreg $0x60  }
0xb4: {  	[dreg:$0x2] =	wrdreg s24  }
0xb5: {  	[dreg:$0x3] =	wrdreg s16  }
0xb6: {  	[dreg:$0x4] =	wrdreg $0xD  }
0xb7: {  	_ =	task.clear_ibuf [dreg:s7], $0x5FFFF;
	_ =	strace $0x90000046  }
0xb8: {  	s29 =	simm.s32 $0xD;
	_ =	strace $0x80000048  }
0xb9: {  	_ =	swait.ge [sflag:s29], $0x1  }
0xba: {  	[sflag:s29] =	ssyncadd.s32 $0xFFFFFFFF  }
0xbb: {  	_ =	strace $0x90000048  }
0xbc: {  	_ =	sfence  }
0xbd: {  	s30 =	sld [smem:$0x0];
	_ =	sdelay $0x2  }
0xbe: {  	s31 =	sshll.u32 s1, $0xD;
	s1 =	sshrl.u32 s1, $0x2  }
0xbf: {  	s3 =	sand.u32 $0x4000, s31;
	s1 =	sadd.s32 s1, s30  }
0xc0: {  	s0 =	sor.u32 s3, s0;
	s1 =	sshll.u32 s1, $0x11  }
0xc1: {  	s0 =	sor.u32 s1, s0  }
0xc2: {  	s0 =	sadd.s32 $0x8F2B, s0  }
0xc3: {  	[sflag:s0] =	ssyncadd.remote.s32 $0x1  }
0xc4: {  	_ =	sfence.sel $0xFFFF  }
0xc5: {  	[dreg:$0x0] =	wrdreg $0xFFFFFFFF;
	(pc) =	sbr.abs _section_cstart, $3  }
0xc6: {  	[dreg:$0x1] =	wrdreg $0xFFFFFFFF  }
0xc7: {  	_ =	task.clear_ibuf [dreg:s7], $0x2FFFF;
	_ =	strace $0x9FFFFFFF  }
0xc8: {  	(tm) =	ssettm $0x7FFFFFFF  }
0xc9: {  	_ =	shalt  }
tec
execute0_lowered:
.L_overlay_start_1:
0x0: {  	(tag) =	ssettag $0x1  }
0x1: {  	s0 =	rddreg [dreg:$0x0]  }
0x2: {  	s1 =	rddreg [dreg:$0x1];
	s2 =	simm.s32 $0x0  }
0x3: {  	s3 =	srdreg.scid;
	[smem:$0x7FF] =	sst s2  }
0x4: {  	s16 =	stileid.u32;
	s5 =	sadd.s32 $0x260E00, s0;
	s22 =	sadd.s32 $0x265200, s0  }
0x5: {  	s3 =	sand.u32 $0x1, s3;
	s7 =	sadd.s32 $0x16C00, s0;
	s8 =	sadd.s32 $0x262E00, s0  }
0x6: {  	s4 =	sshll.u32 s16, $0x1;
	s9 =	sadd.s32 $0x264E00, s0;
	s11 =	sadd.s32 $0x26D400, s0  }
0x7: {  	s12 =	sadd.s32 $0x2BD400, s0;
	_ =	strace $0x80000047;
	[dreg:$0x8] =	wrdreg s5  }
0x8: {  	s13 =	sshll.u32 s16, $0xB;
	s15 =	sadd.s32 $0x30D400, s0;
	[dreg:$0x9] =	wrdreg s22  }
0x9: {  	s4 =	sor.u32 s3, s4;
	s5 =	sadd.s32 $0x19D800, s0;
	[dreg:$0xa] =	wrdreg s7  }
0xa: {  	s7 =	sadd.s32 $0xDA200, s0;
	s14 =	sshll.u32 s3, $0xA;
	s3 =	ssub.s32 $0x2, s3  }
0xb: {  	s22 =	sshrl.u32 s16, $0x2;
	s16 =	simm.s32 $0x1EE00;
	s6 =	smul.u32 $0x50, s4  }
0xc: {  	s13 =	sor.u32 s14, s13;
	s23 =	sshrl.u32 s3, $0x1;
	s4 =	smul.u32 $0x2800, s4  }
0xd: {  	p0 =	sgt.s32 s22, $0x1;
	p1 =	seq.s32 s22, $0x0;
	p2 =	seq.s32 s22, $0x2  }
0xe: {  	s13 =	sand.u32 $0x1C00, s13;
	s3 =	ssub.s32 s3, s23;
	s1 =	sadd.s32 s1, s6  }
0xf: {  	s10 =	sadd.s32 s6, s0;
	s26 =	sadd.s32 s11, s4;
	[dreg:$0xd] =	wrdreg s1  }
0x10: {  	s0 =	sadd.s32 s13, s0;
	s28 =	sadd.s32 s12, s4;
	[dreg:$0xe] =	wrdreg s26  }
0x11: {  	s6 =	sadd.s32 s15, s4;
	s18 =	sor.u32 $0x8, s4;
	[dreg:$0xf] =	wrdreg s28  }
0x12: {  	s20 =	smax.u32 s3, $0x1;
	s3 =	simm.s32 $0x1E880;
	[dreg:$0x10] =	wrdreg s6  }
0x13: {  	s24 =	sadd.s32 $0x12600, s10;
	s25 =	sadd.s32 $0x11200, s10;
	[dreg:$0x17] =	wrdreg s20  }
0x14: {  	s13 =	sadd.s32 $0x11C00, s10;
	s14 =	sadd.s32 $0x10800, s10;
	[dreg:$0xb] =	wrdreg s24  }
0x15: {  	s17 =	sadd.s32 $0x13000, s10;
	s4 =	sadd.s32 s11, s18;
	[dreg:$0xc] =	wrdreg s25  }
0x16: {  	s19 =	sadd.s32 s12, s18;
	s1 =	sadd.s32 s15, s18;
	[dreg:$0x11] =	wrdreg s13  }
0x17: {  	s29 =	sadd.s32 $0x8800, s0;
	s21 =	sadd.s32 $0xE800, s0;
	[dreg:$0x12] =	wrdreg s14  }
0x18: {  	s31 =	sadd.s32 $0x26B400, s0;
	s23 =	sadd.s32 $0xC800, s0;
	[dreg:$0x13] =	wrdreg s17  }
0x19: {  	s26 =	sadd.s32 $0xA800, s0;
	s28 =	sshll.u32 s22, $0x7;
	[dreg:$0x14] =	wrdreg s4  }
0x1a: {  	s15 =	simm.s32 $0x2;
	s20 =	simm.s32 $0x4;
	[dreg:$0x15] =	wrdreg s19  }
0x1b: {  	s22 =	simm.s32 $0x1E800;
	s6 =	simm.s32 $0x1E900;
	[dreg:$0x16] =	wrdreg s1  }
0x1c: {  	s10 =	simm.s32 $0x1ED00;
	s12 =	simm.s32 $0x1E980;
	[dreg:$0x3] =	wrdreg s21  }
0x1d: {  	s11 =	simm.s32 $0x1EE80;
	s18 =	simm.s32 $0x1EB00;
	[dreg:$0x4] =	wrdreg s23  }
0x1e: {  	s25 =	sadd.s32 $0x265400, s0;
	s24 =	sadd.s32 $0x269400, s0;
	[dreg:$0x6] =	wrdreg s26  }
0x1f: {  	s0 =	sadd.s32 $0x267400, s0;
	[dreg:$0x1a] =	wrdreg s28;
	s17 =	simm.s32 $0x80  }
.Ltmp0:
0x20: {  	s19 =	simm.s32 $0x1E780;
	s21 =	simm.s32 $0x1EB80;
	(pc) =	sbr.rel .LBB2_1-.Ltmp0, $4  }
0x21: {  	s4 =	simm.s32 $0x1EC80;
	s13 =	simm.s32 $0x1ED80;
	[dreg:$0x19] =	wrdreg s31  }
0x22: {  	s14 =	simm.s32 $0x1EA00;
	s1 =	simm.s32 $0x1EA80;
	[dreg:$0x5] =	wrdreg s24  }
0x23: {  	s23 =	simm.s32 $0x1EF00;
	s26 =	simm.s32 $0x0;
	[dreg:$0x7] =	wrdreg s0  }
0x24: {  	s30 =	smov.u32 s29;
	s0 =	simm.s32 $0x1EC00;
	[dreg:$0x18] =	wrdreg s25  }
.LBB2_5:
0x25: {  	s25 =	smov.u32 s24;
	s31 =	rddreg [dreg:$0x19]  }
.LBB2_8:
0x26: {  	s24 =	sadd.s32 s25, s29;
	[sflag:s20] =	ssyncadd.s32 @p3 $0xFFFFFC00  }
0x27: {  	[tilespmem:s19], [sflag:$0x4] =	stream.linear.gather [hbm4b:s24+s2], $0x400, $0x38;
	[tilespmem:$0x1EF80] =	vst v63  }
0x28: {  	_ =	swait.ge [sflag:s20], $0x400  }
0x29: {  	[sflag:s20] =	ssyncset.done $0x0  }
0x2a: {  	[sflag:s20] =	ssyncadd.s32 $0xFFFFFC00  }
0x2b: {  	[tilespmem:s21], [sflag:$0x2] =	stream.indirect.gather [hbm4b:s5+s17], $0x1, s19, s17, $0xb8;
	[tilespmem:$0x1EF80] =	vst v63  }
0x2c: {  	_ = 	snop  }
0x2d: {  	[tilespmem:s0], [sflag:$0x2] =	stream.indirect.gather [hbm4b:s5+s17], $0x1, s22, s17, $0xb8;
	[tilespmem:$0x1EF80] =	vst v63  }
0x2e: {  	_ = 	snop  }
0x2f: {  	[tilespmem:s4], [sflag:$0x2] =	stream.indirect.gather [hbm4b:s5+s17], $0x1, s3, s17, $0xb8;
	[tilespmem:$0x1EF80] =	vst v63  }
0x30: {  	_ = 	snop  }
0x31: {  	[tilespmem:s10], [sflag:$0x2] =	stream.indirect.gather [hbm4b:s5+s17], $0x1, s6, s17, $0xb8;
	[tilespmem:$0x1EF80] =	vst v63  }
0x32: {  	_ = 	snop  }
0x33: {  	[tilespmem:s13], [sflag:$0x2] =	stream.indirect.gather [hbm4b:s5+s17], $0x1, s12, s17, $0xb8;
	[tilespmem:$0x1EF80] =	vst v63  }
0x34: {  	_ = 	snop  }
0x35: {  	[tilespmem:s16], [sflag:$0x2] =	stream.indirect.gather [hbm4b:s5+s17], $0x1, s14, s17, $0xb8;
	[tilespmem:$0x1EF80] =	vst v63  }
0x36: {  	_ = 	snop  }
0x37: {  	[tilespmem:s11], [sflag:$0x2] =	stream.indirect.gather [hbm4b:s5+s17], $0x1, s1, s17, $0xb8;
	[tilespmem:$0x1EF80] =	vst v63  }
0x38: {  	_ = 	snop  }
0x39: {  	[tilespmem:s23], [sflag:$0x2] =	stream.indirect.gather [hbm4b:s5+s17], $0x1, s18, s17, $0xb8;
	[tilespmem:$0x1EF80] =	vst v63  }
0x3a: {  	_ =	swait.ge [sflag:s15], $0x80  }
0x3b: {  	[sflag:s15] =	ssyncset.done $0x0  }
0x3c: {  	[sflag:s15] =	ssyncadd.s32 $0xFFFFFF80  }
0x3d: {  	_ =	swait.ge [sflag:s15], $0x80  }
0x3e: {  	[sflag:s15] =	ssyncset.done $0x0  }
0x3f: {  	[sflag:s15] =	ssyncadd.s32 $0xFFFFFF80  }
0x40: {  	_ =	swait.ge [sflag:s15], $0x80  }
0x41: {  	[sflag:s15] =	ssyncset.done $0x0  }
0x42: {  	[sflag:s15] =	ssyncadd.s32 $0xFFFFFF80  }
0x43: {  	_ =	swait.ge [sflag:s15], $0x80  }
0x44: {  	[sflag:s15] =	ssyncset.done $0x0  }
0x45: {  	[sflag:s15] =	ssyncadd.s32 $0xFFFFFF80  }
0x46: {  	_ =	swait.ge [sflag:s15], $0x80  }
0x47: {  	[sflag:s15] =	ssyncset.done $0x0  }
0x48: {  	[sflag:s15] =	ssyncadd.s32 $0xFFFFFF80  }
0x49: {  	_ =	swait.ge [sflag:s15], $0x80  }
0x4a: {  	[sflag:s15] =	ssyncset.done $0x0  }
0x4b: {  	[sflag:s15] =	ssyncadd.s32 $0xFFFFFF80  }
0x4c: {  	_ =	swait.ge [sflag:s15], $0x80  }
0x4d: {  	[sflag:s15] =	ssyncset.done $0x0  }
0x4e: {  	[sflag:s15] =	ssyncadd.s32 $0xFFFFFF80  }
0x4f: {  	_ =	swait.ge [sflag:s15], $0x80  }
0x50: {  	[sflag:s15] =	ssyncset.done $0x0;
	s26 =	rddreg [dreg:$0x18]  }
0x51: {  	[sflag:s15] =	ssyncadd.s32 $0xFFFFFF80;
	s28 =	sadd.s32 s25, s26  }
0x52: {  	[hbm4b:s28+s2] =	stream.linear.scatter [tilespmem:s21], [sflag:$0x4], $0x400, $0x38;
	[tilespmem:$0x1EF80] =	vst v63  }
0x53: {  	_ =	swait.ge [sflag:s20], $0x400  }
0x54: {  	[sflag:s20] =	ssyncset.done $0x0  }
0x55: {  	s26 =	rddreg [dreg:$0x1b];
	[sflag:s20] =	ssyncadd.s32 $0xFFFFFC00  }
.LBB2_19:
0x56: {  	s26 =	sadd.s32 $0x1, s26;
	s24 =	rddreg [dreg:$0x17]  }
0x57: {  	p3 =	sne.s32 s26, s24  }
.Ltmp1:
0x58: {  	_ = 	snop;
	(pc) =	sbr.rel @!p3 .LBB2_20-.Ltmp1, $1  }
0x59: {  	_ =	sdelay $0x3  }
.LBB2_1:
0x5a: {  	[dreg:$0x1b] =	wrdreg s26  }
0x5b: {  	s24 =	rddreg [dreg:$0xb]  }
0x5c: {  	[tilespmem:s2], [sflag:$0x1] =	stream.linear.gather [hbm4b:s24+s2], $0x280, $0x38;
	[tilespmem:$0x1EF80] =	vst v63  }
0x5d: {  	s25 =	rddreg [dreg:$0xc];
	s26 =	simm.s32 $0x280  }
0x5e: {  	[tilespmem:s26], [sflag:$0x1] =	stream.linear.gather [hbm4b:s25+s2], $0x280, $0x38;
	[tilespmem:$0x1EF80] =	vst v63  }
0x5f: {  	s28 =	rddreg [dreg:$0xd];
	s25 =	simm.s32 $0x500  }
0x60: {  	[tilespmem:s25], [sflag:$0x1] =	stream.linear.gather [hbm4b:s28+s2], $0x280, $0x38;
	[tilespmem:$0x1EF80] =	vst v63  }
0x61: {  	s28 =	simm.s32 $0x1  }
0x62: {  	_ =	swait.ge [sflag:s28], $0x280  }
0x63: {  	[sflag:s28] =	ssyncset.done $0x0  }
0x64: {  	[sflag:s28] =	ssyncadd.s32 $0xFFFFFD80  }
0x65: {  	_ =	swait.ge [sflag:s28], $0x280  }
0x66: {  	[sflag:s28] =	ssyncset.done $0x0  }
0x67: {  	[sflag:s28] =	ssyncadd.s32 $0xFFFFFD80  }
0x68: {  	_ =	swait.ge [sflag:s28], $0x280  }
0x69: {  	[sflag:s28] =	ssyncset.done $0x0  }
0x6a: {  	s24 =	rddreg [dreg:$0xa];
	[sflag:s28] =	ssyncadd.s32 $0xFFFFFD80;
	s28 =	simm.s32 $0x780  }
0x6b: {  	[tilespmem:s28], [sflag:$0x2] =	stream.indirect.gather [hbm4b:s24+s26], $0x40, s2, s26, $0xb8;
	[tilespmem:$0x1EF80] =	vst v63  }
0x6c: {  	s25 =	rddreg [dreg:$0x8];
	s24 =	simm.s32 $0xA780;
	s28 =	simm.s32 $0x14780  }
0x6d: {  	[tilespmem:s24], [sflag:$0x2] =	stream.indirect.gather [hbm4b:s25+s26], $0x40, s26, s26, $0xb8;
	[tilespmem:$0x1EF80] =	vst v63  }
0x6e: {  	s26 =	simm.s32 $0x500;
	s25 =	simm.s32 $0x280;
	s24 =	rddreg [dreg:$0x9]  }
0x6f: {  	[tilespmem:s28], [sflag:$0x2] =	stream.indirect.gather [hbm4b:s24+s25], $0x40, s26, s25, $0xb8;
	[tilespmem:$0x1EF80] =	vst v63  }
0x70: {  	_ =	swait.ge [sflag:s15], $0xA000  }
0x71: {  	[sflag:s15] =	ssyncset.done $0x0  }
0x72: {  	[sflag:s15] =	ssyncadd.s32 $0xFFFF6000  }
0x73: {  	_ =	swait.ge [sflag:s15], $0xA000  }
0x74: {  	[sflag:s15] =	ssyncset.done $0x0  }
0x75: {  	[sflag:s15] =	ssyncadd.s32 $0xFFFF6000  }
0x76: {  	_ =	swait.ge [sflag:s15], $0xA000  }
0x77: {  	s25 =	simm.s32 $0x40;
	[sflag:s15] =	ssyncset.done $0x0  }
0x78: {  	s24 =	simm.s32 $0x780;
	s26 =	rddreg [dreg:$0xe];
	[sflag:s15] =	ssyncadd.s32 $0xFFFF6000  }
0x79: {  	[hbm4b:s26+s25] =	stream.strided.scatter [tilespmem:s24], [sflag:$0x3], $0xA000, s17, s25, $0x38;
	[tilespmem:$0x1EF80] =	vst v63  }
0x7a: {  	s26 =	rddreg [dreg:$0xf];
	s24 =	simm.s32 $0xA780  }
0x7b: {  	[hbm4b:s26+s25] =	stream.strided.scatter [tilespmem:s24], [sflag:$0x3], $0xA000, s17, s25, $0x38;
	[tilespmem:$0x1EF80] =	vst v63  }
0x7c: {  	s26 =	rddreg [dreg:$0x10];
	s24 =	simm.s32 $0x14780  }
0x7d: {  	[hbm4b:s26+s25] =	stream.strided.scatter [tilespmem:s24], [sflag:$0x3], $0xA000, s17, s25, $0x38;
	[tilespmem:$0x1EF80] =	vst v63  }
0x7e: {  	s25 =	rddreg [dreg:$0x11]  }
0x7f: {  	[tilespmem:s2], [sflag:$0x1] =	stream.linear.gather [hbm4b:s25+s2], $0x280, $0x38;
	[tilespmem:$0x1EF80] =	vst v63  }
0x80: {  	s26 =	rddreg [dreg:$0x12];
	s24 =	simm.s32 $0x280  }
0x81: {  	[tilespmem:s24], [sflag:$0x1] =	stream.linear.gather [hbm4b:s26+s2], $0x280, $0x38;
	[tilespmem:$0x1EF80] =	vst v63  }
0x82: {  	s26 =	rddreg [dreg:$0x13];
	s24 =	simm.s32 $0x500  }
0x83: {  	[tilespmem:s24], [sflag:$0x1] =	stream.linear.gather [hbm4b:s26+s2], $0x280, $0x38;
	[tilespmem:$0x1EF80] =	vst v63  }
0x84: {  	s26 =	simm.s32 $0x1  }
0x85: {  	_ =	swait.ge [sflag:s26], $0x280  }
0x86: {  	[sflag:s26] =	ssyncset.done $0x0  }
0x87: {  	[sflag:s26] =	ssyncadd.s32 $0xFFFFFD80  }
0x88: {  	_ =	swait.ge [sflag:s26], $0x280  }
0x89: {  	[sflag:s26] =	ssyncset.done $0x0  }
0x8a: {  	[sflag:s26] =	ssyncadd.s32 $0xFFFFFD80  }
0x8b: {  	_ =	swait.ge [sflag:s26], $0x280  }
0x8c: {  	[sflag:s26] =	ssyncset.done $0x0  }
0x8d: {  	s28 =	simm.s32 $0x3;
	[sflag:s26] =	ssyncadd.s32 $0xFFFFFD80  }
0x8e: {  	_ =	swait.ge [sflag:s28], $0xA000  }
0x8f: {  	[sflag:s28] =	ssyncset.done $0x0  }
0x90: {  	[sflag:s28] =	ssyncadd.s32 $0xFFFF6000  }
0x91: {  	_ =	swait.ge [sflag:s28], $0xA000  }
0x92: {  	[sflag:s28] =	ssyncset.done $0x0  }
0x93: {  	[sflag:s28] =	ssyncadd.s32 $0xFFFF6000  }
0x94: {  	_ =	swait.ge [sflag:s28], $0xA000  }
0x95: {  	s25 =	simm.s32 $0x780;
	[sflag:s28] =	ssyncset.done $0x0  }
0x96: {  	s26 =	simm.s32 $0x280;
	[sflag:s28] =	ssyncadd.s32 $0xFFFF6000;
	s28 =	rddreg [dreg:$0xa]  }
0x97: {  	[tilespmem:s25], [sflag:$0x2] =	stream.indirect.gather [hbm4b:s28+s26], $0x40, s2, s26, $0xb8;
	[tilespmem:$0x1EF80] =	vst v63  }
0x98: {  	s24 =	simm.s32 $0x14780;
	s25 =	simm.s32 $0xA780;
	s28 =	rddreg [dreg:$0x8]  }
0x99: {  	[tilespmem:s25], [sflag:$0x2] =	stream.indirect.gather [hbm4b:s28+s26], $0x40, s26, s26, $0xb8;
	[tilespmem:$0x1EF80] =	vst v63  }
0x9a: {  	s25 =	rddreg [dreg:$0x9];
	s26 =	simm.s32 $0x500;
	s28 =	simm.s32 $0x280  }
0x9b: {  	[tilespmem:s24], [sflag:$0x2] =	stream.indirect.gather [hbm4b:s25+s28], $0x40, s26, s28, $0xb8;
	[tilespmem:$0x1EF80] =	vst v63  }
0x9c: {  	_ =	swait.ge [sflag:s15], $0xA000  }
0x9d: {  	[sflag:s15] =	ssyncset.done $0x0  }
0x9e: {  	[sflag:s15] =	ssyncadd.s32 $0xFFFF6000  }
0x9f: {  	_ =	swait.ge [sflag:s15], $0xA000  }
0xa0: {  	[sflag:s15] =	ssyncset.done $0x0  }
0xa1: {  	[sflag:s15] =	ssyncadd.s32 $0xFFFF6000  }
0xa2: {  	_ =	swait.ge [sflag:s15], $0xA000  }
0xa3: {  	s25 =	simm.s32 $0x40;
	[sflag:s15] =	ssyncset.done $0x0  }
0xa4: {  	s28 =	simm.s32 $0x780;
	s26 =	rddreg [dreg:$0x14];
	[sflag:s15] =	ssyncadd.s32 $0xFFFF6000  }
0xa5: {  	[hbm4b:s26+s25] =	stream.strided.scatter [tilespmem:s28], [sflag:$0x3], $0xA000, s17, s25, $0x38;
	[tilespmem:$0x1EF80] =	vst v63  }
0xa6: {  	s26 =	rddreg [dreg:$0x15];
	s28 =	simm.s32 $0xA780  }
0xa7: {  	[hbm4b:s26+s25] =	stream.strided.scatter [tilespmem:s28], [sflag:$0x3], $0xA000, s17, s25, $0x38;
	[tilespmem:$0x1EF80] =	vst v63  }
0xa8: {  	s24 =	simm.s32 $0x40;
	s25 =	rddreg [dreg:$0x16];
	s28 =	simm.s32 $0x14780  }
0xa9: {  	[hbm4b:s25+s24] =	stream.strided.scatter [tilespmem:s28], [sflag:$0x3], $0xA000, s17, s24, $0x38;
	[tilespmem:$0x1EF80] =	vst v63  }
0xaa: {  	s28 =	simm.s32 $0x3  }
0xab: {  	_ =	swait.ge [sflag:s28], $0xA000  }
0xac: {  	[sflag:s28] =	ssyncset.done $0x0  }
0xad: {  	[sflag:s28] =	ssyncadd.s32 $0xFFFF6000  }
0xae: {  	_ =	swait.ge [sflag:s28], $0xA000  }
.Ltmp2:
0xaf: {  	[sflag:s28] =	ssyncset.done $0x0;
	(pc) =	sbr.rel @p0 .LBB2_15-.Ltmp2, $4  }
0xb0: {  	[sflag:s28] =	ssyncadd.s32 $0xFFFF6000  }
0xb1: {  	_ =	swait.ge [sflag:s28], $0xA000  }
0xb2: {  	[sflag:s28] =	ssyncset.done $0x0  }
0xb3: {  	[sflag:s28] =	ssyncadd.s32 $0xFFFF6000  }
.Ltmp3:
0xb4: {  	(pc) =	sbr.rel @!p1 .LBB2_9-.Ltmp3, $1  }
0xb5: {  	_ =	sdelay $0x3  }
0xb6: {  	s25 =	rddreg [dreg:$0x1a]  }
0xb7: {  	p4 =	seq.s32 s25, $0x380  }
.Ltmp4:
0xb8: {  	_ = 	snop;
	(pc) =	sbr.rel @p4 .LBB2_8-.Ltmp4, $2  }
0xb9: {  	_ =	sdelay $0x2  }
0xba: {  	p3 =	por $0x0, $0x0;
	s24 =	sadd.s32 $0x80, s25  }
0xbb: {  	s26 =	rddreg [dreg:$0x1a]  }
0xbc: {  	s25 =	sadd.s32 s26, s29  }
0xbd: {  	[tilespmem:s19], [sflag:$0x4] =	stream.linear.gather [hbm4b:s25+s2], $0x400, $0x38;
	[tilespmem:$0x1EF80] =	vst v63  }
0xbe: {  	_ =	swait.ge [sflag:s20], $0x400  }
0xbf: {  	[sflag:s20] =	ssyncset.done $0x0  }
0xc0: {  	[sflag:s20] =	ssyncadd.s32 $0xFFFFFC00  }
0xc1: {  	[tilespmem:s21], [sflag:$0x2] =	stream.indirect.gather [hbm4b:s5+s17], $0x1, s19, s17, $0xb8;
	[tilespmem:$0x1EF80] =	vst v63  }
0xc2: {  	_ = 	snop  }
0xc3: {  	[tilespmem:s0], [sflag:$0x2] =	stream.indirect.gather [hbm4b:s5+s17], $0x1, s22, s17, $0xb8;
	[tilespmem:$0x1EF80] =	vst v63  }
0xc4: {  	_ = 	snop  }
0xc5: {  	[tilespmem:s4], [sflag:$0x2] =	stream.indirect.gather [hbm4b:s5+s17], $0x1, s3, s17, $0xb8;
	[tilespmem:$0x1EF80] =	vst v63  }
0xc6: {  	_ = 	snop  }
0xc7: {  	[tilespmem:s10], [sflag:$0x2] =	stream.indirect.gather [hbm4b:s5+s17], $0x1, s6, s17, $0xb8;
	[tilespmem:$0x1EF80] =	vst v63  }
0xc8: {  	_ = 	snop  }
0xc9: {  	[tilespmem:s13], [sflag:$0x2] =	stream.indirect.gather [hbm4b:s5+s17], $0x1, s12, s17, $0xb8;
	[tilespmem:$0x1EF80] =	vst v63  }
0xca: {  	_ = 	snop  }
0xcb: {  	[tilespmem:s16], [sflag:$0x2] =	stream.indirect.gather [hbm4b:s5+s17], $0x1, s14, s17, $0xb8;
	[tilespmem:$0x1EF80] =	vst v63  }
0xcc: {  	_ = 	snop  }
0xcd: {  	[tilespmem:s11], [sflag:$0x2] =	stream.indirect.gather [hbm4b:s5+s17], $0x1, s1, s17, $0xb8;
	[tilespmem:$0x1EF80] =	vst v63  }
0xce: {  	_ = 	snop  }
0xcf: {  	[tilespmem:s23], [sflag:$0x2] =	stream.indirect.gather [hbm4b:s5+s17], $0x1, s18, s17, $0xb8;
	[tilespmem:$0x1EF80] =	vst v63  }
0xd0: {  	_ =	swait.ge [sflag:s15], $0x80  }
0xd1: {  	[sflag:s15] =	ssyncset.done $0x0  }
0xd2: {  	[sflag:s15] =	ssyncadd.s32 $0xFFFFFF80  }
0xd3: {  	_ =	swait.ge [sflag:s15], $0x80  }
0xd4: {  	[sflag:s15] =	ssyncset.done $0x0  }
0xd5: {  	[sflag:s15] =	ssyncadd.s32 $0xFFFFFF80  }
0xd6: {  	_ =	swait.ge [sflag:s15], $0x80  }
0xd7: {  	[sflag:s15] =	ssyncset.done $0x0  }
0xd8: {  	[sflag:s15] =	ssyncadd.s32 $0xFFFFFF80  }
0xd9: {  	_ =	swait.ge [sflag:s15], $0x80  }
0xda: {  	[sflag:s15] =	ssyncset.done $0x0  }
0xdb: {  	[sflag:s15] =	ssyncadd.s32 $0xFFFFFF80  }
0xdc: {  	_ =	swait.ge [sflag:s15], $0x80  }
0xdd: {  	[sflag:s15] =	ssyncset.done $0x0  }
0xde: {  	[sflag:s15] =	ssyncadd.s32 $0xFFFFFF80  }
0xdf: {  	_ =	swait.ge [sflag:s15], $0x80  }
0xe0: {  	[sflag:s15] =	ssyncset.done $0x0  }
0xe1: {  	[sflag:s15] =	ssyncadd.s32 $0xFFFFFF80  }
0xe2: {  	_ =	swait.ge [sflag:s15], $0x80  }
0xe3: {  	[sflag:s15] =	ssyncset.done $0x0  }
0xe4: {  	[sflag:s15] =	ssyncadd.s32 $0xFFFFFF80  }
0xe5: {  	p4 =	seq.s32 s24, $0x380;
	_ =	swait.ge [sflag:s15], $0x80  }
.Ltmp5:
0xe6: {  	[sflag:s15] =	ssyncset.done $0x0;
	s31 =	rddreg [dreg:$0x18];
	(pc) =	sbr.rel @p4 .LBB2_5-.Ltmp5, $4  }
0xe7: {  	[sflag:s15] =	ssyncadd.s32 $0xFFFFFF80;
	s28 =	sadd.s32 s26, s31  }
0xe8: {  	[hbm4b:s28+s2] =	stream.linear.scatter [tilespmem:s21], [sflag:$0x4], $0x400, $0x38;
	[tilespmem:$0x1EF80] =	vst v63  }
0xe9: {  	_ =	swait.ge [sflag:s20], $0x400  }
0xea: {  	p3 =	por $0x1, $0x1;
	s25 =	sadd.s32 $0x80, s24;
	[sflag:s20] =	ssyncset.done $0x0  }
.LBB2_6:
0xeb: {  	s29 =	sadd.s32 s24, s30  }
0xec: {  	[sflag:s20] =	ssyncadd.s32 $0xFFFFFC00;
	s26 =	smov.u32 s25;
	s28 =	sadd.s32 $0x80, s25  }
0xed: {  	[tilespmem:s19], [sflag:$0x4] =	stream.linear.gather [hbm4b:s29+s2], $0x400, $0x38;
	[tilespmem:$0x1EF80] =	vst v63  }
0xee: {  	p4 =	seq.s32 s25, $0x380;
	_ =	swait.ge [sflag:s20], $0x400  }
0xef: {  	[sflag:s20] =	ssyncset.done $0x0  }
0xf0: {  	[sflag:s20] =	ssyncadd.s32 $0xFFFFFC00  }
0xf1: {  	[tilespmem:s21], [sflag:$0x2] =	stream.indirect.gather [hbm4b:s5+s17], $0x1, s19, s17, $0xb8;
	[tilespmem:$0x1EF80] =	vst v63  }
0xf2: {  	_ = 	snop  }
0xf3: {  	[tilespmem:s0], [sflag:$0x2] =	stream.indirect.gather [hbm4b:s5+s17], $0x1, s22, s17, $0xb8;
	[tilespmem:$0x1EF80] =	vst v63  }
0xf4: {  	_ = 	snop  }
0xf5: {  	[tilespmem:s4], [sflag:$0x2] =	stream.indirect.gather [hbm4b:s5+s17], $0x1, s3, s17, $0xb8;
	[tilespmem:$0x1EF80] =	vst v63  }
0xf6: {  	_ = 	snop  }
0xf7: {  	[tilespmem:s10], [sflag:$0x2] =	stream.indirect.gather [hbm4b:s5+s17], $0x1, s6, s17, $0xb8;
	[tilespmem:$0x1EF80] =	vst v63  }
0xf8: {  	_ = 	snop  }
0xf9: {  	[tilespmem:s13], [sflag:$0x2] =	stream.indirect.gather [hbm4b:s5+s17], $0x1, s12, s17, $0xb8;
	[tilespmem:$0x1EF80] =	vst v63  }
0xfa: {  	_ = 	snop  }
0xfb: {  	[tilespmem:s16], [sflag:$0x2] =	stream.indirect.gather [hbm4b:s5+s17], $0x1, s14, s17, $0xb8;
	[tilespmem:$0x1EF80] =	vst v63  }
0xfc: {  	_ = 	snop  }
0xfd: {  	[tilespmem:s11], [sflag:$0x2] =	stream.indirect.gather [hbm4b:s5+s17], $0x1, s1, s17, $0xb8;
	[tilespmem:$0x1EF80] =	vst v63  }
0xfe: {  	_ = 	snop  }
0xff: {  	[tilespmem:s23], [sflag:$0x2] =	stream.indirect.gather [hbm4b:s5+s17], $0x1, s18, s17, $0xb8;
	[tilespmem:$0x1EF80] =	vst v63  }
0x100: {  	_ =	swait.ge [sflag:s15], $0x80  }
0x101: {  	[sflag:s15] =	ssyncset.done $0x0  }
0x102: {  	[sflag:s15] =	ssyncadd.s32 $0xFFFFFF80  }
0x103: {  	_ =	swait.ge [sflag:s15], $0x80  }
0x104: {  	[sflag:s15] =	ssyncset.done $0x0  }
0x105: {  	[sflag:s15] =	ssyncadd.s32 $0xFFFFFF80  }
0x106: {  	_ =	swait.ge [sflag:s15], $0x80  }
0x107: {  	[sflag:s15] =	ssyncset.done $0x0  }
0x108: {  	[sflag:s15] =	ssyncadd.s32 $0xFFFFFF80  }
0x109: {  	_ =	swait.ge [sflag:s15], $0x80  }
0x10a: {  	[sflag:s15] =	ssyncset.done $0x0  }
0x10b: {  	[sflag:s15] =	ssyncadd.s32 $0xFFFFFF80  }
0x10c: {  	_ =	swait.ge [sflag:s15], $0x80  }
0x10d: {  	[sflag:s15] =	ssyncset.done $0x0  }
0x10e: {  	[sflag:s15] =	ssyncadd.s32 $0xFFFFFF80  }
0x10f: {  	_ =	swait.ge [sflag:s15], $0x80  }
0x110: {  	[sflag:s15] =	ssyncset.done $0x0  }
0x111: {  	[sflag:s15] =	ssyncadd.s32 $0xFFFFFF80  }
0x112: {  	_ =	swait.ge [sflag:s15], $0x80  }
0x113: {  	[sflag:s15] =	ssyncset.done $0x0  }
0x114: {  	[sflag:s15] =	ssyncadd.s32 $0xFFFFFF80  }
0x115: {  	_ =	swait.ge [sflag:s15], $0x80  }
.Ltmp6:
0x116: {  	[sflag:s15] =	ssyncset.done $0x0;
	(pc) =	sbr.rel @!p4 .LBB2_6-.Ltmp6, $4  }
0x117: {  	s25 =	sadd.s32 s24, s31;
	s24 =	smov.u32 s26;
	[sflag:s15] =	ssyncadd.s32 $0xFFFFFF80  }
0x118: {  	[hbm4b:s25+s2] =	stream.linear.scatter [tilespmem:s21], [sflag:$0x4], $0x400, $0x38;
	[tilespmem:$0x1EF80] =	vst v63  }
0x119: {  	_ =	swait.ge [sflag:s20], $0x400  }
0x11a: {  	s25 =	smov.u32 s28;
	[sflag:s20] =	ssyncset.done $0x0  }
.Ltmp7:
0x11b: {  	(pc) =	sbr.rel .LBB2_8-.Ltmp7, $2  }
0x11c: {  	_ =	sdelay $0x2  }
0x11d: {  	s29 =	smov.u32 s30;
	s25 =	smov.u32 s24;
	s31 =	rddreg [dreg:$0x19]  }
.LBB2_15:
.Ltmp8:
0x11e: {  	(pc) =	sbr.rel @!p2 .LBB2_16-.Ltmp8, $1  }
0x11f: {  	_ =	sdelay $0x3  }
0x120: {  	s25 =	rddreg [dreg:$0x4]  }
0x121: {  	s24 =	sadd.s32 $0x0, s25  }
0x122: {  	[tilespmem:s19], [sflag:$0x4] =	stream.linear.gather [hbm4b:s24+s2], $0x400, $0x38;
	[tilespmem:$0x1EF80] =	vst v63  }
0x123: {  	_ =	swait.ge [sflag:s20], $0x400  }
0x124: {  	[sflag:s20] =	ssyncset.done $0x0  }
0x125: {  	[sflag:s20] =	ssyncadd.s32 $0xFFFFFC00  }
0x126: {  	[tilespmem:s21], [sflag:$0x2] =	stream.indirect.gather [hbm4b:s8+s17], $0x1, s19, s17, $0xb8;
	[tilespmem:$0x1EF80] =	vst v63  }
0x127: {  	_ = 	snop  }
0x128: {  	[tilespmem:s0], [sflag:$0x2] =	stream.indirect.gather [hbm4b:s8+s17], $0x1, s22, s17, $0xb8;
	[tilespmem:$0x1EF80] =	vst v63  }
0x129: {  	_ = 	snop  }
0x12a: {  	[tilespmem:s4], [sflag:$0x2] =	stream.indirect.gather [hbm4b:s8+s17], $0x1, s3, s17, $0xb8;
	[tilespmem:$0x1EF80] =	vst v63  }
0x12b: {  	_ = 	snop  }
0x12c: {  	[tilespmem:s10], [sflag:$0x2] =	stream.indirect.gather [hbm4b:s8+s17], $0x1, s6, s17, $0xb8;
	[tilespmem:$0x1EF80] =	vst v63  }
0x12d: {  	_ = 	snop  }
0x12e: {  	[tilespmem:s13], [sflag:$0x2] =	stream.indirect.gather [hbm4b:s8+s17], $0x1, s12, s17, $0xb8;
	[tilespmem:$0x1EF80] =	vst v63  }
0x12f: {  	_ = 	snop  }
0x130: {  	[tilespmem:s16], [sflag:$0x2] =	stream.indirect.gather [hbm4b:s8+s17], $0x1, s14, s17, $0xb8;
	[tilespmem:$0x1EF80] =	vst v63  }
0x131: {  	_ = 	snop  }
0x132: {  	[tilespmem:s11], [sflag:$0x2] =	stream.indirect.gather [hbm4b:s8+s17], $0x1, s1, s17, $0xb8;
	[tilespmem:$0x1EF80] =	vst v63  }
0x133: {  	_ = 	snop  }
0x134: {  	[tilespmem:s23], [sflag:$0x2] =	stream.indirect.gather [hbm4b:s8+s17], $0x1, s18, s17, $0xb8;
	[tilespmem:$0x1EF80] =	vst v63  }
0x135: {  	_ =	swait.ge [sflag:s15], $0x80  }
0x136: {  	[sflag:s15] =	ssyncset.done $0x0  }
0x137: {  	[sflag:s15] =	ssyncadd.s32 $0xFFFFFF80  }
0x138: {  	_ =	swait.ge [sflag:s15], $0x80  }
0x139: {  	[sflag:s15] =	ssyncset.done $0x0  }
0x13a: {  	[sflag:s15] =	ssyncadd.s32 $0xFFFFFF80  }
0x13b: {  	_ =	swait.ge [sflag:s15], $0x80  }
0x13c: {  	[sflag:s15] =	ssyncset.done $0x0  }
0x13d: {  	[sflag:s15] =	ssyncadd.s32 $0xFFFFFF80  }
0x13e: {  	_ =	swait.ge [sflag:s15], $0x80  }
0x13f: {  	[sflag:s15] =	ssyncset.done $0x0  }
0x140: {  	[sflag:s15] =	ssyncadd.s32 $0xFFFFFF80  }
0x141: {  	_ =	swait.ge [sflag:s15], $0x80  }
0x142: {  	[sflag:s15] =	ssyncset.done $0x0  }
0x143: {  	[sflag:s15] =	ssyncadd.s32 $0xFFFFFF80  }
0x144: {  	_ =	swait.ge [sflag:s15], $0x80  }
0x145: {  	[sflag:s15] =	ssyncset.done $0x0  }
0x146: {  	[sflag:s15] =	ssyncadd.s32 $0xFFFFFF80  }
0x147: {  	_ =	swait.ge [sflag:s15], $0x80  }
0x148: {  	[sflag:s15] =	ssyncset.done $0x0  }
0x149: {  	[sflag:s15] =	ssyncadd.s32 $0xFFFFFF80  }
0x14a: {  	_ =	swait.ge [sflag:s15], $0x80  }
0x14b: {  	[sflag:s15] =	ssyncset.done $0x0;
	s29 =	rddreg [dreg:$0x5]  }
0x14c: {  	[sflag:s15] =	ssyncadd.s32 $0xFFFFFF80;
	s24 =	sadd.s32 $0x0, s29  }
0x14d: {  	[hbm4b:s24+s2] =	stream.linear.scatter [tilespmem:s21], [sflag:$0x4], $0x400, $0x38;
	[tilespmem:$0x1EF80] =	vst v63  }
0x14e: {  	_ =	swait.ge [sflag:s20], $0x400  }
0x14f: {  	s28 =	simm.s32 $0x100;
	s24 =	simm.s32 $0x80;
	[sflag:s20] =	ssyncset.done $0x0  }
.LBB2_13:
0x150: {  	s29 =	sadd.s32 s24, s25;
	[sflag:s20] =	ssyncadd.s32 $0xFFFFFC00  }
0x151: {  	[tilespmem:s19], [sflag:$0x4] =	stream.linear.gather [hbm4b:s29+s2], $0x400, $0x38;
	[tilespmem:$0x1EF80] =	vst v63  }
0x152: {  	s29 =	rddreg [dreg:$0x5];
	_ =	swait.ge [sflag:s20], $0x400  }
0x153: {  	[sflag:s20] =	ssyncset.done $0x0  }
0x154: {  	[sflag:s20] =	ssyncadd.s32 $0xFFFFFC00  }
0x155: {  	[tilespmem:s21], [sflag:$0x2] =	stream.indirect.gather [hbm4b:s8+s17], $0x1, s19, s17, $0xb8;
	[tilespmem:$0x1EF80] =	vst v63  }
0x156: {  	_ = 	snop  }
0x157: {  	[tilespmem:s0], [sflag:$0x2] =	stream.indirect.gather [hbm4b:s8+s17], $0x1, s22, s17, $0xb8;
	[tilespmem:$0x1EF80] =	vst v63  }
0x158: {  	_ = 	snop  }
0x159: {  	[tilespmem:s4], [sflag:$0x2] =	stream.indirect.gather [hbm4b:s8+s17], $0x1, s3, s17, $0xb8;
	[tilespmem:$0x1EF80] =	vst v63  }
0x15a: {  	_ = 	snop  }
0x15b: {  	[tilespmem:s10], [sflag:$0x2] =	stream.indirect.gather [hbm4b:s8+s17], $0x1, s6, s17, $0xb8;
	[tilespmem:$0x1EF80] =	vst v63  }
0x15c: {  	_ = 	snop  }
0x15d: {  	[tilespmem:s13], [sflag:$0x2] =	stream.indirect.gather [hbm4b:s8+s17], $0x1, s12, s17, $0xb8;
	[tilespmem:$0x1EF80] =	vst v63  }
0x15e: {  	_ = 	snop  }
0x15f: {  	[tilespmem:s16], [sflag:$0x2] =	stream.indirect.gather [hbm4b:s8+s17], $0x1, s14, s17, $0xb8;
	[tilespmem:$0x1EF80] =	vst v63  }
0x160: {  	_ = 	snop  }
0x161: {  	[tilespmem:s11], [sflag:$0x2] =	stream.indirect.gather [hbm4b:s8+s17], $0x1, s1, s17, $0xb8;
	[tilespmem:$0x1EF80] =	vst v63  }
0x162: {  	_ = 	snop  }
0x163: {  	[tilespmem:s23], [sflag:$0x2] =	stream.indirect.gather [hbm4b:s8+s17], $0x1, s18, s17, $0xb8;
	[tilespmem:$0x1EF80] =	vst v63  }
0x164: {  	_ =	swait.ge [sflag:s15], $0x80  }
0x165: {  	[sflag:s15] =	ssyncset.done $0x0  }
0x166: {  	[sflag:s15] =	ssyncadd.s32 $0xFFFFFF80  }
0x167: {  	_ =	swait.ge [sflag:s15], $0x80  }
0x168: {  	[sflag:s15] =	ssyncset.done $0x0  }
0x169: {  	[sflag:s15] =	ssyncadd.s32 $0xFFFFFF80  }
0x16a: {  	_ =	swait.ge [sflag:s15], $0x80  }
0x16b: {  	[sflag:s15] =	ssyncset.done $0x0  }
0x16c: {  	[sflag:s15] =	ssyncadd.s32 $0xFFFFFF80  }
0x16d: {  	_ =	swait.ge [sflag:s15], $0x80  }
0x16e: {  	[sflag:s15] =	ssyncset.done $0x0  }
0x16f: {  	[sflag:s15] =	ssyncadd.s32 $0xFFFFFF80  }
0x170: {  	_ =	swait.ge [sflag:s15], $0x80  }
0x171: {  	[sflag:s15] =	ssyncset.done $0x0  }
0x172: {  	[sflag:s15] =	ssyncadd.s32 $0xFFFFFF80  }
0x173: {  	_ =	swait.ge [sflag:s15], $0x80  }
0x174: {  	[sflag:s15] =	ssyncset.done $0x0  }
0x175: {  	[sflag:s15] =	ssyncadd.s32 $0xFFFFFF80  }
0x176: {  	_ =	swait.ge [sflag:s15], $0x80  }
0x177: {  	[sflag:s15] =	ssyncset.done $0x0  }
0x178: {  	[sflag:s15] =	ssyncadd.s32 $0xFFFFFF80  }
0x179: {  	p3 =	seq.s32 s28, $0x380;
	_ =	swait.ge [sflag:s15], $0x80  }
.Ltmp9:
0x17a: {  	s26 =	smov.u32 s28;
	[sflag:s15] =	ssyncset.done $0x0;
	(pc) =	sbr.rel @!p3 .LBB2_13-.Ltmp9, $4  }
0x17b: {  	s25 =	sadd.s32 $0x80, s28;
	s28 =	sadd.s32 s24, s29;
	[sflag:s15] =	ssyncadd.s32 $0xFFFFFF80  }
0x17c: {  	[hbm4b:s28+s2] =	stream.linear.scatter [tilespmem:s21], [sflag:$0x4], $0x400, $0x38;
	[tilespmem:$0x1EF80] =	vst v63  }
0x17d: {  	s24 =	smov.u32 s26;
	_ =	swait.ge [sflag:s20], $0x400  }
0x17e: {  	s28 =	smov.u32 s25;
	[sflag:s20] =	ssyncset.done $0x0;
	s25 =	rddreg [dreg:$0x4]  }
0x17f: {  	s25 =	sadd.s32 s24, s25;
	[sflag:s20] =	ssyncadd.s32 $0xFFFFFC00  }
0x180: {  	[tilespmem:s19], [sflag:$0x4] =	stream.linear.gather [hbm4b:s25+s2], $0x400, $0x38;
	[tilespmem:$0x1EF80] =	vst v63  }
0x181: {  	_ =	swait.ge [sflag:s20], $0x400  }
0x182: {  	[sflag:s20] =	ssyncset.done $0x0  }
0x183: {  	[sflag:s20] =	ssyncadd.s32 $0xFFFFFC00  }
0x184: {  	[tilespmem:s21], [sflag:$0x2] =	stream.indirect.gather [hbm4b:s8+s17], $0x1, s19, s17, $0xb8;
	[tilespmem:$0x1EF80] =	vst v63  }
0x185: {  	_ = 	snop  }
0x186: {  	[tilespmem:s0], [sflag:$0x2] =	stream.indirect.gather [hbm4b:s8+s17], $0x1, s22, s17, $0xb8;
	[tilespmem:$0x1EF80] =	vst v63  }
0x187: {  	_ = 	snop  }
0x188: {  	[tilespmem:s4], [sflag:$0x2] =	stream.indirect.gather [hbm4b:s8+s17], $0x1, s3, s17, $0xb8;
	[tilespmem:$0x1EF80] =	vst v63  }
0x189: {  	_ = 	snop  }
0x18a: {  	[tilespmem:s10], [sflag:$0x2] =	stream.indirect.gather [hbm4b:s8+s17], $0x1, s6, s17, $0xb8;
	[tilespmem:$0x1EF80] =	vst v63  }
0x18b: {  	_ = 	snop  }
0x18c: {  	[tilespmem:s13], [sflag:$0x2] =	stream.indirect.gather [hbm4b:s8+s17], $0x1, s12, s17, $0xb8;
	[tilespmem:$0x1EF80] =	vst v63  }
0x18d: {  	_ = 	snop  }
0x18e: {  	[tilespmem:s16], [sflag:$0x2] =	stream.indirect.gather [hbm4b:s8+s17], $0x1, s14, s17, $0xb8;
	[tilespmem:$0x1EF80] =	vst v63  }
0x18f: {  	_ = 	snop  }
0x190: {  	[tilespmem:s11], [sflag:$0x2] =	stream.indirect.gather [hbm4b:s8+s17], $0x1, s1, s17, $0xb8;
	[tilespmem:$0x1EF80] =	vst v63  }
0x191: {  	_ = 	snop  }
0x192: {  	[tilespmem:s23], [sflag:$0x2] =	stream.indirect.gather [hbm4b:s8+s17], $0x1, s18, s17, $0xb8;
	[tilespmem:$0x1EF80] =	vst v63  }
0x193: {  	_ =	swait.ge [sflag:s15], $0x80  }
0x194: {  	[sflag:s15] =	ssyncset.done $0x0  }
0x195: {  	[sflag:s15] =	ssyncadd.s32 $0xFFFFFF80  }
0x196: {  	_ =	swait.ge [sflag:s15], $0x80  }
0x197: {  	[sflag:s15] =	ssyncset.done $0x0  }
0x198: {  	[sflag:s15] =	ssyncadd.s32 $0xFFFFFF80  }
0x199: {  	_ =	swait.ge [sflag:s15], $0x80  }
0x19a: {  	[sflag:s15] =	ssyncset.done $0x0  }
0x19b: {  	[sflag:s15] =	ssyncadd.s32 $0xFFFFFF80  }
0x19c: {  	_ =	swait.ge [sflag:s15], $0x80  }
0x19d: {  	[sflag:s15] =	ssyncset.done $0x0  }
0x19e: {  	[sflag:s15] =	ssyncadd.s32 $0xFFFFFF80  }
0x19f: {  	_ =	swait.ge [sflag:s15], $0x80  }
0x1a0: {  	[sflag:s15] =	ssyncset.done $0x0  }
0x1a1: {  	[sflag:s15] =	ssyncadd.s32 $0xFFFFFF80  }
0x1a2: {  	_ =	swait.ge [sflag:s15], $0x80  }
0x1a3: {  	[sflag:s15] =	ssyncset.done $0x0  }
0x1a4: {  	[sflag:s15] =	ssyncadd.s32 $0xFFFFFF80  }
0x1a5: {  	_ =	swait.ge [sflag:s15], $0x80  }
0x1a6: {  	[sflag:s15] =	ssyncset.done $0x0  }
0x1a7: {  	[sflag:s15] =	ssyncadd.s32 $0xFFFFFF80  }
0x1a8: {  	_ =	swait.ge [sflag:s15], $0x80  }
0x1a9: {  	[sflag:s15] =	ssyncset.done $0x0  }
.Ltmp10:
0x1aa: {  	s28 =	sadd.s32 s24, s29;
	[sflag:s15] =	ssyncadd.s32 $0xFFFFFF80;
	(pc) =	sbr.rel .LBB2_19-.Ltmp10, $4  }
0x1ab: {  	[hbm4b:s28+s2] =	stream.linear.scatter [tilespmem:s21], [sflag:$0x4], $0x400, $0x38;
	[tilespmem:$0x1EF80] =	vst v63  }
0x1ac: {  	_ =	swait.ge [sflag:s20], $0x400  }
0x1ad: {  	[sflag:s20] =	ssyncset.done $0x0  }
0x1ae: {  	s29 =	smov.u32 s30;
	s26 =	rddreg [dreg:$0x1b];
	[sflag:s20] =	ssyncadd.s32 $0xFFFFFC00  }
.LBB2_9:
0x1af: {  	s25 =	rddreg [dreg:$0x6]  }
0x1b0: {  	s24 =	sadd.s32 $0x0, s25  }
0x1b1: {  	[tilespmem:s19], [sflag:$0x4] =	stream.linear.gather [hbm4b:s24+s2], $0x400, $0x38;
	[tilespmem:$0x1EF80] =	vst v63  }
0x1b2: {  	_ =	swait.ge [sflag:s20], $0x400  }
0x1b3: {  	[sflag:s20] =	ssyncset.done $0x0  }
0x1b4: {  	[sflag:s20] =	ssyncadd.s32 $0xFFFFFC00  }
0x1b5: {  	[tilespmem:s21], [sflag:$0x2] =	stream.indirect.gather [hbm4b:s7+s17], $0x1, s19, s17, $0xb8;
	[tilespmem:$0x1EF80] =	vst v63  }
0x1b6: {  	_ = 	snop  }
0x1b7: {  	[tilespmem:s0], [sflag:$0x2] =	stream.indirect.gather [hbm4b:s7+s17], $0x1, s22, s17, $0xb8;
	[tilespmem:$0x1EF80] =	vst v63  }
0x1b8: {  	_ = 	snop  }
0x1b9: {  	[tilespmem:s4], [sflag:$0x2] =	stream.indirect.gather [hbm4b:s7+s17], $0x1, s3, s17, $0xb8;
	[tilespmem:$0x1EF80] =	vst v63  }
0x1ba: {  	_ = 	snop  }
0x1bb: {  	[tilespmem:s10], [sflag:$0x2] =	stream.indirect.gather [hbm4b:s7+s17], $0x1, s6, s17, $0xb8;
	[tilespmem:$0x1EF80] =	vst v63  }
0x1bc: {  	_ = 	snop  }
0x1bd: {  	[tilespmem:s13], [sflag:$0x2] =	stream.indirect.gather [hbm4b:s7+s17], $0x1, s12, s17, $0xb8;
	[tilespmem:$0x1EF80] =	vst v63  }
0x1be: {  	_ = 	snop  }
0x1bf: {  	[tilespmem:s16], [sflag:$0x2] =	stream.indirect.gather [hbm4b:s7+s17], $0x1, s14, s17, $0xb8;
	[tilespmem:$0x1EF80] =	vst v63  }
0x1c0: {  	_ = 	snop  }
0x1c1: {  	[tilespmem:s11], [sflag:$0x2] =	stream.indirect.gather [hbm4b:s7+s17], $0x1, s1, s17, $0xb8;
	[tilespmem:$0x1EF80] =	vst v63  }
0x1c2: {  	_ = 	snop  }
0x1c3: {  	[tilespmem:s23], [sflag:$0x2] =	stream.indirect.gather [hbm4b:s7+s17], $0x1, s18, s17, $0xb8;
	[tilespmem:$0x1EF80] =	vst v63  }
0x1c4: {  	_ =	swait.ge [sflag:s15], $0x80  }
0x1c5: {  	[sflag:s15] =	ssyncset.done $0x0  }
0x1c6: {  	[sflag:s15] =	ssyncadd.s32 $0xFFFFFF80  }
0x1c7: {  	_ =	swait.ge [sflag:s15], $0x80  }
0x1c8: {  	[sflag:s15] =	ssyncset.done $0x0  }
0x1c9: {  	[sflag:s15] =	ssyncadd.s32 $0xFFFFFF80  }
0x1ca: {  	_ =	swait.ge [sflag:s15], $0x80  }
0x1cb: {  	[sflag:s15] =	ssyncset.done $0x0  }
0x1cc: {  	[sflag:s15] =	ssyncadd.s32 $0xFFFFFF80  }
0x1cd: {  	_ =	swait.ge [sflag:s15], $0x80  }
0x1ce: {  	[sflag:s15] =	ssyncset.done $0x0  }
0x1cf: {  	[sflag:s15] =	ssyncadd.s32 $0xFFFFFF80  }
0x1d0: {  	_ =	swait.ge [sflag:s15], $0x80  }
0x1d1: {  	[sflag:s15] =	ssyncset.done $0x0  }
0x1d2: {  	[sflag:s15] =	ssyncadd.s32 $0xFFFFFF80  }
0x1d3: {  	_ =	swait.ge [sflag:s15], $0x80  }
0x1d4: {  	[sflag:s15] =	ssyncset.done $0x0  }
0x1d5: {  	[sflag:s15] =	ssyncadd.s32 $0xFFFFFF80  }
0x1d6: {  	_ =	swait.ge [sflag:s15], $0x80  }
0x1d7: {  	[sflag:s15] =	ssyncset.done $0x0  }
0x1d8: {  	[sflag:s15] =	ssyncadd.s32 $0xFFFFFF80  }
0x1d9: {  	_ =	swait.ge [sflag:s15], $0x80  }
0x1da: {  	[sflag:s15] =	ssyncset.done $0x0;
	s29 =	rddreg [dreg:$0x7]  }
0x1db: {  	[sflag:s15] =	ssyncadd.s32 $0xFFFFFF80;
	s24 =	sadd.s32 $0x0, s29  }
0x1dc: {  	[hbm4b:s24+s2] =	stream.linear.scatter [tilespmem:s21], [sflag:$0x4], $0x400, $0x38;
	[tilespmem:$0x1EF80] =	vst v63  }
0x1dd: {  	_ =	swait.ge [sflag:s20], $0x400  }
0x1de: {  	s28 =	simm.s32 $0x100;
	s24 =	simm.s32 $0x80;
	[sflag:s20] =	ssyncset.done $0x0  }
.LBB2_10:
0x1df: {  	s29 =	sadd.s32 s24, s25;
	[sflag:s20] =	ssyncadd.s32 $0xFFFFFC00  }
0x1e0: {  	[tilespmem:s19], [sflag:$0x4] =	stream.linear.gather [hbm4b:s29+s2], $0x400, $0x38;
	[tilespmem:$0x1EF80] =	vst v63  }
0x1e1: {  	s29 =	rddreg [dreg:$0x7];
	_ =	swait.ge [sflag:s20], $0x400  }
0x1e2: {  	[sflag:s20] =	ssyncset.done $0x0  }
0x1e3: {  	[sflag:s20] =	ssyncadd.s32 $0xFFFFFC00  }
0x1e4: {  	[tilespmem:s21], [sflag:$0x2] =	stream.indirect.gather [hbm4b:s7+s17], $0x1, s19, s17, $0xb8;
	[tilespmem:$0x1EF80] =	vst v63  }
0x1e5: {  	_ = 	snop  }
0x1e6: {  	[tilespmem:s0], [sflag:$0x2] =	stream.indirect.gather [hbm4b:s7+s17], $0x1, s22, s17, $0xb8;
	[tilespmem:$0x1EF80] =	vst v63  }
0x1e7: {  	_ = 	snop  }
0x1e8: {  	[tilespmem:s4], [sflag:$0x2] =	stream.indirect.gather [hbm4b:s7+s17], $0x1, s3, s17, $0xb8;
	[tilespmem:$0x1EF80] =	vst v63  }
0x1e9: {  	_ = 	snop  }
0x1ea: {  	[tilespmem:s10], [sflag:$0x2] =	stream.indirect.gather [hbm4b:s7+s17], $0x1, s6, s17, $0xb8;
	[tilespmem:$0x1EF80] =	vst v63  }
0x1eb: {  	_ = 	snop  }
0x1ec: {  	[tilespmem:s13], [sflag:$0x2] =	stream.indirect.gather [hbm4b:s7+s17], $0x1, s12, s17, $0xb8;
	[tilespmem:$0x1EF80] =	vst v63  }
0x1ed: {  	_ = 	snop  }
0x1ee: {  	[tilespmem:s16], [sflag:$0x2] =	stream.indirect.gather [hbm4b:s7+s17], $0x1, s14, s17, $0xb8;
	[tilespmem:$0x1EF80] =	vst v63  }
0x1ef: {  	_ = 	snop  }
0x1f0: {  	[tilespmem:s11], [sflag:$0x2] =	stream.indirect.gather [hbm4b:s7+s17], $0x1, s1, s17, $0xb8;
	[tilespmem:$0x1EF80] =	vst v63  }
0x1f1: {  	_ = 	snop  }
0x1f2: {  	[tilespmem:s23], [sflag:$0x2] =	stream.indirect.gather [hbm4b:s7+s17], $0x1, s18, s17, $0xb8;
	[tilespmem:$0x1EF80] =	vst v63  }
0x1f3: {  	_ =	swait.ge [sflag:s15], $0x80  }
0x1f4: {  	[sflag:s15] =	ssyncset.done $0x0  }
0x1f5: {  	[sflag:s15] =	ssyncadd.s32 $0xFFFFFF80  }
0x1f6: {  	_ =	swait.ge [sflag:s15], $0x80  }
0x1f7: {  	[sflag:s15] =	ssyncset.done $0x0  }
0x1f8: {  	[sflag:s15] =	ssyncadd.s32 $0xFFFFFF80  }
0x1f9: {  	_ =	swait.ge [sflag:s15], $0x80  }
0x1fa: {  	[sflag:s15] =	ssyncset.done $0x0  }
0x1fb: {  	[sflag:s15] =	ssyncadd.s32 $0xFFFFFF80  }
0x1fc: {  	_ =	swait.ge [sflag:s15], $0x80  }
0x1fd: {  	[sflag:s15] =	ssyncset.done $0x0  }
0x1fe: {  	[sflag:s15] =	ssyncadd.s32 $0xFFFFFF80  }
0x1ff: {  	_ =	swait.ge [sflag:s15], $0x80  }
0x200: {  	[sflag:s15] =	ssyncset.done $0x0  }
0x201: {  	[sflag:s15] =	ssyncadd.s32 $0xFFFFFF80  }
0x202: {  	_ =	swait.ge [sflag:s15], $0x80  }
0x203: {  	[sflag:s15] =	ssyncset.done $0x0  }
0x204: {  	[sflag:s15] =	ssyncadd.s32 $0xFFFFFF80  }
0x205: {  	_ =	swait.ge [sflag:s15], $0x80  }
0x206: {  	[sflag:s15] =	ssyncset.done $0x0  }
0x207: {  	[sflag:s15] =	ssyncadd.s32 $0xFFFFFF80  }
0x208: {  	p3 =	seq.s32 s28, $0x380;
	_ =	swait.ge [sflag:s15], $0x80  }
.Ltmp11:
0x209: {  	s26 =	smov.u32 s28;
	[sflag:s15] =	ssyncset.done $0x0;
	(pc) =	sbr.rel @!p3 .LBB2_10-.Ltmp11, $4  }
0x20a: {  	s25 =	sadd.s32 $0x80, s28;
	s28 =	sadd.s32 s24, s29;
	[sflag:s15] =	ssyncadd.s32 $0xFFFFFF80  }
0x20b: {  	[hbm4b:s28+s2] =	stream.linear.scatter [tilespmem:s21], [sflag:$0x4], $0x400, $0x38;
	[tilespmem:$0x1EF80] =	vst v63  }
0x20c: {  	s24 =	smov.u32 s26;
	_ =	swait.ge [sflag:s20], $0x400  }
0x20d: {  	s28 =	smov.u32 s25;
	[sflag:s20] =	ssyncset.done $0x0;
	s25 =	rddreg [dreg:$0x6]  }
0x20e: {  	s25 =	sadd.s32 s24, s25;
	[sflag:s20] =	ssyncadd.s32 $0xFFFFFC00  }
0x20f: {  	[tilespmem:s19], [sflag:$0x4] =	stream.linear.gather [hbm4b:s25+s2], $0x400, $0x38;
	[tilespmem:$0x1EF80] =	vst v63  }
0x210: {  	_ =	swait.ge [sflag:s20], $0x400  }
0x211: {  	[sflag:s20] =	ssyncset.done $0x0  }
0x212: {  	[sflag:s20] =	ssyncadd.s32 $0xFFFFFC00  }
0x213: {  	[tilespmem:s21], [sflag:$0x2] =	stream.indirect.gather [hbm4b:s7+s17], $0x1, s19, s17, $0xb8;
	[tilespmem:$0x1EF80] =	vst v63  }
0x214: {  	_ = 	snop  }
0x215: {  	[tilespmem:s0], [sflag:$0x2] =	stream.indirect.gather [hbm4b:s7+s17], $0x1, s22, s17, $0xb8;
	[tilespmem:$0x1EF80] =	vst v63  }
0x216: {  	_ = 	snop  }
0x217: {  	[tilespmem:s4], [sflag:$0x2] =	stream.indirect.gather [hbm4b:s7+s17], $0x1, s3, s17, $0xb8;
	[tilespmem:$0x1EF80] =	vst v63  }
0x218: {  	_ = 	snop  }
0x219: {  	[tilespmem:s10], [sflag:$0x2] =	stream.indirect.gather [hbm4b:s7+s17], $0x1, s6, s17, $0xb8;
	[tilespmem:$0x1EF80] =	vst v63  }
0x21a: {  	_ = 	snop  }
0x21b: {  	[tilespmem:s13], [sflag:$0x2] =	stream.indirect.gather [hbm4b:s7+s17], $0x1, s12, s17, $0xb8;
	[tilespmem:$0x1EF80] =	vst v63  }
0x21c: {  	_ = 	snop  }
0x21d: {  	[tilespmem:s16], [sflag:$0x2] =	stream.indirect.gather [hbm4b:s7+s17], $0x1, s14, s17, $0xb8;
	[tilespmem:$0x1EF80] =	vst v63  }
0x21e: {  	_ = 	snop  }
0x21f: {  	[tilespmem:s11], [sflag:$0x2] =	stream.indirect.gather [hbm4b:s7+s17], $0x1, s1, s17, $0xb8;
	[tilespmem:$0x1EF80] =	vst v63  }
0x220: {  	_ = 	snop  }
0x221: {  	[tilespmem:s23], [sflag:$0x2] =	stream.indirect.gather [hbm4b:s7+s17], $0x1, s18, s17, $0xb8;
	[tilespmem:$0x1EF80] =	vst v63  }
0x222: {  	_ =	swait.ge [sflag:s15], $0x80  }
0x223: {  	[sflag:s15] =	ssyncset.done $0x0  }
0x224: {  	[sflag:s15] =	ssyncadd.s32 $0xFFFFFF80  }
0x225: {  	_ =	swait.ge [sflag:s15], $0x80  }
0x226: {  	[sflag:s15] =	ssyncset.done $0x0  }
0x227: {  	[sflag:s15] =	ssyncadd.s32 $0xFFFFFF80  }
0x228: {  	_ =	swait.ge [sflag:s15], $0x80  }
0x229: {  	[sflag:s15] =	ssyncset.done $0x0  }
0x22a: {  	[sflag:s15] =	ssyncadd.s32 $0xFFFFFF80  }
0x22b: {  	_ =	swait.ge [sflag:s15], $0x80  }
0x22c: {  	[sflag:s15] =	ssyncset.done $0x0  }
0x22d: {  	[sflag:s15] =	ssyncadd.s32 $0xFFFFFF80  }
0x22e: {  	_ =	swait.ge [sflag:s15], $0x80  }
0x22f: {  	[sflag:s15] =	ssyncset.done $0x0  }
0x230: {  	[sflag:s15] =	ssyncadd.s32 $0xFFFFFF80  }
0x231: {  	_ =	swait.ge [sflag:s15], $0x80  }
0x232: {  	[sflag:s15] =	ssyncset.done $0x0  }
0x233: {  	[sflag:s15] =	ssyncadd.s32 $0xFFFFFF80  }
0x234: {  	_ =	swait.ge [sflag:s15], $0x80  }
0x235: {  	[sflag:s15] =	ssyncset.done $0x0  }
0x236: {  	[sflag:s15] =	ssyncadd.s32 $0xFFFFFF80  }
0x237: {  	_ =	swait.ge [sflag:s15], $0x80  }
0x238: {  	[sflag:s15] =	ssyncset.done $0x0  }
.Ltmp12:
0x239: {  	s28 =	sadd.s32 s24, s29;
	[sflag:s15] =	ssyncadd.s32 $0xFFFFFF80;
	(pc) =	sbr.rel .LBB2_19-.Ltmp12, $4  }
0x23a: {  	[hbm4b:s28+s2] =	stream.linear.scatter [tilespmem:s21], [sflag:$0x4], $0x400, $0x38;
	[tilespmem:$0x1EF80] =	vst v63  }
0x23b: {  	_ =	swait.ge [sflag:s20], $0x400  }
0x23c: {  	[sflag:s20] =	ssyncset.done $0x0  }
0x23d: {  	s29 =	smov.u32 s30;
	s26 =	rddreg [dreg:$0x1b];
	[sflag:s20] =	ssyncadd.s32 $0xFFFFFC00  }
.LBB2_16:
0x23e: {  	s25 =	rddreg [dreg:$0x3]  }
0x23f: {  	s24 =	sadd.s32 $0x0, s25  }
0x240: {  	[tilespmem:s19], [sflag:$0x4] =	stream.linear.gather [hbm4b:s24+s2], $0x400, $0x38;
	[tilespmem:$0x1EF80] =	vst v63  }
0x241: {  	_ =	swait.ge [sflag:s20], $0x400  }
0x242: {  	[sflag:s20] =	ssyncset.done $0x0  }
0x243: {  	[sflag:s20] =	ssyncadd.s32 $0xFFFFFC00  }
0x244: {  	[tilespmem:s21], [sflag:$0x2] =	stream.indirect.gather [hbm4b:s9+s17], $0x1, s19, s17, $0xb8;
	[tilespmem:$0x1EF80] =	vst v63  }
0x245: {  	_ = 	snop  }
0x246: {  	[tilespmem:s0], [sflag:$0x2] =	stream.indirect.gather [hbm4b:s9+s17], $0x1, s22, s17, $0xb8;
	[tilespmem:$0x1EF80] =	vst v63  }
0x247: {  	_ = 	snop  }
0x248: {  	[tilespmem:s4], [sflag:$0x2] =	stream.indirect.gather [hbm4b:s9+s17], $0x1, s3, s17, $0xb8;
	[tilespmem:$0x1EF80] =	vst v63  }
0x249: {  	_ = 	snop  }
0x24a: {  	[tilespmem:s10], [sflag:$0x2] =	stream.indirect.gather [hbm4b:s9+s17], $0x1, s6, s17, $0xb8;
	[tilespmem:$0x1EF80] =	vst v63  }
0x24b: {  	_ = 	snop  }
0x24c: {  	[tilespmem:s13], [sflag:$0x2] =	stream.indirect.gather [hbm4b:s9+s17], $0x1, s12, s17, $0xb8;
	[tilespmem:$0x1EF80] =	vst v63  }
0x24d: {  	_ = 	snop  }
0x24e: {  	[tilespmem:s16], [sflag:$0x2] =	stream.indirect.gather [hbm4b:s9+s17], $0x1, s14, s17, $0xb8;
	[tilespmem:$0x1EF80] =	vst v63  }
0x24f: {  	_ = 	snop  }
0x250: {  	[tilespmem:s11], [sflag:$0x2] =	stream.indirect.gather [hbm4b:s9+s17], $0x1, s1, s17, $0xb8;
	[tilespmem:$0x1EF80] =	vst v63  }
0x251: {  	_ = 	snop  }
0x252: {  	[tilespmem:s23], [sflag:$0x2] =	stream.indirect.gather [hbm4b:s9+s17], $0x1, s18, s17, $0xb8;
	[tilespmem:$0x1EF80] =	vst v63  }
0x253: {  	_ =	swait.ge [sflag:s15], $0x80  }
0x254: {  	[sflag:s15] =	ssyncset.done $0x0  }
0x255: {  	[sflag:s15] =	ssyncadd.s32 $0xFFFFFF80  }
0x256: {  	_ =	swait.ge [sflag:s15], $0x80  }
0x257: {  	[sflag:s15] =	ssyncset.done $0x0  }
0x258: {  	[sflag:s15] =	ssyncadd.s32 $0xFFFFFF80  }
0x259: {  	_ =	swait.ge [sflag:s15], $0x80  }
0x25a: {  	[sflag:s15] =	ssyncset.done $0x0  }
0x25b: {  	[sflag:s15] =	ssyncadd.s32 $0xFFFFFF80  }
0x25c: {  	_ =	swait.ge [sflag:s15], $0x80  }
0x25d: {  	[sflag:s15] =	ssyncset.done $0x0  }
0x25e: {  	[sflag:s15] =	ssyncadd.s32 $0xFFFFFF80  }
0x25f: {  	_ =	swait.ge [sflag:s15], $0x80  }
0x260: {  	[sflag:s15] =	ssyncset.done $0x0  }
0x261: {  	[sflag:s15] =	ssyncadd.s32 $0xFFFFFF80  }
0x262: {  	_ =	swait.ge [sflag:s15], $0x80  }
0x263: {  	[sflag:s15] =	ssyncset.done $0x0  }
0x264: {  	[sflag:s15] =	ssyncadd.s32 $0xFFFFFF80  }
0x265: {  	_ =	swait.ge [sflag:s15], $0x80  }
0x266: {  	[sflag:s15] =	ssyncset.done $0x0  }
0x267: {  	[sflag:s15] =	ssyncadd.s32 $0xFFFFFF80  }
0x268: {  	_ =	swait.ge [sflag:s15], $0x80  }
0x269: {  	[sflag:s15] =	ssyncset.done $0x0  }
0x26a: {  	s29 =	sadd.s32 $0x0, s31;
	[sflag:s15] =	ssyncadd.s32 $0xFFFFFF80  }
0x26b: {  	[hbm4b:s29+s2] =	stream.linear.scatter [tilespmem:s21], [sflag:$0x4], $0x400, $0x38;
	[tilespmem:$0x1EF80] =	vst v63  }
0x26c: {  	_ =	swait.ge [sflag:s20], $0x400  }
0x26d: {  	s28 =	simm.s32 $0x100;
	s24 =	simm.s32 $0x80;
	[sflag:s20] =	ssyncset.done $0x0  }
.LBB2_17:
0x26e: {  	s29 =	sadd.s32 s24, s25;
	[sflag:s20] =	ssyncadd.s32 $0xFFFFFC00  }
0x26f: {  	[tilespmem:s19], [sflag:$0x4] =	stream.linear.gather [hbm4b:s29+s2], $0x400, $0x38;
	[tilespmem:$0x1EF80] =	vst v63  }
0x270: {  	_ =	swait.ge [sflag:s20], $0x400  }
0x271: {  	[sflag:s20] =	ssyncset.done $0x0  }
0x272: {  	[sflag:s20] =	ssyncadd.s32 $0xFFFFFC00  }
0x273: {  	[tilespmem:s21], [sflag:$0x2] =	stream.indirect.gather [hbm4b:s9+s17], $0x1, s19, s17, $0xb8;
	[tilespmem:$0x1EF80] =	vst v63  }
0x274: {  	_ = 	snop  }
0x275: {  	[tilespmem:s0], [sflag:$0x2] =	stream.indirect.gather [hbm4b:s9+s17], $0x1, s22, s17, $0xb8;
	[tilespmem:$0x1EF80] =	vst v63  }
0x276: {  	_ = 	snop  }
0x277: {  	[tilespmem:s4], [sflag:$0x2] =	stream.indirect.gather [hbm4b:s9+s17], $0x1, s3, s17, $0xb8;
	[tilespmem:$0x1EF80] =	vst v63  }
0x278: {  	_ = 	snop  }
0x279: {  	[tilespmem:s10], [sflag:$0x2] =	stream.indirect.gather [hbm4b:s9+s17], $0x1, s6, s17, $0xb8;
	[tilespmem:$0x1EF80] =	vst v63  }
0x27a: {  	_ = 	snop  }
0x27b: {  	[tilespmem:s13], [sflag:$0x2] =	stream.indirect.gather [hbm4b:s9+s17], $0x1, s12, s17, $0xb8;
	[tilespmem:$0x1EF80] =	vst v63  }
0x27c: {  	_ = 	snop  }
0x27d: {  	[tilespmem:s16], [sflag:$0x2] =	stream.indirect.gather [hbm4b:s9+s17], $0x1, s14, s17, $0xb8;
	[tilespmem:$0x1EF80] =	vst v63  }
0x27e: {  	_ = 	snop  }
0x27f: {  	[tilespmem:s11], [sflag:$0x2] =	stream.indirect.gather [hbm4b:s9+s17], $0x1, s1, s17, $0xb8;
	[tilespmem:$0x1EF80] =	vst v63  }
0x280: {  	_ = 	snop  }
0x281: {  	[tilespmem:s23], [sflag:$0x2] =	stream.indirect.gather [hbm4b:s9+s17], $0x1, s18, s17, $0xb8;
	[tilespmem:$0x1EF80] =	vst v63  }
0x282: {  	_ =	swait.ge [sflag:s15], $0x80  }
0x283: {  	[sflag:s15] =	ssyncset.done $0x0  }
0x284: {  	[sflag:s15] =	ssyncadd.s32 $0xFFFFFF80  }
0x285: {  	_ =	swait.ge [sflag:s15], $0x80  }
0x286: {  	[sflag:s15] =	ssyncset.done $0x0  }
0x287: {  	[sflag:s15] =	ssyncadd.s32 $0xFFFFFF80  }
0x288: {  	_ =	swait.ge [sflag:s15], $0x80  }
0x289: {  	[sflag:s15] =	ssyncset.done $0x0  }
0x28a: {  	[sflag:s15] =	ssyncadd.s32 $0xFFFFFF80  }
0x28b: {  	_ =	swait.ge [sflag:s15], $0x80  }
0x28c: {  	[sflag:s15] =	ssyncset.done $0x0  }
0x28d: {  	[sflag:s15] =	ssyncadd.s32 $0xFFFFFF80  }
0x28e: {  	_ =	swait.ge [sflag:s15], $0x80  }
0x28f: {  	[sflag:s15] =	ssyncset.done $0x0  }
0x290: {  	[sflag:s15] =	ssyncadd.s32 $0xFFFFFF80  }
0x291: {  	_ =	swait.ge [sflag:s15], $0x80  }
0x292: {  	[sflag:s15] =	ssyncset.done $0x0  }
0x293: {  	[sflag:s15] =	ssyncadd.s32 $0xFFFFFF80  }
0x294: {  	_ =	swait.ge [sflag:s15], $0x80  }
0x295: {  	[sflag:s15] =	ssyncset.done $0x0  }
0x296: {  	[sflag:s15] =	ssyncadd.s32 $0xFFFFFF80  }
0x297: {  	p3 =	seq.s32 s28, $0x380;
	_ =	swait.ge [sflag:s15], $0x80  }
.Ltmp13:
0x298: {  	s26 =	smov.u32 s28;
	[sflag:s15] =	ssyncset.done $0x0;
	(pc) =	sbr.rel @!p3 .LBB2_17-.Ltmp13, $4  }
0x299: {  	s25 =	sadd.s32 $0x80, s28;
	s28 =	sadd.s32 s24, s31;
	[sflag:s15] =	ssyncadd.s32 $0xFFFFFF80  }
0x29a: {  	[hbm4b:s28+s2] =	stream.linear.scatter [tilespmem:s21], [sflag:$0x4], $0x400, $0x38;
	[tilespmem:$0x1EF80] =	vst v63  }
0x29b: {  	s24 =	smov.u32 s26;
	_ =	swait.ge [sflag:s20], $0x400  }
0x29c: {  	s28 =	smov.u32 s25;
	[sflag:s20] =	ssyncset.done $0x0;
	s25 =	rddreg [dreg:$0x3]  }
0x29d: {  	s25 =	sadd.s32 s24, s25;
	[sflag:s20] =	ssyncadd.s32 $0xFFFFFC00  }
0x29e: {  	[tilespmem:s19], [sflag:$0x4] =	stream.linear.gather [hbm4b:s25+s2], $0x400, $0x38;
	[tilespmem:$0x1EF80] =	vst v63  }
0x29f: {  	_ =	swait.ge [sflag:s20], $0x400  }
0x2a0: {  	[sflag:s20] =	ssyncset.done $0x0  }
0x2a1: {  	[sflag:s20] =	ssyncadd.s32 $0xFFFFFC00  }
0x2a2: {  	[tilespmem:s21], [sflag:$0x2] =	stream.indirect.gather [hbm4b:s9+s17], $0x1, s19, s17, $0xb8;
	[tilespmem:$0x1EF80] =	vst v63  }
0x2a3: {  	_ = 	snop  }
0x2a4: {  	[tilespmem:s0], [sflag:$0x2] =	stream.indirect.gather [hbm4b:s9+s17], $0x1, s22, s17, $0xb8;
	[tilespmem:$0x1EF80] =	vst v63  }
0x2a5: {  	_ = 	snop  }
0x2a6: {  	[tilespmem:s4], [sflag:$0x2] =	stream.indirect.gather [hbm4b:s9+s17], $0x1, s3, s17, $0xb8;
	[tilespmem:$0x1EF80] =	vst v63  }
0x2a7: {  	_ = 	snop  }
0x2a8: {  	[tilespmem:s10], [sflag:$0x2] =	stream.indirect.gather [hbm4b:s9+s17], $0x1, s6, s17, $0xb8;
	[tilespmem:$0x1EF80] =	vst v63  }
0x2a9: {  	_ = 	snop  }
0x2aa: {  	[tilespmem:s13], [sflag:$0x2] =	stream.indirect.gather [hbm4b:s9+s17], $0x1, s12, s17, $0xb8;
	[tilespmem:$0x1EF80] =	vst v63  }
0x2ab: {  	_ = 	snop  }
0x2ac: {  	[tilespmem:s16], [sflag:$0x2] =	stream.indirect.gather [hbm4b:s9+s17], $0x1, s14, s17, $0xb8;
	[tilespmem:$0x1EF80] =	vst v63  }
0x2ad: {  	_ = 	snop  }
0x2ae: {  	[tilespmem:s11], [sflag:$0x2] =	stream.indirect.gather [hbm4b:s9+s17], $0x1, s1, s17, $0xb8;
	[tilespmem:$0x1EF80] =	vst v63  }
0x2af: {  	_ = 	snop  }
0x2b0: {  	[tilespmem:s23], [sflag:$0x2] =	stream.indirect.gather [hbm4b:s9+s17], $0x1, s18, s17, $0xb8;
	[tilespmem:$0x1EF80] =	vst v63  }
0x2b1: {  	_ =	swait.ge [sflag:s15], $0x80  }
0x2b2: {  	[sflag:s15] =	ssyncset.done $0x0  }
0x2b3: {  	[sflag:s15] =	ssyncadd.s32 $0xFFFFFF80  }
0x2b4: {  	_ =	swait.ge [sflag:s15], $0x80  }
0x2b5: {  	[sflag:s15] =	ssyncset.done $0x0  }
0x2b6: {  	[sflag:s15] =	ssyncadd.s32 $0xFFFFFF80  }
0x2b7: {  	_ =	swait.ge [sflag:s15], $0x80  }
0x2b8: {  	[sflag:s15] =	ssyncset.done $0x0  }
0x2b9: {  	[sflag:s15] =	ssyncadd.s32 $0xFFFFFF80  }
0x2ba: {  	_ =	swait.ge [sflag:s15], $0x80  }
0x2bb: {  	[sflag:s15] =	ssyncset.done $0x0  }
0x2bc: {  	[sflag:s15] =	ssyncadd.s32 $0xFFFFFF80  }
0x2bd: {  	_ =	swait.ge [sflag:s15], $0x80  }
0x2be: {  	[sflag:s15] =	ssyncset.done $0x0  }
0x2bf: {  	[sflag:s15] =	ssyncadd.s32 $0xFFFFFF80  }
0x2c0: {  	_ =	swait.ge [sflag:s15], $0x80  }
0x2c1: {  	[sflag:s15] =	ssyncset.done $0x0  }
0x2c2: {  	[sflag:s15] =	ssyncadd.s32 $0xFFFFFF80  }
0x2c3: {  	_ =	swait.ge [sflag:s15], $0x80  }
0x2c4: {  	[sflag:s15] =	ssyncset.done $0x0  }
0x2c5: {  	[sflag:s15] =	ssyncadd.s32 $0xFFFFFF80  }
0x2c6: {  	_ =	swait.ge [sflag:s15], $0x80  }
0x2c7: {  	[sflag:s15] =	ssyncset.done $0x0  }
.Ltmp14:
0x2c8: {  	s28 =	sadd.s32 s24, s31;
	[sflag:s15] =	ssyncadd.s32 $0xFFFFFF80;
	(pc) =	sbr.rel .LBB2_19-.Ltmp14, $4  }
0x2c9: {  	[hbm4b:s28+s2] =	stream.linear.scatter [tilespmem:s21], [sflag:$0x4], $0x400, $0x38;
	[tilespmem:$0x1EF80] =	vst v63  }
0x2ca: {  	_ =	swait.ge [sflag:s20], $0x400  }
0x2cb: {  	[sflag:s20] =	ssyncset.done $0x0  }
0x2cc: {  	s29 =	smov.u32 s30;
	s26 =	rddreg [dreg:$0x1b];
	[sflag:s20] =	ssyncadd.s32 $0xFFFFFC00  }
.LBB2_20:
0x2cd: {  	_ =	sfence.sel $0x180000  }
0x2ce: {  	[bflag:$0x0] =	sbarrier.arrive $0xFFFF  }
0x2cf: {  	_ =	strace $0x90000047  }
0x2d0: {  	s0 =	stileid.u32;
	[bflag:$0x2] =	sbarrier.arrive $0xFFFF  }
0x2d1: {  	p0 =	sne.s32 s0, $0x0;
	s0 =	rddreg [dreg:$0x2]  }
0x2d2: {  	s0 =	sadd.s32 @!p0 $0x100000, s0  }
0x2d3: {  	[sflag:s0] =	ssyncadd.tile.s32 @!p0 $0x1;
	_ =	shalt  }
.Lfunc_end2:
_tile_overlayer_lowered:
.L_overlay_start_2:
0x2d4: {  	(tag) =	ssettag $0x2  }
0x2d5: {  	s0 =	rddreg [dreg:$0x0];
	s2 =	stileid.u32  }
0x2d6: {  	s1 =	rddreg [dreg:$0x1];
	p0 =	sne.s32 s2, $0x0  }
0x2d7: {  	s3 =	rddreg [dreg:$0x2];
	[bflag:$0x3] =	sbarrier.arrive $0xFFFF;
	s2 =	simm.s32 @!p0 $0x1C04  }
0x2d8: {  	[timem:s3], [sflag:s2] =	dma.local @!p0 [hbm:s0], s1  }
0x2d9: {  	s0 =	simm.s32 @!p0 $0x4  }
0x2da: {  	_ =	swait.ge @!p0 [sflag:s0], s1  }
0x2db: {  	s1 =	ssub.s32 @!p0 $0x0, s1;
	[sflag:s0] =	ssyncset.done @!p0 $0x0  }
0x2dc: {  	[sflag:s0] =	ssyncadd.s32 @!p0 s1  }
0x2dd: {  	[bflag:$0x3] =	sbarrier.arrive $0xFFFF  }
0x2de: {  	_ =	shalt  }

</sc_bundles>
